<compile_context>
chip_gen: v7x
topology: tpu7x:2x2x1
jax: 0.10.2.dev20260603
libtpu: 0.0.44.dev20260713+nightly
codegen_flags: <defaults>
</compile_context>

<pallas_src>
import functools

import jax
import jax.numpy as jnp
from jax import lax
from jax.experimental import pallas as pl
from jax.experimental.pallas import tpu as pltpu
from jax.experimental.pallas import tpu_sc as plsc

_N = 10000
_S = 2500
_K = 64
_R2 = 0.2 * 0.2
_NPAD = 10240
_FC = 1280
_SPAD = 2560
_TILES = _SPAD // 8
_NROW = 128
_NT = _SPAD // _NROW
_EDGES = _SPAD * _K
_EPAD = _EDGES
_BIGI = 2 ** 30


def _fps_body(p_ref, sel_ref):
    px = p_ref[0:8, :]
    py = p_ref[8:16, :]
    pz = p_ref[16:24, :]
    fi = (lax.broadcasted_iota(jnp.int32, (8, _FC), 0) * _FC
          + lax.broadcasted_iota(jnp.int32, (8, _FC), 1))
    live = fi < _N
    neg = jnp.float32(-jnp.inf)

    def coord(n):
        sel = fi == n
        return (jnp.sum(jnp.where(sel, px, 0.0)),
                jnp.sum(jnp.where(sel, py, 0.0)),
                jnp.sum(jnp.where(sel, pz, 0.0)))

    def dist(q):
        dx = px - q[0]
        dy = py - q[1]
        dz = pz - q[2]
        return dx * dx + dy * dy + dz * dz

    dists = jnp.where(live, dist(coord(jnp.int32(0))), neg)
    si = (lax.broadcasted_iota(jnp.int32, (8, 320), 0) * 320
          + lax.broadcasted_iota(jnp.int32, (8, 320), 1))
    acc = jnp.zeros((8, 320), jnp.int32)

    def body(i, carry):
        d, a = carry
        m = jnp.max(d)
        nxt = jnp.min(jnp.where(d == m, fi, _BIGI))
        a = jnp.where(si == i, nxt, a)
        d = jnp.minimum(d, dist(coord(nxt)))
        return d, a

    _, acc = lax.fori_loop(1, _S, body, (dists, acc))
    sel_ref[...] = acc


def _fps_call(p):
    return pl.pallas_call(
        _fps_body,
        out_shape=jax.ShapeDtypeStruct((8, 320), jnp.int32),
    )(p)


def _nbr_body(d2_ref, py_ref, w1p_ref, nbr_ref, val_ref, c_ref):
    ci = lax.broadcasted_iota(jnp.int32, (_NROW, _NPAD), 1)
    inf = jnp.float32(jnp.inf)
    work = d2_ref[...]
    col = lax.broadcasted_iota(jnp.int32, (_NROW, _K), 1)

    def body(t, carry):
        w, nbr, val = carry
        m = jnp.min(w, axis=1, keepdims=True)
        idx = jnp.min(jnp.where(w == m, ci, _BIGI), axis=1,
                      keepdims=True)
        nbr = jnp.where(col == t, idx, nbr)
        val = jnp.where(col == t, m, val)
        w = jnp.where(ci == idx, inf, w)
        return w, nbr, val

    nbr0 = jnp.zeros((_NROW, _K), jnp.int32)
    val0 = jnp.full((_NROW, _K), inf, jnp.float32)
    _, nbr, val = lax.fori_loop(0, _K, body, (work, nbr0, val0))
    row = (pl.program_id(0) * _NROW
           + lax.broadcasted_iota(jnp.int32, (_NROW, _K), 0))
    good = (val <= jnp.float32(_R2)) & (row < _S)
    nbr_ref[...] = nbr
    val_ref[...] = good.astype(jnp.float32)
    c_ref[...] = jnp.dot(py_ref[...], w1p_ref[...],
                         preferred_element_type=jnp.float32)


def _nbr_call(d2p, py, w1p):
    return pl.pallas_call(
        _nbr_body,
        grid=(_NT,),
        in_specs=[
            pl.BlockSpec((_NROW, _NPAD), lambda i: (i, 0)),
            pl.BlockSpec((_NROW, 8), lambda i: (i, 0)),
            pl.BlockSpec((8, 128), lambda i: (0, 0)),
        ],
        out_specs=[
            pl.BlockSpec((_NROW, _K), lambda i: (i, 0)),
            pl.BlockSpec((_NROW, _K), lambda i: (i, 0)),
            pl.BlockSpec((_NROW, 128), lambda i: (i, 0)),
        ],
        out_shape=[
            jax.ShapeDtypeStruct((_SPAD, _K), jnp.int32),
            jax.ShapeDtypeStruct((_SPAD, _K), jnp.float32),
            jax.ShapeDtypeStruct((_SPAD, 128), jnp.float32),
        ],
    )(d2p, py, w1p)


def _g1_body(x_ref, p_ref, wx_ref, wp_ref, o_ref):
    o_ref[...] = (
        jnp.dot(x_ref[...], wx_ref[...], preferred_element_type=jnp.float32)
        + jnp.dot(p_ref[...], wp_ref[...], preferred_element_type=jnp.float32))


def _g1_call(xp, pp, w1x, w1p):
    return pl.pallas_call(
        _g1_body,
        grid=(_NPAD // 256,),
        in_specs=[
            pl.BlockSpec((256, 128), lambda i: (i, 0)),
            pl.BlockSpec((256, 8), lambda i: (i, 0)),
            pl.BlockSpec((128, 128), lambda i: (0, 0)),
            pl.BlockSpec((8, 128), lambda i: (0, 0)),
        ],
        out_specs=pl.BlockSpec((256, 128), lambda i: (i, 0)),
        out_shape=jax.ShapeDtypeStruct((_NPAD, 128), jnp.float32),
    )(xp, pp, w1x, w1p)


def _sc_gather(table, idx):
    mesh = plsc.VectorSubcoreMesh(core_axis_name="c", subcore_axis_name="s")

    @functools.partial(
        pl.kernel,
        mesh=mesh,
        out_type=jax.ShapeDtypeStruct((_EPAD, 128), jnp.float32),
        scratch_types=[
            pltpu.VMEM((128,), jnp.int32),
            pltpu.VMEM((128, 128), jnp.float32),
            pltpu.SemaphoreType.DMA,
        ],
    )
    def k(table_hbm, idx_hbm, out_hbm, idx_v, rows_v, sem):
        wid = lax.axis_index("s") * 2 + lax.axis_index("c")
        base = wid * (_EPAD // 32)
        for t in range(_EPAD // 32 // 128):
            off = base + t * 128
            pltpu.sync_copy(idx_hbm.at[pl.ds(off, 128)], idx_v)
            pltpu.async_copy(table_hbm.at[idx_v], rows_v, sem).wait()
            pltpu.sync_copy(rows_v, out_hbm.at[pl.ds(off, 128)])

    return k(table, idx)


def _statsA_body(e_ref, c_ref, v_ref, b_ref, ssum_ref, ssq_ref, cnt_ref):
    @pl.when(pl.program_id(0) == 0)
    def _():
        ssum_ref[...] = jnp.zeros_like(ssum_ref)
        ssq_ref[...] = jnp.zeros_like(ssq_ref)
        cnt_ref[...] = jnp.zeros_like(cnt_ref)

    z = (e_ref[...].reshape(8, _K, 128) - c_ref[...][:, None, :]
         + b_ref[...][None, :, :])
    w = v_ref[...][:, :, None]
    ssum_ref[...] += jnp.sum(z * w, axis=1)
    ssq_ref[...] += jnp.sum(z * z * w, axis=1)
    cnt_ref[...] += jnp.broadcast_to(
        jnp.sum(v_ref[...], axis=1, keepdims=True), (8, 128))


def _statsA_call(e1, c, valid, b1r):
    return pl.pallas_call(
        _statsA_body,
        grid=(_TILES,),
        in_specs=[
            pl.BlockSpec((8 * _K, 128), lambda i: (i, 0)),
            pl.BlockSpec((8, 128), lambda i: (i, 0)),
            pl.BlockSpec((8, _K), lambda i: (i, 0)),
            pl.BlockSpec((1, 128), lambda i: (0, 0)),
        ],
        out_specs=[
            pl.BlockSpec((8, 128), lambda i: (0, 0)),
            pl.BlockSpec((8, 128), lambda i: (0, 0)),
            pl.BlockSpec((8, 128), lambda i: (0, 0)),
        ],
        out_shape=[
            jax.ShapeDtypeStruct((8, 128), jnp.float32),
            jax.ShapeDtypeStruct((8, 128), jnp.float32),
            jax.ShapeDtypeStruct((8, 128), jnp.float32),
        ],
    )(e1, c, valid, b1r)


def _passB_body(e_ref, c_ref, v_ref, b_ref, sc_ref, sh_ref, w2_ref, b2_ref,
                z2_ref, ssum_ref, ssq_ref):
    @pl.when(pl.program_id(0) == 0)
    def _():
        ssum_ref[...] = jnp.zeros_like(ssum_ref)
        ssq_ref[...] = jnp.zeros_like(ssq_ref)

    z1 = (e_ref[...].reshape(8, _K, 128) - c_ref[...][:, None, :]
          + b_ref[...][None, :, :])
    h1 = jnp.maximum(z1 * sc_ref[...][None, :, :] + sh_ref[...][None, :, :],
                     0.0)
    z2 = (jnp.dot(h1.reshape(8 * _K, 128), w2_ref[...],
                  preferred_element_type=jnp.float32) + b2_ref[...])
    z2_ref[...] = z2
    w = v_ref[...][:, :, None]
    z2r = z2.reshape(8, _K, 128)
    ssum_ref[...] += jnp.sum(z2r * w, axis=1)
    ssq_ref[...] += jnp.sum(z2r * z2r * w, axis=1)


def _passB_call(e1, c, valid, b1r, sc1, sh1, w2, b2r):
    return pl.pallas_call(
        _passB_body,
        grid=(_TILES,),
        in_specs=[
            pl.BlockSpec((8 * _K, 128), lambda i: (i, 0)),
            pl.BlockSpec((8, 128), lambda i: (i, 0)),
            pl.BlockSpec((8, _K), lambda i: (i, 0)),
            pl.BlockSpec((1, 128), lambda i: (0, 0)),
            pl.BlockSpec((1, 128), lambda i: (0, 0)),
            pl.BlockSpec((1, 128), lambda i: (0, 0)),
            pl.BlockSpec((128, 128), lambda i: (0, 0)),
            pl.BlockSpec((1, 128), lambda i: (0, 0)),
        ],
        out_specs=[
            pl.BlockSpec((8 * _K, 128), lambda i: (i, 0)),
            pl.BlockSpec((8, 128), lambda i: (0, 0)),
            pl.BlockSpec((8, 128), lambda i: (0, 0)),
        ],
        out_shape=[
            jax.ShapeDtypeStruct((_EDGES, 128), jnp.float32),
            jax.ShapeDtypeStruct((8, 128), jnp.float32),
            jax.ShapeDtypeStruct((8, 128), jnp.float32),
        ],
    )(e1, c, valid, b1r, sc1, sh1, w2, b2r)


def _passC_body(z2_ref, v_ref, sc_ref, sh_ref, w3_ref, b3_ref, o_ref):
    h2 = jnp.maximum(z2_ref[...] * sc_ref[...] + sh_ref[...], 0.0)
    z3 = (jnp.dot(h2, w3_ref[...], preferred_element_type=jnp.float32)
          + b3_ref[...])
    z3r = z3.reshape(8, _K, 128)
    msk = v_ref[...][:, :, None] > 0.0
    m = jnp.max(jnp.where(msk, z3r, jnp.float32(-jnp.inf)), axis=1)
    o_ref[...] = jnp.where(jnp.isfinite(m), m, 0.0)


def _passC_call(z2, valid, sc2, sh2, w3, b3r):
    return pl.pallas_call(
        _passC_body,
        grid=(_TILES,),
        in_specs=[
            pl.BlockSpec((8 * _K, 128), lambda i: (i, 0)),
            pl.BlockSpec((8, _K), lambda i: (i, 0)),
            pl.BlockSpec((1, 128), lambda i: (0, 0)),
            pl.BlockSpec((1, 128), lambda i: (0, 0)),
            pl.BlockSpec((128, 128), lambda i: (0, 0)),
            pl.BlockSpec((1, 128), lambda i: (0, 0)),
        ],
        out_specs=pl.BlockSpec((8, 128), lambda i: (i, 0)),
        out_shape=jax.ShapeDtypeStruct((_SPAD, 128), jnp.float32),
    )(z2, valid, sc2, sh2, w3, b3r)


def _bn_coeffs(ssum, ssq, cnt, gamma, beta):
    s = jnp.sum(ssum, axis=0)
    q = jnp.sum(ssq, axis=0)
    mean = s / cnt
    var = jnp.maximum(q / cnt - mean * mean, 0.0)
    scale = gamma / jnp.sqrt(var + 1e-5)
    shift = beta - mean * scale
    return scale.reshape(1, 128), shift.reshape(1, 128)


def kernel(x, pos, batch, W1, b1, g1, be1, W2, b2, g2, be2, W3, b3):
    f32 = jnp.float32
    x = x.astype(f32)
    pos = pos.astype(f32)

    pt = jnp.transpose(pos)
    ptp = jnp.pad(pt, ((0, 0), (0, _NPAD - _N)))
    p_in = jnp.concatenate([ptp[0].reshape(8, _FC),
                            ptp[1].reshape(8, _FC),
                            ptp[2].reshape(8, _FC)], axis=0)
    sel = _fps_call(p_in).reshape(-1)[:_S]
    pos_y = jnp.take(pos, sel, axis=0)
    batch_y = jnp.take(batch, sel)

    yn = jnp.sum(pos_y ** 2, axis=1)[:, None]
    xn = jnp.sum(pos ** 2, axis=1)[None, :]
    d2 = yn + xn - 2.0 * (pos_y @ pos.T)
    d2 = jnp.where(batch[None, :] == batch_y[:, None], d2, jnp.inf)
    d2p = jnp.pad(d2, ((0, _SPAD - _S), (0, _NPAD - _N)),
                  constant_values=jnp.inf)
    py = jnp.pad(pos_y, ((0, _SPAD - _S), (0, 5)))
    w1p = jnp.pad(W1[128:], ((0, 5), (0, 0)))
    nbr, valid, c = _nbr_call(d2p, py, w1p)

    xp = jnp.pad(x, ((0, _NPAD - _N), (0, 0)))
    pp = jnp.pad(pos, ((0, _NPAD - _N), (0, 5)))
    g1t = _g1_call(xp, pp, W1[:128], w1p)
    idx = nbr.reshape(-1)
    e1 = _sc_gather(g1t, idx)

    b1r = b1.reshape(1, 128)
    ssum1, ssq1, cnt1 = _statsA_call(e1, c, valid, b1r)
    cnt = jnp.maximum(jnp.sum(cnt1[:, 0]), 1.0)
    sc1, sh1 = _bn_coeffs(ssum1, ssq1, cnt, g1, be1)
    z2, ssum2, ssq2 = _passB_call(e1, c, valid, b1r, sc1, sh1, W2,
                                  b2.reshape(1, 128))
    sc2, sh2 = _bn_coeffs(ssum2, ssq2, cnt, g2, be2)
    outp = _passC_call(z2, valid, sc2, sh2, W3, b3.reshape(1, 128))
    return (outp[:_S], pos_y, batch_y)

# --- scband reference (transcript-rebuilt; emitter-appended) ---
"""Pipeline reference for scband-samodule-43894565765751 (READ-ONLY COPY).

The authoritative reference and input builder live on the scoring server;
editing this copy changes nothing except your own understanding.
"""

import jax, jax.numpy as jnp
import numpy as np

N = 10000
S = 2500  # int(0.25 * N), FPS sample count
K = 64    # max_num_neighbors
R = 0.2   # sampling_radius
D_IN = 128 + 3
H = 128
D_OUT = 128


def fps(pos, n_samples):
    # Farthest point sampling, deterministic start at index 0
    n = pos.shape[0]
    sel = jnp.zeros((n_samples,), dtype=jnp.int32)
    dists = jnp.sum((pos - pos[0]) ** 2, axis=1)

    def body(i, state):
        sel, dists = state
        nxt = jnp.argmax(dists).astype(jnp.int32)
        sel = sel.at[i].set(nxt)
        d = jnp.sum((pos - pos[nxt]) ** 2, axis=1)
        dists = jnp.minimum(dists, d)
        return (sel, dists)

    sel, _ = jax.lax.fori_loop(1, n_samples, body, (sel, dists))
    return sel


def radius_neighbors(pos, pos_y, batch, batch_y, r, k):
    # squared distances [S, N] via matmul expansion
    yn = jnp.sum(pos_y ** 2, axis=1)[:, None]
    xn = jnp.sum(pos ** 2, axis=1)[None, :]
    d2 = yn + xn - 2.0 * (pos_y @ pos.T)
    d2 = jnp.where(batch[None, :] == batch_y[:, None], d2, jnp.inf)
    vals, idxs = jax.lax.top_k(-d2, k)  # nearest k per centroid
    valid = (-vals) <= (r * r)
    return idxs, valid


def masked_bn(h, w, gamma, beta, eps=1e-5):
    # BatchNorm over valid edges only (biased variance, as torch BN)
    ww = w[:, None]
    cnt = jnp.maximum(jnp.sum(ww), 1.0)
    mean = jnp.sum(h * ww, axis=0) / cnt
    var = jnp.sum(((h - mean) ** 2) * ww, axis=0) / cnt
    return ((h - mean) / jnp.sqrt(var + eps)) * gamma + beta


def setup_inputs(seed: int = 0):
    key = jax.random.key(seed)
    ks = jax.random.split(key, 6)
    x = jax.random.normal(ks[0], (N, 128), dtype=jnp.float32)
    pos = jax.random.uniform(ks[1], (N, 3), dtype=jnp.float32)
    batch = jnp.zeros((N,), dtype=jnp.int32)  # single graph
    W1 = jax.random.normal(ks[2], (D_IN, H), dtype=jnp.float32) * 0.05
    b1 = jnp.zeros((H,), dtype=jnp.float32)
    g1 = jnp.ones((H,), dtype=jnp.float32)
    be1 = jnp.zeros((H,), dtype=jnp.float32)
    W2 = jax.random.normal(ks[3], (H, H), dtype=jnp.float32) * 0.05
    b2 = jnp.zeros((H,), dtype=jnp.float32)
    g2 = jnp.ones((H,), dtype=jnp.float32)
    be2 = jnp.zeros((H,), dtype=jnp.float32)
    W3 = jax.random.normal(ks[4], (H, D_OUT), dtype=jnp.float32) * 0.05
    b3 = jnp.zeros((D_OUT,), dtype=jnp.float32)
    return {"x": x, "pos": pos, "batch": batch,
            "W1": W1, "b1": b1, "g1": g1, "be1": be1,
            "W2": W2, "b2": b2, "g2": g2, "be2": be2,
            "W3": W3, "b3": b3}


def reference(x, pos, batch, W1, b1, g1, be1, W2, b2, g2, be2, W3, b3):
    # fps returns long indices in torch -> no grad path; stop_gradient to match
    idx = fps(jax.lax.stop_gradient(pos), S)
    pos_y = pos[idx]
    batch_y = batch[idx]
    nbr, valid = radius_neighbors(jax.lax.stop_gradient(pos),
                                  jax.lax.stop_gradient(pos_y),
                                  batch, batch_y, R, K)
    # PointNetConv message: cat([x_j, pos_j - pos_i]) -> MLP -> max aggr
    x_j = x[nbr]                      # [S, K, 128]
    rel = pos[nbr] - pos_y[:, None, :]  # [S, K, 3]
    h = jnp.concatenate([x_j, rel], axis=-1).reshape(S * K, D_IN)
    w = valid.reshape(-1).astype(jnp.float32)
    h = h @ W1 + b1
    h = masked_bn(h, w, g1, be1)
    h = jax.nn.relu(h)
    h = h @ W2 + b2
    h = masked_bn(h, w, g2, be2)
    h = jax.nn.relu(h)
    h = h @ W3 + b3  # plain last layer (PyG MLP plain_last=True)
    h = h.reshape(S, K, D_OUT)
    msg = jnp.where(valid[:, :, None], h, -jnp.inf)
    out = jnp.max(msg, axis=1)
    out = jnp.where(jnp.isfinite(out), out, 0.0)
    return (out, pos_y, batch_y)

if __name__ == "__main__":
    import jax
    _d = setup_inputs()
    print(jax.jit(kernel)(*tuple(_d.values())))

</pallas_src>

<mosaic_0001>
#map = affine_map<(d0, d1) -> (0, 0)>
#map1 = affine_map<(d0, d1) -> (0)>
module attributes {stable_mosaic.version = 14 : i64} {
  func.func @k(%arg0: i32, %arg1: i32, %arg2: memref<10240x128xf32, #tpu.memory_space<hbm>>, %arg3: memref<163840xi32, #tpu.memory_space<hbm>>, %arg4: memref<163840x128xf32, #tpu.memory_space<hbm>>, %arg5: memref<128xi32, #tpu.memory_space<vmem>>, %arg6: memref<128x128xf32, #tpu.memory_space<vmem>>, %arg7: memref<!tpu.dma_semaphore, #tpu.memory_space<semaphore_mem>>) attributes {dimension_semantics = [#tpu.dimension_semantics<core_parallel>, #tpu.dimension_semantics<subcore_parallel>], iteration_bounds = array<i64: 2, 16>, scalar_prefetch = 0 : i64, scratch_operands = 3 : i64, tpu.core_type = #tpu.core_type<sc_vector_subcore>, window_params = [{transform_indices = #map}, {transform_indices = #map1}, {transform_indices = #map}]} {
    %mul3A = arith.constant 2 : i32
    %mul3A_0 = arith.muli %arg1, %mul3A : i32
    %add3A = arith.addi %mul3A_0, %arg0 : i32
    %mul3A_1 = arith.constant 5120 : i32
    %mul3A_2 = arith.muli %add3A, %mul3A_1 : i32
    %add3A_3 = arith.constant 0 : i32
    %add3A_4 = arith.addi %mul3A_2, %add3A_3 : i32
    "tpu.region"() ({
      %run_scoped3A = tpu.sem_alloc : memref<!tpu.dma_semaphore, #tpu.memory_space<semaphore_mem>>
      %dma_start3A_321 = tpu.memref_slice %arg3[%add3A_4] : memref<163840xi32, #tpu.memory_space<hbm>> -> memref<128xi32, #tpu.memory_space<hbm>>
      %dma_start3A_322 = tpu.memref_slice %arg3[%add3A_4] : memref<163840xi32, #tpu.memory_space<hbm>> -> memref<128xi32, #tpu.memory_space<hbm>>
      tpu.enqueue_dma source(%dma_start3A_322 : memref<128xi32, #tpu.memory_space<hbm>>) target(%arg5 : memref<128xi32, #tpu.memory_space<vmem>>) target_semaphore(%run_scoped3A : memref<!tpu.dma_semaphore, #tpu.memory_space<semaphore_mem>>)
      %dma_wait3A_323 = tpu.memref_slice %arg3[%add3A_4] : memref<163840xi32, #tpu.memory_space<hbm>> -> memref<128xi32, #tpu.memory_space<hbm>>
      %dma_wait3A_324 = tpu.memref_slice %arg3[%add3A_4] : memref<163840xi32, #tpu.memory_space<hbm>> -> memref<128xi32, #tpu.memory_space<hbm>>
      tpu.wait_dma2 semaphore(%run_scoped3A : memref<!tpu.dma_semaphore, #tpu.memory_space<semaphore_mem>>) src(%dma_wait3A_324 : memref<128xi32, #tpu.memory_space<hbm>>) dst(%arg5 : memref<128xi32, #tpu.memory_space<vmem>>)
      tpu.yield
    }) : () -> ()
    %dma_start3A = arith.constant 0 : i32
    %dma_start3A_5 = arith.constant 0 : i32
    %dma_start3A_6 = tpu.memref_slice %arg2[%dma_start3A, %dma_start3A_5] : memref<10240x128xf32, #tpu.memory_space<hbm>> -> memref<10240x128xf32, #tpu.memory_space<hbm>>
    tpu.enqueue_indirect_dma source(%dma_start3A_6 : memref<10240x128xf32, #tpu.memory_space<hbm>>) target(%arg6 : memref<128x128xf32, #tpu.memory_space<vmem>>) offsets(%arg5 : memref<128xi32, #tpu.memory_space<vmem>>) semaphore(%arg7 : memref<!tpu.dma_semaphore, #tpu.memory_space<semaphore_mem>>)
    %dma_wait3A = arith.constant 0 : i32
    %dma_wait3A_7 = arith.constant 0 : i32
    %dma_wait3A_8 = tpu.memref_slice %arg2[%dma_wait3A, %dma_wait3A_7] : memref<10240x128xf32, #tpu.memory_space<hbm>> -> memref<10240x128xf32, #tpu.memory_space<hbm>>
    tpu.wait_indirect_dma semaphore(%arg7 : memref<!tpu.dma_semaphore, #tpu.memory_space<semaphore_mem>>) src(%dma_wait3A_8 : memref<10240x128xf32, #tpu.memory_space<hbm>>) dst(%arg6 : memref<128x128xf32, #tpu.memory_space<vmem>>)
    "tpu.region"() ({
      %run_scoped3A = tpu.sem_alloc : memref<!tpu.dma_semaphore, #tpu.memory_space<semaphore_mem>>
      %dma_start3A_321 = arith.constant 0 : i32
      %dma_start3A_322 = tpu.memref_slice %arg4[%add3A_4, %dma_start3A_321] : memref<163840x128xf32, #tpu.memory_space<hbm>> -> memref<128x128xf32, #tpu.memory_space<hbm>>
      %dma_start3A_323 = arith.constant 0 : i32
      %dma_start3A_324 = tpu.memref_slice %arg4[%add3A_4, %dma_start3A_323] : memref<163840x128xf32, #tpu.memory_space<hbm>> -> memref<128x128xf32, #tpu.memory_space<hbm>>
      tpu.enqueue_dma source(%arg6 : memref<128x128xf32, #tpu.memory_space<vmem>>) target(%dma_start3A_324 : memref<128x128xf32, #tpu.memory_space<hbm>>) target_semaphore(%run_scoped3A : memref<!tpu.dma_semaphore, #tpu.memory_space<semaphore_mem>>)
      %dma_wait3A_325 = arith.constant 0 : i32
      %dma_wait3A_326 = tpu.memref_slice %arg4[%add3A_4, %dma_wait3A_325] : memref<163840x128xf32, #tpu.memory_space<hbm>> -> memref<128x128xf32, #tpu.memory_space<hbm>>
      %dma_wait3A_327 = arith.constant 0 : i32
      %dma_wait3A_328 = tpu.memref_slice %arg4[%add3A_4, %dma_wait3A_327] : memref<163840x128xf32, #tpu.memory_space<hbm>> -> memref<128x128xf32, #tpu.memory_space<hbm>>
      tpu.wait_dma2 semaphore(%run_scoped3A : memref<!tpu.dma_semaphore, #tpu.memory_space<semaphore_mem>>) src(%arg6 : memref<128x128xf32, #tpu.memory_space<vmem>>) dst(%dma_wait3A_328 : memref<128x128xf32, #tpu.memory_space<hbm>>)
      tpu.yield
    }) : () -> ()
    %add3A_9 = arith.constant 128 : i32
    %add3A_10 = arith.addi %mul3A_2, %add3A_9 : i32
    "tpu.region"() ({
      %run_scoped3A = tpu.sem_alloc : memref<!tpu.dma_semaphore, #tpu.memory_space<semaphore_mem>>
      %dma_start3A_321 = tpu.memref_slice %arg3[%add3A_10] : memref<163840xi32, #tpu.memory_space<hbm>> -> memref<128xi32, #tpu.memory_space<hbm>>
      %dma_start3A_322 = tpu.memref_slice %arg3[%add3A_10] : memref<163840xi32, #tpu.memory_space<hbm>> -> memref<128xi32, #tpu.memory_space<hbm>>
      tpu.enqueue_dma source(%dma_start3A_322 : memref<128xi32, #tpu.memory_space<hbm>>) target(%arg5 : memref<128xi32, #tpu.memory_space<vmem>>) target_semaphore(%run_scoped3A : memref<!tpu.dma_semaphore, #tpu.memory_space<semaphore_mem>>)
      %dma_wait3A_323 = tpu.memref_slice %arg3[%add3A_10] : memref<163840xi32, #tpu.memory_space<hbm>> -> memref<128xi32, #tpu.memory_space<hbm>>
      %dma_wait3A_324 = tpu.memref_slice %arg3[%add3A_10] : memref<163840xi32, #tpu.memory_space<hbm>> -> memref<128xi32, #tpu.memory_space<hbm>>
      tpu.wait_dma2 semaphore(%run_scoped3A : memref<!tpu.dma_semaphore, #tpu.memory_space<semaphore_mem>>) src(%dma_wait3A_324 : memref<128xi32, #tpu.memory_space<hbm>>) dst(%arg5 : memref<128xi32, #tpu.memory_space<vmem>>)
      tpu.yield
    }) : () -> ()
    %dma_start3A_11 = arith.constant 0 : i32
    %dma_start3A_12 = arith.constant 0 : i32
    %dma_start3A_13 = tpu.memref_slice %arg2[%dma_start3A_11, %dma_start3A_12] : memref<10240x128xf32, #tpu.memory_space<hbm>> -> memref<10240x128xf32, #tpu.memory_space<hbm>>
    tpu.enqueue_indirect_dma source(%dma_start3A_13 : memref<10240x128xf32, #tpu.memory_space<hbm>>) target(%arg6 : memref<128x128xf32, #tpu.memory_space<vmem>>) offsets(%arg5 : memref<128xi32, #tpu.memory_space<vmem>>) semaphore(%arg7 : memref<!tpu.dma_semaphore, #tpu.memory_space<semaphore_mem>>)
    %dma_wait3A_14 = arith.constant 0 : i32
    %dma_wait3A_15 = arith.constant 0 : i32
    %dma_wait3A_16 = tpu.memref_slice %arg2[%dma_wait3A_14, %dma_wait3A_15] : memref<10240x128xf32, #tpu.memory_space<hbm>> -> memref<10240x128xf32, #tpu.memory_space<hbm>>
    tpu.wait_indirect_dma semaphore(%arg7 : memref<!tpu.dma_semaphore, #tpu.memory_space<semaphore_mem>>) src(%dma_wait3A_16 : memref<10240x128xf32, #tpu.memory_space<hbm>>) dst(%arg6 : memref<128x128xf32, #tpu.memory_space<vmem>>)
    "tpu.region"() ({
      %run_scoped3A = tpu.sem_alloc : memref<!tpu.dma_semaphore, #tpu.memory_space<semaphore_mem>>
      %dma_start3A_321 = arith.constant 0 : i32
      %dma_start3A_322 = tpu.memref_slice %arg4[%add3A_10, %dma_start3A_321] : memref<163840x128xf32, #tpu.memory_space<hbm>> -> memref<128x128xf32, #tpu.memory_space<hbm>>
      %dma_start3A_323 = arith.constant 0 : i32
      %dma_start3A_324 = tpu.memref_slice %arg4[%add3A_10, %dma_start3A_323] : memref<163840x128xf32, #tpu.memory_space<hbm>> -> memref<128x128xf32, #tpu.memory_space<hbm>>
      tpu.enqueue_dma source(%arg6 : memref<128x128xf32, #tpu.memory_space<vmem>>) target(%dma_start3A_324 : memref<128x128xf32, #tpu.memory_space<hbm>>) target_semaphore(%run_scoped3A : memref<!tpu.dma_semaphore, #tpu.memory_space<semaphore_mem>>)
      %dma_wait3A_325 = arith.constant 0 : i32
      %dma_wait3A_326 = tpu.memref_slice %arg4[%add3A_10, %dma_wait3A_325] : memref<163840x128xf32, #tpu.memory_space<hbm>> -> memref<128x128xf32, #tpu.memory_space<hbm>>
      %dma_wait3A_327 = arith.constant 0 : i32
      %dma_wait3A_328 = tpu.memref_slice %arg4[%add3A_10, %dma_wait3A_327] : memref<163840x128xf32, #tpu.memory_space<hbm>> -> memref<128x128xf32, #tpu.memory_space<hbm>>
      tpu.wait_dma2 semaphore(%run_scoped3A : memref<!tpu.dma_semaphore, #tpu.memory_space<semaphore_mem>>) src(%arg6 : memref<128x128xf32, #tpu.memory_space<vmem>>) dst(%dma_wait3A_328 : memref<128x128xf32, #tpu.memory_space<hbm>>)
      tpu.yield
    }) : () -> ()
    %add3A_17 = arith.constant 256 : i32
    %add3A_18 = arith.addi %mul3A_2, %add3A_17 : i32
    "tpu.region"() ({
      %run_scoped3A = tpu.sem_alloc : memref<!tpu.dma_semaphore, #tpu.memory_space<semaphore_mem>>
      %dma_start3A_321 = tpu.memref_slice %arg3[%add3A_18] : memref<163840xi32, #tpu.memory_space<hbm>> -> memref<128xi32, #tpu.memory_space<hbm>>
      %dma_start3A_322 = tpu.memref_slice %arg3[%add3A_18] : memref<163840xi32, #tpu.memory_space<hbm>> -> memref<128xi32, #tpu.memory_space<hbm>>
      tpu.enqueue_dma source(%dma_start3A_322 : memref<128xi32, #tpu.memory_space<hbm>>) target(%arg5 : memref<128xi32, #tpu.memory_space<vmem>>) target_semaphore(%run_scoped3A : memref<!tpu.dma_semaphore, #tpu.memory_space<semaphore_mem>>)
      %dma_wait3A_323 = tpu.memref_slice %arg3[%add3A_18] : memref<163840xi32, #tpu.memory_space<hbm>> -> memref<128xi32, #tpu.memory_space<hbm>>
      %dma_wait3A_324 = tpu.memref_slice %arg3[%add3A_18] : memref<163840xi32, #tpu.memory_space<hbm>> -> memref<128xi32, #tpu.memory_space<hbm>>
      tpu.wait_dma2 semaphore(%run_scoped3A : memref<!tpu.dma_semaphore, #tpu.memory_space<semaphore_mem>>) src(%dma_wait3A_324 : memref<128xi32, #tpu.memory_space<hbm>>) dst(%arg5 : memref<128xi32, #tpu.memory_space<vmem>>)
      tpu.yield
    }) : () -> ()
    %dma_start3A_19 = arith.constant 0 : i32
    %dma_start3A_20 = arith.constant 0 : i32
    %dma_start3A_21 = tpu.memref_slice %arg2[%dma_start3A_19, %dma_start3A_20] : memref<10240x128xf32, #tpu.memory_space<hbm>> -> memref<10240x128xf32, #tpu.memory_space<hbm>>
    tpu.enqueue_indirect_dma source(%dma_start3A_21 : memref<10240x128xf32, #tpu.memory_space<hbm>>) target(%arg6 : memref<128x128xf32, #tpu.memory_space<vmem>>) offsets(%arg5 : memref<128xi32, #tpu.memory_space<vmem>>) semaphore(%arg7 : memref<!tpu.dma_semaphore, #tpu.memory_space<semaphore_mem>>)
    %dma_wait3A_22 = arith.constant 0 : i32
    %dma_wait3A_23 = arith.constant 0 : i32
    %dma_wait3A_24 = tpu.memref_slice %arg2[%dma_wait3A_22, %dma_wait3A_23] : memref<10240x128xf32, #tpu.memory_space<hbm>> -> memref<10240x128xf32, #tpu.memory_space<hbm>>
    tpu.wait_indirect_dma semaphore(%arg7 : memref<!tpu.dma_semaphore, #tpu.memory_space<semaphore_mem>>) src(%dma_wait3A_24 : memref<10240x128xf32, #tpu.memory_space<hbm>>) dst(%arg6 : memref<128x128xf32, #tpu.memory_space<vmem>>)
    "tpu.region"() ({
      %run_scoped3A = tpu.sem_alloc : memref<!tpu.dma_semaphore, #tpu.memory_space<semaphore_mem>>
      %dma_start3A_321 = arith.constant 0 : i32
      %dma_start3A_322 = tpu.memref_slice %arg4[%add3A_18, %dma_start3A_321] : memref<163840x128xf32, #tpu.memory_space<hbm>> -> memref<128x128xf32, #tpu.memory_space<hbm>>
      %dma_start3A_323 = arith.constant 0 : i32
      %dma_start3A_324 = tpu.memref_slice %arg4[%add3A_18, %dma_start3A_323] : memref<163840x128xf32, #tpu.memory_space<hbm>> -> memref<128x128xf32, #tpu.memory_space<hbm>>
      tpu.enqueue_dma source(%arg6 : memref<128x128xf32, #tpu.memory_space<vmem>>) target(%dma_start3A_324 : memref<128x128xf32, #tpu.memory_space<hbm>>) target_semaphore(%run_scoped3A : memref<!tpu.dma_semaphore, #tpu.memory_space<semaphore_mem>>)
      %dma_wait3A_325 = arith.constant 0 : i32
      %dma_wait3A_326 = tpu.memref_slice %arg4[%add3A_18, %dma_wait3A_325] : memref<163840x128xf32, #tpu.memory_space<hbm>> -> memref<128x128xf32, #tpu.memory_space<hbm>>
      %dma_wait3A_327 = arith.constant 0 : i32
      %dma_wait3A_328 = tpu.memref_slice %arg4[%add3A_18, %dma_wait3A_327] : memref<163840x128xf32, #tpu.memory_space<hbm>> -> memref<128x128xf32, #tpu.memory_space<hbm>>
      tpu.wait_dma2 semaphore(%run_scoped3A : memref<!tpu.dma_semaphore, #tpu.memory_space<semaphore_mem>>) src(%arg6 : memref<128x128xf32, #tpu.memory_space<vmem>>) dst(%dma_wait3A_328 : memref<128x128xf32, #tpu.memory_space<hbm>>)
      tpu.yield
    }) : () -> ()
    %add3A_25 = arith.constant 384 : i32
    %add3A_26 = arith.addi %mul3A_2, %add3A_25 : i32
    "tpu.region"() ({
      %run_scoped3A = tpu.sem_alloc : memref<!tpu.dma_semaphore, #tpu.memory_space<semaphore_mem>>
      %dma_start3A_321 = tpu.memref_slice %arg3[%add3A_26] : memref<163840xi32, #tpu.memory_space<hbm>> -> memref<128xi32, #tpu.memory_space<hbm>>
      %dma_start3A_322 = tpu.memref_slice %arg3[%add3A_26] : memref<163840xi32, #tpu.memory_space<hbm>> -> memref<128xi32, #tpu.memory_space<hbm>>
      tpu.enqueue_dma source(%dma_start3A_322 : memref<128xi32, #tpu.memory_space<hbm>>) target(%arg5 : memref<128xi32, #tpu.memory_space<vmem>>) target_semaphore(%run_scoped3A : memref<!tpu.dma_semaphore, #tpu.memory_space<semaphore_mem>>)
      %dma_wait3A_323 = tpu.memref_slice %arg3[%add3A_26] : memref<163840xi32, #tpu.memory_space<hbm>> -> memref<128xi32, #tpu.memory_space<hbm>>
      %dma_wait3A_324 = tpu.memref_slice %arg3[%add3A_26] : memref<163840xi32, #tpu.memory_space<hbm>> -> memref<128xi32, #tpu.memory_space<hbm>>
      tpu.wait_dma2 semaphore(%run_scoped3A : memref<!tpu.dma_semaphore, #tpu.memory_space<semaphore_mem>>) src(%dma_wait3A_324 : memref<128xi32, #tpu.memory_space<hbm>>) dst(%arg5 : memref<128xi32, #tpu.memory_space<vmem>>)
      tpu.yield
    }) : () -> ()
    %dma_start3A_27 = arith.constant 0 : i32
    %dma_start3A_28 = arith.constant 0 : i32
    %dma_start3A_29 = tpu.memref_slice %arg2[%dma_start3A_27, %dma_start3A_28] : memref<10240x128xf32, #tpu.memory_space<hbm>> -> memref<10240x128xf32, #tpu.memory_space<hbm>>
    tpu.enqueue_indirect_dma source(%dma_start3A_29 : memref<10240x128xf32, #tpu.memory_space<hbm>>) target(%arg6 : memref<128x128xf32, #tpu.memory_space<vmem>>) offsets(%arg5 : memref<128xi32, #tpu.memory_space<vmem>>) semaphore(%arg7 : memref<!tpu.dma_semaphore, #tpu.memory_space<semaphore_mem>>)
    %dma_wait3A_30 = arith.constant 0 : i32
    %dma_wait3A_31 = arith.constant 0 : i32
    %dma_wait3A_32 = tpu.memref_slice %arg2[%dma_wait3A_30, %dma_wait3A_31] : memref<10240x128xf32, #tpu.memory_space<hbm>> -> memref<10240x128xf32, #tpu.memory_space<hbm>>
    tpu.wait_indirect_dma semaphore(%arg7 : memref<!tpu.dma_semaphore, #tpu.memory_space<semaphore_mem>>) src(%dma_wait3A_32 : memref<10240x128xf32, #tpu.memory_space<hbm>>) dst(%arg6 : memref<128x128xf32, #tpu.memory_space<vmem>>)
    "tpu.region"() ({
      %run_scoped3A = tpu.sem_alloc : memref<!tpu.dma_semaphore, #tpu.memory_space<semaphore_mem>>
      %dma_start3A_321 = arith.constant 0 : i32
      %dma_start3A_322 = tpu.memref_slice %arg4[%add3A_26, %dma_start3A_321] : memref<163840x128xf32, #tpu.memory_space<hbm>> -> memref<128x128xf32, #tpu.memory_space<hbm>>
      %dma_start3A_323 = arith.constant 0 : i32
      %dma_start3A_324 = tpu.memref_slice %arg4[%add3A_26, %dma_start3A_323] : memref<163840x128xf32, #tpu.memory_space<hbm>> -> memref<128x128xf32, #tpu.memory_space<hbm>>
      tpu.enqueue_dma source(%arg6 : memref<128x128xf32, #tpu.memory_space<vmem>>) target(%dma_start3A_324 : memref<128x128xf32, #tpu.memory_space<hbm>>) target_semaphore(%run_scoped3A : memref<!tpu.dma_semaphore, #tpu.memory_space<semaphore_mem>>)
      %dma_wait3A_325 = arith.constant 0 : i32
      %dma_wait3A_326 = tpu.memref_slice %arg4[%add3A_26, %dma_wait3A_325] : memref<163840x128xf32, #tpu.memory_space<hbm>> -> memref<128x128xf32, #tpu.memory_space<hbm>>
      %dma_wait3A_327 = arith.constant 0 : i32
      %dma_wait3A_328 = tpu.memref_slice %arg4[%add3A_26, %dma_wait3A_327] : memref<163840x128xf32, #tpu.memory_space<hbm>> -> memref<128x128xf32, #tpu.memory_space<hbm>>
      tpu.wait_dma2 semaphore(%run_scoped3A : memref<!tpu.dma_semaphore, #tpu.memory_space<semaphore_mem>>) src(%arg6 : memref<128x128xf32, #tpu.memory_space<vmem>>) dst(%dma_wait3A_328 : memref<128x128xf32, #tpu.memory_space<hbm>>)
      tpu.yield
    }) : () -> ()
    %add3A_33 = arith.constant 512 : i32
    %add3A_34 = arith.addi %mul3A_2, %add3A_33 : i32
    "tpu.region"() ({
      %run_scoped3A = tpu.sem_alloc : memref<!tpu.dma_semaphore, #tpu.memory_space<semaphore_mem>>
      %dma_start3A_321 = tpu.memref_slice %arg3[%add3A_34] : memref<163840xi32, #tpu.memory_space<hbm>> -> memref<128xi32, #tpu.memory_space<hbm>>
      %dma_start3A_322 = tpu.memref_slice %arg3[%add3A_34] : memref<163840xi32, #tpu.memory_space<hbm>> -> memref<128xi32, #tpu.memory_space<hbm>>
      tpu.enqueue_dma source(%dma_start3A_322 : memref<128xi32, #tpu.memory_space<hbm>>) target(%arg5 : memref<128xi32, #tpu.memory_space<vmem>>) target_semaphore(%run_scoped3A : memref<!tpu.dma_semaphore, #tpu.memory_space<semaphore_mem>>)
      %dma_wait3A_323 = tpu.memref_slice %arg3[%add3A_34] : memref<163840xi32, #tpu.memory_space<hbm>> -> memref<128xi32, #tpu.memory_space<hbm>>
      %dma_wait3A_324 = tpu.memref_slice %arg3[%add3A_34] : memref<163840xi32, #tpu.memory_space<hbm>> -> memref<128xi32, #tpu.memory_space<hbm>>
      tpu.wait_dma2 semaphore(%run_scoped3A : memref<!tpu.dma_semaphore, #tpu.memory_space<semaphore_mem>>) src(%dma_wait3A_324 : memref<128xi32, #tpu.memory_space<hbm>>) dst(%arg5 : memref<128xi32, #tpu.memory_space<vmem>>)
      tpu.yield
    }) : () -> ()
    %dma_start3A_35 = arith.constant 0 : i32
    %dma_start3A_36 = arith.constant 0 : i32
    %dma_start3A_37 = tpu.memref_slice %arg2[%dma_start3A_35, %dma_start3A_36] : memref<10240x128xf32, #tpu.memory_space<hbm>> -> memref<10240x128xf32, #tpu.memory_space<hbm>>
    tpu.enqueue_indirect_dma source(%dma_start3A_37 : memref<10240x128xf32, #tpu.memory_space<hbm>>) target(%arg6 : memref<128x128xf32, #tpu.memory_space<vmem>>) offsets(%arg5 : memref<128xi32, #tpu.memory_space<vmem>>) semaphore(%arg7 : memref<!tpu.dma_semaphore, #tpu.memory_space<semaphore_mem>>)
    %dma_wait3A_38 = arith.constant 0 : i32
    %dma_wait3A_39 = arith.constant 0 : i32
    %dma_wait3A_40 = tpu.memref_slice %arg2[%dma_wait3A_38, %dma_wait3A_39] : memref<10240x128xf32, #tpu.memory_space<hbm>> -> memref<10240x128xf32, #tpu.memory_space<hbm>>
    tpu.wait_indirect_dma semaphore(%arg7 : memref<!tpu.dma_semaphore, #tpu.memory_space<semaphore_mem>>) src(%dma_wait3A_40 : memref<10240x128xf32, #tpu.memory_space<hbm>>) dst(%arg6 : memref<128x128xf32, #tpu.memory_space<vmem>>)
    "tpu.region"() ({
      %run_scoped3A = tpu.sem_alloc : memref<!tpu.dma_semaphore, #tpu.memory_space<semaphore_mem>>
      %dma_start3A_321 = arith.constant 0 : i32
      %dma_start3A_322 = tpu.memref_slice %arg4[%add3A_34, %dma_start3A_321] : memref<163840x128xf32, #tpu.memory_space<hbm>> -> memref<128x128xf32, #tpu.memory_space<hbm>>
      %dma_start3A_323 = arith.constant 0 : i32
      %dma_start3A_324 = tpu.memref_slice %arg4[%add3A_34, %dma_start3A_323] : memref<163840x128xf32, #tpu.memory_space<hbm>> -> memref<128x128xf32, #tpu.memory_space<hbm>>
      tpu.enqueue_dma source(%arg6 : memref<128x128xf32, #tpu.memory_space<vmem>>) target(%dma_start3A_324 : memref<128x128xf32, #tpu.memory_space<hbm>>) target_semaphore(%run_scoped3A : memref<!tpu.dma_semaphore, #tpu.memory_space<semaphore_mem>>)
      %dma_wait3A_325 = arith.constant 0 : i32
      %dma_wait3A_326 = tpu.memref_slice %arg4[%add3A_34, %dma_wait3A_325] : memref<163840x128xf32, #tpu.memory_space<hbm>> -> memref<128x128xf32, #tpu.memory_space<hbm>>
      %dma_wait3A_327 = arith.constant 0 : i32
      %dma_wait3A_328 = tpu.memref_slice %arg4[%add3A_34, %dma_wait3A_327] : memref<163840x128xf32, #tpu.memory_space<hbm>> -> memref<128x128xf32, #tpu.memory_space<hbm>>
      tpu.wait_dma2 semaphore(%run_scoped3A : memref<!tpu.dma_semaphore, #tpu.memory_space<semaphore_mem>>) src(%arg6 : memref<128x128xf32, #tpu.memory_space<vmem>>) dst(%dma_wait3A_328 : memref<128x128xf32, #tpu.memory_space<hbm>>)
      tpu.yield
    }) : () -> ()
    %add3A_41 = arith.constant 640 : i32
    %add3A_42 = arith.addi %mul3A_2, %add3A_41 : i32
    "tpu.region"() ({
      %run_scoped3A = tpu.sem_alloc : memref<!tpu.dma_semaphore, #tpu.memory_space<semaphore_mem>>
      %dma_start3A_321 = tpu.memref_slice %arg3[%add3A_42] : memref<163840xi32, #tpu.memory_space<hbm>> -> memref<128xi32, #tpu.memory_space<hbm>>
      %dma_start3A_322 = tpu.memref_slice %arg3[%add3A_42] : memref<163840xi32, #tpu.memory_space<hbm>> -> memref<128xi32, #tpu.memory_space<hbm>>
      tpu.enqueue_dma source(%dma_start3A_322 : memref<128xi32, #tpu.memory_space<hbm>>) target(%arg5 : memref<128xi32, #tpu.memory_space<vmem>>) target_semaphore(%run_scoped3A : memref<!tpu.dma_semaphore, #tpu.memory_space<semaphore_mem>>)
      %dma_wait3A_323 = tpu.memref_slice %arg3[%add3A_42] : memref<163840xi32, #tpu.memory_space<hbm>> -> memref<128xi32, #tpu.memory_space<hbm>>
      %dma_wait3A_324 = tpu.memref_slice %arg3[%add3A_42] : memref<163840xi32, #tpu.memory_space<hbm>> -> memref<128xi32, #tpu.memory_space<hbm>>
      tpu.wait_dma2 semaphore(%run_scoped3A : memref<!tpu.dma_semaphore, #tpu.memory_space<semaphore_mem>>) src(%dma_wait3A_324 : memref<128xi32, #tpu.memory_space<hbm>>) dst(%arg5 : memref<128xi32, #tpu.memory_space<vmem>>)
      tpu.yield
    }) : () -> ()
    %dma_start3A_43 = arith.constant 0 : i32
    %dma_start3A_44 = arith.constant 0 : i32
    %dma_start3A_45 = tpu.memref_slice %arg2[%dma_start3A_43, %dma_start3A_44] : memref<10240x128xf32, #tpu.memory_space<hbm>> -> memref<10240x128xf32, #tpu.memory_space<hbm>>
    tpu.enqueue_indirect_dma source(%dma_start3A_45 : memref<10240x128xf32, #tpu.memory_space<hbm>>) target(%arg6 : memref<128x128xf32, #tpu.memory_space<vmem>>) offsets(%arg5 : memref<128xi32, #tpu.memory_space<vmem>>) semaphore(%arg7 : memref<!tpu.dma_semaphore, #tpu.memory_space<semaphore_mem>>)
    %dma_wait3A_46 = arith.constant 0 : i32
    %dma_wait3A_47 = arith.constant 0 : i32
    %dma_wait3A_48 = tpu.memref_slice %arg2[%dma_wait3A_46, %dma_wait3A_47] : memref<10240x128xf32, #tpu.memory_space<hbm>> -> memref<10240x128xf32, #tpu.memory_space<hbm>>
    tpu.wait_indirect_dma semaphore(%arg7 : memref<!tpu.dma_semaphore, #tpu.memory_space<semaphore_mem>>) src(%dma_wait3A_48 : memref<10240x128xf32, #tpu.memory_space<hbm>>) dst(%arg6 : memref<128x128xf32, #tpu.memory_space<vmem>>)
    "tpu.region"() ({
      %run_scoped3A = tpu.sem_alloc : memref<!tpu.dma_semaphore, #tpu.memory_space<semaphore_mem>>
      %dma_start3A_321 = arith.constant 0 : i32
      %dma_start3A_322 = tpu.memref_slice %arg4[%add3A_42, %dma_start3A_321] : memref<163840x128xf32, #tpu.memory_space<hbm>> -> memref<128x128xf32, #tpu.memory_space<hbm>>
      %dma_start3A_323 = arith.constant 0 : i32
      %dma_start3A_324 = tpu.memref_slice %arg4[%add3A_42, %dma_start3A_323] : memref<163840x128xf32, #tpu.memory_space<hbm>> -> memref<128x128xf32, #tpu.memory_space<hbm>>
      tpu.enqueue_dma source(%arg6 : memref<128x128xf32, #tpu.memory_space<vmem>>) target(%dma_start3A_324 : memref<128x128xf32, #tpu.memory_space<hbm>>) target_semaphore(%run_scoped3A : memref<!tpu.dma_semaphore, #tpu.memory_space<semaphore_mem>>)
      %dma_wait3A_325 = arith.constant 0 : i32
      %dma_wait3A_326 = tpu.memref_slice %arg4[%add3A_42, %dma_wait3A_325] : memref<163840x128xf32, #tpu.memory_space<hbm>> -> memref<128x128xf32, #tpu.memory_space<hbm>>
      %dma_wait3A_327 = arith.constant 0 : i32
      %dma_wait3A_328 = tpu.memref_slice %arg4[%add3A_42, %dma_wait3A_327] : memref<163840x128xf32, #tpu.memory_space<hbm>> -> memref<128x128xf32, #tpu.memory_space<hbm>>
      tpu.wait_dma2 semaphore(%run_scoped3A : memref<!tpu.dma_semaphore, #tpu.memory_space<semaphore_mem>>) src(%arg6 : memref<128x128xf32, #tpu.memory_space<vmem>>) dst(%dma_wait3A_328 : memref<128x128xf32, #tpu.memory_space<hbm>>)
      tpu.yield
    }) : () -> ()
    %add3A_49 = arith.constant 768 : i32
    %add3A_50 = arith.addi %mul3A_2, %add3A_49 : i32
    "tpu.region"() ({
      %run_scoped3A = tpu.sem_alloc : memref<!tpu.dma_semaphore, #tpu.memory_space<semaphore_mem>>
      %dma_start3A_321 = tpu.memref_slice %arg3[%add3A_50] : memref<163840xi32, #tpu.memory_space<hbm>> -> memref<128xi32, #tpu.memory_space<hbm>>
      %dma_start3A_322 = tpu.memref_slice %arg3[%add3A_50] : memref<163840xi32, #tpu.memory_space<hbm>> -> memref<128xi32, #tpu.memory_space<hbm>>
      tpu.enqueue_dma source(%dma_start3A_322 : memref<128xi32, #tpu.memory_space<hbm>>) target(%arg5 : memref<128xi32, #tpu.memory_space<vmem>>) target_semaphore(%run_scoped3A : memref<!tpu.dma_semaphore, #tpu.memory_space<semaphore_mem>>)
      %dma_wait3A_323 = tpu.memref_slice %arg3[%add3A_50] : memref<163840xi32, #tpu.memory_space<hbm>> -> memref<128xi32, #tpu.memory_space<hbm>>
      %dma_wait3A_324 = tpu.memref_slice %arg3[%add3A_50] : memref<163840xi32, #tpu.memory_space<hbm>> -> memref<128xi32, #tpu.memory_space<hbm>>
      tpu.wait_dma2 semaphore(%run_scoped3A : memref<!tpu.dma_semaphore, #tpu.memory_space<semaphore_mem>>) src(%dma_wait3A_324 : memref<128xi32, #tpu.memory_space<hbm>>) dst(%arg5 : memref<128xi32, #tpu.memory_space<vmem>>)
      tpu.yield
    }) : () -> ()
    %dma_start3A_51 = arith.constant 0 : i32
    %dma_start3A_52 = arith.constant 0 : i32
    %dma_start3A_53 = tpu.memref_slice %arg2[%dma_start3A_51, %dma_start3A_52] : memref<10240x128xf32, #tpu.memory_space<hbm>> -> memref<10240x128xf32, #tpu.memory_space<hbm>>
    tpu.enqueue_indirect_dma source(%dma_start3A_53 : memref<10240x128xf32, #tpu.memory_space<hbm>>) target(%arg6 : memref<128x128xf32, #tpu.memory_space<vmem>>) offsets(%arg5 : memref<128xi32, #tpu.memory_space<vmem>>) semaphore(%arg7 : memref<!tpu.dma_semaphore, #tpu.memory_space<semaphore_mem>>)
    %dma_wait3A_54 = arith.constant 0 : i32
    %dma_wait3A_55 = arith.constant 0 : i32
    %dma_wait3A_56 = tpu.memref_slice %arg2[%dma_wait3A_54, %dma_wait3A_55] : memref<10240x128xf32, #tpu.memory_space<hbm>> -> memref<10240x128xf32, #tpu.memory_space<hbm>>
    tpu.wait_indirect_dma semaphore(%arg7 : memref<!tpu.dma_semaphore, #tpu.memory_space<semaphore_mem>>) src(%dma_wait3A_56 : memref<10240x128xf32, #tpu.memory_space<hbm>>) dst(%arg6 : memref<128x128xf32, #tpu.memory_space<vmem>>)
    "tpu.region"() ({
      %run_scoped3A = tpu.sem_alloc : memref<!tpu.dma_semaphore, #tpu.memory_space<semaphore_mem>>
      %dma_start3A_321 = arith.constant 0 : i32
      %dma_start3A_322 = tpu.memref_slice %arg4[%add3A_50, %dma_start3A_321] : memref<163840x128xf32, #tpu.memory_space<hbm>> -> memref<128x128xf32, #tpu.memory_space<hbm>>
      %dma_start3A_323 = arith.constant 0 : i32
      %dma_start3A_324 = tpu.memref_slice %arg4[%add3A_50, %dma_start3A_323] : memref<163840x128xf32, #tpu.memory_space<hbm>> -> memref<128x128xf32, #tpu.memory_space<hbm>>
      tpu.enqueue_dma source(%arg6 : memref<128x128xf32, #tpu.memory_space<vmem>>) target(%dma_start3A_324 : memref<128x128xf32, #tpu.memory_space<hbm>>) target_semaphore(%run_scoped3A : memref<!tpu.dma_semaphore, #tpu.memory_space<semaphore_mem>>)
      %dma_wait3A_325 = arith.constant 0 : i32
      %dma_wait3A_326 = tpu.memref_slice %arg4[%add3A_50, %dma_wait3A_325] : memref<163840x128xf32, #tpu.memory_space<hbm>> -> memref<128x128xf32, #tpu.memory_space<hbm>>
      %dma_wait3A_327 = arith.constant 0 : i32
      %dma_wait3A_328 = tpu.memref_slice %arg4[%add3A_50, %dma_wait3A_327] : memref<163840x128xf32, #tpu.memory_space<hbm>> -> memref<128x128xf32, #tpu.memory_space<hbm>>
      tpu.wait_dma2 semaphore(%run_scoped3A : memref<!tpu.dma_semaphore, #tpu.memory_space<semaphore_mem>>) src(%arg6 : memref<128x128xf32, #tpu.memory_space<vmem>>) dst(%dma_wait3A_328 : memref<128x128xf32, #tpu.memory_space<hbm>>)
      tpu.yield
    }) : () -> ()
    %add3A_57 = arith.constant 896 : i32
    %add3A_58 = arith.addi %mul3A_2, %add3A_57 : i32
    "tpu.region"() ({
      %run_scoped3A = tpu.sem_alloc : memref<!tpu.dma_semaphore, #tpu.memory_space<semaphore_mem>>
      %dma_start3A_321 = tpu.memref_slice %arg3[%add3A_58] : memref<163840xi32, #tpu.memory_space<hbm>> -> memref<128xi32, #tpu.memory_space<hbm>>
      %dma_start3A_322 = tpu.memref_slice %arg3[%add3A_58] : memref<163840xi32, #tpu.memory_space<hbm>> -> memref<128xi32, #tpu.memory_space<hbm>>
      tpu.enqueue_dma source(%dma_start3A_322 : memref<128xi32, #tpu.memory_space<hbm>>) target(%arg5 : memref<128xi32, #tpu.memory_space<vmem>>) target_semaphore(%run_scoped3A : memref<!tpu.dma_semaphore, #tpu.memory_space<semaphore_mem>>)
      %dma_wait3A_323 = tpu.memref_slice %arg3[%add3A_58] : memref<163840xi32, #tpu.memory_space<hbm>> -> memref<128xi32, #tpu.memory_space<hbm>>
      %dma_wait3A_324 = tpu.memref_slice %arg3[%add3A_58] : memref<163840xi32, #tpu.memory_space<hbm>> -> memref<128xi32, #tpu.memory_space<hbm>>
      tpu.wait_dma2 semaphore(%run_scoped3A : memref<!tpu.dma_semaphore, #tpu.memory_space<semaphore_mem>>) src(%dma_wait3A_324 : memref<128xi32, #tpu.memory_space<hbm>>) dst(%arg5 : memref<128xi32, #tpu.memory_space<vmem>>)
      tpu.yield
    }) : () -> ()
    %dma_start3A_59 = arith.constant 0 : i32
    %dma_start3A_60 = arith.constant 0 : i32
    %dma_start3A_61 = tpu.memref_slice %arg2[%dma_start3A_59, %dma_start3A_60] : memref<10240x128xf32, #tpu.memory_space<hbm>> -> memref<10240x128xf32, #tpu.memory_space<hbm>>
    tpu.enqueue_indirect_dma source(%dma_start3A_61 : memref<10240x128xf32, #tpu.memory_space<hbm>>) target(%arg6 : memref<128x128xf32, #tpu.memory_space<vmem>>) offsets(%arg5 : memref<128xi32, #tpu.memory_space<vmem>>) semaphore(%arg7 : memref<!tpu.dma_semaphore, #tpu.memory_space<semaphore_mem>>)
    %dma_wait3A_62 = arith.constant 0 : i32
    %dma_wait3A_63 = arith.constant 0 : i32
    %dma_wait3A_64 = tpu.memref_slice %arg2[%dma_wait3A_62, %dma_wait3A_63] : memref<10240x128xf32, #tpu.memory_space<hbm>> -> memref<10240x128xf32, #tpu.memory_space<hbm>>
    tpu.wait_indirect_dma semaphore(%arg7 : memref<!tpu.dma_semaphore, #tpu.memory_space<semaphore_mem>>) src(%dma_wait3A_64 : memref<10240x128xf32, #tpu.memory_space<hbm>>) dst(%arg6 : memref<128x128xf32, #tpu.memory_space<vmem>>)
    "tpu.region"() ({
      %run_scoped3A = tpu.sem_alloc : memref<!tpu.dma_semaphore, #tpu.memory_space<semaphore_mem>>
      %dma_start3A_321 = arith.constant 0 : i32
      %dma_start3A_322 = tpu.memref_slice %arg4[%add3A_58, %dma_start3A_321] : memref<163840x128xf32, #tpu.memory_space<hbm>> -> memref<128x128xf32, #tpu.memory_space<hbm>>
      %dma_start3A_323 = arith.constant 0 : i32
      %dma_start3A_324 = tpu.memref_slice %arg4[%add3A_58, %dma_start3A_323] : memref<163840x128xf32, #tpu.memory_space<hbm>> -> memref<128x128xf32, #tpu.memory_space<hbm>>
      tpu.enqueue_dma source(%arg6 : memref<128x128xf32, #tpu.memory_space<vmem>>) target(%dma_start3A_324 : memref<128x128xf32, #tpu.memory_space<hbm>>) target_semaphore(%run_scoped3A : memref<!tpu.dma_semaphore, #tpu.memory_space<semaphore_mem>>)
      %dma_wait3A_325 = arith.constant 0 : i32
      %dma_wait3A_326 = tpu.memref_slice %arg4[%add3A_58, %dma_wait3A_325] : memref<163840x128xf32, #tpu.memory_space<hbm>> -> memref<128x128xf32, #tpu.memory_space<hbm>>
      %dma_wait3A_327 = arith.constant 0 : i32
      %dma_wait3A_328 = tpu.memref_slice %arg4[%add3A_58, %dma_wait3A_327] : memref<163840x128xf32, #tpu.memory_space<hbm>> -> memref<128x128xf32, #tpu.memory_space<hbm>>
      tpu.wait_dma2 semaphore(%run_scoped3A : memref<!tpu.dma_semaphore, #tpu.memory_space<semaphore_mem>>) src(%arg6 : memref<128x128xf32, #tpu.memory_space<vmem>>) dst(%dma_wait3A_328 : memref<128x128xf32, #tpu.memory_space<hbm>>)
      tpu.yield
    }) : () -> ()
    %add3A_65 = arith.constant 1024 : i32
    %add3A_66 = arith.addi %mul3A_2, %add3A_65 : i32
    "tpu.region"() ({
      %run_scoped3A = tpu.sem_alloc : memref<!tpu.dma_semaphore, #tpu.memory_space<semaphore_mem>>
      %dma_start3A_321 = tpu.memref_slice %arg3[%add3A_66] : memref<163840xi32, #tpu.memory_space<hbm>> -> memref<128xi32, #tpu.memory_space<hbm>>
      %dma_start3A_322 = tpu.memref_slice %arg3[%add3A_66] : memref<163840xi32, #tpu.memory_space<hbm>> -> memref<128xi32, #tpu.memory_space<hbm>>
      tpu.enqueue_dma source(%dma_start3A_322 : memref<128xi32, #tpu.memory_space<hbm>>) target(%arg5 : memref<128xi32, #tpu.memory_space<vmem>>) target_semaphore(%run_scoped3A : memref<!tpu.dma_semaphore, #tpu.memory_space<semaphore_mem>>)
      %dma_wait3A_323 = tpu.memref_slice %arg3[%add3A_66] : memref<163840xi32, #tpu.memory_space<hbm>> -> memref<128xi32, #tpu.memory_space<hbm>>
      %dma_wait3A_324 = tpu.memref_slice %arg3[%add3A_66] : memref<163840xi32, #tpu.memory_space<hbm>> -> memref<128xi32, #tpu.memory_space<hbm>>
      tpu.wait_dma2 semaphore(%run_scoped3A : memref<!tpu.dma_semaphore, #tpu.memory_space<semaphore_mem>>) src(%dma_wait3A_324 : memref<128xi32, #tpu.memory_space<hbm>>) dst(%arg5 : memref<128xi32, #tpu.memory_space<vmem>>)
      tpu.yield
    }) : () -> ()
    %dma_start3A_67 = arith.constant 0 : i32
    %dma_start3A_68 = arith.constant 0 : i32
    %dma_start3A_69 = tpu.memref_slice %arg2[%dma_start3A_67, %dma_start3A_68] : memref<10240x128xf32, #tpu.memory_space<hbm>> -> memref<10240x128xf32, #tpu.memory_space<hbm>>
    tpu.enqueue_indirect_dma source(%dma_start3A_69 : memref<10240x128xf32, #tpu.memory_space<hbm>>) target(%arg6 : memref<128x128xf32, #tpu.memory_space<vmem>>) offsets(%arg5 : memref<128xi32, #tpu.memory_space<vmem>>) semaphore(%arg7 : memref<!tpu.dma_semaphore, #tpu.memory_space<semaphore_mem>>)
    %dma_wait3A_70 = arith.constant 0 : i32
    %dma_wait3A_71 = arith.constant 0 : i32
    %dma_wait3A_72 = tpu.memref_slice %arg2[%dma_wait3A_70, %dma_wait3A_71] : memref<10240x128xf32, #tpu.memory_space<hbm>> -> memref<10240x128xf32, #tpu.memory_space<hbm>>
    tpu.wait_indirect_dma semaphore(%arg7 : memref<!tpu.dma_semaphore, #tpu.memory_space<semaphore_mem>>) src(%dma_wait3A_72 : memref<10240x128xf32, #tpu.memory_space<hbm>>) dst(%arg6 : memref<128x128xf32, #tpu.memory_space<vmem>>)
    "tpu.region"() ({
      %run_scoped3A = tpu.sem_alloc : memref<!tpu.dma_semaphore, #tpu.memory_space<semaphore_mem>>
      %dma_start3A_321 = arith.constant 0 : i32
      %dma_start3A_322 = tpu.memref_slice %arg4[%add3A_66, %dma_start3A_321] : memref<163840x128xf32, #tpu.memory_space<hbm>> -> memref<128x128xf32, #tpu.memory_space<hbm>>
      %dma_start3A_323 = arith.constant 0 : i32
      %dma_start3A_324 = tpu.memref_slice %arg4[%add3A_66, %dma_start3A_323] : memref<163840x128xf32, #tpu.memory_space<hbm>> -> memref<128x128xf32, #tpu.memory_space<hbm>>
      tpu.enqueue_dma source(%arg6 : memref<128x128xf32, #tpu.memory_space<vmem>>) target(%dma_start3A_324 : memref<128x128xf32, #tpu.memory_space<hbm>>) target_semaphore(%run_scoped3A : memref<!tpu.dma_semaphore, #tpu.memory_space<semaphore_mem>>)
      %dma_wait3A_325 = arith.constant 0 : i32
      %dma_wait3A_326 = tpu.memref_slice %arg4[%add3A_66, %dma_wait3A_325] : memref<163840x128xf32, #tpu.memory_space<hbm>> -> memref<128x128xf32, #tpu.memory_space<hbm>>
      %dma_wait3A_327 = arith.constant 0 : i32
      %dma_wait3A_328 = tpu.memref_slice %arg4[%add3A_66, %dma_wait3A_327] : memref<163840x128xf32, #tpu.memory_space<hbm>> -> memref<128x128xf32, #tpu.memory_space<hbm>>
      tpu.wait_dma2 semaphore(%run_scoped3A : memref<!tpu.dma_semaphore, #tpu.memory_space<semaphore_mem>>) src(%arg6 : memref<128x128xf32, #tpu.memory_space<vmem>>) dst(%dma_wait3A_328 : memref<128x128xf32, #tpu.memory_space<hbm>>)
      tpu.yield
    }) : () -> ()
    %add3A_73 = arith.constant 1152 : i32
    %add3A_74 = arith.addi %mul3A_2, %add3A_73 : i32
    "tpu.region"() ({
      %run_scoped3A = tpu.sem_alloc : memref<!tpu.dma_semaphore, #tpu.memory_space<semaphore_mem>>
      %dma_start3A_321 = tpu.memref_slice %arg3[%add3A_74] : memref<163840xi32, #tpu.memory_space<hbm>> -> memref<128xi32, #tpu.memory_space<hbm>>
      %dma_start3A_322 = tpu.memref_slice %arg3[%add3A_74] : memref<163840xi32, #tpu.memory_space<hbm>> -> memref<128xi32, #tpu.memory_space<hbm>>
      tpu.enqueue_dma source(%dma_start3A_322 : memref<128xi32, #tpu.memory_space<hbm>>) target(%arg5 : memref<128xi32, #tpu.memory_space<vmem>>) target_semaphore(%run_scoped3A : memref<!tpu.dma_semaphore, #tpu.memory_space<semaphore_mem>>)
      %dma_wait3A_323 = tpu.memref_slice %arg3[%add3A_74] : memref<163840xi32, #tpu.memory_space<hbm>> -> memref<128xi32, #tpu.memory_space<hbm>>
      %dma_wait3A_324 = tpu.memref_slice %arg3[%add3A_74] : memref<163840xi32, #tpu.memory_space<hbm>> -> memref<128xi32, #tpu.memory_space<hbm>>
      tpu.wait_dma2 semaphore(%run_scoped3A : memref<!tpu.dma_semaphore, #tpu.memory_space<semaphore_mem>>) src(%dma_wait3A_324 : memref<128xi32, #tpu.memory_space<hbm>>) dst(%arg5 : memref<128xi32, #tpu.memory_space<vmem>>)
      tpu.yield
    }) : () -> ()
    %dma_start3A_75 = arith.constant 0 : i32
    %dma_start3A_76 = arith.constant 0 : i32
    %dma_start3A_77 = tpu.memref_slice %arg2[%dma_start3A_75, %dma_start3A_76] : memref<10240x128xf32, #tpu.memory_space<hbm>> -> memref<10240x128xf32, #tpu.memory_space<hbm>>
    tpu.enqueue_indirect_dma source(%dma_start3A_77 : memref<10240x128xf32, #tpu.memory_space<hbm>>) target(%arg6 : memref<128x128xf32, #tpu.memory_space<vmem>>) offsets(%arg5 : memref<128xi32, #tpu.memory_space<vmem>>) semaphore(%arg7 : memref<!tpu.dma_semaphore, #tpu.memory_space<semaphore_mem>>)
    %dma_wait3A_78 = arith.constant 0 : i32
    %dma_wait3A_79 = arith.constant 0 : i32
    %dma_wait3A_80 = tpu.memref_slice %arg2[%dma_wait3A_78, %dma_wait3A_79] : memref<10240x128xf32, #tpu.memory_space<hbm>> -> memref<10240x128xf32, #tpu.memory_space<hbm>>
    tpu.wait_indirect_dma semaphore(%arg7 : memref<!tpu.dma_semaphore, #tpu.memory_space<semaphore_mem>>) src(%dma_wait3A_80 : memref<10240x128xf32, #tpu.memory_space<hbm>>) dst(%arg6 : memref<128x128xf32, #tpu.memory_space<vmem>>)
    "tpu.region"() ({
      %run_scoped3A = tpu.sem_alloc : memref<!tpu.dma_semaphore, #tpu.memory_space<semaphore_mem>>
      %dma_start3A_321 = arith.constant 0 : i32
      %dma_start3A_322 = tpu.memref_slice %arg4[%add3A_74, %dma_start3A_321] : memref<163840x128xf32, #tpu.memory_space<hbm>> -> memref<128x128xf32, #tpu.memory_space<hbm>>
      %dma_start3A_323 = arith.constant 0 : i32
      %dma_start3A_324 = tpu.memref_slice %arg4[%add3A_74, %dma_start3A_323] : memref<163840x128xf32, #tpu.memory_space<hbm>> -> memref<128x128xf32, #tpu.memory_space<hbm>>
      tpu.enqueue_dma source(%arg6 : memref<128x128xf32, #tpu.memory_space<vmem>>) target(%dma_start3A_324 : memref<128x128xf32, #tpu.memory_space<hbm>>) target_semaphore(%run_scoped3A : memref<!tpu.dma_semaphore, #tpu.memory_space<semaphore_mem>>)
      %dma_wait3A_325 = arith.constant 0 : i32
      %dma_wait3A_326 = tpu.memref_slice %arg4[%add3A_74, %dma_wait3A_325] : memref<163840x128xf32, #tpu.memory_space<hbm>> -> memref<128x128xf32, #tpu.memory_space<hbm>>
      %dma_wait3A_327 = arith.constant 0 : i32
      %dma_wait3A_328 = tpu.memref_slice %arg4[%add3A_74, %dma_wait3A_327] : memref<163840x128xf32, #tpu.memory_space<hbm>> -> memref<128x128xf32, #tpu.memory_space<hbm>>
      tpu.wait_dma2 semaphore(%run_scoped3A : memref<!tpu.dma_semaphore, #tpu.memory_space<semaphore_mem>>) src(%arg6 : memref<128x128xf32, #tpu.memory_space<vmem>>) dst(%dma_wait3A_328 : memref<128x128xf32, #tpu.memory_space<hbm>>)
      tpu.yield
    }) : () -> ()
    %add3A_81 = arith.constant 1280 : i32
    %add3A_82 = arith.addi %mul3A_2, %add3A_81 : i32
    "tpu.region"() ({
      %run_scoped3A = tpu.sem_alloc : memref<!tpu.dma_semaphore, #tpu.memory_space<semaphore_mem>>
      %dma_start3A_321 = tpu.memref_slice %arg3[%add3A_82] : memref<163840xi32, #tpu.memory_space<hbm>> -> memref<128xi32, #tpu.memory_space<hbm>>
      %dma_start3A_322 = tpu.memref_slice %arg3[%add3A_82] : memref<163840xi32, #tpu.memory_space<hbm>> -> memref<128xi32, #tpu.memory_space<hbm>>
      tpu.enqueue_dma source(%dma_start3A_322 : memref<128xi32, #tpu.memory_space<hbm>>) target(%arg5 : memref<128xi32, #tpu.memory_space<vmem>>) target_semaphore(%run_scoped3A : memref<!tpu.dma_semaphore, #tpu.memory_space<semaphore_mem>>)
      %dma_wait3A_323 = tpu.memref_slice %arg3[%add3A_82] : memref<163840xi32, #tpu.memory_space<hbm>> -> memref<128xi32, #tpu.memory_space<hbm>>
      %dma_wait3A_324 = tpu.memref_slice %arg3[%add3A_82] : memref<163840xi32, #tpu.memory_space<hbm>> -> memref<128xi32, #tpu.memory_space<hbm>>
      tpu.wait_dma2 semaphore(%run_scoped3A : memref<!tpu.dma_semaphore, #tpu.memory_space<semaphore_mem>>) src(%dma_wait3A_324 : memref<128xi32, #tpu.memory_space<hbm>>) dst(%arg5 : memref<128xi32, #tpu.memory_space<vmem>>)
      tpu.yield
    }) : () -> ()
    %dma_start3A_83 = arith.constant 0 : i32
    %dma_start3A_84 = arith.constant 0 : i32
    %dma_start3A_85 = tpu.memref_slice %arg2[%dma_start3A_83, %dma_start3A_84] : memref<10240x128xf32, #tpu.memory_space<hbm>> -> memref<10240x128xf32, #tpu.memory_space<hbm>>
    tpu.enqueue_indirect_dma source(%dma_start3A_85 : memref<10240x128xf32, #tpu.memory_space<hbm>>) target(%arg6 : memref<128x128xf32, #tpu.memory_space<vmem>>) offsets(%arg5 : memref<128xi32, #tpu.memory_space<vmem>>) semaphore(%arg7 : memref<!tpu.dma_semaphore, #tpu.memory_space<semaphore_mem>>)
    %dma_wait3A_86 = arith.constant 0 : i32
    %dma_wait3A_87 = arith.constant 0 : i32
    %dma_wait3A_88 = tpu.memref_slice %arg2[%dma_wait3A_86, %dma_wait3A_87] : memref<10240x128xf32, #tpu.memory_space<hbm>> -> memref<10240x128xf32, #tpu.memory_space<hbm>>
    tpu.wait_indirect_dma semaphore(%arg7 : memref<!tpu.dma_semaphore, #tpu.memory_space<semaphore_mem>>) src(%dma_wait3A_88 : memref<10240x128xf32, #tpu.memory_space<hbm>>) dst(%arg6 : memref<128x128xf32, #tpu.memory_space<vmem>>)
    "tpu.region"() ({
      %run_scoped3A = tpu.sem_alloc : memref<!tpu.dma_semaphore, #tpu.memory_space<semaphore_mem>>
      %dma_start3A_321 = arith.constant 0 : i32
      %dma_start3A_322 = tpu.memref_slice %arg4[%add3A_82, %dma_start3A_321] : memref<163840x128xf32, #tpu.memory_space<hbm>> -> memref<128x128xf32, #tpu.memory_space<hbm>>
      %dma_start3A_323 = arith.constant 0 : i32
      %dma_start3A_324 = tpu.memref_slice %arg4[%add3A_82, %dma_start3A_323] : memref<163840x128xf32, #tpu.memory_space<hbm>> -> memref<128x128xf32, #tpu.memory_space<hbm>>
      tpu.enqueue_dma source(%arg6 : memref<128x128xf32, #tpu.memory_space<vmem>>) target(%dma_start3A_324 : memref<128x128xf32, #tpu.memory_space<hbm>>) target_semaphore(%run_scoped3A : memref<!tpu.dma_semaphore, #tpu.memory_space<semaphore_mem>>)
      %dma_wait3A_325 = arith.constant 0 : i32
      %dma_wait3A_326 = tpu.memref_slice %arg4[%add3A_82, %dma_wait3A_325] : memref<163840x128xf32, #tpu.memory_space<hbm>> -> memref<128x128xf32, #tpu.memory_space<hbm>>
      %dma_wait3A_327 = arith.constant 0 : i32
      %dma_wait3A_328 = tpu.memref_slice %arg4[%add3A_82, %dma_wait3A_327] : memref<163840x128xf32, #tpu.memory_space<hbm>> -> memref<128x128xf32, #tpu.memory_space<hbm>>
      tpu.wait_dma2 semaphore(%run_scoped3A : memref<!tpu.dma_semaphore, #tpu.memory_space<semaphore_mem>>) src(%arg6 : memref<128x128xf32, #tpu.memory_space<vmem>>) dst(%dma_wait3A_328 : memref<128x128xf32, #tpu.memory_space<hbm>>)
      tpu.yield
    }) : () -> ()
    %add3A_89 = arith.constant 1408 : i32
    %add3A_90 = arith.addi %mul3A_2, %add3A_89 : i32
    "tpu.region"() ({
      %run_scoped3A = tpu.sem_alloc : memref<!tpu.dma_semaphore, #tpu.memory_space<semaphore_mem>>
      %dma_start3A_321 = tpu.memref_slice %arg3[%add3A_90] : memref<163840xi32, #tpu.memory_space<hbm>> -> memref<128xi32, #tpu.memory_space<hbm>>
      %dma_start3A_322 = tpu.memref_slice %arg3[%add3A_90] : memref<163840xi32, #tpu.memory_space<hbm>> -> memref<128xi32, #tpu.memory_space<hbm>>
      tpu.enqueue_dma source(%dma_start3A_322 : memref<128xi32, #tpu.memory_space<hbm>>) target(%arg5 : memref<128xi32, #tpu.memory_space<vmem>>) target_semaphore(%run_scoped3A : memref<!tpu.dma_semaphore, #tpu.memory_space<semaphore_mem>>)
      %dma_wait3A_323 = tpu.memref_slice %arg3[%add3A_90] : memref<163840xi32, #tpu.memory_space<hbm>> -> memref<128xi32, #tpu.memory_space<hbm>>
      %dma_wait3A_324 = tpu.memref_slice %arg3[%add3A_90] : memref<163840xi32, #tpu.memory_space<hbm>> -> memref<128xi32, #tpu.memory_space<hbm>>
      tpu.wait_dma2 semaphore(%run_scoped3A : memref<!tpu.dma_semaphore, #tpu.memory_space<semaphore_mem>>) src(%dma_wait3A_324 : memref<128xi32, #tpu.memory_space<hbm>>) dst(%arg5 : memref<128xi32, #tpu.memory_space<vmem>>)
      tpu.yield
    }) : () -> ()
    %dma_start3A_91 = arith.constant 0 : i32
    %dma_start3A_92 = arith.constant 0 : i32
    %dma_start3A_93 = tpu.memref_slice %arg2[%dma_start3A_91, %dma_start3A_92] : memref<10240x128xf32, #tpu.memory_space<hbm>> -> memref<10240x128xf32, #tpu.memory_space<hbm>>
    tpu.enqueue_indirect_dma source(%dma_start3A_93 : memref<10240x128xf32, #tpu.memory_space<hbm>>) target(%arg6 : memref<128x128xf32, #tpu.memory_space<vmem>>) offsets(%arg5 : memref<128xi32, #tpu.memory_space<vmem>>) semaphore(%arg7 : memref<!tpu.dma_semaphore, #tpu.memory_space<semaphore_mem>>)
    %dma_wait3A_94 = arith.constant 0 : i32
    %dma_wait3A_95 = arith.constant 0 : i32
    %dma_wait3A_96 = tpu.memref_slice %arg2[%dma_wait3A_94, %dma_wait3A_95] : memref<10240x128xf32, #tpu.memory_space<hbm>> -> memref<10240x128xf32, #tpu.memory_space<hbm>>
    tpu.wait_indirect_dma semaphore(%arg7 : memref<!tpu.dma_semaphore, #tpu.memory_space<semaphore_mem>>) src(%dma_wait3A_96 : memref<10240x128xf32, #tpu.memory_space<hbm>>) dst(%arg6 : memref<128x128xf32, #tpu.memory_space<vmem>>)
    "tpu.region"() ({
      %run_scoped3A = tpu.sem_alloc : memref<!tpu.dma_semaphore, #tpu.memory_space<semaphore_mem>>
      %dma_start3A_321 = arith.constant 0 : i32
      %dma_start3A_322 = tpu.memref_slice %arg4[%add3A_90, %dma_start3A_321] : memref<163840x128xf32, #tpu.memory_space<hbm>> -> memref<128x128xf32, #tpu.memory_space<hbm>>
      %dma_start3A_323 = arith.constant 0 : i32
      %dma_start3A_324 = tpu.memref_slice %arg4[%add3A_90, %dma_start3A_323] : memref<163840x128xf32, #tpu.memory_space<hbm>> -> memref<128x128xf32, #tpu.memory_space<hbm>>
      tpu.enqueue_dma source(%arg6 : memref<128x128xf32, #tpu.memory_space<vmem>>) target(%dma_start3A_324 : memref<128x128xf32, #tpu.memory_space<hbm>>) target_semaphore(%run_scoped3A : memref<!tpu.dma_semaphore, #tpu.memory_space<semaphore_mem>>)
      %dma_wait3A_325 = arith.constant 0 : i32
      %dma_wait3A_326 = tpu.memref_slice %arg4[%add3A_90, %dma_wait3A_325] : memref<163840x128xf32, #tpu.memory_space<hbm>> -> memref<128x128xf32, #tpu.memory_space<hbm>>
      %dma_wait3A_327 = arith.constant 0 : i32
      %dma_wait3A_328 = tpu.memref_slice %arg4[%add3A_90, %dma_wait3A_327] : memref<163840x128xf32, #tpu.memory_space<hbm>> -> memref<128x128xf32, #tpu.memory_space<hbm>>
      tpu.wait_dma2 semaphore(%run_scoped3A : memref<!tpu.dma_semaphore, #tpu.memory_space<semaphore_mem>>) src(%arg6 : memref<128x128xf32, #tpu.memory_space<vmem>>) dst(%dma_wait3A_328 : memref<128x128xf32, #tpu.memory_space<hbm>>)
      tpu.yield
    }) : () -> ()
    %add3A_97 = arith.constant 1536 : i32
    %add3A_98 = arith.addi %mul3A_2, %add3A_97 : i32
    "tpu.region"() ({
      %run_scoped3A = tpu.sem_alloc : memref<!tpu.dma_semaphore, #tpu.memory_space<semaphore_mem>>
      %dma_start3A_321 = tpu.memref_slice %arg3[%add3A_98] : memref<163840xi32, #tpu.memory_space<hbm>> -> memref<128xi32, #tpu.memory_space<hbm>>
      %dma_start3A_322 = tpu.memref_slice %arg3[%add3A_98] : memref<163840xi32, #tpu.memory_space<hbm>> -> memref<128xi32, #tpu.memory_space<hbm>>
      tpu.enqueue_dma source(%dma_start3A_322 : memref<128xi32, #tpu.memory_space<hbm>>) target(%arg5 : memref<128xi32, #tpu.memory_space<vmem>>) target_semaphore(%run_scoped3A : memref<!tpu.dma_semaphore, #tpu.memory_space<semaphore_mem>>)
      %dma_wait3A_323 = tpu.memref_slice %arg3[%add3A_98] : memref<163840xi32, #tpu.memory_space<hbm>> -> memref<128xi32, #tpu.memory_space<hbm>>
      %dma_wait3A_324 = tpu.memref_slice %arg3[%add3A_98] : memref<163840xi32, #tpu.memory_space<hbm>> -> memref<128xi32, #tpu.memory_space<hbm>>
      tpu.wait_dma2 semaphore(%run_scoped3A : memref<!tpu.dma_semaphore, #tpu.memory_space<semaphore_mem>>) src(%dma_wait3A_324 : memref<128xi32, #tpu.memory_space<hbm>>) dst(%arg5 : memref<128xi32, #tpu.memory_space<vmem>>)
      tpu.yield
    }) : () -> ()
    %dma_start3A_99 = arith.constant 0 : i32
    %dma_start3A_100 = arith.constant 0 : i32
    %dma_start3A_101 = tpu.memref_slice %arg2[%dma_start3A_99, %dma_start3A_100] : memref<10240x128xf32, #tpu.memory_space<hbm>> -> memref<10240x128xf32, #tpu.memory_space<hbm>>
    tpu.enqueue_indirect_dma source(%dma_start3A_101 : memref<10240x128xf32, #tpu.memory_space<hbm>>) target(%arg6 : memref<128x128xf32, #tpu.memory_space<vmem>>) offsets(%arg5 : memref<128xi32, #tpu.memory_space<vmem>>) semaphore(%arg7 : memref<!tpu.dma_semaphore, #tpu.memory_space<semaphore_mem>>)
    %dma_wait3A_102 = arith.constant 0 : i32
    %dma_wait3A_103 = arith.constant 0 : i32
    %dma_wait3A_104 = tpu.memref_slice %arg2[%dma_wait3A_102, %dma_wait3A_103] : memref<10240x128xf32, #tpu.memory_space<hbm>> -> memref<10240x128xf32, #tpu.memory_space<hbm>>
    tpu.wait_indirect_dma semaphore(%arg7 : memref<!tpu.dma_semaphore, #tpu.memory_space<semaphore_mem>>) src(%dma_wait3A_104 : memref<10240x128xf32, #tpu.memory_space<hbm>>) dst(%arg6 : memref<128x128xf32, #tpu.memory_space<vmem>>)
    "tpu.region"() ({
      %run_scoped3A = tpu.sem_alloc : memref<!tpu.dma_semaphore, #tpu.memory_space<semaphore_mem>>
      %dma_start3A_321 = arith.constant 0 : i32
      %dma_start3A_322 = tpu.memref_slice %arg4[%add3A_98, %dma_start3A_321] : memref<163840x128xf32, #tpu.memory_space<hbm>> -> memref<128x128xf32, #tpu.memory_space<hbm>>
      %dma_start3A_323 = arith.constant 0 : i32
      %dma_start3A_324 = tpu.memref_slice %arg4[%add3A_98, %dma_start3A_323] : memref<163840x128xf32, #tpu.memory_space<hbm>> -> memref<128x128xf32, #tpu.memory_space<hbm>>
      tpu.enqueue_dma source(%arg6 : memref<128x128xf32, #tpu.memory_space<vmem>>) target(%dma_start3A_324 : memref<128x128xf32, #tpu.memory_space<hbm>>) target_semaphore(%run_scoped3A : memref<!tpu.dma_semaphore, #tpu.memory_space<semaphore_mem>>)
      %dma_wait3A_325 = arith.constant 0 : i32
      %dma_wait3A_326 = tpu.memref_slice %arg4[%add3A_98, %dma_wait3A_325] : memref<163840x128xf32, #tpu.memory_space<hbm>> -> memref<128x128xf32, #tpu.memory_space<hbm>>
      %dma_wait3A_327 = arith.constant 0 : i32
      %dma_wait3A_328 = tpu.memref_slice %arg4[%add3A_98, %dma_wait3A_327] : memref<163840x128xf32, #tpu.memory_space<hbm>> -> memref<128x128xf32, #tpu.memory_space<hbm>>
      tpu.wait_dma2 semaphore(%run_scoped3A : memref<!tpu.dma_semaphore, #tpu.memory_space<semaphore_mem>>) src(%arg6 : memref<128x128xf32, #tpu.memory_space<vmem>>) dst(%dma_wait3A_328 : memref<128x128xf32, #tpu.memory_space<hbm>>)
      tpu.yield
    }) : () -> ()
    %add3A_105 = arith.constant 1664 : i32
    %add3A_106 = arith.addi %mul3A_2, %add3A_105 : i32
    "tpu.region"() ({
      %run_scoped3A = tpu.sem_alloc : memref<!tpu.dma_semaphore, #tpu.memory_space<semaphore_mem>>
      %dma_start3A_321 = tpu.memref_slice %arg3[%add3A_106] : memref<163840xi32, #tpu.memory_space<hbm>> -> memref<128xi32, #tpu.memory_space<hbm>>
      %dma_start3A_322 = tpu.memref_slice %arg3[%add3A_106] : memref<163840xi32, #tpu.memory_space<hbm>> -> memref<128xi32, #tpu.memory_space<hbm>>
      tpu.enqueue_dma source(%dma_start3A_322 : memref<128xi32, #tpu.memory_space<hbm>>) target(%arg5 : memref<128xi32, #tpu.memory_space<vmem>>) target_semaphore(%run_scoped3A : memref<!tpu.dma_semaphore, #tpu.memory_space<semaphore_mem>>)
      %dma_wait3A_323 = tpu.memref_slice %arg3[%add3A_106] : memref<163840xi32, #tpu.memory_space<hbm>> -> memref<128xi32, #tpu.memory_space<hbm>>
      %dma_wait3A_324 = tpu.memref_slice %arg3[%add3A_106] : memref<163840xi32, #tpu.memory_space<hbm>> -> memref<128xi32, #tpu.memory_space<hbm>>
      tpu.wait_dma2 semaphore(%run_scoped3A : memref<!tpu.dma_semaphore, #tpu.memory_space<semaphore_mem>>) src(%dma_wait3A_324 : memref<128xi32, #tpu.memory_space<hbm>>) dst(%arg5 : memref<128xi32, #tpu.memory_space<vmem>>)
      tpu.yield
    }) : () -> ()
    %dma_start3A_107 = arith.constant 0 : i32
    %dma_start3A_108 = arith.constant 0 : i32
    %dma_start3A_109 = tpu.memref_slice %arg2[%dma_start3A_107, %dma_start3A_108] : memref<10240x128xf32, #tpu.memory_space<hbm>> -> memref<10240x128xf32, #tpu.memory_space<hbm>>
    tpu.enqueue_indirect_dma source(%dma_start3A_109 : memref<10240x128xf32, #tpu.memory_space<hbm>>) target(%arg6 : memref<128x128xf32, #tpu.memory_space<vmem>>) offsets(%arg5 : memref<128xi32, #tpu.memory_space<vmem>>) semaphore(%arg7 : memref<!tpu.dma_semaphore, #tpu.memory_space<semaphore_mem>>)
    %dma_wait3A_110 = arith.constant 0 : i32
    %dma_wait3A_111 = arith.constant 0 : i32
    %dma_wait3A_112 = tpu.memref_slice %arg2[%dma_wait3A_110, %dma_wait3A_111] : memref<10240x128xf32, #tpu.memory_space<hbm>> -> memref<10240x128xf32, #tpu.memory_space<hbm>>
    tpu.wait_indirect_dma semaphore(%arg7 : memref<!tpu.dma_semaphore, #tpu.memory_space<semaphore_mem>>) src(%dma_wait3A_112 : memref<10240x128xf32, #tpu.memory_space<hbm>>) dst(%arg6 : memref<128x128xf32, #tpu.memory_space<vmem>>)
    "tpu.region"() ({
      %run_scoped3A = tpu.sem_alloc : memref<!tpu.dma_semaphore, #tpu.memory_space<semaphore_mem>>
      %dma_start3A_321 = arith.constant 0 : i32
      %dma_start3A_322 = tpu.memref_slice %arg4[%add3A_106, %dma_start3A_321] : memref<163840x128xf32, #tpu.memory_space<hbm>> -> memref<128x128xf32, #tpu.memory_space<hbm>>
      %dma_start3A_323 = arith.constant 0 : i32
      %dma_start3A_324 = tpu.memref_slice %arg4[%add3A_106, %dma_start3A_323] : memref<163840x128xf32, #tpu.memory_space<hbm>> -> memref<128x128xf32, #tpu.memory_space<hbm>>
      tpu.enqueue_dma source(%arg6 : memref<128x128xf32, #tpu.memory_space<vmem>>) target(%dma_start3A_324 : memref<128x128xf32, #tpu.memory_space<hbm>>) target_semaphore(%run_scoped3A : memref<!tpu.dma_semaphore, #tpu.memory_space<semaphore_mem>>)
      %dma_wait3A_325 = arith.constant 0 : i32
      %dma_wait3A_326 = tpu.memref_slice %arg4[%add3A_106, %dma_wait3A_325] : memref<163840x128xf32, #tpu.memory_space<hbm>> -> memref<128x128xf32, #tpu.memory_space<hbm>>
      %dma_wait3A_327 = arith.constant 0 : i32
      %dma_wait3A_328 = tpu.memref_slice %arg4[%add3A_106, %dma_wait3A_327] : memref<163840x128xf32, #tpu.memory_space<hbm>> -> memref<128x128xf32, #tpu.memory_space<hbm>>
      tpu.wait_dma2 semaphore(%run_scoped3A : memref<!tpu.dma_semaphore, #tpu.memory_space<semaphore_mem>>) src(%arg6 : memref<128x128xf32, #tpu.memory_space<vmem>>) dst(%dma_wait3A_328 : memref<128x128xf32, #tpu.memory_space<hbm>>)
      tpu.yield
    }) : () -> ()
    %add3A_113 = arith.constant 1792 : i32
    %add3A_114 = arith.addi %mul3A_2, %add3A_113 : i32
    "tpu.region"() ({
      %run_scoped3A = tpu.sem_alloc : memref<!tpu.dma_semaphore, #tpu.memory_space<semaphore_mem>>
      %dma_start3A_321 = tpu.memref_slice %arg3[%add3A_114] : memref<163840xi32, #tpu.memory_space<hbm>> -> memref<128xi32, #tpu.memory_space<hbm>>
      %dma_start3A_322 = tpu.memref_slice %arg3[%add3A_114] : memref<163840xi32, #tpu.memory_space<hbm>> -> memref<128xi32, #tpu.memory_space<hbm>>
      tpu.enqueue_dma source(%dma_start3A_322 : memref<128xi32, #tpu.memory_space<hbm>>) target(%arg5 : memref<128xi32, #tpu.memory_space<vmem>>) target_semaphore(%run_scoped3A : memref<!tpu.dma_semaphore, #tpu.memory_space<semaphore_mem>>)
      %dma_wait3A_323 = tpu.memref_slice %arg3[%add3A_114] : memref<163840xi32, #tpu.memory_space<hbm>> -> memref<128xi32, #tpu.memory_space<hbm>>
      %dma_wait3A_324 = tpu.memref_slice %arg3[%add3A_114] : memref<163840xi32, #tpu.memory_space<hbm>> -> memref<128xi32, #tpu.memory_space<hbm>>
      tpu.wait_dma2 semaphore(%run_scoped3A : memref<!tpu.dma_semaphore, #tpu.memory_space<semaphore_mem>>) src(%dma_wait3A_324 : memref<128xi32, #tpu.memory_space<hbm>>) dst(%arg5 : memref<128xi32, #tpu.memory_space<vmem>>)
      tpu.yield
    }) : () -> ()
    %dma_start3A_115 = arith.constant 0 : i32
    %dma_start3A_116 = arith.constant 0 : i32
    %dma_start3A_117 = tpu.memref_slice %arg2[%dma_start3A_115, %dma_start3A_116] : memref<10240x128xf32, #tpu.memory_space<hbm>> -> memref<10240x128xf32, #tpu.memory_space<hbm>>
    tpu.enqueue_indirect_dma source(%dma_start3A_117 : memref<10240x128xf32, #tpu.memory_space<hbm>>) target(%arg6 : memref<128x128xf32, #tpu.memory_space<vmem>>) offsets(%arg5 : memref<128xi32, #tpu.memory_space<vmem>>) semaphore(%arg7 : memref<!tpu.dma_semaphore, #tpu.memory_space<semaphore_mem>>)
    %dma_wait3A_118 = arith.constant 0 : i32
    %dma_wait3A_119 = arith.constant 0 : i32
    %dma_wait3A_120 = tpu.memref_slice %arg2[%dma_wait3A_118, %dma_wait3A_119] : memref<10240x128xf32, #tpu.memory_space<hbm>> -> memref<10240x128xf32, #tpu.memory_space<hbm>>
    tpu.wait_indirect_dma semaphore(%arg7 : memref<!tpu.dma_semaphore, #tpu.memory_space<semaphore_mem>>) src(%dma_wait3A_120 : memref<10240x128xf32, #tpu.memory_space<hbm>>) dst(%arg6 : memref<128x128xf32, #tpu.memory_space<vmem>>)
    "tpu.region"() ({
      %run_scoped3A = tpu.sem_alloc : memref<!tpu.dma_semaphore, #tpu.memory_space<semaphore_mem>>
      %dma_start3A_321 = arith.constant 0 : i32
      %dma_start3A_322 = tpu.memref_slice %arg4[%add3A_114, %dma_start3A_321] : memref<163840x128xf32, #tpu.memory_space<hbm>> -> memref<128x128xf32, #tpu.memory_space<hbm>>
      %dma_start3A_323 = arith.constant 0 : i32
      %dma_start3A_324 = tpu.memref_slice %arg4[%add3A_114, %dma_start3A_323] : memref<163840x128xf32, #tpu.memory_space<hbm>> -> memref<128x128xf32, #tpu.memory_space<hbm>>
      tpu.enqueue_dma source(%arg6 : memref<128x128xf32, #tpu.memory_space<vmem>>) target(%dma_start3A_324 : memref<128x128xf32, #tpu.memory_space<hbm>>) target_semaphore(%run_scoped3A : memref<!tpu.dma_semaphore, #tpu.memory_space<semaphore_mem>>)
      %dma_wait3A_325 = arith.constant 0 : i32
      %dma_wait3A_326 = tpu.memref_slice %arg4[%add3A_114, %dma_wait3A_325] : memref<163840x128xf32, #tpu.memory_space<hbm>> -> memref<128x128xf32, #tpu.memory_space<hbm>>
      %dma_wait3A_327 = arith.constant 0 : i32
      %dma_wait3A_328 = tpu.memref_slice %arg4[%add3A_114, %dma_wait3A_327] : memref<163840x128xf32, #tpu.memory_space<hbm>> -> memref<128x128xf32, #tpu.memory_space<hbm>>
      tpu.wait_dma2 semaphore(%run_scoped3A : memref<!tpu.dma_semaphore, #tpu.memory_space<semaphore_mem>>) src(%arg6 : memref<128x128xf32, #tpu.memory_space<vmem>>) dst(%dma_wait3A_328 : memref<128x128xf32, #tpu.memory_space<hbm>>)
      tpu.yield
    }) : () -> ()
    %add3A_121 = arith.constant 1920 : i32
    %add3A_122 = arith.addi %mul3A_2, %add3A_121 : i32
    "tpu.region"() ({
      %run_scoped3A = tpu.sem_alloc : memref<!tpu.dma_semaphore, #tpu.memory_space<semaphore_mem>>
      %dma_start3A_321 = tpu.memref_slice %arg3[%add3A_122] : memref<163840xi32, #tpu.memory_space<hbm>> -> memref<128xi32, #tpu.memory_space<hbm>>
      %dma_start3A_322 = tpu.memref_slice %arg3[%add3A_122] : memref<163840xi32, #tpu.memory_space<hbm>> -> memref<128xi32, #tpu.memory_space<hbm>>
      tpu.enqueue_dma source(%dma_start3A_322 : memref<128xi32, #tpu.memory_space<hbm>>) target(%arg5 : memref<128xi32, #tpu.memory_space<vmem>>) target_semaphore(%run_scoped3A : memref<!tpu.dma_semaphore, #tpu.memory_space<semaphore_mem>>)
      %dma_wait3A_323 = tpu.memref_slice %arg3[%add3A_122] : memref<163840xi32, #tpu.memory_space<hbm>> -> memref<128xi32, #tpu.memory_space<hbm>>
      %dma_wait3A_324 = tpu.memref_slice %arg3[%add3A_122] : memref<163840xi32, #tpu.memory_space<hbm>> -> memref<128xi32, #tpu.memory_space<hbm>>
      tpu.wait_dma2 semaphore(%run_scoped3A : memref<!tpu.dma_semaphore, #tpu.memory_space<semaphore_mem>>) src(%dma_wait3A_324 : memref<128xi32, #tpu.memory_space<hbm>>) dst(%arg5 : memref<128xi32, #tpu.memory_space<vmem>>)
      tpu.yield
    }) : () -> ()
    %dma_start3A_123 = arith.constant 0 : i32
    %dma_start3A_124 = arith.constant 0 : i32
    %dma_start3A_125 = tpu.memref_slice %arg2[%dma_start3A_123, %dma_start3A_124] : memref<10240x128xf32, #tpu.memory_space<hbm>> -> memref<10240x128xf32, #tpu.memory_space<hbm>>
    tpu.enqueue_indirect_dma source(%dma_start3A_125 : memref<10240x128xf32, #tpu.memory_space<hbm>>) target(%arg6 : memref<128x128xf32, #tpu.memory_space<vmem>>) offsets(%arg5 : memref<128xi32, #tpu.memory_space<vmem>>) semaphore(%arg7 : memref<!tpu.dma_semaphore, #tpu.memory_space<semaphore_mem>>)
    %dma_wait3A_126 = arith.constant 0 : i32
    %dma_wait3A_127 = arith.constant 0 : i32
    %dma_wait3A_128 = tpu.memref_slice %arg2[%dma_wait3A_126, %dma_wait3A_127] : memref<10240x128xf32, #tpu.memory_space<hbm>> -> memref<10240x128xf32, #tpu.memory_space<hbm>>
    tpu.wait_indirect_dma semaphore(%arg7 : memref<!tpu.dma_semaphore, #tpu.memory_space<semaphore_mem>>) src(%dma_wait3A_128 : memref<10240x128xf32, #tpu.memory_space<hbm>>) dst(%arg6 : memref<128x128xf32, #tpu.memory_space<vmem>>)
    "tpu.region"() ({
      %run_scoped3A = tpu.sem_alloc : memref<!tpu.dma_semaphore, #tpu.memory_space<semaphore_mem>>
      %dma_start3A_321 = arith.constant 0 : i32
      %dma_start3A_322 = tpu.memref_slice %arg4[%add3A_122, %dma_start3A_321] : memref<163840x128xf32, #tpu.memory_space<hbm>> -> memref<128x128xf32, #tpu.memory_space<hbm>>
      %dma_start3A_323 = arith.constant 0 : i32
      %dma_start3A_324 = tpu.memref_slice %arg4[%add3A_122, %dma_start3A_323] : memref<163840x128xf32, #tpu.memory_space<hbm>> -> memref<128x128xf32, #tpu.memory_space<hbm>>
      tpu.enqueue_dma source(%arg6 : memref<128x128xf32, #tpu.memory_space<vmem>>) target(%dma_start3A_324 : memref<128x128xf32, #tpu.memory_space<hbm>>) target_semaphore(%run_scoped3A : memref<!tpu.dma_semaphore, #tpu.memory_space<semaphore_mem>>)
      %dma_wait3A_325 = arith.constant 0 : i32
      %dma_wait3A_326 = tpu.memref_slice %arg4[%add3A_122, %dma_wait3A_325] : memref<163840x128xf32, #tpu.memory_space<hbm>> -> memref<128x128xf32, #tpu.memory_space<hbm>>
      %dma_wait3A_327 = arith.constant 0 : i32
      %dma_wait3A_328 = tpu.memref_slice %arg4[%add3A_122, %dma_wait3A_327] : memref<163840x128xf32, #tpu.memory_space<hbm>> -> memref<128x128xf32, #tpu.memory_space<hbm>>
      tpu.wait_dma2 semaphore(%run_scoped3A : memref<!tpu.dma_semaphore, #tpu.memory_space<semaphore_mem>>) src(%arg6 : memref<128x128xf32, #tpu.memory_space<vmem>>) dst(%dma_wait3A_328 : memref<128x128xf32, #tpu.memory_space<hbm>>)
      tpu.yield
    }) : () -> ()
    %add3A_129 = arith.constant 2048 : i32
    %add3A_130 = arith.addi %mul3A_2, %add3A_129 : i32
    "tpu.region"() ({
      %run_scoped3A = tpu.sem_alloc : memref<!tpu.dma_semaphore, #tpu.memory_space<semaphore_mem>>
      %dma_start3A_321 = tpu.memref_slice %arg3[%add3A_130] : memref<163840xi32, #tpu.memory_space<hbm>> -> memref<128xi32, #tpu.memory_space<hbm>>
      %dma_start3A_322 = tpu.memref_slice %arg3[%add3A_130] : memref<163840xi32, #tpu.memory_space<hbm>> -> memref<128xi32, #tpu.memory_space<hbm>>
      tpu.enqueue_dma source(%dma_start3A_322 : memref<128xi32, #tpu.memory_space<hbm>>) target(%arg5 : memref<128xi32, #tpu.memory_space<vmem>>) target_semaphore(%run_scoped3A : memref<!tpu.dma_semaphore, #tpu.memory_space<semaphore_mem>>)
      %dma_wait3A_323 = tpu.memref_slice %arg3[%add3A_130] : memref<163840xi32, #tpu.memory_space<hbm>> -> memref<128xi32, #tpu.memory_space<hbm>>
      %dma_wait3A_324 = tpu.memref_slice %arg3[%add3A_130] : memref<163840xi32, #tpu.memory_space<hbm>> -> memref<128xi32, #tpu.memory_space<hbm>>
      tpu.wait_dma2 semaphore(%run_scoped3A : memref<!tpu.dma_semaphore, #tpu.memory_space<semaphore_mem>>) src(%dma_wait3A_324 : memref<128xi32, #tpu.memory_space<hbm>>) dst(%arg5 : memref<128xi32, #tpu.memory_space<vmem>>)
      tpu.yield
    }) : () -> ()
    %dma_start3A_131 = arith.constant 0 : i32
    %dma_start3A_132 = arith.constant 0 : i32
    %dma_start3A_133 = tpu.memref_slice %arg2[%dma_start3A_131, %dma_start3A_132] : memref<10240x128xf32, #tpu.memory_space<hbm>> -> memref<10240x128xf32, #tpu.memory_space<hbm>>
    tpu.enqueue_indirect_dma source(%dma_start3A_133 : memref<10240x128xf32, #tpu.memory_space<hbm>>) target(%arg6 : memref<128x128xf32, #tpu.memory_space<vmem>>) offsets(%arg5 : memref<128xi32, #tpu.memory_space<vmem>>) semaphore(%arg7 : memref<!tpu.dma_semaphore, #tpu.memory_space<semaphore_mem>>)
    %dma_wait3A_134 = arith.constant 0 : i32
    %dma_wait3A_135 = arith.constant 0 : i32
    %dma_wait3A_136 = tpu.memref_slice %arg2[%dma_wait3A_134, %dma_wait3A_135] : memref<10240x128xf32, #tpu.memory_space<hbm>> -> memref<10240x128xf32, #tpu.memory_space<hbm>>
    tpu.wait_indirect_dma semaphore(%arg7 : memref<!tpu.dma_semaphore, #tpu.memory_space<semaphore_mem>>) src(%dma_wait3A_136 : memref<10240x128xf32, #tpu.memory_space<hbm>>) dst(%arg6 : memref<128x128xf32, #tpu.memory_space<vmem>>)
    "tpu.region"() ({
      %run_scoped3A = tpu.sem_alloc : memref<!tpu.dma_semaphore, #tpu.memory_space<semaphore_mem>>
      %dma_start3A_321 = arith.constant 0 : i32
      %dma_start3A_322 = tpu.memref_slice %arg4[%add3A_130, %dma_start3A_321] : memref<163840x128xf32, #tpu.memory_space<hbm>> -> memref<128x128xf32, #tpu.memory_space<hbm>>
      %dma_start3A_323 = arith.constant 0 : i32
      %dma_start3A_324 = tpu.memref_slice %arg4[%add3A_130, %dma_start3A_323] : memref<163840x128xf32, #tpu.memory_space<hbm>> -> memref<128x128xf32, #tpu.memory_space<hbm>>
      tpu.enqueue_dma source(%arg6 : memref<128x128xf32, #tpu.memory_space<vmem>>) target(%dma_start3A_324 : memref<128x128xf32, #tpu.memory_space<hbm>>) target_semaphore(%run_scoped3A : memref<!tpu.dma_semaphore, #tpu.memory_space<semaphore_mem>>)
      %dma_wait3A_325 = arith.constant 0 : i32
      %dma_wait3A_326 = tpu.memref_slice %arg4[%add3A_130, %dma_wait3A_325] : memref<163840x128xf32, #tpu.memory_space<hbm>> -> memref<128x128xf32, #tpu.memory_space<hbm>>
      %dma_wait3A_327 = arith.constant 0 : i32
      %dma_wait3A_328 = tpu.memref_slice %arg4[%add3A_130, %dma_wait3A_327] : memref<163840x128xf32, #tpu.memory_space<hbm>> -> memref<128x128xf32, #tpu.memory_space<hbm>>
      tpu.wait_dma2 semaphore(%run_scoped3A : memref<!tpu.dma_semaphore, #tpu.memory_space<semaphore_mem>>) src(%arg6 : memref<128x128xf32, #tpu.memory_space<vmem>>) dst(%dma_wait3A_328 : memref<128x128xf32, #tpu.memory_space<hbm>>)
      tpu.yield
    }) : () -> ()
    %add3A_137 = arith.constant 2176 : i32
    %add3A_138 = arith.addi %mul3A_2, %add3A_137 : i32
    "tpu.region"() ({
      %run_scoped3A = tpu.sem_alloc : memref<!tpu.dma_semaphore, #tpu.memory_space<semaphore_mem>>
      %dma_start3A_321 = tpu.memref_slice %arg3[%add3A_138] : memref<163840xi32, #tpu.memory_space<hbm>> -> memref<128xi32, #tpu.memory_space<hbm>>
      %dma_start3A_322 = tpu.memref_slice %arg3[%add3A_138] : memref<163840xi32, #tpu.memory_space<hbm>> -> memref<128xi32, #tpu.memory_space<hbm>>
      tpu.enqueue_dma source(%dma_start3A_322 : memref<128xi32, #tpu.memory_space<hbm>>) target(%arg5 : memref<128xi32, #tpu.memory_space<vmem>>) target_semaphore(%run_scoped3A : memref<!tpu.dma_semaphore, #tpu.memory_space<semaphore_mem>>)
      %dma_wait3A_323 = tpu.memref_slice %arg3[%add3A_138] : memref<163840xi32, #tpu.memory_space<hbm>> -> memref<128xi32, #tpu.memory_space<hbm>>
      %dma_wait3A_324 = tpu.memref_slice %arg3[%add3A_138] : memref<163840xi32, #tpu.memory_space<hbm>> -> memref<128xi32, #tpu.memory_space<hbm>>
      tpu.wait_dma2 semaphore(%run_scoped3A : memref<!tpu.dma_semaphore, #tpu.memory_space<semaphore_mem>>) src(%dma_wait3A_324 : memref<128xi32, #tpu.memory_space<hbm>>) dst(%arg5 : memref<128xi32, #tpu.memory_space<vmem>>)
      tpu.yield
    }) : () -> ()
    %dma_start3A_139 = arith.constant 0 : i32
    %dma_start3A_140 = arith.constant 0 : i32
    %dma_start3A_141 = tpu.memref_slice %arg2[%dma_start3A_139, %dma_start3A_140] : memref<10240x128xf32, #tpu.memory_space<hbm>> -> memref<10240x128xf32, #tpu.memory_space<hbm>>
    tpu.enqueue_indirect_dma source(%dma_start3A_141 : memref<10240x128xf32, #tpu.memory_space<hbm>>) target(%arg6 : memref<128x128xf32, #tpu.memory_space<vmem>>) offsets(%arg5 : memref<128xi32, #tpu.memory_space<vmem>>) semaphore(%arg7 : memref<!tpu.dma_semaphore, #tpu.memory_space<semaphore_mem>>)
    %dma_wait3A_142 = arith.constant 0 : i32
    %dma_wait3A_143 = arith.constant 0 : i32
    %dma_wait3A_144 = tpu.memref_slice %arg2[%dma_wait3A_142, %dma_wait3A_143] : memref<10240x128xf32, #tpu.memory_space<hbm>> -> memref<10240x128xf32, #tpu.memory_space<hbm>>
    tpu.wait_indirect_dma semaphore(%arg7 : memref<!tpu.dma_semaphore, #tpu.memory_space<semaphore_mem>>) src(%dma_wait3A_144 : memref<10240x128xf32, #tpu.memory_space<hbm>>) dst(%arg6 : memref<128x128xf32, #tpu.memory_space<vmem>>)
    "tpu.region"() ({
      %run_scoped3A = tpu.sem_alloc : memref<!tpu.dma_semaphore, #tpu.memory_space<semaphore_mem>>
      %dma_start3A_321 = arith.constant 0 : i32
      %dma_start3A_322 = tpu.memref_slice %arg4[%add3A_138, %dma_start3A_321] : memref<163840x128xf32, #tpu.memory_space<hbm>> -> memref<128x128xf32, #tpu.memory_space<hbm>>
      %dma_start3A_323 = arith.constant 0 : i32
      %dma_start3A_324 = tpu.memref_slice %arg4[%add3A_138, %dma_start3A_323] : memref<163840x128xf32, #tpu.memory_space<hbm>> -> memref<128x128xf32, #tpu.memory_space<hbm>>
      tpu.enqueue_dma source(%arg6 : memref<128x128xf32, #tpu.memory_space<vmem>>) target(%dma_start3A_324 : memref<128x128xf32, #tpu.memory_space<hbm>>) target_semaphore(%run_scoped3A : memref<!tpu.dma_semaphore, #tpu.memory_space<semaphore_mem>>)
      %dma_wait3A_325 = arith.constant 0 : i32
      %dma_wait3A_326 = tpu.memref_slice %arg4[%add3A_138, %dma_wait3A_325] : memref<163840x128xf32, #tpu.memory_space<hbm>> -> memref<128x128xf32, #tpu.memory_space<hbm>>
      %dma_wait3A_327 = arith.constant 0 : i32
      %dma_wait3A_328 = tpu.memref_slice %arg4[%add3A_138, %dma_wait3A_327] : memref<163840x128xf32, #tpu.memory_space<hbm>> -> memref<128x128xf32, #tpu.memory_space<hbm>>
      tpu.wait_dma2 semaphore(%run_scoped3A : memref<!tpu.dma_semaphore, #tpu.memory_space<semaphore_mem>>) src(%arg6 : memref<128x128xf32, #tpu.memory_space<vmem>>) dst(%dma_wait3A_328 : memref<128x128xf32, #tpu.memory_space<hbm>>)
      tpu.yield
    }) : () -> ()
    %add3A_145 = arith.constant 2304 : i32
    %add3A_146 = arith.addi %mul3A_2, %add3A_145 : i32
    "tpu.region"() ({
      %run_scoped3A = tpu.sem_alloc : memref<!tpu.dma_semaphore, #tpu.memory_space<semaphore_mem>>
      %dma_start3A_321 = tpu.memref_slice %arg3[%add3A_146] : memref<163840xi32, #tpu.memory_space<hbm>> -> memref<128xi32, #tpu.memory_space<hbm>>
      %dma_start3A_322 = tpu.memref_slice %arg3[%add3A_146] : memref<163840xi32, #tpu.memory_space<hbm>> -> memref<128xi32, #tpu.memory_space<hbm>>
      tpu.enqueue_dma source(%dma_start3A_322 : memref<128xi32, #tpu.memory_space<hbm>>) target(%arg5 : memref<128xi32, #tpu.memory_space<vmem>>) target_semaphore(%run_scoped3A : memref<!tpu.dma_semaphore, #tpu.memory_space<semaphore_mem>>)
      %dma_wait3A_323 = tpu.memref_slice %arg3[%add3A_146] : memref<163840xi32, #tpu.memory_space<hbm>> -> memref<128xi32, #tpu.memory_space<hbm>>
      %dma_wait3A_324 = tpu.memref_slice %arg3[%add3A_146] : memref<163840xi32, #tpu.memory_space<hbm>> -> memref<128xi32, #tpu.memory_space<hbm>>
      tpu.wait_dma2 semaphore(%run_scoped3A : memref<!tpu.dma_semaphore, #tpu.memory_space<semaphore_mem>>) src(%dma_wait3A_324 : memref<128xi32, #tpu.memory_space<hbm>>) dst(%arg5 : memref<128xi32, #tpu.memory_space<vmem>>)
      tpu.yield
    }) : () -> ()
    %dma_start3A_147 = arith.constant 0 : i32
    %dma_start3A_148 = arith.constant 0 : i32
    %dma_start3A_149 = tpu.memref_slice %arg2[%dma_start3A_147, %dma_start3A_148] : memref<10240x128xf32, #tpu.memory_space<hbm>> -> memref<10240x128xf32, #tpu.memory_space<hbm>>
    tpu.enqueue_indirect_dma source(%dma_start3A_149 : memref<10240x128xf32, #tpu.memory_space<hbm>>) target(%arg6 : memref<128x128xf32, #tpu.memory_space<vmem>>) offsets(%arg5 : memref<128xi32, #tpu.memory_space<vmem>>) semaphore(%arg7 : memref<!tpu.dma_semaphore, #tpu.memory_space<semaphore_mem>>)
    %dma_wait3A_150 = arith.constant 0 : i32
    %dma_wait3A_151 = arith.constant 0 : i32
    %dma_wait3A_152 = tpu.memref_slice %arg2[%dma_wait3A_150, %dma_wait3A_151] : memref<10240x128xf32, #tpu.memory_space<hbm>> -> memref<10240x128xf32, #tpu.memory_space<hbm>>
    tpu.wait_indirect_dma semaphore(%arg7 : memref<!tpu.dma_semaphore, #tpu.memory_space<semaphore_mem>>) src(%dma_wait3A_152 : memref<10240x128xf32, #tpu.memory_space<hbm>>) dst(%arg6 : memref<128x128xf32, #tpu.memory_space<vmem>>)
    "tpu.region"() ({
      %run_scoped3A = tpu.sem_alloc : memref<!tpu.dma_semaphore, #tpu.memory_space<semaphore_mem>>
      %dma_start3A_321 = arith.constant 0 : i32
      %dma_start3A_322 = tpu.memref_slice %arg4[%add3A_146, %dma_start3A_321] : memref<163840x128xf32, #tpu.memory_space<hbm>> -> memref<128x128xf32, #tpu.memory_space<hbm>>
      %dma_start3A_323 = arith.constant 0 : i32
      %dma_start3A_324 = tpu.memref_slice %arg4[%add3A_146, %dma_start3A_323] : memref<163840x128xf32, #tpu.memory_space<hbm>> -> memref<128x128xf32, #tpu.memory_space<hbm>>
      tpu.enqueue_dma source(%arg6 : memref<128x128xf32, #tpu.memory_space<vmem>>) target(%dma_start3A_324 : memref<128x128xf32, #tpu.memory_space<hbm>>) target_semaphore(%run_scoped3A : memref<!tpu.dma_semaphore, #tpu.memory_space<semaphore_mem>>)
      %dma_wait3A_325 = arith.constant 0 : i32
      %dma_wait3A_326 = tpu.memref_slice %arg4[%add3A_146, %dma_wait3A_325] : memref<163840x128xf32, #tpu.memory_space<hbm>> -> memref<128x128xf32, #tpu.memory_space<hbm>>
      %dma_wait3A_327 = arith.constant 0 : i32
      %dma_wait3A_328 = tpu.memref_slice %arg4[%add3A_146, %dma_wait3A_327] : memref<163840x128xf32, #tpu.memory_space<hbm>> -> memref<128x128xf32, #tpu.memory_space<hbm>>
      tpu.wait_dma2 semaphore(%run_scoped3A : memref<!tpu.dma_semaphore, #tpu.memory_space<semaphore_mem>>) src(%arg6 : memref<128x128xf32, #tpu.memory_space<vmem>>) dst(%dma_wait3A_328 : memref<128x128xf32, #tpu.memory_space<hbm>>)
      tpu.yield
    }) : () -> ()
    %add3A_153 = arith.constant 2432 : i32
    %add3A_154 = arith.addi %mul3A_2, %add3A_153 : i32
    "tpu.region"() ({
      %run_scoped3A = tpu.sem_alloc : memref<!tpu.dma_semaphore, #tpu.memory_space<semaphore_mem>>
      %dma_start3A_321 = tpu.memref_slice %arg3[%add3A_154] : memref<163840xi32, #tpu.memory_space<hbm>> -> memref<128xi32, #tpu.memory_space<hbm>>
      %dma_start3A_322 = tpu.memref_slice %arg3[%add3A_154] : memref<163840xi32, #tpu.memory_space<hbm>> -> memref<128xi32, #tpu.memory_space<hbm>>
      tpu.enqueue_dma source(%dma_start3A_322 : memref<128xi32, #tpu.memory_space<hbm>>) target(%arg5 : memref<128xi32, #tpu.memory_space<vmem>>) target_semaphore(%run_scoped3A : memref<!tpu.dma_semaphore, #tpu.memory_space<semaphore_mem>>)
      %dma_wait3A_323 = tpu.memref_slice %arg3[%add3A_154] : memref<163840xi32, #tpu.memory_space<hbm>> -> memref<128xi32, #tpu.memory_space<hbm>>
      %dma_wait3A_324 = tpu.memref_slice %arg3[%add3A_154] : memref<163840xi32, #tpu.memory_space<hbm>> -> memref<128xi32, #tpu.memory_space<hbm>>
      tpu.wait_dma2 semaphore(%run_scoped3A : memref<!tpu.dma_semaphore, #tpu.memory_space<semaphore_mem>>) src(%dma_wait3A_324 : memref<128xi32, #tpu.memory_space<hbm>>) dst(%arg5 : memref<128xi32, #tpu.memory_space<vmem>>)
      tpu.yield
    }) : () -> ()
    %dma_start3A_155 = arith.constant 0 : i32
    %dma_start3A_156 = arith.constant 0 : i32
    %dma_start3A_157 = tpu.memref_slice %arg2[%dma_start3A_155, %dma_start3A_156] : memref<10240x128xf32, #tpu.memory_space<hbm>> -> memref<10240x128xf32, #tpu.memory_space<hbm>>
    tpu.enqueue_indirect_dma source(%dma_start3A_157 : memref<10240x128xf32, #tpu.memory_space<hbm>>) target(%arg6 : memref<128x128xf32, #tpu.memory_space<vmem>>) offsets(%arg5 : memref<128xi32, #tpu.memory_space<vmem>>) semaphore(%arg7 : memref<!tpu.dma_semaphore, #tpu.memory_space<semaphore_mem>>)
    %dma_wait3A_158 = arith.constant 0 : i32
    %dma_wait3A_159 = arith.constant 0 : i32
    %dma_wait3A_160 = tpu.memref_slice %arg2[%dma_wait3A_158, %dma_wait3A_159] : memref<10240x128xf32, #tpu.memory_space<hbm>> -> memref<10240x128xf32, #tpu.memory_space<hbm>>
    tpu.wait_indirect_dma semaphore(%arg7 : memref<!tpu.dma_semaphore, #tpu.memory_space<semaphore_mem>>) src(%dma_wait3A_160 : memref<10240x128xf32, #tpu.memory_space<hbm>>) dst(%arg6 : memref<128x128xf32, #tpu.memory_space<vmem>>)
    "tpu.region"() ({
      %run_scoped3A = tpu.sem_alloc : memref<!tpu.dma_semaphore, #tpu.memory_space<semaphore_mem>>
      %dma_start3A_321 = arith.constant 0 : i32
      %dma_start3A_322 = tpu.memref_slice %arg4[%add3A_154, %dma_start3A_321] : memref<163840x128xf32, #tpu.memory_space<hbm>> -> memref<128x128xf32, #tpu.memory_space<hbm>>
      %dma_start3A_323 = arith.constant 0 : i32
      %dma_start3A_324 = tpu.memref_slice %arg4[%add3A_154, %dma_start3A_323] : memref<163840x128xf32, #tpu.memory_space<hbm>> -> memref<128x128xf32, #tpu.memory_space<hbm>>
      tpu.enqueue_dma source(%arg6 : memref<128x128xf32, #tpu.memory_space<vmem>>) target(%dma_start3A_324 : memref<128x128xf32, #tpu.memory_space<hbm>>) target_semaphore(%run_scoped3A : memref<!tpu.dma_semaphore, #tpu.memory_space<semaphore_mem>>)
      %dma_wait3A_325 = arith.constant 0 : i32
      %dma_wait3A_326 = tpu.memref_slice %arg4[%add3A_154, %dma_wait3A_325] : memref<163840x128xf32, #tpu.memory_space<hbm>> -> memref<128x128xf32, #tpu.memory_space<hbm>>
      %dma_wait3A_327 = arith.constant 0 : i32
      %dma_wait3A_328 = tpu.memref_slice %arg4[%add3A_154, %dma_wait3A_327] : memref<163840x128xf32, #tpu.memory_space<hbm>> -> memref<128x128xf32, #tpu.memory_space<hbm>>
      tpu.wait_dma2 semaphore(%run_scoped3A : memref<!tpu.dma_semaphore, #tpu.memory_space<semaphore_mem>>) src(%arg6 : memref<128x128xf32, #tpu.memory_space<vmem>>) dst(%dma_wait3A_328 : memref<128x128xf32, #tpu.memory_space<hbm>>)
      tpu.yield
    }) : () -> ()
    %add3A_161 = arith.constant 2560 : i32
    %add3A_162 = arith.addi %mul3A_2, %add3A_161 : i32
    "tpu.region"() ({
      %run_scoped3A = tpu.sem_alloc : memref<!tpu.dma_semaphore, #tpu.memory_space<semaphore_mem>>
      %dma_start3A_321 = tpu.memref_slice %arg3[%add3A_162] : memref<163840xi32, #tpu.memory_space<hbm>> -> memref<128xi32, #tpu.memory_space<hbm>>
      %dma_start3A_322 = tpu.memref_slice %arg3[%add3A_162] : memref<163840xi32, #tpu.memory_space<hbm>> -> memref<128xi32, #tpu.memory_space<hbm>>
      tpu.enqueue_dma source(%dma_start3A_322 : memref<128xi32, #tpu.memory_space<hbm>>) target(%arg5 : memref<128xi32, #tpu.memory_space<vmem>>) target_semaphore(%run_scoped3A : memref<!tpu.dma_semaphore, #tpu.memory_space<semaphore_mem>>)
      %dma_wait3A_323 = tpu.memref_slice %arg3[%add3A_162] : memref<163840xi32, #tpu.memory_space<hbm>> -> memref<128xi32, #tpu.memory_space<hbm>>
      %dma_wait3A_324 = tpu.memref_slice %arg3[%add3A_162] : memref<163840xi32, #tpu.memory_space<hbm>> -> memref<128xi32, #tpu.memory_space<hbm>>
      tpu.wait_dma2 semaphore(%run_scoped3A : memref<!tpu.dma_semaphore, #tpu.memory_space<semaphore_mem>>) src(%dma_wait3A_324 : memref<128xi32, #tpu.memory_space<hbm>>) dst(%arg5 : memref<128xi32, #tpu.memory_space<vmem>>)
      tpu.yield
    }) : () -> ()
    %dma_start3A_163 = arith.constant 0 : i32
    %dma_start3A_164 = arith.constant 0 : i32
    %dma_start3A_165 = tpu.memref_slice %arg2[%dma_start3A_163, %dma_start3A_164] : memref<10240x128xf32, #tpu.memory_space<hbm>> -> memref<10240x128xf32, #tpu.memory_space<hbm>>
    tpu.enqueue_indirect_dma source(%dma_start3A_165 : memref<10240x128xf32, #tpu.memory_space<hbm>>) target(%arg6 : memref<128x128xf32, #tpu.memory_space<vmem>>) offsets(%arg5 : memref<128xi32, #tpu.memory_space<vmem>>) semaphore(%arg7 : memref<!tpu.dma_semaphore, #tpu.memory_space<semaphore_mem>>)
    %dma_wait3A_166 = arith.constant 0 : i32
    %dma_wait3A_167 = arith.constant 0 : i32
    %dma_wait3A_168 = tpu.memref_slice %arg2[%dma_wait3A_166, %dma_wait3A_167] : memref<10240x128xf32, #tpu.memory_space<hbm>> -> memref<10240x128xf32, #tpu.memory_space<hbm>>
    tpu.wait_indirect_dma semaphore(%arg7 : memref<!tpu.dma_semaphore, #tpu.memory_space<semaphore_mem>>) src(%dma_wait3A_168 : memref<10240x128xf32, #tpu.memory_space<hbm>>) dst(%arg6 : memref<128x128xf32, #tpu.memory_space<vmem>>)
    "tpu.region"() ({
      %run_scoped3A = tpu.sem_alloc : memref<!tpu.dma_semaphore, #tpu.memory_space<semaphore_mem>>
      %dma_start3A_321 = arith.constant 0 : i32
      %dma_start3A_322 = tpu.memref_slice %arg4[%add3A_162, %dma_start3A_321] : memref<163840x128xf32, #tpu.memory_space<hbm>> -> memref<128x128xf32, #tpu.memory_space<hbm>>
      %dma_start3A_323 = arith.constant 0 : i32
      %dma_start3A_324 = tpu.memref_slice %arg4[%add3A_162, %dma_start3A_323] : memref<163840x128xf32, #tpu.memory_space<hbm>> -> memref<128x128xf32, #tpu.memory_space<hbm>>
      tpu.enqueue_dma source(%arg6 : memref<128x128xf32, #tpu.memory_space<vmem>>) target(%dma_start3A_324 : memref<128x128xf32, #tpu.memory_space<hbm>>) target_semaphore(%run_scoped3A : memref<!tpu.dma_semaphore, #tpu.memory_space<semaphore_mem>>)
      %dma_wait3A_325 = arith.constant 0 : i32
      %dma_wait3A_326 = tpu.memref_slice %arg4[%add3A_162, %dma_wait3A_325] : memref<163840x128xf32, #tpu.memory_space<hbm>> -> memref<128x128xf32, #tpu.memory_space<hbm>>
      %dma_wait3A_327 = arith.constant 0 : i32
      %dma_wait3A_328 = tpu.memref_slice %arg4[%add3A_162, %dma_wait3A_327] : memref<163840x128xf32, #tpu.memory_space<hbm>> -> memref<128x128xf32, #tpu.memory_space<hbm>>
      tpu.wait_dma2 semaphore(%run_scoped3A : memref<!tpu.dma_semaphore, #tpu.memory_space<semaphore_mem>>) src(%arg6 : memref<128x128xf32, #tpu.memory_space<vmem>>) dst(%dma_wait3A_328 : memref<128x128xf32, #tpu.memory_space<hbm>>)
      tpu.yield
    }) : () -> ()
    %add3A_169 = arith.constant 2688 : i32
    %add3A_170 = arith.addi %mul3A_2, %add3A_169 : i32
    "tpu.region"() ({
      %run_scoped3A = tpu.sem_alloc : memref<!tpu.dma_semaphore, #tpu.memory_space<semaphore_mem>>
      %dma_start3A_321 = tpu.memref_slice %arg3[%add3A_170] : memref<163840xi32, #tpu.memory_space<hbm>> -> memref<128xi32, #tpu.memory_space<hbm>>
      %dma_start3A_322 = tpu.memref_slice %arg3[%add3A_170] : memref<163840xi32, #tpu.memory_space<hbm>> -> memref<128xi32, #tpu.memory_space<hbm>>
      tpu.enqueue_dma source(%dma_start3A_322 : memref<128xi32, #tpu.memory_space<hbm>>) target(%arg5 : memref<128xi32, #tpu.memory_space<vmem>>) target_semaphore(%run_scoped3A : memref<!tpu.dma_semaphore, #tpu.memory_space<semaphore_mem>>)
      %dma_wait3A_323 = tpu.memref_slice %arg3[%add3A_170] : memref<163840xi32, #tpu.memory_space<hbm>> -> memref<128xi32, #tpu.memory_space<hbm>>
      %dma_wait3A_324 = tpu.memref_slice %arg3[%add3A_170] : memref<163840xi32, #tpu.memory_space<hbm>> -> memref<128xi32, #tpu.memory_space<hbm>>
      tpu.wait_dma2 semaphore(%run_scoped3A : memref<!tpu.dma_semaphore, #tpu.memory_space<semaphore_mem>>) src(%dma_wait3A_324 : memref<128xi32, #tpu.memory_space<hbm>>) dst(%arg5 : memref<128xi32, #tpu.memory_space<vmem>>)
      tpu.yield
    }) : () -> ()
    %dma_start3A_171 = arith.constant 0 : i32
    %dma_start3A_172 = arith.constant 0 : i32
    %dma_start3A_173 = tpu.memref_slice %arg2[%dma_start3A_171, %dma_start3A_172] : memref<10240x128xf32, #tpu.memory_space<hbm>> -> memref<10240x128xf32, #tpu.memory_space<hbm>>
    tpu.enqueue_indirect_dma source(%dma_start3A_173 : memref<10240x128xf32, #tpu.memory_space<hbm>>) target(%arg6 : memref<128x128xf32, #tpu.memory_space<vmem>>) offsets(%arg5 : memref<128xi32, #tpu.memory_space<vmem>>) semaphore(%arg7 : memref<!tpu.dma_semaphore, #tpu.memory_space<semaphore_mem>>)
    %dma_wait3A_174 = arith.constant 0 : i32
    %dma_wait3A_175 = arith.constant 0 : i32
    %dma_wait3A_176 = tpu.memref_slice %arg2[%dma_wait3A_174, %dma_wait3A_175] : memref<10240x128xf32, #tpu.memory_space<hbm>> -> memref<10240x128xf32, #tpu.memory_space<hbm>>
    tpu.wait_indirect_dma semaphore(%arg7 : memref<!tpu.dma_semaphore, #tpu.memory_space<semaphore_mem>>) src(%dma_wait3A_176 : memref<10240x128xf32, #tpu.memory_space<hbm>>) dst(%arg6 : memref<128x128xf32, #tpu.memory_space<vmem>>)
    "tpu.region"() ({
      %run_scoped3A = tpu.sem_alloc : memref<!tpu.dma_semaphore, #tpu.memory_space<semaphore_mem>>
      %dma_start3A_321 = arith.constant 0 : i32
      %dma_start3A_322 = tpu.memref_slice %arg4[%add3A_170, %dma_start3A_321] : memref<163840x128xf32, #tpu.memory_space<hbm>> -> memref<128x128xf32, #tpu.memory_space<hbm>>
      %dma_start3A_323 = arith.constant 0 : i32
      %dma_start3A_324 = tpu.memref_slice %arg4[%add3A_170, %dma_start3A_323] : memref<163840x128xf32, #tpu.memory_space<hbm>> -> memref<128x128xf32, #tpu.memory_space<hbm>>
      tpu.enqueue_dma source(%arg6 : memref<128x128xf32, #tpu.memory_space<vmem>>) target(%dma_start3A_324 : memref<128x128xf32, #tpu.memory_space<hbm>>) target_semaphore(%run_scoped3A : memref<!tpu.dma_semaphore, #tpu.memory_space<semaphore_mem>>)
      %dma_wait3A_325 = arith.constant 0 : i32
      %dma_wait3A_326 = tpu.memref_slice %arg4[%add3A_170, %dma_wait3A_325] : memref<163840x128xf32, #tpu.memory_space<hbm>> -> memref<128x128xf32, #tpu.memory_space<hbm>>
      %dma_wait3A_327 = arith.constant 0 : i32
      %dma_wait3A_328 = tpu.memref_slice %arg4[%add3A_170, %dma_wait3A_327] : memref<163840x128xf32, #tpu.memory_space<hbm>> -> memref<128x128xf32, #tpu.memory_space<hbm>>
      tpu.wait_dma2 semaphore(%run_scoped3A : memref<!tpu.dma_semaphore, #tpu.memory_space<semaphore_mem>>) src(%arg6 : memref<128x128xf32, #tpu.memory_space<vmem>>) dst(%dma_wait3A_328 : memref<128x128xf32, #tpu.memory_space<hbm>>)
      tpu.yield
    }) : () -> ()
    %add3A_177 = arith.constant 2816 : i32
    %add3A_178 = arith.addi %mul3A_2, %add3A_177 : i32
    "tpu.region"() ({
      %run_scoped3A = tpu.sem_alloc : memref<!tpu.dma_semaphore, #tpu.memory_space<semaphore_mem>>
      %dma_start3A_321 = tpu.memref_slice %arg3[%add3A_178] : memref<163840xi32, #tpu.memory_space<hbm>> -> memref<128xi32, #tpu.memory_space<hbm>>
      %dma_start3A_322 = tpu.memref_slice %arg3[%add3A_178] : memref<163840xi32, #tpu.memory_space<hbm>> -> memref<128xi32, #tpu.memory_space<hbm>>
      tpu.enqueue_dma source(%dma_start3A_322 : memref<128xi32, #tpu.memory_space<hbm>>) target(%arg5 : memref<128xi32, #tpu.memory_space<vmem>>) target_semaphore(%run_scoped3A : memref<!tpu.dma_semaphore, #tpu.memory_space<semaphore_mem>>)
      %dma_wait3A_323 = tpu.memref_slice %arg3[%add3A_178] : memref<163840xi32, #tpu.memory_space<hbm>> -> memref<128xi32, #tpu.memory_space<hbm>>
      %dma_wait3A_324 = tpu.memref_slice %arg3[%add3A_178] : memref<163840xi32, #tpu.memory_space<hbm>> -> memref<128xi32, #tpu.memory_space<hbm>>
      tpu.wait_dma2 semaphore(%run_scoped3A : memref<!tpu.dma_semaphore, #tpu.memory_space<semaphore_mem>>) src(%dma_wait3A_324 : memref<128xi32, #tpu.memory_space<hbm>>) dst(%arg5 : memref<128xi32, #tpu.memory_space<vmem>>)
      tpu.yield
    }) : () -> ()
    %dma_start3A_179 = arith.constant 0 : i32
    %dma_start3A_180 = arith.constant 0 : i32
    %dma_start3A_181 = tpu.memref_slice %arg2[%dma_start3A_179, %dma_start3A_180] : memref<10240x128xf32, #tpu.memory_space<hbm>> -> memref<10240x128xf32, #tpu.memory_space<hbm>>
    tpu.enqueue_indirect_dma source(%dma_start3A_181 : memref<10240x128xf32, #tpu.memory_space<hbm>>) target(%arg6 : memref<128x128xf32, #tpu.memory_space<vmem>>) offsets(%arg5 : memref<128xi32, #tpu.memory_space<vmem>>) semaphore(%arg7 : memref<!tpu.dma_semaphore, #tpu.memory_space<semaphore_mem>>)
    %dma_wait3A_182 = arith.constant 0 : i32
    %dma_wait3A_183 = arith.constant 0 : i32
    %dma_wait3A_184 = tpu.memref_slice %arg2[%dma_wait3A_182, %dma_wait3A_183] : memref<10240x128xf32, #tpu.memory_space<hbm>> -> memref<10240x128xf32, #tpu.memory_space<hbm>>
    tpu.wait_indirect_dma semaphore(%arg7 : memref<!tpu.dma_semaphore, #tpu.memory_space<semaphore_mem>>) src(%dma_wait3A_184 : memref<10240x128xf32, #tpu.memory_space<hbm>>) dst(%arg6 : memref<128x128xf32, #tpu.memory_space<vmem>>)
    "tpu.region"() ({
      %run_scoped3A = tpu.sem_alloc : memref<!tpu.dma_semaphore, #tpu.memory_space<semaphore_mem>>
      %dma_start3A_321 = arith.constant 0 : i32
      %dma_start3A_322 = tpu.memref_slice %arg4[%add3A_178, %dma_start3A_321] : memref<163840x128xf32, #tpu.memory_space<hbm>> -> memref<128x128xf32, #tpu.memory_space<hbm>>
      %dma_start3A_323 = arith.constant 0 : i32
      %dma_start3A_324 = tpu.memref_slice %arg4[%add3A_178, %dma_start3A_323] : memref<163840x128xf32, #tpu.memory_space<hbm>> -> memref<128x128xf32, #tpu.memory_space<hbm>>
      tpu.enqueue_dma source(%arg6 : memref<128x128xf32, #tpu.memory_space<vmem>>) target(%dma_start3A_324 : memref<128x128xf32, #tpu.memory_space<hbm>>) target_semaphore(%run_scoped3A : memref<!tpu.dma_semaphore, #tpu.memory_space<semaphore_mem>>)
      %dma_wait3A_325 = arith.constant 0 : i32
      %dma_wait3A_326 = tpu.memref_slice %arg4[%add3A_178, %dma_wait3A_325] : memref<163840x128xf32, #tpu.memory_space<hbm>> -> memref<128x128xf32, #tpu.memory_space<hbm>>
      %dma_wait3A_327 = arith.constant 0 : i32
      %dma_wait3A_328 = tpu.memref_slice %arg4[%add3A_178, %dma_wait3A_327] : memref<163840x128xf32, #tpu.memory_space<hbm>> -> memref<128x128xf32, #tpu.memory_space<hbm>>
      tpu.wait_dma2 semaphore(%run_scoped3A : memref<!tpu.dma_semaphore, #tpu.memory_space<semaphore_mem>>) src(%arg6 : memref<128x128xf32, #tpu.memory_space<vmem>>) dst(%dma_wait3A_328 : memref<128x128xf32, #tpu.memory_space<hbm>>)
      tpu.yield
    }) : () -> ()
    %add3A_185 = arith.constant 2944 : i32
    %add3A_186 = arith.addi %mul3A_2, %add3A_185 : i32
    "tpu.region"() ({
      %run_scoped3A = tpu.sem_alloc : memref<!tpu.dma_semaphore, #tpu.memory_space<semaphore_mem>>
      %dma_start3A_321 = tpu.memref_slice %arg3[%add3A_186] : memref<163840xi32, #tpu.memory_space<hbm>> -> memref<128xi32, #tpu.memory_space<hbm>>
      %dma_start3A_322 = tpu.memref_slice %arg3[%add3A_186] : memref<163840xi32, #tpu.memory_space<hbm>> -> memref<128xi32, #tpu.memory_space<hbm>>
      tpu.enqueue_dma source(%dma_start3A_322 : memref<128xi32, #tpu.memory_space<hbm>>) target(%arg5 : memref<128xi32, #tpu.memory_space<vmem>>) target_semaphore(%run_scoped3A : memref<!tpu.dma_semaphore, #tpu.memory_space<semaphore_mem>>)
      %dma_wait3A_323 = tpu.memref_slice %arg3[%add3A_186] : memref<163840xi32, #tpu.memory_space<hbm>> -> memref<128xi32, #tpu.memory_space<hbm>>
      %dma_wait3A_324 = tpu.memref_slice %arg3[%add3A_186] : memref<163840xi32, #tpu.memory_space<hbm>> -> memref<128xi32, #tpu.memory_space<hbm>>
      tpu.wait_dma2 semaphore(%run_scoped3A : memref<!tpu.dma_semaphore, #tpu.memory_space<semaphore_mem>>) src(%dma_wait3A_324 : memref<128xi32, #tpu.memory_space<hbm>>) dst(%arg5 : memref<128xi32, #tpu.memory_space<vmem>>)
      tpu.yield
    }) : () -> ()
    %dma_start3A_187 = arith.constant 0 : i32
    %dma_start3A_188 = arith.constant 0 : i32
    %dma_start3A_189 = tpu.memref_slice %arg2[%dma_start3A_187, %dma_start3A_188] : memref<10240x128xf32, #tpu.memory_space<hbm>> -> memref<10240x128xf32, #tpu.memory_space<hbm>>
    tpu.enqueue_indirect_dma source(%dma_start3A_189 : memref<10240x128xf32, #tpu.memory_space<hbm>>) target(%arg6 : memref<128x128xf32, #tpu.memory_space<vmem>>) offsets(%arg5 : memref<128xi32, #tpu.memory_space<vmem>>) semaphore(%arg7 : memref<!tpu.dma_semaphore, #tpu.memory_space<semaphore_mem>>)
    %dma_wait3A_190 = arith.constant 0 : i32
    %dma_wait3A_191 = arith.constant 0 : i32
    %dma_wait3A_192 = tpu.memref_slice %arg2[%dma_wait3A_190, %dma_wait3A_191] : memref<10240x128xf32, #tpu.memory_space<hbm>> -> memref<10240x128xf32, #tpu.memory_space<hbm>>
    tpu.wait_indirect_dma semaphore(%arg7 : memref<!tpu.dma_semaphore, #tpu.memory_space<semaphore_mem>>) src(%dma_wait3A_192 : memref<10240x128xf32, #tpu.memory_space<hbm>>) dst(%arg6 : memref<128x128xf32, #tpu.memory_space<vmem>>)
    "tpu.region"() ({
      %run_scoped3A = tpu.sem_alloc : memref<!tpu.dma_semaphore, #tpu.memory_space<semaphore_mem>>
      %dma_start3A_321 = arith.constant 0 : i32
      %dma_start3A_322 = tpu.memref_slice %arg4[%add3A_186, %dma_start3A_321] : memref<163840x128xf32, #tpu.memory_space<hbm>> -> memref<128x128xf32, #tpu.memory_space<hbm>>
      %dma_start3A_323 = arith.constant 0 : i32
      %dma_start3A_324 = tpu.memref_slice %arg4[%add3A_186, %dma_start3A_323] : memref<163840x128xf32, #tpu.memory_space<hbm>> -> memref<128x128xf32, #tpu.memory_space<hbm>>
      tpu.enqueue_dma source(%arg6 : memref<128x128xf32, #tpu.memory_space<vmem>>) target(%dma_start3A_324 : memref<128x128xf32, #tpu.memory_space<hbm>>) target_semaphore(%run_scoped3A : memref<!tpu.dma_semaphore, #tpu.memory_space<semaphore_mem>>)
      %dma_wait3A_325 = arith.constant 0 : i32
      %dma_wait3A_326 = tpu.memref_slice %arg4[%add3A_186, %dma_wait3A_325] : memref<163840x128xf32, #tpu.memory_space<hbm>> -> memref<128x128xf32, #tpu.memory_space<hbm>>
      %dma_wait3A_327 = arith.constant 0 : i32
      %dma_wait3A_328 = tpu.memref_slice %arg4[%add3A_186, %dma_wait3A_327] : memref<163840x128xf32, #tpu.memory_space<hbm>> -> memref<128x128xf32, #tpu.memory_space<hbm>>
      tpu.wait_dma2 semaphore(%run_scoped3A : memref<!tpu.dma_semaphore, #tpu.memory_space<semaphore_mem>>) src(%arg6 : memref<128x128xf32, #tpu.memory_space<vmem>>) dst(%dma_wait3A_328 : memref<128x128xf32, #tpu.memory_space<hbm>>)
      tpu.yield
    }) : () -> ()
    %add3A_193 = arith.constant 3072 : i32
    %add3A_194 = arith.addi %mul3A_2, %add3A_193 : i32
    "tpu.region"() ({
      %run_scoped3A = tpu.sem_alloc : memref<!tpu.dma_semaphore, #tpu.memory_space<semaphore_mem>>
      %dma_start3A_321 = tpu.memref_slice %arg3[%add3A_194] : memref<163840xi32, #tpu.memory_space<hbm>> -> memref<128xi32, #tpu.memory_space<hbm>>
      %dma_start3A_322 = tpu.memref_slice %arg3[%add3A_194] : memref<163840xi32, #tpu.memory_space<hbm>> -> memref<128xi32, #tpu.memory_space<hbm>>
      tpu.enqueue_dma source(%dma_start3A_322 : memref<128xi32, #tpu.memory_space<hbm>>) target(%arg5 : memref<128xi32, #tpu.memory_space<vmem>>) target_semaphore(%run_scoped3A : memref<!tpu.dma_semaphore, #tpu.memory_space<semaphore_mem>>)
      %dma_wait3A_323 = tpu.memref_slice %arg3[%add3A_194] : memref<163840xi32, #tpu.memory_space<hbm>> -> memref<128xi32, #tpu.memory_space<hbm>>
      %dma_wait3A_324 = tpu.memref_slice %arg3[%add3A_194] : memref<163840xi32, #tpu.memory_space<hbm>> -> memref<128xi32, #tpu.memory_space<hbm>>
      tpu.wait_dma2 semaphore(%run_scoped3A : memref<!tpu.dma_semaphore, #tpu.memory_space<semaphore_mem>>) src(%dma_wait3A_324 : memref<128xi32, #tpu.memory_space<hbm>>) dst(%arg5 : memref<128xi32, #tpu.memory_space<vmem>>)
      tpu.yield
    }) : () -> ()
    %dma_start3A_195 = arith.constant 0 : i32
    %dma_start3A_196 = arith.constant 0 : i32
    %dma_start3A_197 = tpu.memref_slice %arg2[%dma_start3A_195, %dma_start3A_196] : memref<10240x128xf32, #tpu.memory_space<hbm>> -> memref<10240x128xf32, #tpu.memory_space<hbm>>
    tpu.enqueue_indirect_dma source(%dma_start3A_197 : memref<10240x128xf32, #tpu.memory_space<hbm>>) target(%arg6 : memref<128x128xf32, #tpu.memory_space<vmem>>) offsets(%arg5 : memref<128xi32, #tpu.memory_space<vmem>>) semaphore(%arg7 : memref<!tpu.dma_semaphore, #tpu.memory_space<semaphore_mem>>)
    %dma_wait3A_198 = arith.constant 0 : i32
    %dma_wait3A_199 = arith.constant 0 : i32
    %dma_wait3A_200 = tpu.memref_slice %arg2[%dma_wait3A_198, %dma_wait3A_199] : memref<10240x128xf32, #tpu.memory_space<hbm>> -> memref<10240x128xf32, #tpu.memory_space<hbm>>
    tpu.wait_indirect_dma semaphore(%arg7 : memref<!tpu.dma_semaphore, #tpu.memory_space<semaphore_mem>>) src(%dma_wait3A_200 : memref<10240x128xf32, #tpu.memory_space<hbm>>) dst(%arg6 : memref<128x128xf32, #tpu.memory_space<vmem>>)
    "tpu.region"() ({
      %run_scoped3A = tpu.sem_alloc : memref<!tpu.dma_semaphore, #tpu.memory_space<semaphore_mem>>
      %dma_start3A_321 = arith.constant 0 : i32
      %dma_start3A_322 = tpu.memref_slice %arg4[%add3A_194, %dma_start3A_321] : memref<163840x128xf32, #tpu.memory_space<hbm>> -> memref<128x128xf32, #tpu.memory_space<hbm>>
      %dma_start3A_323 = arith.constant 0 : i32
      %dma_start3A_324 = tpu.memref_slice %arg4[%add3A_194, %dma_start3A_323] : memref<163840x128xf32, #tpu.memory_space<hbm>> -> memref<128x128xf32, #tpu.memory_space<hbm>>
      tpu.enqueue_dma source(%arg6 : memref<128x128xf32, #tpu.memory_space<vmem>>) target(%dma_start3A_324 : memref<128x128xf32, #tpu.memory_space<hbm>>) target_semaphore(%run_scoped3A : memref<!tpu.dma_semaphore, #tpu.memory_space<semaphore_mem>>)
      %dma_wait3A_325 = arith.constant 0 : i32
      %dma_wait3A_326 = tpu.memref_slice %arg4[%add3A_194, %dma_wait3A_325] : memref<163840x128xf32, #tpu.memory_space<hbm>> -> memref<128x128xf32, #tpu.memory_space<hbm>>
      %dma_wait3A_327 = arith.constant 0 : i32
      %dma_wait3A_328 = tpu.memref_slice %arg4[%add3A_194, %dma_wait3A_327] : memref<163840x128xf32, #tpu.memory_space<hbm>> -> memref<128x128xf32, #tpu.memory_space<hbm>>
      tpu.wait_dma2 semaphore(%run_scoped3A : memref<!tpu.dma_semaphore, #tpu.memory_space<semaphore_mem>>) src(%arg6 : memref<128x128xf32, #tpu.memory_space<vmem>>) dst(%dma_wait3A_328 : memref<128x128xf32, #tpu.memory_space<hbm>>)
      tpu.yield
    }) : () -> ()
    %add3A_201 = arith.constant 3200 : i32
    %add3A_202 = arith.addi %mul3A_2, %add3A_201 : i32
    "tpu.region"() ({
      %run_scoped3A = tpu.sem_alloc : memref<!tpu.dma_semaphore, #tpu.memory_space<semaphore_mem>>
      %dma_start3A_321 = tpu.memref_slice %arg3[%add3A_202] : memref<163840xi32, #tpu.memory_space<hbm>> -> memref<128xi32, #tpu.memory_space<hbm>>
      %dma_start3A_322 = tpu.memref_slice %arg3[%add3A_202] : memref<163840xi32, #tpu.memory_space<hbm>> -> memref<128xi32, #tpu.memory_space<hbm>>
      tpu.enqueue_dma source(%dma_start3A_322 : memref<128xi32, #tpu.memory_space<hbm>>) target(%arg5 : memref<128xi32, #tpu.memory_space<vmem>>) target_semaphore(%run_scoped3A : memref<!tpu.dma_semaphore, #tpu.memory_space<semaphore_mem>>)
      %dma_wait3A_323 = tpu.memref_slice %arg3[%add3A_202] : memref<163840xi32, #tpu.memory_space<hbm>> -> memref<128xi32, #tpu.memory_space<hbm>>
      %dma_wait3A_324 = tpu.memref_slice %arg3[%add3A_202] : memref<163840xi32, #tpu.memory_space<hbm>> -> memref<128xi32, #tpu.memory_space<hbm>>
      tpu.wait_dma2 semaphore(%run_scoped3A : memref<!tpu.dma_semaphore, #tpu.memory_space<semaphore_mem>>) src(%dma_wait3A_324 : memref<128xi32, #tpu.memory_space<hbm>>) dst(%arg5 : memref<128xi32, #tpu.memory_space<vmem>>)
      tpu.yield
    }) : () -> ()
    %dma_start3A_203 = arith.constant 0 : i32
    %dma_start3A_204 = arith.constant 0 : i32
    %dma_start3A_205 = tpu.memref_slice %arg2[%dma_start3A_203, %dma_start3A_204] : memref<10240x128xf32, #tpu.memory_space<hbm>> -> memref<10240x128xf32, #tpu.memory_space<hbm>>
    tpu.enqueue_indirect_dma source(%dma_start3A_205 : memref<10240x128xf32, #tpu.memory_space<hbm>>) target(%arg6 : memref<128x128xf32, #tpu.memory_space<vmem>>) offsets(%arg5 : memref<128xi32, #tpu.memory_space<vmem>>) semaphore(%arg7 : memref<!tpu.dma_semaphore, #tpu.memory_space<semaphore_mem>>)
    %dma_wait3A_206 = arith.constant 0 : i32
    %dma_wait3A_207 = arith.constant 0 : i32
    %dma_wait3A_208 = tpu.memref_slice %arg2[%dma_wait3A_206, %dma_wait3A_207] : memref<10240x128xf32, #tpu.memory_space<hbm>> -> memref<10240x128xf32, #tpu.memory_space<hbm>>
    tpu.wait_indirect_dma semaphore(%arg7 : memref<!tpu.dma_semaphore, #tpu.memory_space<semaphore_mem>>) src(%dma_wait3A_208 : memref<10240x128xf32, #tpu.memory_space<hbm>>) dst(%arg6 : memref<128x128xf32, #tpu.memory_space<vmem>>)
    "tpu.region"() ({
      %run_scoped3A = tpu.sem_alloc : memref<!tpu.dma_semaphore, #tpu.memory_space<semaphore_mem>>
      %dma_start3A_321 = arith.constant 0 : i32
      %dma_start3A_322 = tpu.memref_slice %arg4[%add3A_202, %dma_start3A_321] : memref<163840x128xf32, #tpu.memory_space<hbm>> -> memref<128x128xf32, #tpu.memory_space<hbm>>
      %dma_start3A_323 = arith.constant 0 : i32
      %dma_start3A_324 = tpu.memref_slice %arg4[%add3A_202, %dma_start3A_323] : memref<163840x128xf32, #tpu.memory_space<hbm>> -> memref<128x128xf32, #tpu.memory_space<hbm>>
      tpu.enqueue_dma source(%arg6 : memref<128x128xf32, #tpu.memory_space<vmem>>) target(%dma_start3A_324 : memref<128x128xf32, #tpu.memory_space<hbm>>) target_semaphore(%run_scoped3A : memref<!tpu.dma_semaphore, #tpu.memory_space<semaphore_mem>>)
      %dma_wait3A_325 = arith.constant 0 : i32
      %dma_wait3A_326 = tpu.memref_slice %arg4[%add3A_202, %dma_wait3A_325] : memref<163840x128xf32, #tpu.memory_space<hbm>> -> memref<128x128xf32, #tpu.memory_space<hbm>>
      %dma_wait3A_327 = arith.constant 0 : i32
      %dma_wait3A_328 = tpu.memref_slice %arg4[%add3A_202, %dma_wait3A_327] : memref<163840x128xf32, #tpu.memory_space<hbm>> -> memref<128x128xf32, #tpu.memory_space<hbm>>
      tpu.wait_dma2 semaphore(%run_scoped3A : memref<!tpu.dma_semaphore, #tpu.memory_space<semaphore_mem>>) src(%arg6 : memref<128x128xf32, #tpu.memory_space<vmem>>) dst(%dma_wait3A_328 : memref<128x128xf32, #tpu.memory_space<hbm>>)
      tpu.yield
    }) : () -> ()
    %add3A_209 = arith.constant 3328 : i32
    %add3A_210 = arith.addi %mul3A_2, %add3A_209 : i32
    "tpu.region"() ({
      %run_scoped3A = tpu.sem_alloc : memref<!tpu.dma_semaphore, #tpu.memory_space<semaphore_mem>>
      %dma_start3A_321 = tpu.memref_slice %arg3[%add3A_210] : memref<163840xi32, #tpu.memory_space<hbm>> -> memref<128xi32, #tpu.memory_space<hbm>>
      %dma_start3A_322 = tpu.memref_slice %arg3[%add3A_210] : memref<163840xi32, #tpu.memory_space<hbm>> -> memref<128xi32, #tpu.memory_space<hbm>>
      tpu.enqueue_dma source(%dma_start3A_322 : memref<128xi32, #tpu.memory_space<hbm>>) target(%arg5 : memref<128xi32, #tpu.memory_space<vmem>>) target_semaphore(%run_scoped3A : memref<!tpu.dma_semaphore, #tpu.memory_space<semaphore_mem>>)
      %dma_wait3A_323 = tpu.memref_slice %arg3[%add3A_210] : memref<163840xi32, #tpu.memory_space<hbm>> -> memref<128xi32, #tpu.memory_space<hbm>>
      %dma_wait3A_324 = tpu.memref_slice %arg3[%add3A_210] : memref<163840xi32, #tpu.memory_space<hbm>> -> memref<128xi32, #tpu.memory_space<hbm>>
      tpu.wait_dma2 semaphore(%run_scoped3A : memref<!tpu.dma_semaphore, #tpu.memory_space<semaphore_mem>>) src(%dma_wait3A_324 : memref<128xi32, #tpu.memory_space<hbm>>) dst(%arg5 : memref<128xi32, #tpu.memory_space<vmem>>)
      tpu.yield
    }) : () -> ()
    %dma_start3A_211 = arith.constant 0 : i32
    %dma_start3A_212 = arith.constant 0 : i32
    %dma_start3A_213 = tpu.memref_slice %arg2[%dma_start3A_211, %dma_start3A_212] : memref<10240x128xf32, #tpu.memory_space<hbm>> -> memref<10240x128xf32, #tpu.memory_space<hbm>>
    tpu.enqueue_indirect_dma source(%dma_start3A_213 : memref<10240x128xf32, #tpu.memory_space<hbm>>) target(%arg6 : memref<128x128xf32, #tpu.memory_space<vmem>>) offsets(%arg5 : memref<128xi32, #tpu.memory_space<vmem>>) semaphore(%arg7 : memref<!tpu.dma_semaphore, #tpu.memory_space<semaphore_mem>>)
    %dma_wait3A_214 = arith.constant 0 : i32
    %dma_wait3A_215 = arith.constant 0 : i32
    %dma_wait3A_216 = tpu.memref_slice %arg2[%dma_wait3A_214, %dma_wait3A_215] : memref<10240x128xf32, #tpu.memory_space<hbm>> -> memref<10240x128xf32, #tpu.memory_space<hbm>>
    tpu.wait_indirect_dma semaphore(%arg7 : memref<!tpu.dma_semaphore, #tpu.memory_space<semaphore_mem>>) src(%dma_wait3A_216 : memref<10240x128xf32, #tpu.memory_space<hbm>>) dst(%arg6 : memref<128x128xf32, #tpu.memory_space<vmem>>)
    "tpu.region"() ({
      %run_scoped3A = tpu.sem_alloc : memref<!tpu.dma_semaphore, #tpu.memory_space<semaphore_mem>>
      %dma_start3A_321 = arith.constant 0 : i32
      %dma_start3A_322 = tpu.memref_slice %arg4[%add3A_210, %dma_start3A_321] : memref<163840x128xf32, #tpu.memory_space<hbm>> -> memref<128x128xf32, #tpu.memory_space<hbm>>
      %dma_start3A_323 = arith.constant 0 : i32
      %dma_start3A_324 = tpu.memref_slice %arg4[%add3A_210, %dma_start3A_323] : memref<163840x128xf32, #tpu.memory_space<hbm>> -> memref<128x128xf32, #tpu.memory_space<hbm>>
      tpu.enqueue_dma source(%arg6 : memref<128x128xf32, #tpu.memory_space<vmem>>) target(%dma_start3A_324 : memref<128x128xf32, #tpu.memory_space<hbm>>) target_semaphore(%run_scoped3A : memref<!tpu.dma_semaphore, #tpu.memory_space<semaphore_mem>>)
      %dma_wait3A_325 = arith.constant 0 : i32
      %dma_wait3A_326 = tpu.memref_slice %arg4[%add3A_210, %dma_wait3A_325] : memref<163840x128xf32, #tpu.memory_space<hbm>> -> memref<128x128xf32, #tpu.memory_space<hbm>>
      %dma_wait3A_327 = arith.constant 0 : i32
      %dma_wait3A_328 = tpu.memref_slice %arg4[%add3A_210, %dma_wait3A_327] : memref<163840x128xf32, #tpu.memory_space<hbm>> -> memref<128x128xf32, #tpu.memory_space<hbm>>
      tpu.wait_dma2 semaphore(%run_scoped3A : memref<!tpu.dma_semaphore, #tpu.memory_space<semaphore_mem>>) src(%arg6 : memref<128x128xf32, #tpu.memory_space<vmem>>) dst(%dma_wait3A_328 : memref<128x128xf32, #tpu.memory_space<hbm>>)
      tpu.yield
    }) : () -> ()
    %add3A_217 = arith.constant 3456 : i32
    %add3A_218 = arith.addi %mul3A_2, %add3A_217 : i32
    "tpu.region"() ({
      %run_scoped3A = tpu.sem_alloc : memref<!tpu.dma_semaphore, #tpu.memory_space<semaphore_mem>>
      %dma_start3A_321 = tpu.memref_slice %arg3[%add3A_218] : memref<163840xi32, #tpu.memory_space<hbm>> -> memref<128xi32, #tpu.memory_space<hbm>>
      %dma_start3A_322 = tpu.memref_slice %arg3[%add3A_218] : memref<163840xi32, #tpu.memory_space<hbm>> -> memref<128xi32, #tpu.memory_space<hbm>>
      tpu.enqueue_dma source(%dma_start3A_322 : memref<128xi32, #tpu.memory_space<hbm>>) target(%arg5 : memref<128xi32, #tpu.memory_space<vmem>>) target_semaphore(%run_scoped3A : memref<!tpu.dma_semaphore, #tpu.memory_space<semaphore_mem>>)
      %dma_wait3A_323 = tpu.memref_slice %arg3[%add3A_218] : memref<163840xi32, #tpu.memory_space<hbm>> -> memref<128xi32, #tpu.memory_space<hbm>>
      %dma_wait3A_324 = tpu.memref_slice %arg3[%add3A_218] : memref<163840xi32, #tpu.memory_space<hbm>> -> memref<128xi32, #tpu.memory_space<hbm>>
      tpu.wait_dma2 semaphore(%run_scoped3A : memref<!tpu.dma_semaphore, #tpu.memory_space<semaphore_mem>>) src(%dma_wait3A_324 : memref<128xi32, #tpu.memory_space<hbm>>) dst(%arg5 : memref<128xi32, #tpu.memory_space<vmem>>)
      tpu.yield
    }) : () -> ()
    %dma_start3A_219 = arith.constant 0 : i32
    %dma_start3A_220 = arith.constant 0 : i32
    %dma_start3A_221 = tpu.memref_slice %arg2[%dma_start3A_219, %dma_start3A_220] : memref<10240x128xf32, #tpu.memory_space<hbm>> -> memref<10240x128xf32, #tpu.memory_space<hbm>>
    tpu.enqueue_indirect_dma source(%dma_start3A_221 : memref<10240x128xf32, #tpu.memory_space<hbm>>) target(%arg6 : memref<128x128xf32, #tpu.memory_space<vmem>>) offsets(%arg5 : memref<128xi32, #tpu.memory_space<vmem>>) semaphore(%arg7 : memref<!tpu.dma_semaphore, #tpu.memory_space<semaphore_mem>>)
    %dma_wait3A_222 = arith.constant 0 : i32
    %dma_wait3A_223 = arith.constant 0 : i32
    %dma_wait3A_224 = tpu.memref_slice %arg2[%dma_wait3A_222, %dma_wait3A_223] : memref<10240x128xf32, #tpu.memory_space<hbm>> -> memref<10240x128xf32, #tpu.memory_space<hbm>>
    tpu.wait_indirect_dma semaphore(%arg7 : memref<!tpu.dma_semaphore, #tpu.memory_space<semaphore_mem>>) src(%dma_wait3A_224 : memref<10240x128xf32, #tpu.memory_space<hbm>>) dst(%arg6 : memref<128x128xf32, #tpu.memory_space<vmem>>)
    "tpu.region"() ({
      %run_scoped3A = tpu.sem_alloc : memref<!tpu.dma_semaphore, #tpu.memory_space<semaphore_mem>>
      %dma_start3A_321 = arith.constant 0 : i32
      %dma_start3A_322 = tpu.memref_slice %arg4[%add3A_218, %dma_start3A_321] : memref<163840x128xf32, #tpu.memory_space<hbm>> -> memref<128x128xf32, #tpu.memory_space<hbm>>
      %dma_start3A_323 = arith.constant 0 : i32
      %dma_start3A_324 = tpu.memref_slice %arg4[%add3A_218, %dma_start3A_323] : memref<163840x128xf32, #tpu.memory_space<hbm>> -> memref<128x128xf32, #tpu.memory_space<hbm>>
      tpu.enqueue_dma source(%arg6 : memref<128x128xf32, #tpu.memory_space<vmem>>) target(%dma_start3A_324 : memref<128x128xf32, #tpu.memory_space<hbm>>) target_semaphore(%run_scoped3A : memref<!tpu.dma_semaphore, #tpu.memory_space<semaphore_mem>>)
      %dma_wait3A_325 = arith.constant 0 : i32
      %dma_wait3A_326 = tpu.memref_slice %arg4[%add3A_218, %dma_wait3A_325] : memref<163840x128xf32, #tpu.memory_space<hbm>> -> memref<128x128xf32, #tpu.memory_space<hbm>>
      %dma_wait3A_327 = arith.constant 0 : i32
      %dma_wait3A_328 = tpu.memref_slice %arg4[%add3A_218, %dma_wait3A_327] : memref<163840x128xf32, #tpu.memory_space<hbm>> -> memref<128x128xf32, #tpu.memory_space<hbm>>
      tpu.wait_dma2 semaphore(%run_scoped3A : memref<!tpu.dma_semaphore, #tpu.memory_space<semaphore_mem>>) src(%arg6 : memref<128x128xf32, #tpu.memory_space<vmem>>) dst(%dma_wait3A_328 : memref<128x128xf32, #tpu.memory_space<hbm>>)
      tpu.yield
    }) : () -> ()
    %add3A_225 = arith.constant 3584 : i32
    %add3A_226 = arith.addi %mul3A_2, %add3A_225 : i32
    "tpu.region"() ({
      %run_scoped3A = tpu.sem_alloc : memref<!tpu.dma_semaphore, #tpu.memory_space<semaphore_mem>>
      %dma_start3A_321 = tpu.memref_slice %arg3[%add3A_226] : memref<163840xi32, #tpu.memory_space<hbm>> -> memref<128xi32, #tpu.memory_space<hbm>>
      %dma_start3A_322 = tpu.memref_slice %arg3[%add3A_226] : memref<163840xi32, #tpu.memory_space<hbm>> -> memref<128xi32, #tpu.memory_space<hbm>>
      tpu.enqueue_dma source(%dma_start3A_322 : memref<128xi32, #tpu.memory_space<hbm>>) target(%arg5 : memref<128xi32, #tpu.memory_space<vmem>>) target_semaphore(%run_scoped3A : memref<!tpu.dma_semaphore, #tpu.memory_space<semaphore_mem>>)
      %dma_wait3A_323 = tpu.memref_slice %arg3[%add3A_226] : memref<163840xi32, #tpu.memory_space<hbm>> -> memref<128xi32, #tpu.memory_space<hbm>>
      %dma_wait3A_324 = tpu.memref_slice %arg3[%add3A_226] : memref<163840xi32, #tpu.memory_space<hbm>> -> memref<128xi32, #tpu.memory_space<hbm>>
      tpu.wait_dma2 semaphore(%run_scoped3A : memref<!tpu.dma_semaphore, #tpu.memory_space<semaphore_mem>>) src(%dma_wait3A_324 : memref<128xi32, #tpu.memory_space<hbm>>) dst(%arg5 : memref<128xi32, #tpu.memory_space<vmem>>)
      tpu.yield
    }) : () -> ()
    %dma_start3A_227 = arith.constant 0 : i32
    %dma_start3A_228 = arith.constant 0 : i32
    %dma_start3A_229 = tpu.memref_slice %arg2[%dma_start3A_227, %dma_start3A_228] : memref<10240x128xf32, #tpu.memory_space<hbm>> -> memref<10240x128xf32, #tpu.memory_space<hbm>>
    tpu.enqueue_indirect_dma source(%dma_start3A_229 : memref<10240x128xf32, #tpu.memory_space<hbm>>) target(%arg6 : memref<128x128xf32, #tpu.memory_space<vmem>>) offsets(%arg5 : memref<128xi32, #tpu.memory_space<vmem>>) semaphore(%arg7 : memref<!tpu.dma_semaphore, #tpu.memory_space<semaphore_mem>>)
    %dma_wait3A_230 = arith.constant 0 : i32
    %dma_wait3A_231 = arith.constant 0 : i32
    %dma_wait3A_232 = tpu.memref_slice %arg2[%dma_wait3A_230, %dma_wait3A_231] : memref<10240x128xf32, #tpu.memory_space<hbm>> -> memref<10240x128xf32, #tpu.memory_space<hbm>>
    tpu.wait_indirect_dma semaphore(%arg7 : memref<!tpu.dma_semaphore, #tpu.memory_space<semaphore_mem>>) src(%dma_wait3A_232 : memref<10240x128xf32, #tpu.memory_space<hbm>>) dst(%arg6 : memref<128x128xf32, #tpu.memory_space<vmem>>)
    "tpu.region"() ({
      %run_scoped3A = tpu.sem_alloc : memref<!tpu.dma_semaphore, #tpu.memory_space<semaphore_mem>>
      %dma_start3A_321 = arith.constant 0 : i32
      %dma_start3A_322 = tpu.memref_slice %arg4[%add3A_226, %dma_start3A_321] : memref<163840x128xf32, #tpu.memory_space<hbm>> -> memref<128x128xf32, #tpu.memory_space<hbm>>
      %dma_start3A_323 = arith.constant 0 : i32
      %dma_start3A_324 = tpu.memref_slice %arg4[%add3A_226, %dma_start3A_323] : memref<163840x128xf32, #tpu.memory_space<hbm>> -> memref<128x128xf32, #tpu.memory_space<hbm>>
      tpu.enqueue_dma source(%arg6 : memref<128x128xf32, #tpu.memory_space<vmem>>) target(%dma_start3A_324 : memref<128x128xf32, #tpu.memory_space<hbm>>) target_semaphore(%run_scoped3A : memref<!tpu.dma_semaphore, #tpu.memory_space<semaphore_mem>>)
      %dma_wait3A_325 = arith.constant 0 : i32
      %dma_wait3A_326 = tpu.memref_slice %arg4[%add3A_226, %dma_wait3A_325] : memref<163840x128xf32, #tpu.memory_space<hbm>> -> memref<128x128xf32, #tpu.memory_space<hbm>>
      %dma_wait3A_327 = arith.constant 0 : i32
      %dma_wait3A_328 = tpu.memref_slice %arg4[%add3A_226, %dma_wait3A_327] : memref<163840x128xf32, #tpu.memory_space<hbm>> -> memref<128x128xf32, #tpu.memory_space<hbm>>
      tpu.wait_dma2 semaphore(%run_scoped3A : memref<!tpu.dma_semaphore, #tpu.memory_space<semaphore_mem>>) src(%arg6 : memref<128x128xf32, #tpu.memory_space<vmem>>) dst(%dma_wait3A_328 : memref<128x128xf32, #tpu.memory_space<hbm>>)
      tpu.yield
    }) : () -> ()
    %add3A_233 = arith.constant 3712 : i32
    %add3A_234 = arith.addi %mul3A_2, %add3A_233 : i32
    "tpu.region"() ({
      %run_scoped3A = tpu.sem_alloc : memref<!tpu.dma_semaphore, #tpu.memory_space<semaphore_mem>>
      %dma_start3A_321 = tpu.memref_slice %arg3[%add3A_234] : memref<163840xi32, #tpu.memory_space<hbm>> -> memref<128xi32, #tpu.memory_space<hbm>>
      %dma_start3A_322 = tpu.memref_slice %arg3[%add3A_234] : memref<163840xi32, #tpu.memory_space<hbm>> -> memref<128xi32, #tpu.memory_space<hbm>>
      tpu.enqueue_dma source(%dma_start3A_322 : memref<128xi32, #tpu.memory_space<hbm>>) target(%arg5 : memref<128xi32, #tpu.memory_space<vmem>>) target_semaphore(%run_scoped3A : memref<!tpu.dma_semaphore, #tpu.memory_space<semaphore_mem>>)
      %dma_wait3A_323 = tpu.memref_slice %arg3[%add3A_234] : memref<163840xi32, #tpu.memory_space<hbm>> -> memref<128xi32, #tpu.memory_space<hbm>>
      %dma_wait3A_324 = tpu.memref_slice %arg3[%add3A_234] : memref<163840xi32, #tpu.memory_space<hbm>> -> memref<128xi32, #tpu.memory_space<hbm>>
      tpu.wait_dma2 semaphore(%run_scoped3A : memref<!tpu.dma_semaphore, #tpu.memory_space<semaphore_mem>>) src(%dma_wait3A_324 : memref<128xi32, #tpu.memory_space<hbm>>) dst(%arg5 : memref<128xi32, #tpu.memory_space<vmem>>)
      tpu.yield
    }) : () -> ()
    %dma_start3A_235 = arith.constant 0 : i32
    %dma_start3A_236 = arith.constant 0 : i32
    %dma_start3A_237 = tpu.memref_slice %arg2[%dma_start3A_235, %dma_start3A_236] : memref<10240x128xf32, #tpu.memory_space<hbm>> -> memref<10240x128xf32, #tpu.memory_space<hbm>>
    tpu.enqueue_indirect_dma source(%dma_start3A_237 : memref<10240x128xf32, #tpu.memory_space<hbm>>) target(%arg6 : memref<128x128xf32, #tpu.memory_space<vmem>>) offsets(%arg5 : memref<128xi32, #tpu.memory_space<vmem>>) semaphore(%arg7 : memref<!tpu.dma_semaphore, #tpu.memory_space<semaphore_mem>>)
    %dma_wait3A_238 = arith.constant 0 : i32
    %dma_wait3A_239 = arith.constant 0 : i32
    %dma_wait3A_240 = tpu.memref_slice %arg2[%dma_wait3A_238, %dma_wait3A_239] : memref<10240x128xf32, #tpu.memory_space<hbm>> -> memref<10240x128xf32, #tpu.memory_space<hbm>>
    tpu.wait_indirect_dma semaphore(%arg7 : memref<!tpu.dma_semaphore, #tpu.memory_space<semaphore_mem>>) src(%dma_wait3A_240 : memref<10240x128xf32, #tpu.memory_space<hbm>>) dst(%arg6 : memref<128x128xf32, #tpu.memory_space<vmem>>)
    "tpu.region"() ({
      %run_scoped3A = tpu.sem_alloc : memref<!tpu.dma_semaphore, #tpu.memory_space<semaphore_mem>>
      %dma_start3A_321 = arith.constant 0 : i32
      %dma_start3A_322 = tpu.memref_slice %arg4[%add3A_234, %dma_start3A_321] : memref<163840x128xf32, #tpu.memory_space<hbm>> -> memref<128x128xf32, #tpu.memory_space<hbm>>
      %dma_start3A_323 = arith.constant 0 : i32
      %dma_start3A_324 = tpu.memref_slice %arg4[%add3A_234, %dma_start3A_323] : memref<163840x128xf32, #tpu.memory_space<hbm>> -> memref<128x128xf32, #tpu.memory_space<hbm>>
      tpu.enqueue_dma source(%arg6 : memref<128x128xf32, #tpu.memory_space<vmem>>) target(%dma_start3A_324 : memref<128x128xf32, #tpu.memory_space<hbm>>) target_semaphore(%run_scoped3A : memref<!tpu.dma_semaphore, #tpu.memory_space<semaphore_mem>>)
      %dma_wait3A_325 = arith.constant 0 : i32
      %dma_wait3A_326 = tpu.memref_slice %arg4[%add3A_234, %dma_wait3A_325] : memref<163840x128xf32, #tpu.memory_space<hbm>> -> memref<128x128xf32, #tpu.memory_space<hbm>>
      %dma_wait3A_327 = arith.constant 0 : i32
      %dma_wait3A_328 = tpu.memref_slice %arg4[%add3A_234, %dma_wait3A_327] : memref<163840x128xf32, #tpu.memory_space<hbm>> -> memref<128x128xf32, #tpu.memory_space<hbm>>
      tpu.wait_dma2 semaphore(%run_scoped3A : memref<!tpu.dma_semaphore, #tpu.memory_space<semaphore_mem>>) src(%arg6 : memref<128x128xf32, #tpu.memory_space<vmem>>) dst(%dma_wait3A_328 : memref<128x128xf32, #tpu.memory_space<hbm>>)
      tpu.yield
    }) : () -> ()
    %add3A_241 = arith.constant 3840 : i32
    %add3A_242 = arith.addi %mul3A_2, %add3A_241 : i32
    "tpu.region"() ({
      %run_scoped3A = tpu.sem_alloc : memref<!tpu.dma_semaphore, #tpu.memory_space<semaphore_mem>>
      %dma_start3A_321 = tpu.memref_slice %arg3[%add3A_242] : memref<163840xi32, #tpu.memory_space<hbm>> -> memref<128xi32, #tpu.memory_space<hbm>>
      %dma_start3A_322 = tpu.memref_slice %arg3[%add3A_242] : memref<163840xi32, #tpu.memory_space<hbm>> -> memref<128xi32, #tpu.memory_space<hbm>>
      tpu.enqueue_dma source(%dma_start3A_322 : memref<128xi32, #tpu.memory_space<hbm>>) target(%arg5 : memref<128xi32, #tpu.memory_space<vmem>>) target_semaphore(%run_scoped3A : memref<!tpu.dma_semaphore, #tpu.memory_space<semaphore_mem>>)
      %dma_wait3A_323 = tpu.memref_slice %arg3[%add3A_242] : memref<163840xi32, #tpu.memory_space<hbm>> -> memref<128xi32, #tpu.memory_space<hbm>>
      %dma_wait3A_324 = tpu.memref_slice %arg3[%add3A_242] : memref<163840xi32, #tpu.memory_space<hbm>> -> memref<128xi32, #tpu.memory_space<hbm>>
      tpu.wait_dma2 semaphore(%run_scoped3A : memref<!tpu.dma_semaphore, #tpu.memory_space<semaphore_mem>>) src(%dma_wait3A_324 : memref<128xi32, #tpu.memory_space<hbm>>) dst(%arg5 : memref<128xi32, #tpu.memory_space<vmem>>)
      tpu.yield
    }) : () -> ()
    %dma_start3A_243 = arith.constant 0 : i32
    %dma_start3A_244 = arith.constant 0 : i32
    %dma_start3A_245 = tpu.memref_slice %arg2[%dma_start3A_243, %dma_start3A_244] : memref<10240x128xf32, #tpu.memory_space<hbm>> -> memref<10240x128xf32, #tpu.memory_space<hbm>>
    tpu.enqueue_indirect_dma source(%dma_start3A_245 : memref<10240x128xf32, #tpu.memory_space<hbm>>) target(%arg6 : memref<128x128xf32, #tpu.memory_space<vmem>>) offsets(%arg5 : memref<128xi32, #tpu.memory_space<vmem>>) semaphore(%arg7 : memref<!tpu.dma_semaphore, #tpu.memory_space<semaphore_mem>>)
    %dma_wait3A_246 = arith.constant 0 : i32
    %dma_wait3A_247 = arith.constant 0 : i32
    %dma_wait3A_248 = tpu.memref_slice %arg2[%dma_wait3A_246, %dma_wait3A_247] : memref<10240x128xf32, #tpu.memory_space<hbm>> -> memref<10240x128xf32, #tpu.memory_space<hbm>>
    tpu.wait_indirect_dma semaphore(%arg7 : memref<!tpu.dma_semaphore, #tpu.memory_space<semaphore_mem>>) src(%dma_wait3A_248 : memref<10240x128xf32, #tpu.memory_space<hbm>>) dst(%arg6 : memref<128x128xf32, #tpu.memory_space<vmem>>)
    "tpu.region"() ({
      %run_scoped3A = tpu.sem_alloc : memref<!tpu.dma_semaphore, #tpu.memory_space<semaphore_mem>>
      %dma_start3A_321 = arith.constant 0 : i32
      %dma_start3A_322 = tpu.memref_slice %arg4[%add3A_242, %dma_start3A_321] : memref<163840x128xf32, #tpu.memory_space<hbm>> -> memref<128x128xf32, #tpu.memory_space<hbm>>
      %dma_start3A_323 = arith.constant 0 : i32
      %dma_start3A_324 = tpu.memref_slice %arg4[%add3A_242, %dma_start3A_323] : memref<163840x128xf32, #tpu.memory_space<hbm>> -> memref<128x128xf32, #tpu.memory_space<hbm>>
      tpu.enqueue_dma source(%arg6 : memref<128x128xf32, #tpu.memory_space<vmem>>) target(%dma_start3A_324 : memref<128x128xf32, #tpu.memory_space<hbm>>) target_semaphore(%run_scoped3A : memref<!tpu.dma_semaphore, #tpu.memory_space<semaphore_mem>>)
      %dma_wait3A_325 = arith.constant 0 : i32
      %dma_wait3A_326 = tpu.memref_slice %arg4[%add3A_242, %dma_wait3A_325] : memref<163840x128xf32, #tpu.memory_space<hbm>> -> memref<128x128xf32, #tpu.memory_space<hbm>>
      %dma_wait3A_327 = arith.constant 0 : i32
      %dma_wait3A_328 = tpu.memref_slice %arg4[%add3A_242, %dma_wait3A_327] : memref<163840x128xf32, #tpu.memory_space<hbm>> -> memref<128x128xf32, #tpu.memory_space<hbm>>
      tpu.wait_dma2 semaphore(%run_scoped3A : memref<!tpu.dma_semaphore, #tpu.memory_space<semaphore_mem>>) src(%arg6 : memref<128x128xf32, #tpu.memory_space<vmem>>) dst(%dma_wait3A_328 : memref<128x128xf32, #tpu.memory_space<hbm>>)
      tpu.yield
    }) : () -> ()
    %add3A_249 = arith.constant 3968 : i32
    %add3A_250 = arith.addi %mul3A_2, %add3A_249 : i32
    "tpu.region"() ({
      %run_scoped3A = tpu.sem_alloc : memref<!tpu.dma_semaphore, #tpu.memory_space<semaphore_mem>>
      %dma_start3A_321 = tpu.memref_slice %arg3[%add3A_250] : memref<163840xi32, #tpu.memory_space<hbm>> -> memref<128xi32, #tpu.memory_space<hbm>>
      %dma_start3A_322 = tpu.memref_slice %arg3[%add3A_250] : memref<163840xi32, #tpu.memory_space<hbm>> -> memref<128xi32, #tpu.memory_space<hbm>>
      tpu.enqueue_dma source(%dma_start3A_322 : memref<128xi32, #tpu.memory_space<hbm>>) target(%arg5 : memref<128xi32, #tpu.memory_space<vmem>>) target_semaphore(%run_scoped3A : memref<!tpu.dma_semaphore, #tpu.memory_space<semaphore_mem>>)
      %dma_wait3A_323 = tpu.memref_slice %arg3[%add3A_250] : memref<163840xi32, #tpu.memory_space<hbm>> -> memref<128xi32, #tpu.memory_space<hbm>>
      %dma_wait3A_324 = tpu.memref_slice %arg3[%add3A_250] : memref<163840xi32, #tpu.memory_space<hbm>> -> memref<128xi32, #tpu.memory_space<hbm>>
      tpu.wait_dma2 semaphore(%run_scoped3A : memref<!tpu.dma_semaphore, #tpu.memory_space<semaphore_mem>>) src(%dma_wait3A_324 : memref<128xi32, #tpu.memory_space<hbm>>) dst(%arg5 : memref<128xi32, #tpu.memory_space<vmem>>)
      tpu.yield
    }) : () -> ()
    %dma_start3A_251 = arith.constant 0 : i32
    %dma_start3A_252 = arith.constant 0 : i32
    %dma_start3A_253 = tpu.memref_slice %arg2[%dma_start3A_251, %dma_start3A_252] : memref<10240x128xf32, #tpu.memory_space<hbm>> -> memref<10240x128xf32, #tpu.memory_space<hbm>>
    tpu.enqueue_indirect_dma source(%dma_start3A_253 : memref<10240x128xf32, #tpu.memory_space<hbm>>) target(%arg6 : memref<128x128xf32, #tpu.memory_space<vmem>>) offsets(%arg5 : memref<128xi32, #tpu.memory_space<vmem>>) semaphore(%arg7 : memref<!tpu.dma_semaphore, #tpu.memory_space<semaphore_mem>>)
    %dma_wait3A_254 = arith.constant 0 : i32
    %dma_wait3A_255 = arith.constant 0 : i32
    %dma_wait3A_256 = tpu.memref_slice %arg2[%dma_wait3A_254, %dma_wait3A_255] : memref<10240x128xf32, #tpu.memory_space<hbm>> -> memref<10240x128xf32, #tpu.memory_space<hbm>>
    tpu.wait_indirect_dma semaphore(%arg7 : memref<!tpu.dma_semaphore, #tpu.memory_space<semaphore_mem>>) src(%dma_wait3A_256 : memref<10240x128xf32, #tpu.memory_space<hbm>>) dst(%arg6 : memref<128x128xf32, #tpu.memory_space<vmem>>)
    "tpu.region"() ({
      %run_scoped3A = tpu.sem_alloc : memref<!tpu.dma_semaphore, #tpu.memory_space<semaphore_mem>>
      %dma_start3A_321 = arith.constant 0 : i32
      %dma_start3A_322 = tpu.memref_slice %arg4[%add3A_250, %dma_start3A_321] : memref<163840x128xf32, #tpu.memory_space<hbm>> -> memref<128x128xf32, #tpu.memory_space<hbm>>
      %dma_start3A_323 = arith.constant 0 : i32
      %dma_start3A_324 = tpu.memref_slice %arg4[%add3A_250, %dma_start3A_323] : memref<163840x128xf32, #tpu.memory_space<hbm>> -> memref<128x128xf32, #tpu.memory_space<hbm>>
      tpu.enqueue_dma source(%arg6 : memref<128x128xf32, #tpu.memory_space<vmem>>) target(%dma_start3A_324 : memref<128x128xf32, #tpu.memory_space<hbm>>) target_semaphore(%run_scoped3A : memref<!tpu.dma_semaphore, #tpu.memory_space<semaphore_mem>>)
      %dma_wait3A_325 = arith.constant 0 : i32
      %dma_wait3A_326 = tpu.memref_slice %arg4[%add3A_250, %dma_wait3A_325] : memref<163840x128xf32, #tpu.memory_space<hbm>> -> memref<128x128xf32, #tpu.memory_space<hbm>>
      %dma_wait3A_327 = arith.constant 0 : i32
      %dma_wait3A_328 = tpu.memref_slice %arg4[%add3A_250, %dma_wait3A_327] : memref<163840x128xf32, #tpu.memory_space<hbm>> -> memref<128x128xf32, #tpu.memory_space<hbm>>
      tpu.wait_dma2 semaphore(%run_scoped3A : memref<!tpu.dma_semaphore, #tpu.memory_space<semaphore_mem>>) src(%arg6 : memref<128x128xf32, #tpu.memory_space<vmem>>) dst(%dma_wait3A_328 : memref<128x128xf32, #tpu.memory_space<hbm>>)
      tpu.yield
    }) : () -> ()
    %add3A_257 = arith.constant 4096 : i32
    %add3A_258 = arith.addi %mul3A_2, %add3A_257 : i32
    "tpu.region"() ({
      %run_scoped3A = tpu.sem_alloc : memref<!tpu.dma_semaphore, #tpu.memory_space<semaphore_mem>>
      %dma_start3A_321 = tpu.memref_slice %arg3[%add3A_258] : memref<163840xi32, #tpu.memory_space<hbm>> -> memref<128xi32, #tpu.memory_space<hbm>>
      %dma_start3A_322 = tpu.memref_slice %arg3[%add3A_258] : memref<163840xi32, #tpu.memory_space<hbm>> -> memref<128xi32, #tpu.memory_space<hbm>>
      tpu.enqueue_dma source(%dma_start3A_322 : memref<128xi32, #tpu.memory_space<hbm>>) target(%arg5 : memref<128xi32, #tpu.memory_space<vmem>>) target_semaphore(%run_scoped3A : memref<!tpu.dma_semaphore, #tpu.memory_space<semaphore_mem>>)
      %dma_wait3A_323 = tpu.memref_slice %arg3[%add3A_258] : memref<163840xi32, #tpu.memory_space<hbm>> -> memref<128xi32, #tpu.memory_space<hbm>>
      %dma_wait3A_324 = tpu.memref_slice %arg3[%add3A_258] : memref<163840xi32, #tpu.memory_space<hbm>> -> memref<128xi32, #tpu.memory_space<hbm>>
      tpu.wait_dma2 semaphore(%run_scoped3A : memref<!tpu.dma_semaphore, #tpu.memory_space<semaphore_mem>>) src(%dma_wait3A_324 : memref<128xi32, #tpu.memory_space<hbm>>) dst(%arg5 : memref<128xi32, #tpu.memory_space<vmem>>)
      tpu.yield
    }) : () -> ()
    %dma_start3A_259 = arith.constant 0 : i32
    %dma_start3A_260 = arith.constant 0 : i32
    %dma_start3A_261 = tpu.memref_slice %arg2[%dma_start3A_259, %dma_start3A_260] : memref<10240x128xf32, #tpu.memory_space<hbm>> -> memref<10240x128xf32, #tpu.memory_space<hbm>>
    tpu.enqueue_indirect_dma source(%dma_start3A_261 : memref<10240x128xf32, #tpu.memory_space<hbm>>) target(%arg6 : memref<128x128xf32, #tpu.memory_space<vmem>>) offsets(%arg5 : memref<128xi32, #tpu.memory_space<vmem>>) semaphore(%arg7 : memref<!tpu.dma_semaphore, #tpu.memory_space<semaphore_mem>>)
    %dma_wait3A_262 = arith.constant 0 : i32
    %dma_wait3A_263 = arith.constant 0 : i32
    %dma_wait3A_264 = tpu.memref_slice %arg2[%dma_wait3A_262, %dma_wait3A_263] : memref<10240x128xf32, #tpu.memory_space<hbm>> -> memref<10240x128xf32, #tpu.memory_space<hbm>>
    tpu.wait_indirect_dma semaphore(%arg7 : memref<!tpu.dma_semaphore, #tpu.memory_space<semaphore_mem>>) src(%dma_wait3A_264 : memref<10240x128xf32, #tpu.memory_space<hbm>>) dst(%arg6 : memref<128x128xf32, #tpu.memory_space<vmem>>)
    "tpu.region"() ({
      %run_scoped3A = tpu.sem_alloc : memref<!tpu.dma_semaphore, #tpu.memory_space<semaphore_mem>>
      %dma_start3A_321 = arith.constant 0 : i32
      %dma_start3A_322 = tpu.memref_slice %arg4[%add3A_258, %dma_start3A_321] : memref<163840x128xf32, #tpu.memory_space<hbm>> -> memref<128x128xf32, #tpu.memory_space<hbm>>
      %dma_start3A_323 = arith.constant 0 : i32
      %dma_start3A_324 = tpu.memref_slice %arg4[%add3A_258, %dma_start3A_323] : memref<163840x128xf32, #tpu.memory_space<hbm>> -> memref<128x128xf32, #tpu.memory_space<hbm>>
      tpu.enqueue_dma source(%arg6 : memref<128x128xf32, #tpu.memory_space<vmem>>) target(%dma_start3A_324 : memref<128x128xf32, #tpu.memory_space<hbm>>) target_semaphore(%run_scoped3A : memref<!tpu.dma_semaphore, #tpu.memory_space<semaphore_mem>>)
      %dma_wait3A_325 = arith.constant 0 : i32
      %dma_wait3A_326 = tpu.memref_slice %arg4[%add3A_258, %dma_wait3A_325] : memref<163840x128xf32, #tpu.memory_space<hbm>> -> memref<128x128xf32, #tpu.memory_space<hbm>>
      %dma_wait3A_327 = arith.constant 0 : i32
      %dma_wait3A_328 = tpu.memref_slice %arg4[%add3A_258, %dma_wait3A_327] : memref<163840x128xf32, #tpu.memory_space<hbm>> -> memref<128x128xf32, #tpu.memory_space<hbm>>
      tpu.wait_dma2 semaphore(%run_scoped3A : memref<!tpu.dma_semaphore, #tpu.memory_space<semaphore_mem>>) src(%arg6 : memref<128x128xf32, #tpu.memory_space<vmem>>) dst(%dma_wait3A_328 : memref<128x128xf32, #tpu.memory_space<hbm>>)
      tpu.yield
    }) : () -> ()
    %add3A_265 = arith.constant 4224 : i32
    %add3A_266 = arith.addi %mul3A_2, %add3A_265 : i32
    "tpu.region"() ({
      %run_scoped3A = tpu.sem_alloc : memref<!tpu.dma_semaphore, #tpu.memory_space<semaphore_mem>>
      %dma_start3A_321 = tpu.memref_slice %arg3[%add3A_266] : memref<163840xi32, #tpu.memory_space<hbm>> -> memref<128xi32, #tpu.memory_space<hbm>>
      %dma_start3A_322 = tpu.memref_slice %arg3[%add3A_266] : memref<163840xi32, #tpu.memory_space<hbm>> -> memref<128xi32, #tpu.memory_space<hbm>>
      tpu.enqueue_dma source(%dma_start3A_322 : memref<128xi32, #tpu.memory_space<hbm>>) target(%arg5 : memref<128xi32, #tpu.memory_space<vmem>>) target_semaphore(%run_scoped3A : memref<!tpu.dma_semaphore, #tpu.memory_space<semaphore_mem>>)
      %dma_wait3A_323 = tpu.memref_slice %arg3[%add3A_266] : memref<163840xi32, #tpu.memory_space<hbm>> -> memref<128xi32, #tpu.memory_space<hbm>>
      %dma_wait3A_324 = tpu.memref_slice %arg3[%add3A_266] : memref<163840xi32, #tpu.memory_space<hbm>> -> memref<128xi32, #tpu.memory_space<hbm>>
      tpu.wait_dma2 semaphore(%run_scoped3A : memref<!tpu.dma_semaphore, #tpu.memory_space<semaphore_mem>>) src(%dma_wait3A_324 : memref<128xi32, #tpu.memory_space<hbm>>) dst(%arg5 : memref<128xi32, #tpu.memory_space<vmem>>)
      tpu.yield
    }) : () -> ()
    %dma_start3A_267 = arith.constant 0 : i32
    %dma_start3A_268 = arith.constant 0 : i32
    %dma_start3A_269 = tpu.memref_slice %arg2[%dma_start3A_267, %dma_start3A_268] : memref<10240x128xf32, #tpu.memory_space<hbm>> -> memref<10240x128xf32, #tpu.memory_space<hbm>>
    tpu.enqueue_indirect_dma source(%dma_start3A_269 : memref<10240x128xf32, #tpu.memory_space<hbm>>) target(%arg6 : memref<128x128xf32, #tpu.memory_space<vmem>>) offsets(%arg5 : memref<128xi32, #tpu.memory_space<vmem>>) semaphore(%arg7 : memref<!tpu.dma_semaphore, #tpu.memory_space<semaphore_mem>>)
    %dma_wait3A_270 = arith.constant 0 : i32
    %dma_wait3A_271 = arith.constant 0 : i32
    %dma_wait3A_272 = tpu.memref_slice %arg2[%dma_wait3A_270, %dma_wait3A_271] : memref<10240x128xf32, #tpu.memory_space<hbm>> -> memref<10240x128xf32, #tpu.memory_space<hbm>>
    tpu.wait_indirect_dma semaphore(%arg7 : memref<!tpu.dma_semaphore, #tpu.memory_space<semaphore_mem>>) src(%dma_wait3A_272 : memref<10240x128xf32, #tpu.memory_space<hbm>>) dst(%arg6 : memref<128x128xf32, #tpu.memory_space<vmem>>)
    "tpu.region"() ({
      %run_scoped3A = tpu.sem_alloc : memref<!tpu.dma_semaphore, #tpu.memory_space<semaphore_mem>>
      %dma_start3A_321 = arith.constant 0 : i32
      %dma_start3A_322 = tpu.memref_slice %arg4[%add3A_266, %dma_start3A_321] : memref<163840x128xf32, #tpu.memory_space<hbm>> -> memref<128x128xf32, #tpu.memory_space<hbm>>
      %dma_start3A_323 = arith.constant 0 : i32
      %dma_start3A_324 = tpu.memref_slice %arg4[%add3A_266, %dma_start3A_323] : memref<163840x128xf32, #tpu.memory_space<hbm>> -> memref<128x128xf32, #tpu.memory_space<hbm>>
      tpu.enqueue_dma source(%arg6 : memref<128x128xf32, #tpu.memory_space<vmem>>) target(%dma_start3A_324 : memref<128x128xf32, #tpu.memory_space<hbm>>) target_semaphore(%run_scoped3A : memref<!tpu.dma_semaphore, #tpu.memory_space<semaphore_mem>>)
      %dma_wait3A_325 = arith.constant 0 : i32
      %dma_wait3A_326 = tpu.memref_slice %arg4[%add3A_266, %dma_wait3A_325] : memref<163840x128xf32, #tpu.memory_space<hbm>> -> memref<128x128xf32, #tpu.memory_space<hbm>>
      %dma_wait3A_327 = arith.constant 0 : i32
      %dma_wait3A_328 = tpu.memref_slice %arg4[%add3A_266, %dma_wait3A_327] : memref<163840x128xf32, #tpu.memory_space<hbm>> -> memref<128x128xf32, #tpu.memory_space<hbm>>
      tpu.wait_dma2 semaphore(%run_scoped3A : memref<!tpu.dma_semaphore, #tpu.memory_space<semaphore_mem>>) src(%arg6 : memref<128x128xf32, #tpu.memory_space<vmem>>) dst(%dma_wait3A_328 : memref<128x128xf32, #tpu.memory_space<hbm>>)
      tpu.yield
    }) : () -> ()
    %add3A_273 = arith.constant 4352 : i32
    %add3A_274 = arith.addi %mul3A_2, %add3A_273 : i32
    "tpu.region"() ({
      %run_scoped3A = tpu.sem_alloc : memref<!tpu.dma_semaphore, #tpu.memory_space<semaphore_mem>>
      %dma_start3A_321 = tpu.memref_slice %arg3[%add3A_274] : memref<163840xi32, #tpu.memory_space<hbm>> -> memref<128xi32, #tpu.memory_space<hbm>>
      %dma_start3A_322 = tpu.memref_slice %arg3[%add3A_274] : memref<163840xi32, #tpu.memory_space<hbm>> -> memref<128xi32, #tpu.memory_space<hbm>>
      tpu.enqueue_dma source(%dma_start3A_322 : memref<128xi32, #tpu.memory_space<hbm>>) target(%arg5 : memref<128xi32, #tpu.memory_space<vmem>>) target_semaphore(%run_scoped3A : memref<!tpu.dma_semaphore, #tpu.memory_space<semaphore_mem>>)
      %dma_wait3A_323 = tpu.memref_slice %arg3[%add3A_274] : memref<163840xi32, #tpu.memory_space<hbm>> -> memref<128xi32, #tpu.memory_space<hbm>>
      %dma_wait3A_324 = tpu.memref_slice %arg3[%add3A_274] : memref<163840xi32, #tpu.memory_space<hbm>> -> memref<128xi32, #tpu.memory_space<hbm>>
      tpu.wait_dma2 semaphore(%run_scoped3A : memref<!tpu.dma_semaphore, #tpu.memory_space<semaphore_mem>>) src(%dma_wait3A_324 : memref<128xi32, #tpu.memory_space<hbm>>) dst(%arg5 : memref<128xi32, #tpu.memory_space<vmem>>)
      tpu.yield
    }) : () -> ()
    %dma_start3A_275 = arith.constant 0 : i32
    %dma_start3A_276 = arith.constant 0 : i32
    %dma_start3A_277 = tpu.memref_slice %arg2[%dma_start3A_275, %dma_start3A_276] : memref<10240x128xf32, #tpu.memory_space<hbm>> -> memref<10240x128xf32, #tpu.memory_space<hbm>>
    tpu.enqueue_indirect_dma source(%dma_start3A_277 : memref<10240x128xf32, #tpu.memory_space<hbm>>) target(%arg6 : memref<128x128xf32, #tpu.memory_space<vmem>>) offsets(%arg5 : memref<128xi32, #tpu.memory_space<vmem>>) semaphore(%arg7 : memref<!tpu.dma_semaphore, #tpu.memory_space<semaphore_mem>>)
    %dma_wait3A_278 = arith.constant 0 : i32
    %dma_wait3A_279 = arith.constant 0 : i32
    %dma_wait3A_280 = tpu.memref_slice %arg2[%dma_wait3A_278, %dma_wait3A_279] : memref<10240x128xf32, #tpu.memory_space<hbm>> -> memref<10240x128xf32, #tpu.memory_space<hbm>>
    tpu.wait_indirect_dma semaphore(%arg7 : memref<!tpu.dma_semaphore, #tpu.memory_space<semaphore_mem>>) src(%dma_wait3A_280 : memref<10240x128xf32, #tpu.memory_space<hbm>>) dst(%arg6 : memref<128x128xf32, #tpu.memory_space<vmem>>)
    "tpu.region"() ({
      %run_scoped3A = tpu.sem_alloc : memref<!tpu.dma_semaphore, #tpu.memory_space<semaphore_mem>>
      %dma_start3A_321 = arith.constant 0 : i32
      %dma_start3A_322 = tpu.memref_slice %arg4[%add3A_274, %dma_start3A_321] : memref<163840x128xf32, #tpu.memory_space<hbm>> -> memref<128x128xf32, #tpu.memory_space<hbm>>
      %dma_start3A_323 = arith.constant 0 : i32
      %dma_start3A_324 = tpu.memref_slice %arg4[%add3A_274, %dma_start3A_323] : memref<163840x128xf32, #tpu.memory_space<hbm>> -> memref<128x128xf32, #tpu.memory_space<hbm>>
      tpu.enqueue_dma source(%arg6 : memref<128x128xf32, #tpu.memory_space<vmem>>) target(%dma_start3A_324 : memref<128x128xf32, #tpu.memory_space<hbm>>) target_semaphore(%run_scoped3A : memref<!tpu.dma_semaphore, #tpu.memory_space<semaphore_mem>>)
      %dma_wait3A_325 = arith.constant 0 : i32
      %dma_wait3A_326 = tpu.memref_slice %arg4[%add3A_274, %dma_wait3A_325] : memref<163840x128xf32, #tpu.memory_space<hbm>> -> memref<128x128xf32, #tpu.memory_space<hbm>>
      %dma_wait3A_327 = arith.constant 0 : i32
      %dma_wait3A_328 = tpu.memref_slice %arg4[%add3A_274, %dma_wait3A_327] : memref<163840x128xf32, #tpu.memory_space<hbm>> -> memref<128x128xf32, #tpu.memory_space<hbm>>
      tpu.wait_dma2 semaphore(%run_scoped3A : memref<!tpu.dma_semaphore, #tpu.memory_space<semaphore_mem>>) src(%arg6 : memref<128x128xf32, #tpu.memory_space<vmem>>) dst(%dma_wait3A_328 : memref<128x128xf32, #tpu.memory_space<hbm>>)
      tpu.yield
    }) : () -> ()
    %add3A_281 = arith.constant 4480 : i32
    %add3A_282 = arith.addi %mul3A_2, %add3A_281 : i32
    "tpu.region"() ({
      %run_scoped3A = tpu.sem_alloc : memref<!tpu.dma_semaphore, #tpu.memory_space<semaphore_mem>>
      %dma_start3A_321 = tpu.memref_slice %arg3[%add3A_282] : memref<163840xi32, #tpu.memory_space<hbm>> -> memref<128xi32, #tpu.memory_space<hbm>>
      %dma_start3A_322 = tpu.memref_slice %arg3[%add3A_282] : memref<163840xi32, #tpu.memory_space<hbm>> -> memref<128xi32, #tpu.memory_space<hbm>>
      tpu.enqueue_dma source(%dma_start3A_322 : memref<128xi32, #tpu.memory_space<hbm>>) target(%arg5 : memref<128xi32, #tpu.memory_space<vmem>>) target_semaphore(%run_scoped3A : memref<!tpu.dma_semaphore, #tpu.memory_space<semaphore_mem>>)
      %dma_wait3A_323 = tpu.memref_slice %arg3[%add3A_282] : memref<163840xi32, #tpu.memory_space<hbm>> -> memref<128xi32, #tpu.memory_space<hbm>>
      %dma_wait3A_324 = tpu.memref_slice %arg3[%add3A_282] : memref<163840xi32, #tpu.memory_space<hbm>> -> memref<128xi32, #tpu.memory_space<hbm>>
      tpu.wait_dma2 semaphore(%run_scoped3A : memref<!tpu.dma_semaphore, #tpu.memory_space<semaphore_mem>>) src(%dma_wait3A_324 : memref<128xi32, #tpu.memory_space<hbm>>) dst(%arg5 : memref<128xi32, #tpu.memory_space<vmem>>)
      tpu.yield
    }) : () -> ()
    %dma_start3A_283 = arith.constant 0 : i32
    %dma_start3A_284 = arith.constant 0 : i32
    %dma_start3A_285 = tpu.memref_slice %arg2[%dma_start3A_283, %dma_start3A_284] : memref<10240x128xf32, #tpu.memory_space<hbm>> -> memref<10240x128xf32, #tpu.memory_space<hbm>>
    tpu.enqueue_indirect_dma source(%dma_start3A_285 : memref<10240x128xf32, #tpu.memory_space<hbm>>) target(%arg6 : memref<128x128xf32, #tpu.memory_space<vmem>>) offsets(%arg5 : memref<128xi32, #tpu.memory_space<vmem>>) semaphore(%arg7 : memref<!tpu.dma_semaphore, #tpu.memory_space<semaphore_mem>>)
    %dma_wait3A_286 = arith.constant 0 : i32
    %dma_wait3A_287 = arith.constant 0 : i32
    %dma_wait3A_288 = tpu.memref_slice %arg2[%dma_wait3A_286, %dma_wait3A_287] : memref<10240x128xf32, #tpu.memory_space<hbm>> -> memref<10240x128xf32, #tpu.memory_space<hbm>>
    tpu.wait_indirect_dma semaphore(%arg7 : memref<!tpu.dma_semaphore, #tpu.memory_space<semaphore_mem>>) src(%dma_wait3A_288 : memref<10240x128xf32, #tpu.memory_space<hbm>>) dst(%arg6 : memref<128x128xf32, #tpu.memory_space<vmem>>)
    "tpu.region"() ({
      %run_scoped3A = tpu.sem_alloc : memref<!tpu.dma_semaphore, #tpu.memory_space<semaphore_mem>>
      %dma_start3A_321 = arith.constant 0 : i32
      %dma_start3A_322 = tpu.memref_slice %arg4[%add3A_282, %dma_start3A_321] : memref<163840x128xf32, #tpu.memory_space<hbm>> -> memref<128x128xf32, #tpu.memory_space<hbm>>
      %dma_start3A_323 = arith.constant 0 : i32
      %dma_start3A_324 = tpu.memref_slice %arg4[%add3A_282, %dma_start3A_323] : memref<163840x128xf32, #tpu.memory_space<hbm>> -> memref<128x128xf32, #tpu.memory_space<hbm>>
      tpu.enqueue_dma source(%arg6 : memref<128x128xf32, #tpu.memory_space<vmem>>) target(%dma_start3A_324 : memref<128x128xf32, #tpu.memory_space<hbm>>) target_semaphore(%run_scoped3A : memref<!tpu.dma_semaphore, #tpu.memory_space<semaphore_mem>>)
      %dma_wait3A_325 = arith.constant 0 : i32
      %dma_wait3A_326 = tpu.memref_slice %arg4[%add3A_282, %dma_wait3A_325] : memref<163840x128xf32, #tpu.memory_space<hbm>> -> memref<128x128xf32, #tpu.memory_space<hbm>>
      %dma_wait3A_327 = arith.constant 0 : i32
      %dma_wait3A_328 = tpu.memref_slice %arg4[%add3A_282, %dma_wait3A_327] : memref<163840x128xf32, #tpu.memory_space<hbm>> -> memref<128x128xf32, #tpu.memory_space<hbm>>
      tpu.wait_dma2 semaphore(%run_scoped3A : memref<!tpu.dma_semaphore, #tpu.memory_space<semaphore_mem>>) src(%arg6 : memref<128x128xf32, #tpu.memory_space<vmem>>) dst(%dma_wait3A_328 : memref<128x128xf32, #tpu.memory_space<hbm>>)
      tpu.yield
    }) : () -> ()
    %add3A_289 = arith.constant 4608 : i32
    %add3A_290 = arith.addi %mul3A_2, %add3A_289 : i32
    "tpu.region"() ({
      %run_scoped3A = tpu.sem_alloc : memref<!tpu.dma_semaphore, #tpu.memory_space<semaphore_mem>>
      %dma_start3A_321 = tpu.memref_slice %arg3[%add3A_290] : memref<163840xi32, #tpu.memory_space<hbm>> -> memref<128xi32, #tpu.memory_space<hbm>>
      %dma_start3A_322 = tpu.memref_slice %arg3[%add3A_290] : memref<163840xi32, #tpu.memory_space<hbm>> -> memref<128xi32, #tpu.memory_space<hbm>>
      tpu.enqueue_dma source(%dma_start3A_322 : memref<128xi32, #tpu.memory_space<hbm>>) target(%arg5 : memref<128xi32, #tpu.memory_space<vmem>>) target_semaphore(%run_scoped3A : memref<!tpu.dma_semaphore, #tpu.memory_space<semaphore_mem>>)
      %dma_wait3A_323 = tpu.memref_slice %arg3[%add3A_290] : memref<163840xi32, #tpu.memory_space<hbm>> -> memref<128xi32, #tpu.memory_space<hbm>>
      %dma_wait3A_324 = tpu.memref_slice %arg3[%add3A_290] : memref<163840xi32, #tpu.memory_space<hbm>> -> memref<128xi32, #tpu.memory_space<hbm>>
      tpu.wait_dma2 semaphore(%run_scoped3A : memref<!tpu.dma_semaphore, #tpu.memory_space<semaphore_mem>>) src(%dma_wait3A_324 : memref<128xi32, #tpu.memory_space<hbm>>) dst(%arg5 : memref<128xi32, #tpu.memory_space<vmem>>)
      tpu.yield
    }) : () -> ()
    %dma_start3A_291 = arith.constant 0 : i32
    %dma_start3A_292 = arith.constant 0 : i32
    %dma_start3A_293 = tpu.memref_slice %arg2[%dma_start3A_291, %dma_start3A_292] : memref<10240x128xf32, #tpu.memory_space<hbm>> -> memref<10240x128xf32, #tpu.memory_space<hbm>>
    tpu.enqueue_indirect_dma source(%dma_start3A_293 : memref<10240x128xf32, #tpu.memory_space<hbm>>) target(%arg6 : memref<128x128xf32, #tpu.memory_space<vmem>>) offsets(%arg5 : memref<128xi32, #tpu.memory_space<vmem>>) semaphore(%arg7 : memref<!tpu.dma_semaphore, #tpu.memory_space<semaphore_mem>>)
    %dma_wait3A_294 = arith.constant 0 : i32
    %dma_wait3A_295 = arith.constant 0 : i32
    %dma_wait3A_296 = tpu.memref_slice %arg2[%dma_wait3A_294, %dma_wait3A_295] : memref<10240x128xf32, #tpu.memory_space<hbm>> -> memref<10240x128xf32, #tpu.memory_space<hbm>>
    tpu.wait_indirect_dma semaphore(%arg7 : memref<!tpu.dma_semaphore, #tpu.memory_space<semaphore_mem>>) src(%dma_wait3A_296 : memref<10240x128xf32, #tpu.memory_space<hbm>>) dst(%arg6 : memref<128x128xf32, #tpu.memory_space<vmem>>)
    "tpu.region"() ({
      %run_scoped3A = tpu.sem_alloc : memref<!tpu.dma_semaphore, #tpu.memory_space<semaphore_mem>>
      %dma_start3A_321 = arith.constant 0 : i32
      %dma_start3A_322 = tpu.memref_slice %arg4[%add3A_290, %dma_start3A_321] : memref<163840x128xf32, #tpu.memory_space<hbm>> -> memref<128x128xf32, #tpu.memory_space<hbm>>
      %dma_start3A_323 = arith.constant 0 : i32
      %dma_start3A_324 = tpu.memref_slice %arg4[%add3A_290, %dma_start3A_323] : memref<163840x128xf32, #tpu.memory_space<hbm>> -> memref<128x128xf32, #tpu.memory_space<hbm>>
      tpu.enqueue_dma source(%arg6 : memref<128x128xf32, #tpu.memory_space<vmem>>) target(%dma_start3A_324 : memref<128x128xf32, #tpu.memory_space<hbm>>) target_semaphore(%run_scoped3A : memref<!tpu.dma_semaphore, #tpu.memory_space<semaphore_mem>>)
      %dma_wait3A_325 = arith.constant 0 : i32
      %dma_wait3A_326 = tpu.memref_slice %arg4[%add3A_290, %dma_wait3A_325] : memref<163840x128xf32, #tpu.memory_space<hbm>> -> memref<128x128xf32, #tpu.memory_space<hbm>>
      %dma_wait3A_327 = arith.constant 0 : i32
      %dma_wait3A_328 = tpu.memref_slice %arg4[%add3A_290, %dma_wait3A_327] : memref<163840x128xf32, #tpu.memory_space<hbm>> -> memref<128x128xf32, #tpu.memory_space<hbm>>
      tpu.wait_dma2 semaphore(%run_scoped3A : memref<!tpu.dma_semaphore, #tpu.memory_space<semaphore_mem>>) src(%arg6 : memref<128x128xf32, #tpu.memory_space<vmem>>) dst(%dma_wait3A_328 : memref<128x128xf32, #tpu.memory_space<hbm>>)
      tpu.yield
    }) : () -> ()
    %add3A_297 = arith.constant 4736 : i32
    %add3A_298 = arith.addi %mul3A_2, %add3A_297 : i32
    "tpu.region"() ({
      %run_scoped3A = tpu.sem_alloc : memref<!tpu.dma_semaphore, #tpu.memory_space<semaphore_mem>>
      %dma_start3A_321 = tpu.memref_slice %arg3[%add3A_298] : memref<163840xi32, #tpu.memory_space<hbm>> -> memref<128xi32, #tpu.memory_space<hbm>>
      %dma_start3A_322 = tpu.memref_slice %arg3[%add3A_298] : memref<163840xi32, #tpu.memory_space<hbm>> -> memref<128xi32, #tpu.memory_space<hbm>>
      tpu.enqueue_dma source(%dma_start3A_322 : memref<128xi32, #tpu.memory_space<hbm>>) target(%arg5 : memref<128xi32, #tpu.memory_space<vmem>>) target_semaphore(%run_scoped3A : memref<!tpu.dma_semaphore, #tpu.memory_space<semaphore_mem>>)
      %dma_wait3A_323 = tpu.memref_slice %arg3[%add3A_298] : memref<163840xi32, #tpu.memory_space<hbm>> -> memref<128xi32, #tpu.memory_space<hbm>>
      %dma_wait3A_324 = tpu.memref_slice %arg3[%add3A_298] : memref<163840xi32, #tpu.memory_space<hbm>> -> memref<128xi32, #tpu.memory_space<hbm>>
      tpu.wait_dma2 semaphore(%run_scoped3A : memref<!tpu.dma_semaphore, #tpu.memory_space<semaphore_mem>>) src(%dma_wait3A_324 : memref<128xi32, #tpu.memory_space<hbm>>) dst(%arg5 : memref<128xi32, #tpu.memory_space<vmem>>)
      tpu.yield
    }) : () -> ()
    %dma_start3A_299 = arith.constant 0 : i32
    %dma_start3A_300 = arith.constant 0 : i32
    %dma_start3A_301 = tpu.memref_slice %arg2[%dma_start3A_299, %dma_start3A_300] : memref<10240x128xf32, #tpu.memory_space<hbm>> -> memref<10240x128xf32, #tpu.memory_space<hbm>>
    tpu.enqueue_indirect_dma source(%dma_start3A_301 : memref<10240x128xf32, #tpu.memory_space<hbm>>) target(%arg6 : memref<128x128xf32, #tpu.memory_space<vmem>>) offsets(%arg5 : memref<128xi32, #tpu.memory_space<vmem>>) semaphore(%arg7 : memref<!tpu.dma_semaphore, #tpu.memory_space<semaphore_mem>>)
    %dma_wait3A_302 = arith.constant 0 : i32
    %dma_wait3A_303 = arith.constant 0 : i32
    %dma_wait3A_304 = tpu.memref_slice %arg2[%dma_wait3A_302, %dma_wait3A_303] : memref<10240x128xf32, #tpu.memory_space<hbm>> -> memref<10240x128xf32, #tpu.memory_space<hbm>>
    tpu.wait_indirect_dma semaphore(%arg7 : memref<!tpu.dma_semaphore, #tpu.memory_space<semaphore_mem>>) src(%dma_wait3A_304 : memref<10240x128xf32, #tpu.memory_space<hbm>>) dst(%arg6 : memref<128x128xf32, #tpu.memory_space<vmem>>)
    "tpu.region"() ({
      %run_scoped3A = tpu.sem_alloc : memref<!tpu.dma_semaphore, #tpu.memory_space<semaphore_mem>>
      %dma_start3A_321 = arith.constant 0 : i32
      %dma_start3A_322 = tpu.memref_slice %arg4[%add3A_298, %dma_start3A_321] : memref<163840x128xf32, #tpu.memory_space<hbm>> -> memref<128x128xf32, #tpu.memory_space<hbm>>
      %dma_start3A_323 = arith.constant 0 : i32
      %dma_start3A_324 = tpu.memref_slice %arg4[%add3A_298, %dma_start3A_323] : memref<163840x128xf32, #tpu.memory_space<hbm>> -> memref<128x128xf32, #tpu.memory_space<hbm>>
      tpu.enqueue_dma source(%arg6 : memref<128x128xf32, #tpu.memory_space<vmem>>) target(%dma_start3A_324 : memref<128x128xf32, #tpu.memory_space<hbm>>) target_semaphore(%run_scoped3A : memref<!tpu.dma_semaphore, #tpu.memory_space<semaphore_mem>>)
      %dma_wait3A_325 = arith.constant 0 : i32
      %dma_wait3A_326 = tpu.memref_slice %arg4[%add3A_298, %dma_wait3A_325] : memref<163840x128xf32, #tpu.memory_space<hbm>> -> memref<128x128xf32, #tpu.memory_space<hbm>>
      %dma_wait3A_327 = arith.constant 0 : i32
      %dma_wait3A_328 = tpu.memref_slice %arg4[%add3A_298, %dma_wait3A_327] : memref<163840x128xf32, #tpu.memory_space<hbm>> -> memref<128x128xf32, #tpu.memory_space<hbm>>
      tpu.wait_dma2 semaphore(%run_scoped3A : memref<!tpu.dma_semaphore, #tpu.memory_space<semaphore_mem>>) src(%arg6 : memref<128x128xf32, #tpu.memory_space<vmem>>) dst(%dma_wait3A_328 : memref<128x128xf32, #tpu.memory_space<hbm>>)
      tpu.yield
    }) : () -> ()
    %add3A_305 = arith.constant 4864 : i32
    %add3A_306 = arith.addi %mul3A_2, %add3A_305 : i32
    "tpu.region"() ({
      %run_scoped3A = tpu.sem_alloc : memref<!tpu.dma_semaphore, #tpu.memory_space<semaphore_mem>>
      %dma_start3A_321 = tpu.memref_slice %arg3[%add3A_306] : memref<163840xi32, #tpu.memory_space<hbm>> -> memref<128xi32, #tpu.memory_space<hbm>>
      %dma_start3A_322 = tpu.memref_slice %arg3[%add3A_306] : memref<163840xi32, #tpu.memory_space<hbm>> -> memref<128xi32, #tpu.memory_space<hbm>>
      tpu.enqueue_dma source(%dma_start3A_322 : memref<128xi32, #tpu.memory_space<hbm>>) target(%arg5 : memref<128xi32, #tpu.memory_space<vmem>>) target_semaphore(%run_scoped3A : memref<!tpu.dma_semaphore, #tpu.memory_space<semaphore_mem>>)
      %dma_wait3A_323 = tpu.memref_slice %arg3[%add3A_306] : memref<163840xi32, #tpu.memory_space<hbm>> -> memref<128xi32, #tpu.memory_space<hbm>>
      %dma_wait3A_324 = tpu.memref_slice %arg3[%add3A_306] : memref<163840xi32, #tpu.memory_space<hbm>> -> memref<128xi32, #tpu.memory_space<hbm>>
      tpu.wait_dma2 semaphore(%run_scoped3A : memref<!tpu.dma_semaphore, #tpu.memory_space<semaphore_mem>>) src(%dma_wait3A_324 : memref<128xi32, #tpu.memory_space<hbm>>) dst(%arg5 : memref<128xi32, #tpu.memory_space<vmem>>)
      tpu.yield
    }) : () -> ()
    %dma_start3A_307 = arith.constant 0 : i32
    %dma_start3A_308 = arith.constant 0 : i32
    %dma_start3A_309 = tpu.memref_slice %arg2[%dma_start3A_307, %dma_start3A_308] : memref<10240x128xf32, #tpu.memory_space<hbm>> -> memref<10240x128xf32, #tpu.memory_space<hbm>>
    tpu.enqueue_indirect_dma source(%dma_start3A_309 : memref<10240x128xf32, #tpu.memory_space<hbm>>) target(%arg6 : memref<128x128xf32, #tpu.memory_space<vmem>>) offsets(%arg5 : memref<128xi32, #tpu.memory_space<vmem>>) semaphore(%arg7 : memref<!tpu.dma_semaphore, #tpu.memory_space<semaphore_mem>>)
    %dma_wait3A_310 = arith.constant 0 : i32
    %dma_wait3A_311 = arith.constant 0 : i32
    %dma_wait3A_312 = tpu.memref_slice %arg2[%dma_wait3A_310, %dma_wait3A_311] : memref<10240x128xf32, #tpu.memory_space<hbm>> -> memref<10240x128xf32, #tpu.memory_space<hbm>>
    tpu.wait_indirect_dma semaphore(%arg7 : memref<!tpu.dma_semaphore, #tpu.memory_space<semaphore_mem>>) src(%dma_wait3A_312 : memref<10240x128xf32, #tpu.memory_space<hbm>>) dst(%arg6 : memref<128x128xf32, #tpu.memory_space<vmem>>)
    "tpu.region"() ({
      %run_scoped3A = tpu.sem_alloc : memref<!tpu.dma_semaphore, #tpu.memory_space<semaphore_mem>>
      %dma_start3A_321 = arith.constant 0 : i32
      %dma_start3A_322 = tpu.memref_slice %arg4[%add3A_306, %dma_start3A_321] : memref<163840x128xf32, #tpu.memory_space<hbm>> -> memref<128x128xf32, #tpu.memory_space<hbm>>
      %dma_start3A_323 = arith.constant 0 : i32
      %dma_start3A_324 = tpu.memref_slice %arg4[%add3A_306, %dma_start3A_323] : memref<163840x128xf32, #tpu.memory_space<hbm>> -> memref<128x128xf32, #tpu.memory_space<hbm>>
      tpu.enqueue_dma source(%arg6 : memref<128x128xf32, #tpu.memory_space<vmem>>) target(%dma_start3A_324 : memref<128x128xf32, #tpu.memory_space<hbm>>) target_semaphore(%run_scoped3A : memref<!tpu.dma_semaphore, #tpu.memory_space<semaphore_mem>>)
      %dma_wait3A_325 = arith.constant 0 : i32
      %dma_wait3A_326 = tpu.memref_slice %arg4[%add3A_306, %dma_wait3A_325] : memref<163840x128xf32, #tpu.memory_space<hbm>> -> memref<128x128xf32, #tpu.memory_space<hbm>>
      %dma_wait3A_327 = arith.constant 0 : i32
      %dma_wait3A_328 = tpu.memref_slice %arg4[%add3A_306, %dma_wait3A_327] : memref<163840x128xf32, #tpu.memory_space<hbm>> -> memref<128x128xf32, #tpu.memory_space<hbm>>
      tpu.wait_dma2 semaphore(%run_scoped3A : memref<!tpu.dma_semaphore, #tpu.memory_space<semaphore_mem>>) src(%arg6 : memref<128x128xf32, #tpu.memory_space<vmem>>) dst(%dma_wait3A_328 : memref<128x128xf32, #tpu.memory_space<hbm>>)
      tpu.yield
    }) : () -> ()
    %add3A_313 = arith.constant 4992 : i32
    %add3A_314 = arith.addi %mul3A_2, %add3A_313 : i32
    "tpu.region"() ({
      %run_scoped3A = tpu.sem_alloc : memref<!tpu.dma_semaphore, #tpu.memory_space<semaphore_mem>>
      %dma_start3A_321 = tpu.memref_slice %arg3[%add3A_314] : memref<163840xi32, #tpu.memory_space<hbm>> -> memref<128xi32, #tpu.memory_space<hbm>>
      %dma_start3A_322 = tpu.memref_slice %arg3[%add3A_314] : memref<163840xi32, #tpu.memory_space<hbm>> -> memref<128xi32, #tpu.memory_space<hbm>>
      tpu.enqueue_dma source(%dma_start3A_322 : memref<128xi32, #tpu.memory_space<hbm>>) target(%arg5 : memref<128xi32, #tpu.memory_space<vmem>>) target_semaphore(%run_scoped3A : memref<!tpu.dma_semaphore, #tpu.memory_space<semaphore_mem>>)
      %dma_wait3A_323 = tpu.memref_slice %arg3[%add3A_314] : memref<163840xi32, #tpu.memory_space<hbm>> -> memref<128xi32, #tpu.memory_space<hbm>>
      %dma_wait3A_324 = tpu.memref_slice %arg3[%add3A_314] : memref<163840xi32, #tpu.memory_space<hbm>> -> memref<128xi32, #tpu.memory_space<hbm>>
      tpu.wait_dma2 semaphore(%run_scoped3A : memref<!tpu.dma_semaphore, #tpu.memory_space<semaphore_mem>>) src(%dma_wait3A_324 : memref<128xi32, #tpu.memory_space<hbm>>) dst(%arg5 : memref<128xi32, #tpu.memory_space<vmem>>)
      tpu.yield
    }) : () -> ()
    %dma_start3A_315 = arith.constant 0 : i32
    %dma_start3A_316 = arith.constant 0 : i32
    %dma_start3A_317 = tpu.memref_slice %arg2[%dma_start3A_315, %dma_start3A_316] : memref<10240x128xf32, #tpu.memory_space<hbm>> -> memref<10240x128xf32, #tpu.memory_space<hbm>>
    tpu.enqueue_indirect_dma source(%dma_start3A_317 : memref<10240x128xf32, #tpu.memory_space<hbm>>) target(%arg6 : memref<128x128xf32, #tpu.memory_space<vmem>>) offsets(%arg5 : memref<128xi32, #tpu.memory_space<vmem>>) semaphore(%arg7 : memref<!tpu.dma_semaphore, #tpu.memory_space<semaphore_mem>>)
    %dma_wait3A_318 = arith.constant 0 : i32
    %dma_wait3A_319 = arith.constant 0 : i32
    %dma_wait3A_320 = tpu.memref_slice %arg2[%dma_wait3A_318, %dma_wait3A_319] : memref<10240x128xf32, #tpu.memory_space<hbm>> -> memref<10240x128xf32, #tpu.memory_space<hbm>>
    tpu.wait_indirect_dma semaphore(%arg7 : memref<!tpu.dma_semaphore, #tpu.memory_space<semaphore_mem>>) src(%dma_wait3A_320 : memref<10240x128xf32, #tpu.memory_space<hbm>>) dst(%arg6 : memref<128x128xf32, #tpu.memory_space<vmem>>)
    "tpu.region"() ({
      %run_scoped3A = tpu.sem_alloc : memref<!tpu.dma_semaphore, #tpu.memory_space<semaphore_mem>>
      %dma_start3A_321 = arith.constant 0 : i32
      %dma_start3A_322 = tpu.memref_slice %arg4[%add3A_314, %dma_start3A_321] : memref<163840x128xf32, #tpu.memory_space<hbm>> -> memref<128x128xf32, #tpu.memory_space<hbm>>
      %dma_start3A_323 = arith.constant 0 : i32
      %dma_start3A_324 = tpu.memref_slice %arg4[%add3A_314, %dma_start3A_323] : memref<163840x128xf32, #tpu.memory_space<hbm>> -> memref<128x128xf32, #tpu.memory_space<hbm>>
      tpu.enqueue_dma source(%arg6 : memref<128x128xf32, #tpu.memory_space<vmem>>) target(%dma_start3A_324 : memref<128x128xf32, #tpu.memory_space<hbm>>) target_semaphore(%run_scoped3A : memref<!tpu.dma_semaphore, #tpu.memory_space<semaphore_mem>>)
      %dma_wait3A_325 = arith.constant 0 : i32
      %dma_wait3A_326 = tpu.memref_slice %arg4[%add3A_314, %dma_wait3A_325] : memref<163840x128xf32, #tpu.memory_space<hbm>> -> memref<128x128xf32, #tpu.memory_space<hbm>>
      %dma_wait3A_327 = arith.constant 0 : i32
      %dma_wait3A_328 = tpu.memref_slice %arg4[%add3A_314, %dma_wait3A_327] : memref<163840x128xf32, #tpu.memory_space<hbm>> -> memref<128x128xf32, #tpu.memory_space<hbm>>
      tpu.wait_dma2 semaphore(%run_scoped3A : memref<!tpu.dma_semaphore, #tpu.memory_space<semaphore_mem>>) src(%arg6 : memref<128x128xf32, #tpu.memory_space<vmem>>) dst(%dma_wait3A_328 : memref<128x128xf32, #tpu.memory_space<hbm>>)
      tpu.yield
    }) : () -> ()
    return
  }
}

module attributes {stable_mosaic.version = 14 : i64} {
  func.func @_fps_body(%arg0: memref<24x1280xf32, #tpu.memory_space<vmem>>, %arg1: memref<8x320xi32, #tpu.memory_space<vmem>>) attributes {dimension_semantics = [], scalar_prefetch = 0 : i64, scratch_operands = 0 : i64, tpu.core_type = #tpu.core_type<tc>} {
    %get3A = arith.constant 0 : index
    %get3A_0 = arith.constant 0 : index
    %get3A_1 = vector.load %arg0[%get3A, %get3A_0] : memref<24x1280xf32, #tpu.memory_space<vmem>>, vector<8x1280xf32>
    %get3A_2 = arith.constant 8 : index
    %get3A_3 = arith.constant 0 : index
    %get3A_4 = vector.load %arg0[%get3A_2, %get3A_3] : memref<24x1280xf32, #tpu.memory_space<vmem>>, vector<8x1280xf32>
    %get3A_5 = arith.constant 16 : index
    %get3A_6 = arith.constant 0 : index
    %get3A_7 = vector.load %arg0[%get3A_5, %get3A_6] : memref<24x1280xf32, #tpu.memory_space<vmem>>, vector<8x1280xf32>
    %iota3A = tpu.iota {dimensions = array<i32: 0>} : vector<8x1280xi32>
    %mul3A = arith.constant 1280 : i32
    %mul3A_8 = vector.broadcast %mul3A : i32 to vector<8x1280xi32>
    %mul3A_9 = arith.muli %iota3A, %mul3A_8 : vector<8x1280xi32>
    %iota3A_10 = tpu.iota {dimensions = array<i32: 1>} : vector<8x1280xi32>
    %add3A = arith.addi %mul3A_9, %iota3A_10 : vector<8x1280xi32>
    %lt3A = arith.constant 10000 : i32
    %lt3A_11 = vector.broadcast %lt3A : i32 to vector<8x1280xi32>
    %lt3A_12 = arith.cmpi slt, %add3A, %lt3A_11 : vector<8x1280xi32>
    %eq3A = arith.constant 0 : i32
    %eq3A_13 = vector.broadcast %eq3A : i32 to vector<8x1280xi32>
    %eq3A_14 = arith.cmpi eq, %add3A, %eq3A_13 : vector<8x1280xi32>
    %jit3A = arith.constant 0.000000e+00 : f32
    %broadcast_in_dim3A = vector.broadcast %jit3A : f32 to vector<8x1280xf32>
    %select_n3A = arith.select %eq3A_14, %get3A_1, %broadcast_in_dim3A : vector<8x1280xi1>, vector<8x1280xf32>
    %reduce_sum3A = vector.shape_cast %select_n3A : vector<8x1280xf32> to vector<1x8x1280xf32>
    %reduce_sum3A_15 = arith.constant dense<0.000000e+00> : vector<1xf32>
    %reduce_sum3A_16 = vector.multi_reduction <add>, %reduce_sum3A, %reduce_sum3A_15 [1, 2] : vector<1x8x1280xf32> to vector<1xf32>
    %reduce_sum3A_17 = vector.shape_cast %reduce_sum3A_16 : vector<1xf32> to vector<1x1x1xf32>
    %reduce_sum3A_18 = vector.extract %reduce_sum3A_17[0, 0, 0] : f32 from vector<1x1x1xf32>
    %jit3A_19 = arith.constant 0.000000e+00 : f32
    %broadcast_in_dim3A_20 = vector.broadcast %jit3A_19 : f32 to vector<8x1280xf32>
    %select_n3A_21 = arith.select %eq3A_14, %get3A_4, %broadcast_in_dim3A_20 : vector<8x1280xi1>, vector<8x1280xf32>
    %reduce_sum3A_22 = vector.shape_cast %select_n3A_21 : vector<8x1280xf32> to vector<1x8x1280xf32>
    %reduce_sum3A_23 = arith.constant dense<0.000000e+00> : vector<1xf32>
    %reduce_sum3A_24 = vector.multi_reduction <add>, %reduce_sum3A_22, %reduce_sum3A_23 [1, 2] : vector<1x8x1280xf32> to vector<1xf32>
    %reduce_sum3A_25 = vector.shape_cast %reduce_sum3A_24 : vector<1xf32> to vector<1x1x1xf32>
    %reduce_sum3A_26 = vector.extract %reduce_sum3A_25[0, 0, 0] : f32 from vector<1x1x1xf32>
    %jit3A_27 = arith.constant 0.000000e+00 : f32
    %broadcast_in_dim3A_28 = vector.broadcast %jit3A_27 : f32 to vector<8x1280xf32>
    %select_n3A_29 = arith.select %eq3A_14, %get3A_7, %broadcast_in_dim3A_28 : vector<8x1280xi1>, vector<8x1280xf32>
    %reduce_sum3A_30 = vector.shape_cast %select_n3A_29 : vector<8x1280xf32> to vector<1x8x1280xf32>
    %reduce_sum3A_31 = arith.constant dense<0.000000e+00> : vector<1xf32>
    %reduce_sum3A_32 = vector.multi_reduction <add>, %reduce_sum3A_30, %reduce_sum3A_31 [1, 2] : vector<1x8x1280xf32> to vector<1xf32>
    %reduce_sum3A_33 = vector.shape_cast %reduce_sum3A_32 : vector<1xf32> to vector<1x1x1xf32>
    %reduce_sum3A_34 = vector.extract %reduce_sum3A_33[0, 0, 0] : f32 from vector<1x1x1xf32>
    %sub3A = vector.broadcast %reduce_sum3A_18 : f32 to vector<8x1280xf32>
    %sub3A_35 = arith.subf %get3A_1, %sub3A : vector<8x1280xf32>
    %sub3A_36 = vector.broadcast %reduce_sum3A_26 : f32 to vector<8x1280xf32>
    %sub3A_37 = arith.subf %get3A_4, %sub3A_36 : vector<8x1280xf32>
    %sub3A_38 = vector.broadcast %reduce_sum3A_34 : f32 to vector<8x1280xf32>
    %sub3A_39 = arith.subf %get3A_7, %sub3A_38 : vector<8x1280xf32>
    %mul3A_40 = arith.mulf %sub3A_35, %sub3A_35 : vector<8x1280xf32>
    %mul3A_41 = arith.mulf %sub3A_37, %sub3A_37 : vector<8x1280xf32>
    %add3A_42 = arith.addf %mul3A_40, %mul3A_41 : vector<8x1280xf32>
    %mul3A_43 = arith.mulf %sub3A_39, %sub3A_39 : vector<8x1280xf32>
    %add3A_44 = arith.addf %add3A_42, %mul3A_43 : vector<8x1280xf32>
    %jit3A_45 = arith.constant 0xFF800000 : f32
    %broadcast_in_dim3A_46 = vector.broadcast %jit3A_45 : f32 to vector<8x1280xf32>
    %select_n3A_47 = arith.select %lt3A_12, %add3A_44, %broadcast_in_dim3A_46 : vector<8x1280xi1>, vector<8x1280xf32>
    %iota3A_48 = tpu.iota {dimensions = array<i32: 0>} : vector<8x320xi32>
    %mul3A_49 = arith.constant 320 : i32
    %mul3A_50 = vector.broadcast %mul3A_49 : i32 to vector<8x320xi32>
    %mul3A_51 = arith.muli %iota3A_48, %mul3A_50 : vector<8x320xi32>
    %iota3A_52 = tpu.iota {dimensions = array<i32: 1>} : vector<8x320xi32>
    %add3A_53 = arith.addi %mul3A_51, %iota3A_52 : vector<8x320xi32>
    %broadcast_in_dim3A_54 = arith.constant 0 : i32
    %broadcast_in_dim3A_55 = vector.broadcast %broadcast_in_dim3A_54 : i32 to vector<8x320xi32>
    %scan3A = arith.constant 1 : i32
    %scan3A_56 = arith.constant 2499 : i32
    %scan3A_57 = arith.addi %scan3A, %scan3A_56 : i32
    %scan3A_58 = arith.constant 1 : i32
    %scan3A_59:2 = scf.for %scan3A_63 = %scan3A to %scan3A_57 step %scan3A_58 iter_args(%scan3A_64 = %select_n3A_47, %scan3A_65 = %broadcast_in_dim3A_55) -> (vector<8x1280xf32>, vector<8x320xi32>)  : i32 {
      %reduce_max3A = vector.shape_cast %scan3A_64 : vector<8x1280xf32> to vector<1x8x1280xf32>
      %reduce_max3A_66 = arith.constant dense<0xFF800000> : vector<1xf32>
      %reduce_max3A_67 = vector.multi_reduction <maximumf>, %reduce_max3A, %reduce_max3A_66 [1, 2] : vector<1x8x1280xf32> to vector<1xf32>
      %reduce_max3A_68 = vector.shape_cast %reduce_max3A_67 : vector<1xf32> to vector<1x1x1xf32>
      %reduce_max3A_69 = vector.extract %reduce_max3A_68[0, 0, 0] : f32 from vector<1x1x1xf32>
      %eq3A_70 = vector.broadcast %reduce_max3A_69 : f32 to vector<8x1280xf32>
      %eq3A_71 = arith.cmpf oeq, %scan3A_64, %eq3A_70 : vector<8x1280xf32>
      %jit3A_72 = arith.constant 1073741824 : i32
      %broadcast_in_dim3A_73 = vector.broadcast %jit3A_72 : i32 to vector<8x1280xi32>
      %select_n3A_74 = arith.select %eq3A_71, %add3A, %broadcast_in_dim3A_73 : vector<8x1280xi1>, vector<8x1280xi32>
      %reduce_min3A = vector.shape_cast %select_n3A_74 : vector<8x1280xi32> to vector<1x8x1280xi32>
      %reduce_min3A_75 = arith.constant dense<2147483647> : vector<1xi32>
      %reduce_min3A_76 = vector.multi_reduction <minsi>, %reduce_min3A, %reduce_min3A_75 [1, 2] : vector<1x8x1280xi32> to vector<1xi32>
      %reduce_min3A_77 = vector.shape_cast %reduce_min3A_76 : vector<1xi32> to vector<1x1x1xi32>
      %reduce_min3A_78 = vector.extract %reduce_min3A_77[0, 0, 0] : i32 from vector<1x1x1xi32>
      %eq3A_79 = vector.broadcast %scan3A_63 : i32 to vector<8x320xi32>
      %eq3A_80 = arith.cmpi eq, %add3A_53, %eq3A_79 : vector<8x320xi32>
      %broadcast_in_dim3A_81 = vector.broadcast %reduce_min3A_78 : i32 to vector<8x320xi32>
      %select_n3A_82 = arith.select %eq3A_80, %broadcast_in_dim3A_81, %scan3A_65 : vector<8x320xi1>, vector<8x320xi32>
      %eq3A_83 = vector.broadcast %reduce_min3A_78 : i32 to vector<8x1280xi32>
      %eq3A_84 = arith.cmpi eq, %add3A, %eq3A_83 : vector<8x1280xi32>
      %jit3A_85 = arith.constant 0.000000e+00 : f32
      %broadcast_in_dim3A_86 = vector.broadcast %jit3A_85 : f32 to vector<8x1280xf32>
      %select_n3A_87 = arith.select %eq3A_84, %get3A_1, %broadcast_in_dim3A_86 : vector<8x1280xi1>, vector<8x1280xf32>
      %reduce_sum3A_88 = vector.shape_cast %select_n3A_87 : vector<8x1280xf32> to vector<1x8x1280xf32>
      %reduce_sum3A_89 = arith.constant dense<0.000000e+00> : vector<1xf32>
      %reduce_sum3A_90 = vector.multi_reduction <add>, %reduce_sum3A_88, %reduce_sum3A_89 [1, 2] : vector<1x8x1280xf32> to vector<1xf32>
      %reduce_sum3A_91 = vector.shape_cast %reduce_sum3A_90 : vector<1xf32> to vector<1x1x1xf32>
      %reduce_sum3A_92 = vector.extract %reduce_sum3A_91[0, 0, 0] : f32 from vector<1x1x1xf32>
      %jit3A_93 = arith.constant 0.000000e+00 : f32
      %broadcast_in_dim3A_94 = vector.broadcast %jit3A_93 : f32 to vector<8x1280xf32>
      %select_n3A_95 = arith.select %eq3A_84, %get3A_4, %broadcast_in_dim3A_94 : vector<8x1280xi1>, vector<8x1280xf32>
      %reduce_sum3A_96 = vector.shape_cast %select_n3A_95 : vector<8x1280xf32> to vector<1x8x1280xf32>
      %reduce_sum3A_97 = arith.constant dense<0.000000e+00> : vector<1xf32>
      %reduce_sum3A_98 = vector.multi_reduction <add>, %reduce_sum3A_96, %reduce_sum3A_97 [1, 2] : vector<1x8x1280xf32> to vector<1xf32>
      %reduce_sum3A_99 = vector.shape_cast %reduce_sum3A_98 : vector<1xf32> to vector<1x1x1xf32>
      %reduce_sum3A_100 = vector.extract %reduce_sum3A_99[0, 0, 0] : f32 from vector<1x1x1xf32>
      %jit3A_101 = arith.constant 0.000000e+00 : f32
      %broadcast_in_dim3A_102 = vector.broadcast %jit3A_101 : f32 to vector<8x1280xf32>
      %select_n3A_103 = arith.select %eq3A_84, %get3A_7, %broadcast_in_dim3A_102 : vector<8x1280xi1>, vector<8x1280xf32>
      %reduce_sum3A_104 = vector.shape_cast %select_n3A_103 : vector<8x1280xf32> to vector<1x8x1280xf32>
      %reduce_sum3A_105 = arith.constant dense<0.000000e+00> : vector<1xf32>
      %reduce_sum3A_106 = vector.multi_reduction <add>, %reduce_sum3A_104, %reduce_sum3A_105 [1, 2] : vector<1x8x1280xf32> to vector<1xf32>
      %reduce_sum3A_107 = vector.shape_cast %reduce_sum3A_106 : vector<1xf32> to vector<1x1x1xf32>
      %reduce_sum3A_108 = vector.extract %reduce_sum3A_107[0, 0, 0] : f32 from vector<1x1x1xf32>
      %sub3A_109 = vector.broadcast %reduce_sum3A_92 : f32 to vector<8x1280xf32>
      %sub3A_110 = arith.subf %get3A_1, %sub3A_109 : vector<8x1280xf32>
      %sub3A_111 = vector.broadcast %reduce_sum3A_100 : f32 to vector<8x1280xf32>
      %sub3A_112 = arith.subf %get3A_4, %sub3A_111 : vector<8x1280xf32>
      %sub3A_113 = vector.broadcast %reduce_sum3A_108 : f32 to vector<8x1280xf32>
      %sub3A_114 = arith.subf %get3A_7, %sub3A_113 : vector<8x1280xf32>
      %mul3A_115 = arith.mulf %sub3A_110, %sub3A_110 : vector<8x1280xf32>
      %mul3A_116 = arith.mulf %sub3A_112, %sub3A_112 : vector<8x1280xf32>
      %add3A_117 = arith.addf %mul3A_115, %mul3A_116 : vector<8x1280xf32>
      %mul3A_118 = arith.mulf %sub3A_114, %sub3A_114 : vector<8x1280xf32>
      %add3A_119 = arith.addf %add3A_117, %mul3A_118 : vector<8x1280xf32>
      %min3A = arith.minimumf %scan3A_64, %add3A_119 : vector<8x1280xf32>
      scf.yield %min3A, %select_n3A_82 : vector<8x1280xf32>, vector<8x320xi32>
    }
    %scan3A_60 = arith.constant 2499 : i32
    %swap3A = arith.constant 0 : index
    %swap3A_61 = arith.constant 0 : index
    %swap3A_62 = vector.load %arg1[%swap3A, %swap3A_61] : memref<8x320xi32, #tpu.memory_space<vmem>>, vector<8x320xi32>
    tpu.vector_store %arg1[%swap3A, %swap3A_61], %scan3A_59#1 {strides = array<i32>} : memref<8x320xi32, #tpu.memory_space<vmem>>, vector<8x320xi32>,
    return
  }
}

module attributes {stable_mosaic.version = 14 : i64} {
  func.func @_nbr_body(%arg0: i32, %arg1: memref<128x10240xf32, #tpu.memory_space<vmem>>, %arg2: memref<128x8xf32, #tpu.memory_space<vmem>>, %arg3: memref<8x128xf32, #tpu.memory_space<vmem>>, %arg4: memref<128x64xi32, #tpu.memory_space<vmem>>, %arg5: memref<128x64xf32, #tpu.memory_space<vmem>>, %arg6: memref<128x128xf32, #tpu.memory_space<vmem>>) attributes {dimension_semantics = [#tpu.dimension_semantics<arbitrary>], iteration_bounds = array<i64: 20>, scalar_prefetch = 0 : i64, scratch_operands = 0 : i64, tpu.core_type = #tpu.core_type<tc>, window_params = [{transform_indices = @transform_0, window_bounds = array<i64: 128, 10240>}, {transform_indices = @transform_1, window_bounds = array<i64: 128, 8>}, {pipeline_mode = #tpu.pipeline_mode<synchronous>, transform_indices = @transform_2, window_bounds = array<i64: 8, 128>}, {transform_indices = @transform_3, window_bounds = array<i64: 128, 64>}, {transform_indices = @transform_4, window_bounds = array<i64: 128, 64>}, {transform_indices = @transform_5, window_bounds = array<i64: 128, 128>}]} {
    %iota3A = tpu.iota {dimensions = array<i32: 1>} : vector<128x10240xi32>
    %get3A = arith.constant 0 : index
    %get3A_0 = arith.constant 0 : index
    %get3A_1 = vector.load %arg1[%get3A, %get3A_0] : memref<128x10240xf32, #tpu.memory_space<vmem>>, vector<128x10240xf32>
    %iota3A_2 = tpu.iota {dimensions = array<i32: 1>} : vector<128x64xi32>
    %broadcast_in_dim3A = arith.constant 0 : i32
    %broadcast_in_dim3A_3 = vector.broadcast %broadcast_in_dim3A : i32 to vector<128x64xi32>
    %broadcast_in_dim3A_4 = arith.constant 0x7F800000 : f32
    %broadcast_in_dim3A_5 = vector.broadcast %broadcast_in_dim3A_4 : f32 to vector<128x64xf32>
    %scan3A = arith.constant 0x7F800000 : f32
    %scan3A_6 = arith.constant 0 : i32
    %scan3A_7 = arith.constant 64 : i32
    %scan3A_8 = arith.addi %scan3A_6, %scan3A_7 : i32
    %scan3A_9 = arith.constant 1 : i32
    %scan3A_10:3 = scf.for %scan3A_35 = %scan3A_6 to %scan3A_8 step %scan3A_9 iter_args(%scan3A_36 = %get3A_1, %scan3A_37 = %broadcast_in_dim3A_3, %scan3A_38 = %broadcast_in_dim3A_5) -> (vector<128x10240xf32>, vector<128x64xi32>, vector<128x64xf32>)  : i32 {
      %reduce_min3A = arith.constant dense<0x7F800000> : vector<128xf32>
      %reduce_min3A_39 = vector.multi_reduction <minimumf>, %scan3A_36, %reduce_min3A [1] : vector<128x10240xf32> to vector<128xf32>
      %broadcast_in_dim3A_40 = vector.shape_cast %reduce_min3A_39 : vector<128xf32> to vector<128x1xf32>
      %eq3A = vector.broadcast %broadcast_in_dim3A_40 : vector<128x1xf32> to vector<128x10240xf32>
      %eq3A_41 = arith.cmpf oeq, %scan3A_36, %eq3A : vector<128x10240xf32>
      %jit3A = arith.constant 1073741824 : i32
      %broadcast_in_dim3A_42 = vector.broadcast %jit3A : i32 to vector<128x10240xi32>
      %select_n3A = arith.select %eq3A_41, %iota3A, %broadcast_in_dim3A_42 : vector<128x10240xi1>, vector<128x10240xi32>
      %reduce_min3A_43 = arith.constant dense<2147483647> : vector<128xi32>
      %reduce_min3A_44 = vector.multi_reduction <minsi>, %select_n3A, %reduce_min3A_43 [1] : vector<128x10240xi32> to vector<128xi32>
      %broadcast_in_dim3A_45 = vector.shape_cast %reduce_min3A_44 : vector<128xi32> to vector<128x1xi32>
      %eq3A_46 = vector.broadcast %scan3A_35 : i32 to vector<128x64xi32>
      %eq3A_47 = arith.cmpi eq, %iota3A_2, %eq3A_46 : vector<128x64xi32>
      %broadcast_in_dim3A_48 = vector.shape_cast %broadcast_in_dim3A_45 : vector<128x1xi32> to vector<128x1xi32>
      %broadcast_in_dim3A_49 = vector.broadcast %broadcast_in_dim3A_48 : vector<128x1xi32> to vector<128x64xi32>
      %select_n3A_50 = arith.select %eq3A_47, %broadcast_in_dim3A_49, %scan3A_37 : vector<128x64xi1>, vector<128x64xi32>
      %eq3A_51 = vector.broadcast %scan3A_35 : i32 to vector<128x64xi32>
      %eq3A_52 = arith.cmpi eq, %iota3A_2, %eq3A_51 : vector<128x64xi32>
      %broadcast_in_dim3A_53 = vector.shape_cast %broadcast_in_dim3A_40 : vector<128x1xf32> to vector<128x1xf32>
      %broadcast_in_dim3A_54 = vector.broadcast %broadcast_in_dim3A_53 : vector<128x1xf32> to vector<128x64xf32>
      %select_n3A_55 = arith.select %eq3A_52, %broadcast_in_dim3A_54, %scan3A_38 : vector<128x64xi1>, vector<128x64xf32>
      %eq3A_56 = vector.broadcast %broadcast_in_dim3A_45 : vector<128x1xi32> to vector<128x10240xi32>
      %eq3A_57 = arith.cmpi eq, %iota3A, %eq3A_56 : vector<128x10240xi32>
      %broadcast_in_dim3A_58 = vector.broadcast %scan3A : f32 to vector<128x10240xf32>
      %select_n3A_59 = arith.select %eq3A_57, %broadcast_in_dim3A_58, %scan3A_36 : vector<128x10240xi1>, vector<128x10240xf32>
      scf.yield %select_n3A_59, %select_n3A_50, %select_n3A_55 : vector<128x10240xf32>, vector<128x64xi32>, vector<128x64xf32>
    }
    %scan3A_11 = arith.constant 64 : i32
    %mul3A = arith.constant 128 : i32
    %mul3A_12 = arith.muli %arg0, %mul3A : i32
    %iota3A_13 = tpu.iota {dimensions = array<i32: 0>} : vector<128x64xi32>
    %add3A = vector.broadcast %mul3A_12 : i32 to vector<128x64xi32>
    %add3A_14 = arith.addi %add3A, %iota3A_13 : vector<128x64xi32>
    %le3A = arith.constant 4.000000e-02 : f32
    %le3A_15 = vector.broadcast %le3A : f32 to vector<128x64xf32>
    %le3A_16 = arith.cmpf ole, %scan3A_10#2, %le3A_15 : vector<128x64xf32>
    %lt3A = arith.constant 2500 : i32
    %lt3A_17 = vector.broadcast %lt3A : i32 to vector<128x64xi32>
    %lt3A_18 = arith.cmpi slt, %add3A_14, %lt3A_17 : vector<128x64xi32>
    %and3A = arith.andi %le3A_16, %lt3A_18 : vector<128x64xi1>
    %swap3A = arith.constant 0 : index
    %swap3A_19 = arith.constant 0 : index
    %swap3A_20 = vector.load %arg4[%swap3A, %swap3A_19] : memref<128x64xi32, #tpu.memory_space<vmem>>, vector<128x64xi32>
    tpu.vector_store %arg4[%swap3A, %swap3A_19], %scan3A_10#1 {strides = array<i32>} : memref<128x64xi32, #tpu.memory_space<vmem>>, vector<128x64xi32>,
    %convert_element_type3A = arith.extui %and3A : vector<128x64xi1> to vector<128x64xi32>
    %convert_element_type3A_21 = arith.sitofp %convert_element_type3A : vector<128x64xi32> to vector<128x64xf32>
    %swap3A_22 = arith.constant 0 : index
    %swap3A_23 = arith.constant 0 : index
    %swap3A_24 = vector.load %arg5[%swap3A_22, %swap3A_23] : memref<128x64xf32, #tpu.memory_space<vmem>>, vector<128x64xf32>
    tpu.vector_store %arg5[%swap3A_22, %swap3A_23], %convert_element_type3A_21 {strides = array<i32>} : memref<128x64xf32, #tpu.memory_space<vmem>>, vector<128x64xf32>,
    %get3A_25 = arith.constant 0 : index
    %get3A_26 = arith.constant 0 : index
    %get3A_27 = vector.load %arg2[%get3A_25, %get3A_26] : memref<128x8xf32, #tpu.memory_space<vmem>>, vector<128x8xf32>
    %get3A_28 = arith.constant 0 : index
    %get3A_29 = arith.constant 0 : index
    %get3A_30 = vector.load %arg3[%get3A_28, %get3A_29] : memref<8x128xf32, #tpu.memory_space<vmem>>, vector<8x128xf32>
    %dot_general3A = arith.constant dense<0.000000e+00> : vector<128x128xf32>
    %dot_general3A_31 = tpu.matmul %get3A_27, %get3A_30, %dot_general3A {dimension_numbers = #tpu.dot_dimension_numbers<[1], [0], [0], [1], [0, 0, 1, 1], [], []>, transpose_lhs_hint = false} : vector<128x8xf32>, vector<8x128xf32>, vector<128x128xf32> -> vector<128x128xf32>
    %swap3A_32 = arith.constant 0 : index
    %swap3A_33 = arith.constant 0 : index
    %swap3A_34 = vector.load %arg6[%swap3A_32, %swap3A_33] : memref<128x128xf32, #tpu.memory_space<vmem>>, vector<128x128xf32>
    tpu.vector_store %arg6[%swap3A_32, %swap3A_33], %dot_general3A_31 {strides = array<i32>} : memref<128x128xf32, #tpu.memory_space<vmem>>, vector<128x128xf32>,
    return
  }
  func.func @transform_0(%arg0: i32) -> (i32, i32) {
    %c0_i32 = arith.constant 0 : i32
    %c0_i32_0 = arith.constant 0 : i32
    return %arg0, %c0_i32 : i32, i32
  }
  func.func @transform_1(%arg0: i32) -> (i32, i32) {
    %c0_i32 = arith.constant 0 : i32
    %c0_i32_0 = arith.constant 0 : i32
    return %arg0, %c0_i32 : i32, i32
  }
  func.func @transform_2(%arg0: i32) -> (i32, i32) {
    %c0_i32 = arith.constant 0 : i32
    %c0_i32_0 = arith.constant 0 : i32
    %c0_i32_1 = arith.constant 0 : i32
    return %c0_i32, %c0_i32_0 : i32, i32
  }
  func.func @transform_3(%arg0: i32) -> (i32, i32) {
    %c0_i32 = arith.constant 0 : i32
    %c0_i32_0 = arith.constant 0 : i32
    return %arg0, %c0_i32 : i32, i32
  }
  func.func @transform_4(%arg0: i32) -> (i32, i32) {
    %c0_i32 = arith.constant 0 : i32
    %c0_i32_0 = arith.constant 0 : i32
    return %arg0, %c0_i32 : i32, i32
  }
  func.func @transform_5(%arg0: i32) -> (i32, i32) {
    %c0_i32 = arith.constant 0 : i32
    %c0_i32_0 = arith.constant 0 : i32
    return %arg0, %c0_i32 : i32, i32
  }
}

module attributes {stable_mosaic.version = 14 : i64} {
  func.func @_g1_body(%arg0: i32, %arg1: memref<256x128xf32, #tpu.memory_space<vmem>>, %arg2: memref<256x8xf32, #tpu.memory_space<vmem>>, %arg3: memref<128x128xf32, #tpu.memory_space<vmem>>, %arg4: memref<8x128xf32, #tpu.memory_space<vmem>>, %arg5: memref<256x128xf32, #tpu.memory_space<vmem>>) attributes {dimension_semantics = [#tpu.dimension_semantics<arbitrary>], iteration_bounds = array<i64: 40>, scalar_prefetch = 0 : i64, scratch_operands = 0 : i64, tpu.core_type = #tpu.core_type<tc>, window_params = [{transform_indices = @transform_0, window_bounds = array<i64: 256, 128>}, {transform_indices = @transform_1, window_bounds = array<i64: 256, 8>}, {pipeline_mode = #tpu.pipeline_mode<synchronous>, transform_indices = @transform_2, window_bounds = array<i64: 128, 128>}, {pipeline_mode = #tpu.pipeline_mode<synchronous>, transform_indices = @transform_3, window_bounds = array<i64: 8, 128>}, {transform_indices = @transform_4, window_bounds = array<i64: 256, 128>}]} {
    %get3A = arith.constant 0 : index
    %get3A_0 = arith.constant 0 : index
    %get3A_1 = vector.load %arg1[%get3A, %get3A_0] : memref<256x128xf32, #tpu.memory_space<vmem>>, vector<256x128xf32>
    %get3A_2 = arith.constant 0 : index
    %get3A_3 = arith.constant 0 : index
    %get3A_4 = vector.load %arg3[%get3A_2, %get3A_3] : memref<128x128xf32, #tpu.memory_space<vmem>>, vector<128x128xf32>
    %dot_general3A = arith.constant dense<0.000000e+00> : vector<256x128xf32>
    %dot_general3A_5 = tpu.matmul %get3A_1, %get3A_4, %dot_general3A {dimension_numbers = #tpu.dot_dimension_numbers<[1], [0], [0], [1], [0, 0, 1, 1], [], []>, transpose_lhs_hint = false} : vector<256x128xf32>, vector<128x128xf32>, vector<256x128xf32> -> vector<256x128xf32>
    %get3A_6 = arith.constant 0 : index
    %get3A_7 = arith.constant 0 : index
    %get3A_8 = vector.load %arg2[%get3A_6, %get3A_7] : memref<256x8xf32, #tpu.memory_space<vmem>>, vector<256x8xf32>
    %get3A_9 = arith.constant 0 : index
    %get3A_10 = arith.constant 0 : index
    %get3A_11 = vector.load %arg4[%get3A_9, %get3A_10] : memref<8x128xf32, #tpu.memory_space<vmem>>, vector<8x128xf32>
    %dot_general3A_12 = arith.constant dense<0.000000e+00> : vector<256x128xf32>
    %dot_general3A_13 = tpu.matmul %get3A_8, %get3A_11, %dot_general3A_12 {dimension_numbers = #tpu.dot_dimension_numbers<[1], [0], [0], [1], [0, 0, 1, 1], [], []>, transpose_lhs_hint = false} : vector<256x8xf32>, vector<8x128xf32>, vector<256x128xf32> -> vector<256x128xf32>
    %add3A = arith.addf %dot_general3A_5, %dot_general3A_13 : vector<256x128xf32>
    %swap3A = arith.constant 0 : index
    %swap3A_14 = arith.constant 0 : index
    %swap3A_15 = vector.load %arg5[%swap3A, %swap3A_14] : memref<256x128xf32, #tpu.memory_space<vmem>>, vector<256x128xf32>
    tpu.vector_store %arg5[%swap3A, %swap3A_14], %add3A {strides = array<i32>} : memref<256x128xf32, #tpu.memory_space<vmem>>, vector<256x128xf32>,
    return
  }
  func.func @transform_0(%arg0: i32) -> (i32, i32) {
    %c0_i32 = arith.constant 0 : i32
    %c0_i32_0 = arith.constant 0 : i32
    return %arg0, %c0_i32 : i32, i32
  }
  func.func @transform_1(%arg0: i32) -> (i32, i32) {
    %c0_i32 = arith.constant 0 : i32
    %c0_i32_0 = arith.constant 0 : i32
    return %arg0, %c0_i32 : i32, i32
  }
  func.func @transform_2(%arg0: i32) -> (i32, i32) {
    %c0_i32 = arith.constant 0 : i32
    %c0_i32_0 = arith.constant 0 : i32
    %c0_i32_1 = arith.constant 0 : i32
    return %c0_i32, %c0_i32_0 : i32, i32
  }
  func.func @transform_3(%arg0: i32) -> (i32, i32) {
    %c0_i32 = arith.constant 0 : i32
    %c0_i32_0 = arith.constant 0 : i32
    %c0_i32_1 = arith.constant 0 : i32
    return %c0_i32, %c0_i32_0 : i32, i32
  }
  func.func @transform_4(%arg0: i32) -> (i32, i32) {
    %c0_i32 = arith.constant 0 : i32
    %c0_i32_0 = arith.constant 0 : i32
    return %arg0, %c0_i32 : i32, i32
  }
}

module attributes {stable_mosaic.version = 14 : i64} {
  func.func @_statsA_body(%arg0: i32, %arg1: memref<512x128xf32, #tpu.memory_space<vmem>>, %arg2: memref<8x128xf32, #tpu.memory_space<vmem>>, %arg3: memref<8x64xf32, #tpu.memory_space<vmem>>, %arg4: memref<1x128xf32, #tpu.memory_space<vmem>>, %arg5: memref<8x128xf32, #tpu.memory_space<vmem>>, %arg6: memref<8x128xf32, #tpu.memory_space<vmem>>, %arg7: memref<8x128xf32, #tpu.memory_space<vmem>>) attributes {dimension_semantics = [#tpu.dimension_semantics<arbitrary>], iteration_bounds = array<i64: 320>, scalar_prefetch = 0 : i64, scratch_operands = 0 : i64, tpu.core_type = #tpu.core_type<tc>, window_params = [{transform_indices = @transform_0, window_bounds = array<i64: 512, 128>}, {transform_indices = @transform_1, window_bounds = array<i64: 8, 128>}, {transform_indices = @transform_2, window_bounds = array<i64: 8, 64>}, {pipeline_mode = #tpu.pipeline_mode<synchronous>, transform_indices = @transform_3, window_bounds = array<i64: 1, 128>}, {pipeline_mode = #tpu.pipeline_mode<synchronous>, transform_indices = @transform_4, window_bounds = array<i64: 8, 128>}, {pipeline_mode = #tpu.pipeline_mode<synchronous>, transform_indices = @transform_5, window_bounds = array<i64: 8, 128>}, {pipeline_mode = #tpu.pipeline_mode<synchronous>, transform_indices = @transform_6, window_bounds = array<i64: 8, 128>}]} {
    %eq3A = arith.constant 0 : i32
    %eq3A_0 = arith.cmpi eq, %arg0, %eq3A : i32
    %convert_element_type3A = arith.extui %eq3A_0 : i1 to i32
    %cond3A = arith.constant 0 : i32
    %cond3A_1 = arith.cmpi ne, %convert_element_type3A, %cond3A : i32
    scf.if %cond3A_1 {
      %broadcast_in_dim3A_52 = arith.constant 0.000000e+00 : f32
      %broadcast_in_dim3A_53 = vector.broadcast %broadcast_in_dim3A_52 : f32 to vector<8x128xf32>
      %swap3A_54 = arith.constant 0 : index
      %swap3A_55 = arith.constant 0 : index
      %swap3A_56 = vector.load %arg5[%swap3A_54, %swap3A_55] : memref<8x128xf32, #tpu.memory_space<vmem>>, vector<8x128xf32>
      tpu.vector_store %arg5[%swap3A_54, %swap3A_55], %broadcast_in_dim3A_53 {strides = array<i32>} : memref<8x128xf32, #tpu.memory_space<vmem>>, vector<8x128xf32>,
      %broadcast_in_dim3A_57 = arith.constant 0.000000e+00 : f32
      %broadcast_in_dim3A_58 = vector.broadcast %broadcast_in_dim3A_57 : f32 to vector<8x128xf32>
      %swap3A_59 = arith.constant 0 : index
      %swap3A_60 = arith.constant 0 : index
      %swap3A_61 = vector.load %arg6[%swap3A_59, %swap3A_60] : memref<8x128xf32, #tpu.memory_space<vmem>>, vector<8x128xf32>
      tpu.vector_store %arg6[%swap3A_59, %swap3A_60], %broadcast_in_dim3A_58 {strides = array<i32>} : memref<8x128xf32, #tpu.memory_space<vmem>>, vector<8x128xf32>,
      %broadcast_in_dim3A_62 = arith.constant 0.000000e+00 : f32
      %broadcast_in_dim3A_63 = vector.broadcast %broadcast_in_dim3A_62 : f32 to vector<8x128xf32>
      %swap3A_64 = arith.constant 0 : index
      %swap3A_65 = arith.constant 0 : index
      %swap3A_66 = vector.load %arg7[%swap3A_64, %swap3A_65] : memref<8x128xf32, #tpu.memory_space<vmem>>, vector<8x128xf32>
      tpu.vector_store %arg7[%swap3A_64, %swap3A_65], %broadcast_in_dim3A_63 {strides = array<i32>} : memref<8x128xf32, #tpu.memory_space<vmem>>, vector<8x128xf32>,
    } else {
    }
    %get3A = arith.constant 0 : index
    %get3A_2 = arith.constant 0 : index
    %get3A_3 = vector.load %arg1[%get3A, %get3A_2] : memref<512x128xf32, #tpu.memory_space<vmem>>, vector<512x128xf32>
    %reshape3A = vector.shape_cast %get3A_3 : vector<512x128xf32> to vector<8x64x128xf32>
    %get3A_4 = arith.constant 0 : index
    %get3A_5 = arith.constant 0 : index
    %get3A_6 = vector.load %arg2[%get3A_4, %get3A_5] : memref<8x128xf32, #tpu.memory_space<vmem>>, vector<8x128xf32>
    %broadcast_in_dim3A = vector.shape_cast %get3A_6 : vector<8x128xf32> to vector<8x1x128xf32>
    %sub3A = vector.broadcast %broadcast_in_dim3A : vector<8x1x128xf32> to vector<8x64x128xf32>
    %sub3A_7 = arith.subf %reshape3A, %sub3A : vector<8x64x128xf32>
    %get3A_8 = arith.constant 0 : index
    %get3A_9 = arith.constant 0 : index
    %get3A_10 = vector.load %arg4[%get3A_8, %get3A_9] : memref<1x128xf32, #tpu.memory_space<vmem>>, vector<1x128xf32>
    %broadcast_in_dim3A_11 = vector.shape_cast %get3A_10 : vector<1x128xf32> to vector<1x1x128xf32>
    %add3A = vector.broadcast %broadcast_in_dim3A_11 : vector<1x1x128xf32> to vector<8x64x128xf32>
    %add3A_12 = arith.addf %sub3A_7, %add3A : vector<8x64x128xf32>
    %get3A_13 = arith.constant 0 : index
    %get3A_14 = arith.constant 0 : index
    %get3A_15 = vector.load %arg3[%get3A_13, %get3A_14] : memref<8x64xf32, #tpu.memory_space<vmem>>, vector<8x64xf32>
    %broadcast_in_dim3A_16 = vector.shape_cast %get3A_15 : vector<8x64xf32> to vector<8x64x1xf32>
    %get3A_17 = arith.constant 0 : index
    %get3A_18 = arith.constant 0 : index
    %get3A_19 = vector.load %arg5[%get3A_17, %get3A_18] : memref<8x128xf32, #tpu.memory_space<vmem>>, vector<8x128xf32>
    %mul3A = vector.broadcast %broadcast_in_dim3A_16 : vector<8x64x1xf32> to vector<8x64x128xf32>
    %mul3A_20 = arith.mulf %add3A_12, %mul3A : vector<8x64x128xf32>
    %reduce_sum3A = arith.constant dense<0.000000e+00> : vector<8x128xf32>
    %reduce_sum3A_21 = vector.multi_reduction <add>, %mul3A_20, %reduce_sum3A [1] : vector<8x64x128xf32> to vector<8x128xf32>
    %add3A_22 = arith.addf %get3A_19, %reduce_sum3A_21 : vector<8x128xf32>
    %swap3A = arith.constant 0 : index
    %swap3A_23 = arith.constant 0 : index
    %swap3A_24 = vector.load %arg5[%swap3A, %swap3A_23] : memref<8x128xf32, #tpu.memory_space<vmem>>, vector<8x128xf32>
    tpu.vector_store %arg5[%swap3A, %swap3A_23], %add3A_22 {strides = array<i32>} : memref<8x128xf32, #tpu.memory_space<vmem>>, vector<8x128xf32>,
    %get3A_25 = arith.constant 0 : index
    %get3A_26 = arith.constant 0 : index
    %get3A_27 = vector.load %arg6[%get3A_25, %get3A_26] : memref<8x128xf32, #tpu.memory_space<vmem>>, vector<8x128xf32>
    %mul3A_28 = arith.mulf %add3A_12, %add3A_12 : vector<8x64x128xf32>
    %mul3A_29 = vector.broadcast %broadcast_in_dim3A_16 : vector<8x64x1xf32> to vector<8x64x128xf32>
    %mul3A_30 = arith.mulf %mul3A_28, %mul3A_29 : vector<8x64x128xf32>
    %reduce_sum3A_31 = arith.constant dense<0.000000e+00> : vector<8x128xf32>
    %reduce_sum3A_32 = vector.multi_reduction <add>, %mul3A_30, %reduce_sum3A_31 [1] : vector<8x64x128xf32> to vector<8x128xf32>
    %add3A_33 = arith.addf %get3A_27, %reduce_sum3A_32 : vector<8x128xf32>
    %swap3A_34 = arith.constant 0 : index
    %swap3A_35 = arith.constant 0 : index
    %swap3A_36 = vector.load %arg6[%swap3A_34, %swap3A_35] : memref<8x128xf32, #tpu.memory_space<vmem>>, vector<8x128xf32>
    tpu.vector_store %arg6[%swap3A_34, %swap3A_35], %add3A_33 {strides = array<i32>} : memref<8x128xf32, #tpu.memory_space<vmem>>, vector<8x128xf32>,
    %get3A_37 = arith.constant 0 : index
    %get3A_38 = arith.constant 0 : index
    %get3A_39 = vector.load %arg7[%get3A_37, %get3A_38] : memref<8x128xf32, #tpu.memory_space<vmem>>, vector<8x128xf32>
    %get3A_40 = arith.constant 0 : index
    %get3A_41 = arith.constant 0 : index
    %get3A_42 = vector.load %arg3[%get3A_40, %get3A_41] : memref<8x64xf32, #tpu.memory_space<vmem>>, vector<8x64xf32>
    %reduce_sum3A_43 = arith.constant dense<0.000000e+00> : vector<8xf32>
    %reduce_sum3A_44 = vector.multi_reduction <add>, %get3A_42, %reduce_sum3A_43 [1] : vector<8x64xf32> to vector<8xf32>
    %broadcast_in_dim3A_45 = vector.shape_cast %reduce_sum3A_44 : vector<8xf32> to vector<8x1xf32>
    %broadcast_in_dim3A_46 = vector.shape_cast %broadcast_in_dim3A_45 : vector<8x1xf32> to vector<8x1xf32>
    %broadcast_in_dim3A_47 = vector.broadcast %broadcast_in_dim3A_46 : vector<8x1xf32> to vector<8x128xf32>
    %add3A_48 = arith.addf %get3A_39, %broadcast_in_dim3A_47 : vector<8x128xf32>
    %swap3A_49 = arith.constant 0 : index
    %swap3A_50 = arith.constant 0 : index
    %swap3A_51 = vector.load %arg7[%swap3A_49, %swap3A_50] : memref<8x128xf32, #tpu.memory_space<vmem>>, vector<8x128xf32>
    tpu.vector_store %arg7[%swap3A_49, %swap3A_50], %add3A_48 {strides = array<i32>} : memref<8x128xf32, #tpu.memory_space<vmem>>, vector<8x128xf32>,
    return
  }
  func.func @transform_0(%arg0: i32) -> (i32, i32) {
    %c0_i32 = arith.constant 0 : i32
    %c0_i32_0 = arith.constant 0 : i32
    return %arg0, %c0_i32 : i32, i32
  }
  func.func @transform_1(%arg0: i32) -> (i32, i32) {
    %c0_i32 = arith.constant 0 : i32
    %c0_i32_0 = arith.constant 0 : i32
    return %arg0, %c0_i32 : i32, i32
  }
  func.func @transform_2(%arg0: i32) -> (i32, i32) {
    %c0_i32 = arith.constant 0 : i32
    %c0_i32_0 = arith.constant 0 : i32
    return %arg0, %c0_i32 : i32, i32
  }
  func.func @transform_3(%arg0: i32) -> (i32, i32) {
    %c0_i32 = arith.constant 0 : i32
    %c0_i32_0 = arith.constant 0 : i32
    %c0_i32_1 = arith.constant 0 : i32
    return %c0_i32, %c0_i32_0 : i32, i32
  }
  func.func @transform_4(%arg0: i32) -> (i32, i32) {
    %c0_i32 = arith.constant 0 : i32
    %c0_i32_0 = arith.constant 0 : i32
    %c0_i32_1 = arith.constant 0 : i32
    return %c0_i32, %c0_i32_0 : i32, i32
  }
  func.func @transform_5(%arg0: i32) -> (i32, i32) {
    %c0_i32 = arith.constant 0 : i32
    %c0_i32_0 = arith.constant 0 : i32
    %c0_i32_1 = arith.constant 0 : i32
    return %c0_i32, %c0_i32_0 : i32, i32
  }
  func.func @transform_6(%arg0: i32) -> (i32, i32) {
    %c0_i32 = arith.constant 0 : i32
    %c0_i32_0 = arith.constant 0 : i32
    %c0_i32_1 = arith.constant 0 : i32
    return %c0_i32, %c0_i32_0 : i32, i32
  }
}

module attributes {stable_mosaic.version = 14 : i64} {
  func.func @_passC_body(%arg0: i32, %arg1: memref<512x128xf32, #tpu.memory_space<vmem>>, %arg2: memref<8x64xf32, #tpu.memory_space<vmem>>, %arg3: memref<1x128xf32, #tpu.memory_space<vmem>>, %arg4: memref<1x128xf32, #tpu.memory_space<vmem>>, %arg5: memref<128x128xf32, #tpu.memory_space<vmem>>, %arg6: memref<1x128xf32, #tpu.memory_space<vmem>>, %arg7: memref<8x128xf32, #tpu.memory_space<vmem>>) attributes {dimension_semantics = [#tpu.dimension_semantics<arbitrary>], iteration_bounds = array<i64: 320>, scalar_prefetch = 0 : i64, scratch_operands = 0 : i64, tpu.core_type = #tpu.core_type<tc>, window_params = [{transform_indices = @transform_0, window_bounds = array<i64: 512, 128>}, {transform_indices = @transform_1, window_bounds = array<i64: 8, 64>}, {pipeline_mode = #tpu.pipeline_mode<synchronous>, transform_indices = @transform_2, window_bounds = array<i64: 1, 128>}, {pipeline_mode = #tpu.pipeline_mode<synchronous>, transform_indices = @transform_3, window_bounds = array<i64: 1, 128>}, {pipeline_mode = #tpu.pipeline_mode<synchronous>, transform_indices = @transform_4, window_bounds = array<i64: 128, 128>}, {pipeline_mode = #tpu.pipeline_mode<synchronous>, transform_indices = @transform_5, window_bounds = array<i64: 1, 128>}, {transform_indices = @transform_6, window_bounds = array<i64: 8, 128>}]} {
    %get3A = arith.constant 0 : index
    %get3A_0 = arith.constant 0 : index
    %get3A_1 = vector.load %arg1[%get3A, %get3A_0] : memref<512x128xf32, #tpu.memory_space<vmem>>, vector<512x128xf32>
    %get3A_2 = arith.constant 0 : index
    %get3A_3 = arith.constant 0 : index
    %get3A_4 = vector.load %arg3[%get3A_2, %get3A_3] : memref<1x128xf32, #tpu.memory_space<vmem>>, vector<1x128xf32>
    %mul3A = vector.broadcast %get3A_4 : vector<1x128xf32> to vector<512x128xf32>
    %mul3A_5 = arith.mulf %get3A_1, %mul3A : vector<512x128xf32>
    %get3A_6 = arith.constant 0 : index
    %get3A_7 = arith.constant 0 : index
    %get3A_8 = vector.load %arg4[%get3A_6, %get3A_7] : memref<1x128xf32, #tpu.memory_space<vmem>>, vector<1x128xf32>
    %add3A = vector.broadcast %get3A_8 : vector<1x128xf32> to vector<512x128xf32>
    %add3A_9 = arith.addf %mul3A_5, %add3A : vector<512x128xf32>
    %max3A = arith.constant 0.000000e+00 : f32
    %max3A_10 = vector.broadcast %max3A : f32 to vector<512x128xf32>
    %max3A_11 = arith.maximumf %add3A_9, %max3A_10 : vector<512x128xf32>
    %get3A_12 = arith.constant 0 : index
    %get3A_13 = arith.constant 0 : index
    %get3A_14 = vector.load %arg5[%get3A_12, %get3A_13] : memref<128x128xf32, #tpu.memory_space<vmem>>, vector<128x128xf32>
    %dot_general3A = arith.constant dense<0.000000e+00> : vector<512x128xf32>
    %dot_general3A_15 = tpu.matmul %max3A_11, %get3A_14, %dot_general3A {dimension_numbers = #tpu.dot_dimension_numbers<[1], [0], [0], [1], [0, 0, 1, 1], [], []>, transpose_lhs_hint = false} : vector<512x128xf32>, vector<128x128xf32>, vector<512x128xf32> -> vector<512x128xf32>
    %get3A_16 = arith.constant 0 : index
    %get3A_17 = arith.constant 0 : index
    %get3A_18 = vector.load %arg6[%get3A_16, %get3A_17] : memref<1x128xf32, #tpu.memory_space<vmem>>, vector<1x128xf32>
    %add3A_19 = vector.broadcast %get3A_18 : vector<1x128xf32> to vector<512x128xf32>
    %add3A_20 = arith.addf %dot_general3A_15, %add3A_19 : vector<512x128xf32>
    %reshape3A = vector.shape_cast %add3A_20 : vector<512x128xf32> to vector<8x64x128xf32>
    %get3A_21 = arith.constant 0 : index
    %get3A_22 = arith.constant 0 : index
    %get3A_23 = vector.load %arg2[%get3A_21, %get3A_22] : memref<8x64xf32, #tpu.memory_space<vmem>>, vector<8x64xf32>
    %broadcast_in_dim3A = vector.shape_cast %get3A_23 : vector<8x64xf32> to vector<8x64x1xf32>
    %gt3A = arith.constant 0.000000e+00 : f32
    %gt3A_24 = vector.broadcast %gt3A : f32 to vector<8x64x1xf32>
    %gt3A_25 = arith.cmpf ogt, %broadcast_in_dim3A, %gt3A_24 : vector<8x64x1xf32>
    %jit3A = arith.constant 0xFF800000 : f32
    %broadcast_in_dim3A_26 = vector.shape_cast %gt3A_25 : vector<8x64x1xi1> to vector<8x64x1xi1>
    %broadcast_in_dim3A_27 = vector.broadcast %broadcast_in_dim3A_26 : vector<8x64x1xi1> to vector<8x64x128xi1>
    %broadcast_in_dim3A_28 = vector.broadcast %jit3A : f32 to vector<8x64x128xf32>
    %select_n3A = arith.select %broadcast_in_dim3A_27, %reshape3A, %broadcast_in_dim3A_28 : vector<8x64x128xi1>, vector<8x64x128xf32>
    %reduce_max3A = arith.constant dense<0xFF800000> : vector<8x128xf32>
    %reduce_max3A_29 = vector.multi_reduction <maximumf>, %select_n3A, %reduce_max3A [1] : vector<8x64x128xf32> to vector<8x128xf32>
    %is_finite3A = tpu.weird %reduce_max3A_29 : vector<8x128xf32> -> vector<8x128xi1>
    %is_finite3A_30 = arith.constant dense<true> : vector<8x128xi1>
    %is_finite3A_31 = arith.xori %is_finite3A, %is_finite3A_30 : vector<8x128xi1>
    %jit3A_32 = arith.constant 0.000000e+00 : f32
    %broadcast_in_dim3A_33 = vector.broadcast %jit3A_32 : f32 to vector<8x128xf32>
    %select_n3A_34 = arith.select %is_finite3A_31, %reduce_max3A_29, %broadcast_in_dim3A_33 : vector<8x128xi1>, vector<8x128xf32>
    %swap3A = arith.constant 0 : index
    %swap3A_35 = arith.constant 0 : index
    %swap3A_36 = vector.load %arg7[%swap3A, %swap3A_35] : memref<8x128xf32, #tpu.memory_space<vmem>>, vector<8x128xf32>
    tpu.vector_store %arg7[%swap3A, %swap3A_35], %select_n3A_34 {strides = array<i32>} : memref<8x128xf32, #tpu.memory_space<vmem>>, vector<8x128xf32>,
    return
  }
  func.func @transform_0(%arg0: i32) -> (i32, i32) {
    %c0_i32 = arith.constant 0 : i32
    %c0_i32_0 = arith.constant 0 : i32
    return %arg0, %c0_i32 : i32, i32
  }
  func.func @transform_1(%arg0: i32) -> (i32, i32) {
    %c0_i32 = arith.constant 0 : i32
    %c0_i32_0 = arith.constant 0 : i32
    return %arg0, %c0_i32 : i32, i32
  }
  func.func @transform_2(%arg0: i32) -> (i32, i32) {
    %c0_i32 = arith.constant 0 : i32
    %c0_i32_0 = arith.constant 0 : i32
    %c0_i32_1 = arith.constant 0 : i32
    return %c0_i32, %c0_i32_0 : i32, i32
  }
  func.func @transform_3(%arg0: i32) -> (i32, i32) {
    %c0_i32 = arith.constant 0 : i32
    %c0_i32_0 = arith.constant 0 : i32
    %c0_i32_1 = arith.constant 0 : i32
    return %c0_i32, %c0_i32_0 : i32, i32
  }
  func.func @transform_4(%arg0: i32) -> (i32, i32) {
    %c0_i32 = arith.constant 0 : i32
    %c0_i32_0 = arith.constant 0 : i32
    %c0_i32_1 = arith.constant 0 : i32
    return %c0_i32, %c0_i32_0 : i32, i32
  }
  func.func @transform_5(%arg0: i32) -> (i32, i32) {
    %c0_i32 = arith.constant 0 : i32
    %c0_i32_0 = arith.constant 0 : i32
    %c0_i32_1 = arith.constant 0 : i32
    return %c0_i32, %c0_i32_0 : i32, i32
  }
  func.func @transform_6(%arg0: i32) -> (i32, i32) {
    %c0_i32 = arith.constant 0 : i32
    %c0_i32_0 = arith.constant 0 : i32
    return %arg0, %c0_i32 : i32, i32
  }
}

module attributes {stable_mosaic.version = 14 : i64} {
  func.func @_passB_body(%arg0: i32, %arg1: memref<512x128xf32, #tpu.memory_space<vmem>>, %arg2: memref<8x128xf32, #tpu.memory_space<vmem>>, %arg3: memref<8x64xf32, #tpu.memory_space<vmem>>, %arg4: memref<1x128xf32, #tpu.memory_space<vmem>>, %arg5: memref<1x128xf32, #tpu.memory_space<vmem>>, %arg6: memref<1x128xf32, #tpu.memory_space<vmem>>, %arg7: memref<128x128xf32, #tpu.memory_space<vmem>>, %arg8: memref<1x128xf32, #tpu.memory_space<vmem>>, %arg9: memref<512x128xf32, #tpu.memory_space<vmem>>, %arg10: memref<8x128xf32, #tpu.memory_space<vmem>>, %arg11: memref<8x128xf32, #tpu.memory_space<vmem>>) attributes {dimension_semantics = [#tpu.dimension_semantics<arbitrary>], iteration_bounds = array<i64: 320>, scalar_prefetch = 0 : i64, scratch_operands = 0 : i64, tpu.core_type = #tpu.core_type<tc>, window_params = [{transform_indices = @transform_0, window_bounds = array<i64: 512, 128>}, {transform_indices = @transform_1, window_bounds = array<i64: 8, 128>}, {transform_indices = @transform_2, window_bounds = array<i64: 8, 64>}, {pipeline_mode = #tpu.pipeline_mode<synchronous>, transform_indices = @transform_3, window_bounds = array<i64: 1, 128>}, {pipeline_mode = #tpu.pipeline_mode<synchronous>, transform_indices = @transform_4, window_bounds = array<i64: 1, 128>}, {pipeline_mode = #tpu.pipeline_mode<synchronous>, transform_indices = @transform_5, window_bounds = array<i64: 1, 128>}, {pipeline_mode = #tpu.pipeline_mode<synchronous>, transform_indices = @transform_6, window_bounds = array<i64: 128, 128>}, {pipeline_mode = #tpu.pipeline_mode<synchronous>, transform_indices = @transform_7, window_bounds = array<i64: 1, 128>}, {transform_indices = @transform_8, window_bounds = array<i64: 512, 128>}, {pipeline_mode = #tpu.pipeline_mode<synchronous>, transform_indices = @transform_9, window_bounds = array<i64: 8, 128>}, {pipeline_mode = #tpu.pipeline_mode<synchronous>, transform_indices = @transform_10, window_bounds = array<i64: 8, 128>}]} {
    %eq3A = arith.constant 0 : i32
    %eq3A_0 = arith.cmpi eq, %arg0, %eq3A : i32
    %convert_element_type3A = arith.extui %eq3A_0 : i1 to i32
    %cond3A = arith.constant 0 : i32
    %cond3A_1 = arith.cmpi ne, %convert_element_type3A, %cond3A : i32
    scf.if %cond3A_1 {
      %broadcast_in_dim3A_65 = arith.constant 0.000000e+00 : f32
      %broadcast_in_dim3A_66 = vector.broadcast %broadcast_in_dim3A_65 : f32 to vector<8x128xf32>
      %swap3A_67 = arith.constant 0 : index
      %swap3A_68 = arith.constant 0 : index
      %swap3A_69 = vector.load %arg10[%swap3A_67, %swap3A_68] : memref<8x128xf32, #tpu.memory_space<vmem>>, vector<8x128xf32>
      tpu.vector_store %arg10[%swap3A_67, %swap3A_68], %broadcast_in_dim3A_66 {strides = array<i32>} : memref<8x128xf32, #tpu.memory_space<vmem>>, vector<8x128xf32>,
      %broadcast_in_dim3A_70 = arith.constant 0.000000e+00 : f32
      %broadcast_in_dim3A_71 = vector.broadcast %broadcast_in_dim3A_70 : f32 to vector<8x128xf32>
      %swap3A_72 = arith.constant 0 : index
      %swap3A_73 = arith.constant 0 : index
      %swap3A_74 = vector.load %arg11[%swap3A_72, %swap3A_73] : memref<8x128xf32, #tpu.memory_space<vmem>>, vector<8x128xf32>
      tpu.vector_store %arg11[%swap3A_72, %swap3A_73], %broadcast_in_dim3A_71 {strides = array<i32>} : memref<8x128xf32, #tpu.memory_space<vmem>>, vector<8x128xf32>,
    } else {
    }
    %get3A = arith.constant 0 : index
    %get3A_2 = arith.constant 0 : index
    %get3A_3 = vector.load %arg1[%get3A, %get3A_2] : memref<512x128xf32, #tpu.memory_space<vmem>>, vector<512x128xf32>
    %reshape3A = vector.shape_cast %get3A_3 : vector<512x128xf32> to vector<8x64x128xf32>
    %get3A_4 = arith.constant 0 : index
    %get3A_5 = arith.constant 0 : index
    %get3A_6 = vector.load %arg2[%get3A_4, %get3A_5] : memref<8x128xf32, #tpu.memory_space<vmem>>, vector<8x128xf32>
    %broadcast_in_dim3A = vector.shape_cast %get3A_6 : vector<8x128xf32> to vector<8x1x128xf32>
    %sub3A = vector.broadcast %broadcast_in_dim3A : vector<8x1x128xf32> to vector<8x64x128xf32>
    %sub3A_7 = arith.subf %reshape3A, %sub3A : vector<8x64x128xf32>
    %get3A_8 = arith.constant 0 : index
    %get3A_9 = arith.constant 0 : index
    %get3A_10 = vector.load %arg4[%get3A_8, %get3A_9] : memref<1x128xf32, #tpu.memory_space<vmem>>, vector<1x128xf32>
    %broadcast_in_dim3A_11 = vector.shape_cast %get3A_10 : vector<1x128xf32> to vector<1x1x128xf32>
    %add3A = vector.broadcast %broadcast_in_dim3A_11 : vector<1x1x128xf32> to vector<8x64x128xf32>
    %add3A_12 = arith.addf %sub3A_7, %add3A : vector<8x64x128xf32>
    %get3A_13 = arith.constant 0 : index
    %get3A_14 = arith.constant 0 : index
    %get3A_15 = vector.load %arg5[%get3A_13, %get3A_14] : memref<1x128xf32, #tpu.memory_space<vmem>>, vector<1x128xf32>
    %broadcast_in_dim3A_16 = vector.shape_cast %get3A_15 : vector<1x128xf32> to vector<1x1x128xf32>
    %mul3A = vector.broadcast %broadcast_in_dim3A_16 : vector<1x1x128xf32> to vector<8x64x128xf32>
    %mul3A_17 = arith.mulf %add3A_12, %mul3A : vector<8x64x128xf32>
    %get3A_18 = arith.constant 0 : index
    %get3A_19 = arith.constant 0 : index
    %get3A_20 = vector.load %arg6[%get3A_18, %get3A_19] : memref<1x128xf32, #tpu.memory_space<vmem>>, vector<1x128xf32>
    %broadcast_in_dim3A_21 = vector.shape_cast %get3A_20 : vector<1x128xf32> to vector<1x1x128xf32>
    %add3A_22 = vector.broadcast %broadcast_in_dim3A_21 : vector<1x1x128xf32> to vector<8x64x128xf32>
    %add3A_23 = arith.addf %mul3A_17, %add3A_22 : vector<8x64x128xf32>
    %max3A = arith.constant 0.000000e+00 : f32
    %max3A_24 = vector.broadcast %max3A : f32 to vector<8x64x128xf32>
    %max3A_25 = arith.maximumf %add3A_23, %max3A_24 : vector<8x64x128xf32>
    %reshape3A_26 = vector.shape_cast %max3A_25 : vector<8x64x128xf32> to vector<512x128xf32>
    %get3A_27 = arith.constant 0 : index
    %get3A_28 = arith.constant 0 : index
    %get3A_29 = vector.load %arg7[%get3A_27, %get3A_28] : memref<128x128xf32, #tpu.memory_space<vmem>>, vector<128x128xf32>
    %dot_general3A = arith.constant dense<0.000000e+00> : vector<512x128xf32>
    %dot_general3A_30 = tpu.matmul %reshape3A_26, %get3A_29, %dot_general3A {dimension_numbers = #tpu.dot_dimension_numbers<[1], [0], [0], [1], [0, 0, 1, 1], [], []>, transpose_lhs_hint = false} : vector<512x128xf32>, vector<128x128xf32>, vector<512x128xf32> -> vector<512x128xf32>
    %get3A_31 = arith.constant 0 : index
    %get3A_32 = arith.constant 0 : index
    %get3A_33 = vector.load %arg8[%get3A_31, %get3A_32] : memref<1x128xf32, #tpu.memory_space<vmem>>, vector<1x128xf32>
    %add3A_34 = vector.broadcast %get3A_33 : vector<1x128xf32> to vector<512x128xf32>
    %add3A_35 = arith.addf %dot_general3A_30, %add3A_34 : vector<512x128xf32>
    %swap3A = arith.constant 0 : index
    %swap3A_36 = arith.constant 0 : index
    %swap3A_37 = vector.load %arg9[%swap3A, %swap3A_36] : memref<512x128xf32, #tpu.memory_space<vmem>>, vector<512x128xf32>
    tpu.vector_store %arg9[%swap3A, %swap3A_36], %add3A_35 {strides = array<i32>} : memref<512x128xf32, #tpu.memory_space<vmem>>, vector<512x128xf32>,
    %get3A_38 = arith.constant 0 : index
    %get3A_39 = arith.constant 0 : index
    %get3A_40 = vector.load %arg3[%get3A_38, %get3A_39] : memref<8x64xf32, #tpu.memory_space<vmem>>, vector<8x64xf32>
    %broadcast_in_dim3A_41 = vector.shape_cast %get3A_40 : vector<8x64xf32> to vector<8x64x1xf32>
    %reshape3A_42 = vector.shape_cast %add3A_35 : vector<512x128xf32> to vector<8x64x128xf32>
    %get3A_43 = arith.constant 0 : index
    %get3A_44 = arith.constant 0 : index
    %get3A_45 = vector.load %arg10[%get3A_43, %get3A_44] : memref<8x128xf32, #tpu.memory_space<vmem>>, vector<8x128xf32>
    %mul3A_46 = vector.broadcast %broadcast_in_dim3A_41 : vector<8x64x1xf32> to vector<8x64x128xf32>
    %mul3A_47 = arith.mulf %reshape3A_42, %mul3A_46 : vector<8x64x128xf32>
    %reduce_sum3A = arith.constant dense<0.000000e+00> : vector<8x128xf32>
    %reduce_sum3A_48 = vector.multi_reduction <add>, %mul3A_47, %reduce_sum3A [1] : vector<8x64x128xf32> to vector<8x128xf32>
    %add3A_49 = arith.addf %get3A_45, %reduce_sum3A_48 : vector<8x128xf32>
    %swap3A_50 = arith.constant 0 : index
    %swap3A_51 = arith.constant 0 : index
    %swap3A_52 = vector.load %arg10[%swap3A_50, %swap3A_51] : memref<8x128xf32, #tpu.memory_space<vmem>>, vector<8x128xf32>
    tpu.vector_store %arg10[%swap3A_50, %swap3A_51], %add3A_49 {strides = array<i32>} : memref<8x128xf32, #tpu.memory_space<vmem>>, vector<8x128xf32>,
    %get3A_53 = arith.constant 0 : index
    %get3A_54 = arith.constant 0 : index
    %get3A_55 = vector.load %arg11[%get3A_53, %get3A_54] : memref<8x128xf32, #tpu.memory_space<vmem>>, vector<8x128xf32>
    %mul3A_56 = arith.mulf %reshape3A_42, %reshape3A_42 : vector<8x64x128xf32>
    %mul3A_57 = vector.broadcast %broadcast_in_dim3A_41 : vector<8x64x1xf32> to vector<8x64x128xf32>
    %mul3A_58 = arith.mulf %mul3A_56, %mul3A_57 : vector<8x64x128xf32>
    %reduce_sum3A_59 = arith.constant dense<0.000000e+00> : vector<8x128xf32>
    %reduce_sum3A_60 = vector.multi_reduction <add>, %mul3A_58, %reduce_sum3A_59 [1] : vector<8x64x128xf32> to vector<8x128xf32>
    %add3A_61 = arith.addf %get3A_55, %reduce_sum3A_60 : vector<8x128xf32>
    %swap3A_62 = arith.constant 0 : index
    %swap3A_63 = arith.constant 0 : index
    %swap3A_64 = vector.load %arg11[%swap3A_62, %swap3A_63] : memref<8x128xf32, #tpu.memory_space<vmem>>, vector<8x128xf32>
    tpu.vector_store %arg11[%swap3A_62, %swap3A_63], %add3A_61 {strides = array<i32>} : memref<8x128xf32, #tpu.memory_space<vmem>>, vector<8x128xf32>,
    return
  }
  func.func @transform_0(%arg0: i32) -> (i32, i32) {
    %c0_i32 = arith.constant 0 : i32
    %c0_i32_0 = arith.constant 0 : i32
    return %arg0, %c0_i32 : i32, i32
  }
  func.func @transform_1(%arg0: i32) -> (i32, i32) {
    %c0_i32 = arith.constant 0 : i32
    %c0_i32_0 = arith.constant 0 : i32
    return %arg0, %c0_i32 : i32, i32
  }
  func.func @transform_2(%arg0: i32) -> (i32, i32) {
    %c0_i32 = arith.constant 0 : i32
    %c0_i32_0 = arith.constant 0 : i32
    return %arg0, %c0_i32 : i32, i32
  }
  func.func @transform_3(%arg0: i32) -> (i32, i32) {
    %c0_i32 = arith.constant 0 : i32
    %c0_i32_0 = arith.constant 0 : i32
    %c0_i32_1 = arith.constant 0 : i32
    return %c0_i32, %c0_i32_0 : i32, i32
  }
  func.func @transform_4(%arg0: i32) -> (i32, i32) {
    %c0_i32 = arith.constant 0 : i32
    %c0_i32_0 = arith.constant 0 : i32
    %c0_i32_1 = arith.constant 0 : i32
    return %c0_i32, %c0_i32_0 : i32, i32
  }
  func.func @transform_5(%arg0: i32) -> (i32, i32) {
    %c0_i32 = arith.constant 0 : i32
    %c0_i32_0 = arith.constant 0 : i32
    %c0_i32_1 = arith.constant 0 : i32
    return %c0_i32, %c0_i32_0 : i32, i32
  }
  func.func @transform_6(%arg0: i32) -> (i32, i32) {
    %c0_i32 = arith.constant 0 : i32
    %c0_i32_0 = arith.constant 0 : i32
    %c0_i32_1 = arith.constant 0 : i32
    return %c0_i32, %c0_i32_0 : i32, i32
  }
  func.func @transform_7(%arg0: i32) -> (i32, i32) {
    %c0_i32 = arith.constant 0 : i32
    %c0_i32_0 = arith.constant 0 : i32
    %c0_i32_1 = arith.constant 0 : i32
    return %c0_i32, %c0_i32_0 : i32, i32
  }
  func.func @transform_8(%arg0: i32) -> (i32, i32) {
    %c0_i32 = arith.constant 0 : i32
    %c0_i32_0 = arith.constant 0 : i32
    return %arg0, %c0_i32 : i32, i32
  }
  func.func @transform_9(%arg0: i32) -> (i32, i32) {
    %c0_i32 = arith.constant 0 : i32
    %c0_i32_0 = arith.constant 0 : i32
    %c0_i32_1 = arith.constant 0 : i32
    return %c0_i32, %c0_i32_0 : i32, i32
  }
  func.func @transform_10(%arg0: i32) -> (i32, i32) {
    %c0_i32 = arith.constant 0 : i32
    %c0_i32_0 = arith.constant 0 : i32
    %c0_i32_1 = arith.constant 0 : i32
    return %c0_i32, %c0_i32_0 : i32, i32
  }
}

</mosaic_0001>

<sc_bundles>
// kernel: kernel.9.cloned.1.call-start
scs
__scs_entry_jumppad:
0x0: {  	(pc) =	sbr.rel $0x88, $3  }
0x1: {  	(tag) =	ssettag $0x0;
	lr =	simm.s32 $0x1  }
0x2: {  	[smem:$0x3F94] =	sst lr;
	_ =	strace $0xD0000000  }
0x3: {  	_ = 	snop  }
0x4: {  	_ = 	snop  }
0x5: {  	_ = 	snop  }
0x6: {  	_ = 	snop  }
0x7: {  	_ = 	snop  }
__scs_overlays_trampoline_lowered:
0x8: {  	[smem:$0x3FA3] =	sst s0  }
0x9: {  	[smem:$0x3FA4] =	sst s1  }
0xa: {  	[smem:$0x3FA5] =	sst s2  }
0xb: {  	[smem:$0x3FA6] =	sst s3  }
0xc: {  	[smem:$0x3FA7] =	sst s4  }
0xd: {  	[smem:$0x3FA8] =	sst s5  }
0xe: {  	[smem:$0x3FA9] =	sst s6  }
0xf: {  	[smem:$0x3FAA] =	sst s7  }
0x10: {  	[smem:$0x3FAB] =	sst s8  }
0x11: {  	[smem:$0x3FAC] =	sst s9;
	s0 =	simm.s32 @!p0 $0x0  }
0x12: {  	s1 =	sld [smem:$0x3F92];
	s0 =	simm.s32 @p0 $0x1  }
0x13: {  	[smem:$0x3FAD] =	sst s0;
	s0 =	simm.s32 @!p1 $0x0  }
0x14: {  	s2 =	sld [smem:$0x3F91];
	s0 =	simm.s32 @p1 $0x1  }
0x15: {  	[smem:$0x3FAE] =	sst s0;
	s0 =	simm.s32 @!p2 $0x0  }
0x16: {  	s3 =	sld [smem:$0x3FDB];
	s0 =	simm.s32 @p2 $0x1  }
0x17: {  	s4 =	simm.s32 $0x1BF5;
	[smem:$0x3FB0] =	sst s0  }
0x18: {  	s0 =	sld [smem:$0x3F93];
	_ =	swait.ge [sflag:s4], $0x0  }
0x19: {  	s7 =	sld [smem:$0x3F94]  }
0x1a: {  	s8 =	sadd.s32 $0xFFFFE003, lr  }
0x1b: {  	s9 =	sadd.s32 $0xFFFFFEF7, lr;
	s5 =	simm.s32 $0xFFFFFFFF;
	p2 =	slt.u32 s8, $0xFFFFF086  }
0x1c: {  	p1 =	slt.u32 s9, $0xF7A;
	s5 =	simm.s32 @!p2 $0x0  }
0x1d: {  	s5 =	simm.s32 @p1 $0x1;
	p0 =	seq.s32 s7, s2  }
0x1e: {  	s7 =	smul.u32 @!p0 $0xF7A, s2;
	p2 =	seq.s32 @!p0 s5, $0x0  }
0x1f: {  	s9 =	smul.u32 $0xF7A, s1;
	s8 =	simm.s32 @!p0 $0x1BF5;
	p2 =	por !p2, p0  }
0x20: {  	[sflag:s8] =	ssyncset.s32 @!p0 $0xFFFFF086;
	s6 =	sadd.s32 @!p0 s3, s7;
	s7 =	simm.s32 @!p0 $0x108  }
0x21: {  	s3 =	sadd.s32 s3, s9;
	s6 =	sadd.s32 @!p0 $0x88, s6;
	s7 =	simm.s32 @p2 $0x1082  }
0x22: {  	[simem:s7], [sflag:s8] =	dma.local @!p0 [hbm:s6], $0xF7A  }
0x23: {  	s9 =	sor.u32 $0xD0000000, s2;
	s6 =	simm.s32 $0x108;
	_ =	swait.ge @!p0 [sflag:s8], $0x0  }
0x24: {  	s3 =	sadd.s32 $0x88, s3;
	s6 =	simm.s32 @!p1 $0x1082;
	[sflag:s4] =	ssyncset.s32 $0xFFFFF086  }
0x25: {  	[simem:s6], [sflag:s4] =	dma.local [hbm:s3], $0xF7A  }
0x26: {  	[smem:$0x3F94] =	sst s1;
	(tag) =	ssettag s2;
	_ =	strace s9  }
0x27: {  	s1 =	sld [smem:$0x3FA4]  }
0x28: {  	s2 =	sld [smem:$0x3FA5]  }
0x29: {  	s4 =	sld [smem:$0x3FA7]  }
0x2a: {  	p0 =	seq.s32 s5, $0x0;
	s5 =	sld [smem:$0x3FA8]  }
0x2b: {  	s6 =	sld [smem:$0x3FA9]  }
0x2c: {  	s7 =	sld [smem:$0x3FAA]  }
0x2d: {  	s3 =	simm.s32 $0x108;
	s8 =	sld [smem:$0x3FAB]  }
0x2e: {  	s3 =	simm.s32 @!p0 $0x1082;
	s9 =	sld [smem:$0x3FAC]  }
0x2f: {  	lr =	sadd.s32 s0, s3;
	s0 =	sld [smem:$0x3FA3]  }
0x30: {  	s3 =	sld [smem:$0x3FA6]  }
0x31: {  	[smem:$0x3FAF] =	sst s10  }
0x32: {  	s10 =	sld [smem:$0x3FAD];
	_ =	sdelay $0x3  }
0x33: {  	p0 =	seq.s32 s10, $0x1;
	s10 =	sld [smem:$0x3FAF];
	_ =	sdelay $0x3  }
0x34: {  	[smem:$0x3FAF] =	sst s10  }
0x35: {  	s10 =	sld [smem:$0x3FAE];
	_ =	sdelay $0x3  }
0x36: {  	p1 =	seq.s32 s10, $0x1;
	s10 =	sld [smem:$0x3FAF];
	_ =	sdelay $0x3  }
0x37: {  	[smem:$0x3FAF] =	sst s10  }
0x38: {  	s10 =	sld [smem:$0x3FB0]  }
0x39: {  	_ = 	snop;
	(pc) =	sbr.ind lr, $3  }
0x3a: {  	_ = 	snop  }
0x3b: {  	_ = 	snop  }
0x3c: {  	p2 =	seq.s32 s10, $0x1;
	s10 =	sld [smem:$0x3FAF]  }
0x3d: {  	_ =	shalt  }
0x3e: {  	_ =	shalt  }
0x3f: {  	_ =	shalt  }
0x40: {  	_ =	shalt  }
0x41: {  	_ =	shalt  }
0x42: {  	_ =	shalt  }
0x43: {  	_ =	shalt  }
0x44: {  	_ =	shalt  }
0x45: {  	_ =	shalt  }
0x46: {  	_ =	shalt  }
0x47: {  	_ =	shalt  }
0x48: {  	_ =	shalt  }
0x49: {  	_ =	shalt  }
0x4a: {  	_ =	shalt  }
0x4b: {  	_ =	shalt  }
0x4c: {  	_ =	shalt  }
0x4d: {  	_ =	shalt  }
0x4e: {  	_ =	shalt  }
0x4f: {  	_ =	shalt  }
0x50: {  	_ =	shalt  }
0x51: {  	_ =	shalt  }
0x52: {  	_ =	shalt  }
0x53: {  	_ =	shalt  }
0x54: {  	_ =	shalt  }
0x55: {  	_ =	shalt  }
0x56: {  	_ =	shalt  }
0x57: {  	_ =	shalt  }
0x58: {  	_ =	shalt  }
0x59: {  	_ =	shalt  }
0x5a: {  	_ =	shalt  }
0x5b: {  	_ =	shalt  }
0x5c: {  	_ =	shalt  }
0x5d: {  	_ =	shalt  }
0x5e: {  	_ =	shalt  }
0x5f: {  	_ =	shalt  }
0x60: {  	_ =	shalt  }
0x61: {  	_ =	shalt  }
0x62: {  	_ =	shalt  }
0x63: {  	_ =	shalt  }
0x64: {  	_ =	shalt  }
0x65: {  	_ =	shalt  }
0x66: {  	_ =	shalt  }
0x67: {  	_ =	shalt  }
0x68: {  	_ =	shalt  }
0x69: {  	_ =	shalt  }
0x6a: {  	_ =	shalt  }
0x6b: {  	_ =	shalt  }
0x6c: {  	_ =	shalt  }
0x6d: {  	_ =	shalt  }
0x6e: {  	_ =	shalt  }
0x6f: {  	_ =	shalt  }
0x70: {  	_ =	shalt  }
0x71: {  	_ =	shalt  }
0x72: {  	_ =	shalt  }
0x73: {  	_ =	shalt  }
0x74: {  	_ =	shalt  }
0x75: {  	_ =	shalt  }
0x76: {  	_ =	shalt  }
0x77: {  	_ =	shalt  }
0x78: {  	_ =	shalt  }
0x79: {  	_ =	shalt  }
0x7a: {  	_ =	shalt  }
0x7b: {  	_ =	shalt  }
0x7c: {  	_ =	shalt  }
0x7d: {  	_ =	shalt  }
0x7e: {  	_ =	shalt  }
0x7f: {  	_ =	shalt  }
0x80: {  	_ =	shalt  }
0x81: {  	_ =	shalt  }
0x82: {  	_ =	shalt  }
0x83: {  	_ =	shalt  }
0x84: {  	_ =	shalt  }
0x85: {  	_ =	shalt  }
0x86: {  	_ =	shalt  }
0x87: {  	_ =	shalt  }
.Lfunc_end0:
.L_simem_size_0:
called_computation_lowered:
.L_overlay_start_0:
0x88: {  	s2 =	sld [smem:$0x3FD9]  }
0x89: {  	s3 =	sld [smem:$0x3FFE];
	_ =	sdelay $0x1  }
0x8a: {  	s1 =	srdreg.scid  }
0x8b: {  	s0 =	sand.u32 $0x1, s1  }
0x8c: {  	s16 =	sshll.u32 s0, $0xA;
	s2 =	sadd.s32 s3, s2  }
0x8d: {  	s2 =	sadd.s32 s2, s16  }
0x8e: {  	[smem:$0x3FBB] =	sst s2  }
0x8f: {  	_ = 	snop  }
0x90: {  	(tm) =	ssettm $0x1  }
0x91: {  	s17 =	sld [smem:$0x3FFB];
	_ =	sdelay $0x3  }
0x92: {  	_ =	strace s17  }
0x93: {  	s2 =	sld [smem:$0x3FFC];
	_ =	sdelay $0x3  }
0x94: {  	_ =	strace s2  }
0x95: {  	s2 =	sld [smem:$0x3FFD];
	_ =	sdelay $0x3  }
0x96: {  	_ =	strace s2  }
0x97: {  	_ =	strace $0x8FFFFFFF  }
0x98: {  	s18 =	sld [smem:$0x3FDB];
	_ =	sdelay $0x1  }
0x99: {  	s19 =	simm.s32 $_scs_section_size  }
0x9a: {  	s4 =	simm.s32 $_size__tile_overlayer_lowered;
	s5 =	simm.s32 $_tile_overlayer_lowered  }
0x9b: {  	s22 =	simm.s32 $0x1BFF;
	s21 =	sshll.u32 s5, $0x1;
	s2 =	sadd.s32 s19, s18  }
0x9c: {  	s6 =	simm.s32 $0x0;
	s20 =	sshll.u32 s4, $0x1;
	s4 =	sadd.s32 s21, s2  }
0x9d: {  	[timem:s6], [sflag:s22] =	dma.local [hbm:s4], s20  }
0x9e: {  	_ =	swait.ge [sflag:s22], s20  }
0x9f: {  	s3 =	ssub.s32 $0x0, s20;
	[sflag:s22] =	ssyncset.done $0x0  }
0xa0: {  	[sflag:s22] =	ssyncadd.s32 s3;
	_ =	sdelay $0x1  }
0xa1: {  	s23 =	simm.s32 $0x1B8B  }
0xa2: {  	_ =	swait.ge [sflag:s23], $0x1  }
0xa3: {  	[sflag:s23] =	ssyncset.done $0x0  }
0xa4: {  	s25 =	simm.s32 $0x1B8E;
	s24 =	sld [smem:$0x3FFE];
	[sflag:s23] =	ssyncadd.s32 $0xFFFFFFFF  }
0xa5: {  	s26 =	simm.s32 $execute0_lowered;
	[smem:$0x3FD2] =	sst s25  }
0xa6: {  	s4 =	sshll.u32 s26, $0x1;
	_ =	strace $0x80000046;
	[dreg:$0x1] =	wrdreg $0xFFFFFFFF  }
0xa7: {  	s28 =	simm.s32 $_size_execute0_lowered;
	s2 =	sadd.s32 s2, s4;
	[dreg:$0x0] =	wrdreg $0x0  }
0xa8: {  	s4 =	sshll.u32 s28, $0x1;
	[dreg:$0x2] =	wrdreg s2  }
0xa9: {  	[dreg:$0x3] =	wrdreg s4  }
0xaa: {  	[dreg:$0x4] =	wrdreg $0xC0  }
0xab: {  	_ =	task [dreg:s6], $0x5FFFF  }
0xac: {  	[dreg:$0x1] =	wrdreg $0xFFFFFFFF  }
0xad: {  	[dreg:$0x0] =	wrdreg $0x60  }
0xae: {  	[dreg:$0x2] =	wrdreg s24  }
0xaf: {  	[dreg:$0x3] =	wrdreg $0x9  }
0xb0: {  	_ =	task.clear_ibuf [dreg:s6], $0x4FFFF;
	_ =	strace $0x90000046  }
0xb1: {  	s29 =	simm.s32 $0x9;
	_ =	strace $0x80000048  }
0xb2: {  	_ =	swait.ge [sflag:s29], $0x1  }
0xb3: {  	[sflag:s29] =	ssyncadd.s32 $0xFFFFFFFF  }
0xb4: {  	_ =	strace $0x90000048  }
0xb5: {  	_ =	sfence  }
0xb6: {  	s30 =	sld [smem:$0x0];
	_ =	sdelay $0x2  }
0xb7: {  	s31 =	sshll.u32 s1, $0xD;
	s1 =	sshrl.u32 s1, $0x2  }
0xb8: {  	s3 =	sand.u32 $0x4000, s31;
	s1 =	sadd.s32 s1, s30  }
0xb9: {  	s0 =	sor.u32 s3, s0;
	s1 =	sshll.u32 s1, $0x11  }
0xba: {  	s0 =	sor.u32 s1, s0  }
0xbb: {  	s0 =	sadd.s32 $0x8F2B, s0  }
0xbc: {  	[sflag:s0] =	ssyncadd.remote.s32 $0x1  }
0xbd: {  	_ =	sfence.sel $0xFFFF  }
0xbe: {  	[dreg:$0x0] =	wrdreg $0xFFFFFFFF;
	(pc) =	sbr.abs _section_cstart, $3  }
0xbf: {  	[dreg:$0x1] =	wrdreg $0xFFFFFFFF  }
0xc0: {  	_ =	task.clear_ibuf [dreg:s6], $0x2FFFF;
	_ =	strace $0x9FFFFFFF  }
0xc1: {  	(tm) =	ssettm $0x7FFFFFFF  }
tec
execute0_lowered:
.L_overlay_start_1:
0x0: {  	(tag) =	ssettag $0x1  }
0x1: {  	s0 =	srdreg.scid;
	s2 =	stileid.u32  }
0x2: {  	s6 =	sand.u32 $0x1, s0;
	s25 =	sshll.u32 s2, $0x1  }
0x3: {  	s1 =	rddreg [dreg:$0x0];
	p0 =	por $0x0, $0x0;
	s0 =	sor.u32 s6, s25  }
0x4: {  	s2 =	simm.s32 $0x0;
	s3 =	sadd.s32 $0x600, s1;
	s4 =	smul.u32 $0x1400, s0  }
0x5: {  	s5 =	sadd.s32 $0x2D600, s1;
	[smem:$0x7FF] =	sst s2;
	s0 =	smul.u32 $0x14000, s0  }
0x6: {  	s6 =	ssub.s32 $0x2, s6;
	_ =	strace $0x80000047;
	s7 =	sshrl.u32 s4, $0x3  }
0x7: {  	s8 =	sor.u32 $0x80, s4;
	s0 =	sadd.s32 s5, s0;
	s12 =	sor.u32 $0x100, s4  }
0x8: {  	s14 =	sor.u32 $0x180, s4;
	s20 =	sor.u32 $0x200, s4;
	s22 =	sor.u32 $0x280, s4  }
0x9: {  	s7 =	sadd.s32 s3, s7;
	s26 =	sshrl.u32 s8, $0x3;
	[dreg:$0x3] =	wrdreg s0  }
0xa: {  	s10 =	sshll.u32 s8, $0x4;
	s13 =	sshrl.u32 s12, $0x3;
	s16 =	sshrl.u32 s14, $0x3  }
0xb: {  	s18 =	sshll.u32 s14, $0x4;
	s21 =	sshrl.u32 s20, $0x3;
	s24 =	sshrl.u32 s22, $0x3  }
0xc: {  	s8 =	sor.u32 $0x300, s4;
	[dreg:$0x2] =	wrdreg s7;
	s9 =	sadd.s32 s3, s26  }
0xd: {  	s11 =	sadd.s32 s5, s10;
	s0 =	sadd.s32 s3, s13;
	s7 =	sshll.u32 s12, $0x4  }
0xe: {  	s17 =	sadd.s32 s3, s16;
	s19 =	sadd.s32 s5, s18;
	[dreg:$0x4] =	wrdreg s9  }
0xf: {  	s25 =	sadd.s32 s3, s24;
	s26 =	sshll.u32 s22, $0x4;
	[dreg:$0x5] =	wrdreg s11  }
0x10: {  	s10 =	sor.u32 $0x380, s4;
	s16 =	sadd.s32 $0x400, s4;
	[dreg:$0x6] =	wrdreg s0  }
0x11: {  	s18 =	sadd.s32 $0x480, s4;
	s24 =	sadd.s32 $0x500, s4;
	[dreg:$0x8] =	wrdreg s17  }
0x12: {  	s15 =	sadd.s32 s5, s7;
	[dreg:$0x9] =	wrdreg s19;
	s0 =	sadd.s32 s3, s21  }
0x13: {  	s7 =	sshll.u32 s20, $0x4;
	[dreg:$0xc] =	wrdreg s25;
	s9 =	sshrl.u32 s8, $0x3  }
0x14: {  	s12 =	sshrl.u32 s10, $0x3;
	s14 =	sshll.u32 s10, $0x4;
	[dreg:$0x7] =	wrdreg s15  }
0x15: {  	s17 =	sshrl.u32 s16, $0x3;
	[dreg:$0xa] =	wrdreg s0;
	s23 =	sadd.s32 s5, s7  }
0x16: {  	s20 =	sshrl.u32 s18, $0x3;
	s7 =	sadd.s32 s5, s26;
	[dreg:$0xb] =	wrdreg s23  }
0x17: {  	s22 =	sshll.u32 s18, $0x4;
	s0 =	sadd.s32 s3, s9;
	[dreg:$0xd] =	wrdreg s7  }
0x18: {  	s25 =	sshrl.u32 s24, $0x3;
	s13 =	sadd.s32 s3, s12;
	[dreg:$0xe] =	wrdreg s0  }
0x19: {  	s15 =	sadd.s32 s5, s14;
	s21 =	sadd.s32 s3, s20;
	[dreg:$0x10] =	wrdreg s13  }
0x1a: {  	s26 =	sadd.s32 $0x580, s4;
	s14 =	sadd.s32 $0x600, s4;
	[dreg:$0x11] =	wrdreg s15  }
0x1b: {  	s7 =	sshll.u32 s8, $0x4;
	s0 =	sadd.s32 s3, s17;
	[dreg:$0x14] =	wrdreg s21  }
0x1c: {  	s23 =	sadd.s32 s5, s22;
	s10 =	sshrl.u32 s26, $0x3;
	s12 =	sshll.u32 s26, $0x4  }
0x1d: {  	s15 =	sshrl.u32 s14, $0x3;
	s22 =	sadd.s32 $0x700, s4;
	[dreg:$0x12] =	wrdreg s0  }
0x1e: {  	s11 =	sadd.s32 s5, s7;
	s7 =	sshll.u32 s16, $0x4;
	[dreg:$0x15] =	wrdreg s23  }
0x1f: {  	s0 =	sadd.s32 s3, s25;
	s13 =	sadd.s32 s5, s12;
	s16 =	sadd.s32 $0x680, s4  }
0x20: {  	s23 =	sshrl.u32 s22, $0x3;
	s12 =	sadd.s32 $0x800, s4;
	[dreg:$0xf] =	wrdreg s11  }
0x21: {  	s19 =	sadd.s32 s5, s7;
	s7 =	sshll.u32 s24, $0x4;
	[dreg:$0x16] =	wrdreg s0  }
0x22: {  	s11 =	sadd.s32 s3, s10;
	[dreg:$0x19] =	wrdreg s13;
	s0 =	sadd.s32 s3, s15  }
0x23: {  	s18 =	sshrl.u32 s16, $0x3;
	s20 =	sshll.u32 s16, $0x4;
	[dreg:$0x13] =	wrdreg s19  }
0x24: {  	s24 =	sadd.s32 $0x780, s4;
	s13 =	sshrl.u32 s12, $0x3;
	[dreg:$0x18] =	wrdreg s11  }
0x25: {  	s9 =	sadd.s32 s5, s7;
	s7 =	sshll.u32 s14, $0x4;
	[dreg:$0x1a] =	wrdreg s0  }
0x26: {  	s19 =	sadd.s32 s3, s18;
	s21 =	sadd.s32 s5, s20;
	s0 =	sadd.s32 s3, s23  }
0x27: {  	s26 =	sshrl.u32 s24, $0x3;
	s10 =	sshll.u32 s24, $0x4;
	[dreg:$0x17] =	wrdreg s9  }
0x28: {  	s14 =	sadd.s32 $0x880, s4;
	s20 =	sadd.s32 $0x900, s4;
	[dreg:$0x1c] =	wrdreg s19  }
0x29: {  	s17 =	sadd.s32 s5, s7;
	[dreg:$0x1d] =	wrdreg s21;
	s7 =	sshll.u32 s22, $0x4  }
0x2a: {  	[dreg:$0x1e] =	wrdreg s0;
	s9 =	sadd.s32 s3, s26;
	s11 =	sadd.s32 s5, s10  }
0x2b: {  	s0 =	sadd.s32 s3, s13;
	s16 =	sshrl.u32 s14, $0x3;
	[dreg:$0x1b] =	wrdreg s17  }
0x2c: {  	s18 =	sshll.u32 s14, $0x4;
	s21 =	sshrl.u32 s20, $0x3;
	[smem:$0x7E4] =	sst s9  }
0x2d: {  	s22 =	sadd.s32 $0x980, s4;
	s25 =	sadd.s32 s5, s7;
	[smem:$0x7E5] =	sst s11  }
0x2e: {  	s7 =	sshll.u32 s12, $0x4;
	[smem:$0x7E6] =	sst s0;
	s17 =	sadd.s32 s3, s16  }
0x2f: {  	s19 =	sadd.s32 s5, s18;
	s0 =	sadd.s32 s3, s21;
	[dreg:$0x1f] =	wrdreg s25  }
0x30: {  	s24 =	sshrl.u32 s22, $0x3;
	s26 =	sshll.u32 s22, $0x4;
	[smem:$0x7E8] =	sst s17  }
0x31: {  	s9 =	sadd.s32 $0xA00, s4;
	s11 =	sadd.s32 $0xA80, s4;
	[smem:$0x7E9] =	sst s19  }
0x32: {  	s15 =	sadd.s32 s5, s7;
	s7 =	sshll.u32 s20, $0x4;
	[smem:$0x7EA] =	sst s0  }
0x33: {  	s25 =	sadd.s32 s3, s24;
	s8 =	sadd.s32 s5, s26;
	s10 =	sshrl.u32 s9, $0x3  }
0x34: {  	s13 =	sshrl.u32 s11, $0x3;
	s17 =	sadd.s32 $0xB00, s4;
	[smem:$0x7E7] =	sst s15  }
0x35: {  	s19 =	sadd.s32 $0xB80, s4;
	s26 =	sshrl.u32 s6, $0x1;
	[smem:$0x7EC] =	sst s25  }
0x36: {  	s23 =	sadd.s32 s5, s7;
	[smem:$0x7ED] =	sst s8;
	s0 =	sadd.s32 s3, s10  }
0x37: {  	s7 =	sshll.u32 s9, $0x4;
	s14 =	sadd.s32 s3, s13;
	s15 =	sshll.u32 s11, $0x4  }
0x38: {  	s18 =	sshrl.u32 s17, $0x3;
	s21 =	sshrl.u32 s19, $0x3;
	[smem:$0x7EB] =	sst s23  }
0x39: {  	s25 =	sadd.s32 $0xC00, s4;
	s6 =	ssub.s32 s6, s26;
	[smem:$0x7EE] =	sst s0  }
0x3a: {  	s12 =	sadd.s32 s5, s7;
	[smem:$0x7F0] =	sst s14;
	s16 =	sadd.s32 s5, s15  }
0x3b: {  	s0 =	sadd.s32 s3, s18;
	s7 =	sshll.u32 s17, $0x4;
	s22 =	sadd.s32 s3, s21  }
0x3c: {  	s23 =	sshll.u32 s19, $0x4;
	s9 =	sshrl.u32 s25, $0x3;
	[smem:$0x7EF] =	sst s12  }
0x3d: {  	s15 =	sadd.s32 $0xD00, s4;
	s17 =	sadd.s32 $0xD80, s4;
	[smem:$0x7F1] =	sst s16  }
0x3e: {  	s6 =	smax.u32 s6, $0x1;
	[smem:$0x7F2] =	sst s0;
	s20 =	sadd.s32 s5, s7  }
0x3f: {  	[smem:$0x7F4] =	sst s22;
	s24 =	sadd.s32 s5, s23;
	s0 =	sadd.s32 s3, s9  }
0x40: {  	s7 =	sshll.u32 s25, $0x4;
	s9 =	sadd.s32 $0xC80, s4;
	s16 =	sshrl.u32 s15, $0x3  }
0x41: {  	s19 =	sshrl.u32 s17, $0x3;
	s21 =	sshll.u32 s17, $0x4;
	[smem:$0x7F3] =	sst s20  }
0x42: {  	s23 =	sadd.s32 $0xE00, s4;
	p1 =	sne.s32 s6, $0x1;
	[smem:$0x7F5] =	sst s24  }
0x43: {  	[smem:$0x7F6] =	sst s0;
	s10 =	sadd.s32 s5, s7;
	s11 =	sshrl.u32 s9, $0x3  }
0x44: {  	s13 =	sshll.u32 s9, $0x4;
	s0 =	sadd.s32 s3, s16;
	s7 =	sshll.u32 s15, $0x4  }
0x45: {  	s20 =	sadd.s32 s3, s19;
	s22 =	sadd.s32 s5, s21;
	[smem:$0x7F7] =	sst s10  }
0x46: {  	s25 =	sshrl.u32 s23, $0x3;
	s24 =	sadd.s32 $0xF00, s4;
	[smem:$0x7FA] =	sst s0  }
0x47: {  	s15 =	sadd.s32 $0x1100, s4;
	s12 =	sadd.s32 s3, s11;
	[smem:$0x7FC] =	sst s20  }
0x48: {  	s14 =	sadd.s32 s5, s13;
	s18 =	sadd.s32 s5, s7;
	[smem:$0x7FD] =	sst s22  }
0x49: {  	s22 =	sadd.s32 $0xE80, s4;
	s28 =	sadd.s32 s3, s25;
	s20 =	sshll.u32 s23, $0x4  }
0x4a: {  	s8 =	sshrl.u32 s24, $0x3;
	s11 =	sadd.s32 $0x1000, s4;
	[smem:$0x7F8] =	sst s12  }
0x4b: {  	s13 =	sadd.s32 $0x1080, s4;
	s7 =	sadd.s32 $0x1200, s4;
	[smem:$0x7F9] =	sst s14  }
0x4c: {  	s24 =	sshll.u32 s24, $0x4;
	[smem:$0x7FB] =	sst s18;
	s26 =	sshrl.u32 s22, $0x3  }
0x4d: {  	s23 =	sadd.s32 s3, s8;
	s12 =	sshrl.u32 s11, $0x3;
	s10 =	sshrl.u32 s13, $0x3  }
0x4e: {  	s18 =	sadd.s32 $0x1180, s4;
	s0 =	sshrl.u32 s7, $0x3;
	s31 =	sadd.s32 s5, s20  }
0x4f: {  	s22 =	sshll.u32 s22, $0x4;
	s11 =	sshll.u32 s11, $0x4;
	s13 =	sshll.u32 s13, $0x4  }
0x50: {  	s7 =	sshll.u32 s7, $0x4;
	s25 =	sadd.s32 s3, s26;
	s26 =	sadd.s32 $0xF80, s4  }
0x51: {  	s19 =	sadd.s32 s3, s12;
	s17 =	sadd.s32 s3, s10;
	s12 =	sshrl.u32 s15, $0x3  }
0x52: {  	s14 =	sshrl.u32 s18, $0x3;
	s10 =	sadd.s32 $0x1300, s4;
	s30 =	sadd.s32 s5, s22  }
0x53: {  	s15 =	sshll.u32 s15, $0x4;
	s22 =	sadd.s32 s5, s13;
	s18 =	sshll.u32 s18, $0x4  }
0x54: {  	s9 =	sshrl.u32 s26, $0x3;
	s16 =	sadd.s32 s3, s12;
	s14 =	sadd.s32 s3, s14  }
0x55: {  	s12 =	sadd.s32 s3, s0;
	s0 =	sadd.s32 $0x1380, s4;
	s29 =	sshrl.u32 s10, $0x3  }
0x56: {  	s26 =	sshll.u32 s26, $0x4;
	s20 =	sadd.s32 s5, s15;
	s18 =	sadd.s32 s5, s18  }
0x57: {  	s15 =	sadd.s32 s5, s7;
	s7 =	sadd.s32 $0x5600, s1;
	s1 =	sadd.s32 $0xFFFFFFFF, s6  }
0x58: {  	s6 =	simm.s32 $0x2;
	s21 =	sadd.s32 s3, s9;
	s9 =	sadd.s32 $0x1280, s4  }
0x59: {  	s4 =	sadd.s32 s3, s29;
	s29 =	sshrl.u32 s0, $0x3;
	s26 =	sadd.s32 s5, s26  }
.Ltmp0:
0x5a: {  	s0 =	sshll.u32 s0, $0x4;
	s8 =	sshrl.u32 s9, $0x3;
	(pc) =	sbr.rel @!p1 .LBB2_3-.Ltmp0, $4  }
0x5b: {  	s9 =	sshll.u32 s9, $0x4;
	s8 =	sadd.s32 s3, s8;
	s3 =	sadd.s32 s3, s29  }
0x5c: {  	s29 =	sadd.s32 s5, s24;
	s24 =	sadd.s32 s5, s11;
	s13 =	sadd.s32 s5, s9  }
0x5d: {  	s11 =	sshll.u32 s10, $0x4;
	s9 =	simm.s32 $0x80;
	s10 =	simm.s32 $0x1  }
0x5e: {  	s11 =	sadd.s32 s5, s11;
	s5 =	sadd.s32 s5, s0;
	s0 =	rddreg [dreg:$0x2]  }
0x5f: {  	[tilespmem:s2], [sflag:$0x2] =	stream.linear.gather [hbm4b:s0+s2], $0x80, $0x38;
	[tilespmem:$0x4080] =	vst v63  }
0x60: {  	_ =	swait.ge [sflag:s6], $0x80  }
0x61: {  	[sflag:s6] =	ssyncset.done $0x0  }
0x62: {  	[sflag:s6] =	ssyncadd.s32 $0xFFFFFF80  }
0x63: {  	[tilespmem:s9], [sflag:$0x1] =	stream.indirect.gather [hbm4b:s7+s9], $0x80, s2, s9, $0xb8;
	[tilespmem:$0x4080] =	vst v63  }
0x64: {  	_ =	swait.ge [sflag:s10], $0x4000  }
0x65: {  	[sflag:s10] =	ssyncset.done $0x0  }
0x66: {  	s0 =	rddreg [dreg:$0x3];
	[sflag:s10] =	ssyncadd.s32 $0xFFFFC000  }
0x67: {  	[hbm4b:s0+s2] =	stream.linear.scatter [tilespmem:s9], [sflag:$0x2], $0x4000, $0x38;
	[tilespmem:$0x4080] =	vst v63  }
0x68: {  	_ =	swait.ge [sflag:s6], $0x4000  }
0x69: {  	[sflag:s6] =	ssyncset.done $0x0  }
0x6a: {  	s0 =	rddreg [dreg:$0x4];
	[sflag:s6] =	ssyncadd.s32 $0xFFFFC000  }
0x6b: {  	[tilespmem:s2], [sflag:$0x2] =	stream.linear.gather [hbm4b:s0+s2], $0x80, $0x38;
	[tilespmem:$0x4080] =	vst v63  }
0x6c: {  	_ =	swait.ge [sflag:s6], $0x80  }
0x6d: {  	[sflag:s6] =	ssyncset.done $0x0  }
0x6e: {  	[sflag:s6] =	ssyncadd.s32 $0xFFFFFF80  }
0x6f: {  	[tilespmem:s9], [sflag:$0x1] =	stream.indirect.gather [hbm4b:s7+s9], $0x80, s2, s9, $0xb8;
	[tilespmem:$0x4080] =	vst v63  }
0x70: {  	_ =	swait.ge [sflag:s10], $0x4000  }
0x71: {  	[sflag:s10] =	ssyncset.done $0x0  }
0x72: {  	s0 =	rddreg [dreg:$0x5];
	[sflag:s10] =	ssyncadd.s32 $0xFFFFC000  }
0x73: {  	[hbm4b:s0+s2] =	stream.linear.scatter [tilespmem:s9], [sflag:$0x2], $0x4000, $0x38;
	[tilespmem:$0x4080] =	vst v63  }
0x74: {  	_ =	swait.ge [sflag:s6], $0x4000  }
0x75: {  	[sflag:s6] =	ssyncset.done $0x0  }
0x76: {  	s0 =	rddreg [dreg:$0x6];
	[sflag:s6] =	ssyncadd.s32 $0xFFFFC000  }
0x77: {  	[tilespmem:s2], [sflag:$0x2] =	stream.linear.gather [hbm4b:s0+s2], $0x80, $0x38;
	[tilespmem:$0x4080] =	vst v63  }
0x78: {  	_ =	swait.ge [sflag:s6], $0x80  }
0x79: {  	[sflag:s6] =	ssyncset.done $0x0  }
0x7a: {  	[sflag:s6] =	ssyncadd.s32 $0xFFFFFF80  }
0x7b: {  	[tilespmem:s9], [sflag:$0x1] =	stream.indirect.gather [hbm4b:s7+s9], $0x80, s2, s9, $0xb8;
	[tilespmem:$0x4080] =	vst v63  }
0x7c: {  	_ =	swait.ge [sflag:s10], $0x4000  }
0x7d: {  	[sflag:s10] =	ssyncset.done $0x0  }
0x7e: {  	s0 =	rddreg [dreg:$0x7];
	[sflag:s10] =	ssyncadd.s32 $0xFFFFC000  }
0x7f: {  	[hbm4b:s0+s2] =	stream.linear.scatter [tilespmem:s9], [sflag:$0x2], $0x4000, $0x38;
	[tilespmem:$0x4080] =	vst v63  }
0x80: {  	_ =	swait.ge [sflag:s6], $0x4000  }
0x81: {  	[sflag:s6] =	ssyncset.done $0x0  }
0x82: {  	s0 =	rddreg [dreg:$0x8];
	[sflag:s6] =	ssyncadd.s32 $0xFFFFC000  }
0x83: {  	[tilespmem:s2], [sflag:$0x2] =	stream.linear.gather [hbm4b:s0+s2], $0x80, $0x38;
	[tilespmem:$0x4080] =	vst v63  }
0x84: {  	_ =	swait.ge [sflag:s6], $0x80  }
0x85: {  	[sflag:s6] =	ssyncset.done $0x0  }
0x86: {  	[sflag:s6] =	ssyncadd.s32 $0xFFFFFF80  }
0x87: {  	[tilespmem:s9], [sflag:$0x1] =	stream.indirect.gather [hbm4b:s7+s9], $0x80, s2, s9, $0xb8;
	[tilespmem:$0x4080] =	vst v63  }
0x88: {  	_ =	swait.ge [sflag:s10], $0x4000  }
0x89: {  	[sflag:s10] =	ssyncset.done $0x0  }
0x8a: {  	s0 =	rddreg [dreg:$0x9];
	[sflag:s10] =	ssyncadd.s32 $0xFFFFC000  }
0x8b: {  	[hbm4b:s0+s2] =	stream.linear.scatter [tilespmem:s9], [sflag:$0x2], $0x4000, $0x38;
	[tilespmem:$0x4080] =	vst v63  }
0x8c: {  	_ =	swait.ge [sflag:s6], $0x4000  }
0x8d: {  	[sflag:s6] =	ssyncset.done $0x0  }
0x8e: {  	s0 =	rddreg [dreg:$0xa];
	[sflag:s6] =	ssyncadd.s32 $0xFFFFC000  }
0x8f: {  	[tilespmem:s2], [sflag:$0x2] =	stream.linear.gather [hbm4b:s0+s2], $0x80, $0x38;
	[tilespmem:$0x4080] =	vst v63  }
0x90: {  	_ =	swait.ge [sflag:s6], $0x80  }
0x91: {  	[sflag:s6] =	ssyncset.done $0x0  }
0x92: {  	[sflag:s6] =	ssyncadd.s32 $0xFFFFFF80  }
0x93: {  	[tilespmem:s9], [sflag:$0x1] =	stream.indirect.gather [hbm4b:s7+s9], $0x80, s2, s9, $0xb8;
	[tilespmem:$0x4080] =	vst v63  }
0x94: {  	_ =	swait.ge [sflag:s10], $0x4000  }
0x95: {  	[sflag:s10] =	ssyncset.done $0x0  }
0x96: {  	s0 =	rddreg [dreg:$0xb];
	[sflag:s10] =	ssyncadd.s32 $0xFFFFC000  }
0x97: {  	[hbm4b:s0+s2] =	stream.linear.scatter [tilespmem:s9], [sflag:$0x2], $0x4000, $0x38;
	[tilespmem:$0x4080] =	vst v63  }
0x98: {  	_ =	swait.ge [sflag:s6], $0x4000  }
0x99: {  	[sflag:s6] =	ssyncset.done $0x0  }
0x9a: {  	s0 =	rddreg [dreg:$0xc];
	[sflag:s6] =	ssyncadd.s32 $0xFFFFC000  }
0x9b: {  	[tilespmem:s2], [sflag:$0x2] =	stream.linear.gather [hbm4b:s0+s2], $0x80, $0x38;
	[tilespmem:$0x4080] =	vst v63  }
0x9c: {  	_ =	swait.ge [sflag:s6], $0x80  }
0x9d: {  	[sflag:s6] =	ssyncset.done $0x0  }
0x9e: {  	[sflag:s6] =	ssyncadd.s32 $0xFFFFFF80  }
0x9f: {  	[tilespmem:s9], [sflag:$0x1] =	stream.indirect.gather [hbm4b:s7+s9], $0x80, s2, s9, $0xb8;
	[tilespmem:$0x4080] =	vst v63  }
0xa0: {  	_ =	swait.ge [sflag:s10], $0x4000  }
0xa1: {  	[sflag:s10] =	ssyncset.done $0x0  }
0xa2: {  	s0 =	rddreg [dreg:$0xd];
	[sflag:s10] =	ssyncadd.s32 $0xFFFFC000  }
0xa3: {  	[hbm4b:s0+s2] =	stream.linear.scatter [tilespmem:s9], [sflag:$0x2], $0x4000, $0x38;
	[tilespmem:$0x4080] =	vst v63  }
0xa4: {  	_ =	swait.ge [sflag:s6], $0x4000  }
0xa5: {  	[sflag:s6] =	ssyncset.done $0x0  }
0xa6: {  	s0 =	rddreg [dreg:$0xe];
	[sflag:s6] =	ssyncadd.s32 $0xFFFFC000  }
0xa7: {  	[tilespmem:s2], [sflag:$0x2] =	stream.linear.gather [hbm4b:s0+s2], $0x80, $0x38;
	[tilespmem:$0x4080] =	vst v63  }
0xa8: {  	_ =	swait.ge [sflag:s6], $0x80  }
0xa9: {  	[sflag:s6] =	ssyncset.done $0x0  }
0xaa: {  	[sflag:s6] =	ssyncadd.s32 $0xFFFFFF80  }
0xab: {  	[tilespmem:s9], [sflag:$0x1] =	stream.indirect.gather [hbm4b:s7+s9], $0x80, s2, s9, $0xb8;
	[tilespmem:$0x4080] =	vst v63  }
0xac: {  	_ =	swait.ge [sflag:s10], $0x4000  }
0xad: {  	[sflag:s10] =	ssyncset.done $0x0  }
0xae: {  	s0 =	rddreg [dreg:$0xf];
	[sflag:s10] =	ssyncadd.s32 $0xFFFFC000  }
0xaf: {  	[hbm4b:s0+s2] =	stream.linear.scatter [tilespmem:s9], [sflag:$0x2], $0x4000, $0x38;
	[tilespmem:$0x4080] =	vst v63  }
0xb0: {  	_ =	swait.ge [sflag:s6], $0x4000  }
0xb1: {  	[sflag:s6] =	ssyncset.done $0x0  }
0xb2: {  	s0 =	rddreg [dreg:$0x10];
	[sflag:s6] =	ssyncadd.s32 $0xFFFFC000  }
0xb3: {  	[tilespmem:s2], [sflag:$0x2] =	stream.linear.gather [hbm4b:s0+s2], $0x80, $0x38;
	[tilespmem:$0x4080] =	vst v63  }
0xb4: {  	_ =	swait.ge [sflag:s6], $0x80  }
0xb5: {  	[sflag:s6] =	ssyncset.done $0x0  }
0xb6: {  	[sflag:s6] =	ssyncadd.s32 $0xFFFFFF80  }
0xb7: {  	[tilespmem:s9], [sflag:$0x1] =	stream.indirect.gather [hbm4b:s7+s9], $0x80, s2, s9, $0xb8;
	[tilespmem:$0x4080] =	vst v63  }
0xb8: {  	_ =	swait.ge [sflag:s10], $0x4000  }
0xb9: {  	[sflag:s10] =	ssyncset.done $0x0  }
0xba: {  	s0 =	rddreg [dreg:$0x11];
	[sflag:s10] =	ssyncadd.s32 $0xFFFFC000  }
0xbb: {  	[hbm4b:s0+s2] =	stream.linear.scatter [tilespmem:s9], [sflag:$0x2], $0x4000, $0x38;
	[tilespmem:$0x4080] =	vst v63  }
0xbc: {  	_ =	swait.ge [sflag:s6], $0x4000  }
0xbd: {  	[sflag:s6] =	ssyncset.done $0x0  }
0xbe: {  	s0 =	rddreg [dreg:$0x12];
	[sflag:s6] =	ssyncadd.s32 $0xFFFFC000  }
0xbf: {  	[tilespmem:s2], [sflag:$0x2] =	stream.linear.gather [hbm4b:s0+s2], $0x80, $0x38;
	[tilespmem:$0x4080] =	vst v63  }
0xc0: {  	_ =	swait.ge [sflag:s6], $0x80  }
0xc1: {  	[sflag:s6] =	ssyncset.done $0x0  }
0xc2: {  	[sflag:s6] =	ssyncadd.s32 $0xFFFFFF80  }
0xc3: {  	[tilespmem:s9], [sflag:$0x1] =	stream.indirect.gather [hbm4b:s7+s9], $0x80, s2, s9, $0xb8;
	[tilespmem:$0x4080] =	vst v63  }
0xc4: {  	_ =	swait.ge [sflag:s10], $0x4000  }
0xc5: {  	[sflag:s10] =	ssyncset.done $0x0  }
0xc6: {  	s0 =	rddreg [dreg:$0x13];
	[sflag:s10] =	ssyncadd.s32 $0xFFFFC000  }
0xc7: {  	[hbm4b:s0+s2] =	stream.linear.scatter [tilespmem:s9], [sflag:$0x2], $0x4000, $0x38;
	[tilespmem:$0x4080] =	vst v63  }
0xc8: {  	_ =	swait.ge [sflag:s6], $0x4000  }
0xc9: {  	[sflag:s6] =	ssyncset.done $0x0  }
0xca: {  	s0 =	rddreg [dreg:$0x14];
	[sflag:s6] =	ssyncadd.s32 $0xFFFFC000  }
0xcb: {  	[tilespmem:s2], [sflag:$0x2] =	stream.linear.gather [hbm4b:s0+s2], $0x80, $0x38;
	[tilespmem:$0x4080] =	vst v63  }
0xcc: {  	_ =	swait.ge [sflag:s6], $0x80  }
0xcd: {  	[sflag:s6] =	ssyncset.done $0x0  }
0xce: {  	[sflag:s6] =	ssyncadd.s32 $0xFFFFFF80  }
0xcf: {  	[tilespmem:s9], [sflag:$0x1] =	stream.indirect.gather [hbm4b:s7+s9], $0x80, s2, s9, $0xb8;
	[tilespmem:$0x4080] =	vst v63  }
0xd0: {  	_ =	swait.ge [sflag:s10], $0x4000  }
0xd1: {  	[sflag:s10] =	ssyncset.done $0x0  }
0xd2: {  	s0 =	rddreg [dreg:$0x15];
	[sflag:s10] =	ssyncadd.s32 $0xFFFFC000  }
0xd3: {  	[hbm4b:s0+s2] =	stream.linear.scatter [tilespmem:s9], [sflag:$0x2], $0x4000, $0x38;
	[tilespmem:$0x4080] =	vst v63  }
0xd4: {  	_ =	swait.ge [sflag:s6], $0x4000  }
0xd5: {  	[sflag:s6] =	ssyncset.done $0x0  }
0xd6: {  	s0 =	rddreg [dreg:$0x16];
	[sflag:s6] =	ssyncadd.s32 $0xFFFFC000  }
0xd7: {  	[tilespmem:s2], [sflag:$0x2] =	stream.linear.gather [hbm4b:s0+s2], $0x80, $0x38;
	[tilespmem:$0x4080] =	vst v63  }
0xd8: {  	_ =	swait.ge [sflag:s6], $0x80  }
0xd9: {  	[sflag:s6] =	ssyncset.done $0x0  }
0xda: {  	[sflag:s6] =	ssyncadd.s32 $0xFFFFFF80  }
0xdb: {  	[tilespmem:s9], [sflag:$0x1] =	stream.indirect.gather [hbm4b:s7+s9], $0x80, s2, s9, $0xb8;
	[tilespmem:$0x4080] =	vst v63  }
0xdc: {  	_ =	swait.ge [sflag:s10], $0x4000  }
0xdd: {  	[sflag:s10] =	ssyncset.done $0x0  }
0xde: {  	s0 =	rddreg [dreg:$0x17];
	[sflag:s10] =	ssyncadd.s32 $0xFFFFC000  }
0xdf: {  	[hbm4b:s0+s2] =	stream.linear.scatter [tilespmem:s9], [sflag:$0x2], $0x4000, $0x38;
	[tilespmem:$0x4080] =	vst v63  }
0xe0: {  	_ =	swait.ge [sflag:s6], $0x4000  }
0xe1: {  	[sflag:s6] =	ssyncset.done $0x0  }
0xe2: {  	s0 =	rddreg [dreg:$0x18];
	[sflag:s6] =	ssyncadd.s32 $0xFFFFC000  }
0xe3: {  	[tilespmem:s2], [sflag:$0x2] =	stream.linear.gather [hbm4b:s0+s2], $0x80, $0x38;
	[tilespmem:$0x4080] =	vst v63  }
0xe4: {  	_ =	swait.ge [sflag:s6], $0x80  }
0xe5: {  	[sflag:s6] =	ssyncset.done $0x0  }
0xe6: {  	[sflag:s6] =	ssyncadd.s32 $0xFFFFFF80  }
0xe7: {  	[tilespmem:s9], [sflag:$0x1] =	stream.indirect.gather [hbm4b:s7+s9], $0x80, s2, s9, $0xb8;
	[tilespmem:$0x4080] =	vst v63  }
0xe8: {  	_ =	swait.ge [sflag:s10], $0x4000  }
0xe9: {  	[sflag:s10] =	ssyncset.done $0x0  }
0xea: {  	s0 =	rddreg [dreg:$0x19];
	[sflag:s10] =	ssyncadd.s32 $0xFFFFC000  }
0xeb: {  	[hbm4b:s0+s2] =	stream.linear.scatter [tilespmem:s9], [sflag:$0x2], $0x4000, $0x38;
	[tilespmem:$0x4080] =	vst v63  }
0xec: {  	_ =	swait.ge [sflag:s6], $0x4000  }
0xed: {  	[sflag:s6] =	ssyncset.done $0x0  }
0xee: {  	s0 =	rddreg [dreg:$0x1a];
	[sflag:s6] =	ssyncadd.s32 $0xFFFFC000  }
0xef: {  	[tilespmem:s2], [sflag:$0x2] =	stream.linear.gather [hbm4b:s0+s2], $0x80, $0x38;
	[tilespmem:$0x4080] =	vst v63  }
0xf0: {  	_ =	swait.ge [sflag:s6], $0x80  }
0xf1: {  	[sflag:s6] =	ssyncset.done $0x0  }
0xf2: {  	[sflag:s6] =	ssyncadd.s32 $0xFFFFFF80  }
0xf3: {  	[tilespmem:s9], [sflag:$0x1] =	stream.indirect.gather [hbm4b:s7+s9], $0x80, s2, s9, $0xb8;
	[tilespmem:$0x4080] =	vst v63  }
0xf4: {  	_ =	swait.ge [sflag:s10], $0x4000  }
0xf5: {  	[sflag:s10] =	ssyncset.done $0x0  }
0xf6: {  	s0 =	rddreg [dreg:$0x1b];
	[sflag:s10] =	ssyncadd.s32 $0xFFFFC000  }
0xf7: {  	[hbm4b:s0+s2] =	stream.linear.scatter [tilespmem:s9], [sflag:$0x2], $0x4000, $0x38;
	[tilespmem:$0x4080] =	vst v63  }
0xf8: {  	_ =	swait.ge [sflag:s6], $0x4000  }
0xf9: {  	[sflag:s6] =	ssyncset.done $0x0  }
0xfa: {  	s0 =	rddreg [dreg:$0x1c];
	[sflag:s6] =	ssyncadd.s32 $0xFFFFC000  }
0xfb: {  	[tilespmem:s2], [sflag:$0x2] =	stream.linear.gather [hbm4b:s0+s2], $0x80, $0x38;
	[tilespmem:$0x4080] =	vst v63  }
0xfc: {  	_ =	swait.ge [sflag:s6], $0x80  }
0xfd: {  	[sflag:s6] =	ssyncset.done $0x0  }
0xfe: {  	[sflag:s6] =	ssyncadd.s32 $0xFFFFFF80  }
0xff: {  	[tilespmem:s9], [sflag:$0x1] =	stream.indirect.gather [hbm4b:s7+s9], $0x80, s2, s9, $0xb8;
	[tilespmem:$0x4080] =	vst v63  }
0x100: {  	_ =	swait.ge [sflag:s10], $0x4000  }
0x101: {  	[sflag:s10] =	ssyncset.done $0x0  }
0x102: {  	s0 =	rddreg [dreg:$0x1d];
	[sflag:s10] =	ssyncadd.s32 $0xFFFFC000  }
0x103: {  	[hbm4b:s0+s2] =	stream.linear.scatter [tilespmem:s9], [sflag:$0x2], $0x4000, $0x38;
	[tilespmem:$0x4080] =	vst v63  }
0x104: {  	_ =	swait.ge [sflag:s6], $0x4000  }
0x105: {  	[sflag:s6] =	ssyncset.done $0x0  }
0x106: {  	s0 =	rddreg [dreg:$0x1e];
	[sflag:s6] =	ssyncadd.s32 $0xFFFFC000  }
0x107: {  	[tilespmem:s2], [sflag:$0x2] =	stream.linear.gather [hbm4b:s0+s2], $0x80, $0x38;
	[tilespmem:$0x4080] =	vst v63  }
0x108: {  	_ =	swait.ge [sflag:s6], $0x80  }
0x109: {  	[sflag:s6] =	ssyncset.done $0x0  }
0x10a: {  	[sflag:s6] =	ssyncadd.s32 $0xFFFFFF80  }
0x10b: {  	[tilespmem:s9], [sflag:$0x1] =	stream.indirect.gather [hbm4b:s7+s9], $0x80, s2, s9, $0xb8;
	[tilespmem:$0x4080] =	vst v63  }
0x10c: {  	_ =	swait.ge [sflag:s10], $0x4000  }
0x10d: {  	[sflag:s10] =	ssyncset.done $0x0  }
0x10e: {  	s0 =	rddreg [dreg:$0x1f];
	[sflag:s10] =	ssyncadd.s32 $0xFFFFC000  }
0x10f: {  	[hbm4b:s0+s2] =	stream.linear.scatter [tilespmem:s9], [sflag:$0x2], $0x4000, $0x38;
	[tilespmem:$0x4080] =	vst v63  }
0x110: {  	_ =	swait.ge [sflag:s6], $0x4000  }
0x111: {  	s0 =	sld [smem:$0x7E4]  }
0x112: {  	[sflag:s6] =	ssyncset.done $0x0  }
0x113: {  	[sflag:s6] =	ssyncadd.s32 $0xFFFFC000  }
0x114: {  	[tilespmem:s2], [sflag:$0x2] =	stream.linear.gather [hbm4b:s0+s2], $0x80, $0x38;
	[tilespmem:$0x4080] =	vst v63  }
0x115: {  	_ =	swait.ge [sflag:s6], $0x80  }
0x116: {  	[sflag:s6] =	ssyncset.done $0x0  }
0x117: {  	[sflag:s6] =	ssyncadd.s32 $0xFFFFFF80  }
0x118: {  	[tilespmem:s9], [sflag:$0x1] =	stream.indirect.gather [hbm4b:s7+s9], $0x80, s2, s9, $0xb8;
	[tilespmem:$0x4080] =	vst v63  }
0x119: {  	_ =	swait.ge [sflag:s10], $0x4000  }
0x11a: {  	s0 =	sld [smem:$0x7E5]  }
0x11b: {  	[sflag:s10] =	ssyncset.done $0x0  }
0x11c: {  	[sflag:s10] =	ssyncadd.s32 $0xFFFFC000  }
0x11d: {  	[hbm4b:s0+s2] =	stream.linear.scatter [tilespmem:s9], [sflag:$0x2], $0x4000, $0x38;
	[tilespmem:$0x4080] =	vst v63  }
0x11e: {  	_ =	swait.ge [sflag:s6], $0x4000  }
0x11f: {  	s0 =	sld [smem:$0x7E6]  }
0x120: {  	[sflag:s6] =	ssyncset.done $0x0  }
0x121: {  	[sflag:s6] =	ssyncadd.s32 $0xFFFFC000  }
0x122: {  	[tilespmem:s2], [sflag:$0x2] =	stream.linear.gather [hbm4b:s0+s2], $0x80, $0x38;
	[tilespmem:$0x4080] =	vst v63  }
0x123: {  	_ =	swait.ge [sflag:s6], $0x80  }
0x124: {  	[sflag:s6] =	ssyncset.done $0x0  }
0x125: {  	[sflag:s6] =	ssyncadd.s32 $0xFFFFFF80  }
0x126: {  	[tilespmem:s9], [sflag:$0x1] =	stream.indirect.gather [hbm4b:s7+s9], $0x80, s2, s9, $0xb8;
	[tilespmem:$0x4080] =	vst v63  }
0x127: {  	_ =	swait.ge [sflag:s10], $0x4000  }
0x128: {  	s0 =	sld [smem:$0x7E7]  }
0x129: {  	[sflag:s10] =	ssyncset.done $0x0  }
0x12a: {  	[sflag:s10] =	ssyncadd.s32 $0xFFFFC000  }
0x12b: {  	[hbm4b:s0+s2] =	stream.linear.scatter [tilespmem:s9], [sflag:$0x2], $0x4000, $0x38;
	[tilespmem:$0x4080] =	vst v63  }
0x12c: {  	_ =	swait.ge [sflag:s6], $0x4000  }
0x12d: {  	s0 =	sld [smem:$0x7E8]  }
0x12e: {  	[sflag:s6] =	ssyncset.done $0x0  }
0x12f: {  	[sflag:s6] =	ssyncadd.s32 $0xFFFFC000  }
0x130: {  	[tilespmem:s2], [sflag:$0x2] =	stream.linear.gather [hbm4b:s0+s2], $0x80, $0x38;
	[tilespmem:$0x4080] =	vst v63  }
0x131: {  	_ =	swait.ge [sflag:s6], $0x80  }
0x132: {  	[sflag:s6] =	ssyncset.done $0x0  }
0x133: {  	[sflag:s6] =	ssyncadd.s32 $0xFFFFFF80  }
0x134: {  	[tilespmem:s9], [sflag:$0x1] =	stream.indirect.gather [hbm4b:s7+s9], $0x80, s2, s9, $0xb8;
	[tilespmem:$0x4080] =	vst v63  }
0x135: {  	_ =	swait.ge [sflag:s10], $0x4000  }
0x136: {  	s0 =	sld [smem:$0x7E9]  }
0x137: {  	[sflag:s10] =	ssyncset.done $0x0  }
0x138: {  	[sflag:s10] =	ssyncadd.s32 $0xFFFFC000  }
0x139: {  	[hbm4b:s0+s2] =	stream.linear.scatter [tilespmem:s9], [sflag:$0x2], $0x4000, $0x38;
	[tilespmem:$0x4080] =	vst v63  }
0x13a: {  	_ =	swait.ge [sflag:s6], $0x4000  }
0x13b: {  	s0 =	sld [smem:$0x7EA]  }
0x13c: {  	[sflag:s6] =	ssyncset.done $0x0  }
0x13d: {  	[sflag:s6] =	ssyncadd.s32 $0xFFFFC000  }
0x13e: {  	[tilespmem:s2], [sflag:$0x2] =	stream.linear.gather [hbm4b:s0+s2], $0x80, $0x38;
	[tilespmem:$0x4080] =	vst v63  }
0x13f: {  	_ =	swait.ge [sflag:s6], $0x80  }
0x140: {  	[sflag:s6] =	ssyncset.done $0x0  }
0x141: {  	[sflag:s6] =	ssyncadd.s32 $0xFFFFFF80  }
0x142: {  	[tilespmem:s9], [sflag:$0x1] =	stream.indirect.gather [hbm4b:s7+s9], $0x80, s2, s9, $0xb8;
	[tilespmem:$0x4080] =	vst v63  }
0x143: {  	_ =	swait.ge [sflag:s10], $0x4000  }
0x144: {  	s0 =	sld [smem:$0x7EB]  }
0x145: {  	[sflag:s10] =	ssyncset.done $0x0  }
0x146: {  	[sflag:s10] =	ssyncadd.s32 $0xFFFFC000  }
0x147: {  	[hbm4b:s0+s2] =	stream.linear.scatter [tilespmem:s9], [sflag:$0x2], $0x4000, $0x38;
	[tilespmem:$0x4080] =	vst v63  }
0x148: {  	_ =	swait.ge [sflag:s6], $0x4000  }
0x149: {  	s0 =	sld [smem:$0x7EC]  }
0x14a: {  	[sflag:s6] =	ssyncset.done $0x0  }
0x14b: {  	[sflag:s6] =	ssyncadd.s32 $0xFFFFC000  }
0x14c: {  	[tilespmem:s2], [sflag:$0x2] =	stream.linear.gather [hbm4b:s0+s2], $0x80, $0x38;
	[tilespmem:$0x4080] =	vst v63  }
0x14d: {  	_ =	swait.ge [sflag:s6], $0x80  }
0x14e: {  	[sflag:s6] =	ssyncset.done $0x0  }
0x14f: {  	[sflag:s6] =	ssyncadd.s32 $0xFFFFFF80  }
0x150: {  	[tilespmem:s9], [sflag:$0x1] =	stream.indirect.gather [hbm4b:s7+s9], $0x80, s2, s9, $0xb8;
	[tilespmem:$0x4080] =	vst v63  }
0x151: {  	_ =	swait.ge [sflag:s10], $0x4000  }
0x152: {  	s0 =	sld [smem:$0x7ED]  }
0x153: {  	[sflag:s10] =	ssyncset.done $0x0  }
0x154: {  	[sflag:s10] =	ssyncadd.s32 $0xFFFFC000  }
0x155: {  	[hbm4b:s0+s2] =	stream.linear.scatter [tilespmem:s9], [sflag:$0x2], $0x4000, $0x38;
	[tilespmem:$0x4080] =	vst v63  }
0x156: {  	_ =	swait.ge [sflag:s6], $0x4000  }
0x157: {  	s0 =	sld [smem:$0x7EE]  }
0x158: {  	[sflag:s6] =	ssyncset.done $0x0  }
0x159: {  	[sflag:s6] =	ssyncadd.s32 $0xFFFFC000  }
0x15a: {  	[tilespmem:s2], [sflag:$0x2] =	stream.linear.gather [hbm4b:s0+s2], $0x80, $0x38;
	[tilespmem:$0x4080] =	vst v63  }
0x15b: {  	_ =	swait.ge [sflag:s6], $0x80  }
0x15c: {  	[sflag:s6] =	ssyncset.done $0x0  }
0x15d: {  	[sflag:s6] =	ssyncadd.s32 $0xFFFFFF80  }
0x15e: {  	[tilespmem:s9], [sflag:$0x1] =	stream.indirect.gather [hbm4b:s7+s9], $0x80, s2, s9, $0xb8;
	[tilespmem:$0x4080] =	vst v63  }
0x15f: {  	_ =	swait.ge [sflag:s10], $0x4000  }
0x160: {  	s0 =	sld [smem:$0x7EF]  }
0x161: {  	[sflag:s10] =	ssyncset.done $0x0  }
0x162: {  	[sflag:s10] =	ssyncadd.s32 $0xFFFFC000  }
0x163: {  	[hbm4b:s0+s2] =	stream.linear.scatter [tilespmem:s9], [sflag:$0x2], $0x4000, $0x38;
	[tilespmem:$0x4080] =	vst v63  }
0x164: {  	_ =	swait.ge [sflag:s6], $0x4000  }
0x165: {  	s0 =	sld [smem:$0x7F0]  }
0x166: {  	[sflag:s6] =	ssyncset.done $0x0  }
0x167: {  	[sflag:s6] =	ssyncadd.s32 $0xFFFFC000  }
0x168: {  	[tilespmem:s2], [sflag:$0x2] =	stream.linear.gather [hbm4b:s0+s2], $0x80, $0x38;
	[tilespmem:$0x4080] =	vst v63  }
0x169: {  	_ =	swait.ge [sflag:s6], $0x80  }
0x16a: {  	[sflag:s6] =	ssyncset.done $0x0  }
0x16b: {  	[sflag:s6] =	ssyncadd.s32 $0xFFFFFF80  }
0x16c: {  	[tilespmem:s9], [sflag:$0x1] =	stream.indirect.gather [hbm4b:s7+s9], $0x80, s2, s9, $0xb8;
	[tilespmem:$0x4080] =	vst v63  }
0x16d: {  	_ =	swait.ge [sflag:s10], $0x4000  }
0x16e: {  	s0 =	sld [smem:$0x7F1]  }
0x16f: {  	[sflag:s10] =	ssyncset.done $0x0  }
0x170: {  	[sflag:s10] =	ssyncadd.s32 $0xFFFFC000  }
0x171: {  	[hbm4b:s0+s2] =	stream.linear.scatter [tilespmem:s9], [sflag:$0x2], $0x4000, $0x38;
	[tilespmem:$0x4080] =	vst v63  }
0x172: {  	_ =	swait.ge [sflag:s6], $0x4000  }
0x173: {  	s0 =	sld [smem:$0x7F2]  }
0x174: {  	[sflag:s6] =	ssyncset.done $0x0  }
0x175: {  	[sflag:s6] =	ssyncadd.s32 $0xFFFFC000  }
0x176: {  	[tilespmem:s2], [sflag:$0x2] =	stream.linear.gather [hbm4b:s0+s2], $0x80, $0x38;
	[tilespmem:$0x4080] =	vst v63  }
0x177: {  	_ =	swait.ge [sflag:s6], $0x80  }
0x178: {  	[sflag:s6] =	ssyncset.done $0x0  }
0x179: {  	[sflag:s6] =	ssyncadd.s32 $0xFFFFFF80  }
0x17a: {  	[tilespmem:s9], [sflag:$0x1] =	stream.indirect.gather [hbm4b:s7+s9], $0x80, s2, s9, $0xb8;
	[tilespmem:$0x4080] =	vst v63  }
0x17b: {  	_ =	swait.ge [sflag:s10], $0x4000  }
0x17c: {  	s0 =	sld [smem:$0x7F3]  }
0x17d: {  	[sflag:s10] =	ssyncset.done $0x0  }
0x17e: {  	[sflag:s10] =	ssyncadd.s32 $0xFFFFC000  }
0x17f: {  	[hbm4b:s0+s2] =	stream.linear.scatter [tilespmem:s9], [sflag:$0x2], $0x4000, $0x38;
	[tilespmem:$0x4080] =	vst v63  }
0x180: {  	_ =	swait.ge [sflag:s6], $0x4000  }
0x181: {  	s0 =	sld [smem:$0x7F4]  }
0x182: {  	[sflag:s6] =	ssyncset.done $0x0  }
0x183: {  	[sflag:s6] =	ssyncadd.s32 $0xFFFFC000  }
0x184: {  	[tilespmem:s2], [sflag:$0x2] =	stream.linear.gather [hbm4b:s0+s2], $0x80, $0x38;
	[tilespmem:$0x4080] =	vst v63  }
0x185: {  	_ =	swait.ge [sflag:s6], $0x80  }
0x186: {  	[sflag:s6] =	ssyncset.done $0x0  }
0x187: {  	[sflag:s6] =	ssyncadd.s32 $0xFFFFFF80  }
0x188: {  	[tilespmem:s9], [sflag:$0x1] =	stream.indirect.gather [hbm4b:s7+s9], $0x80, s2, s9, $0xb8;
	[tilespmem:$0x4080] =	vst v63  }
0x189: {  	_ =	swait.ge [sflag:s10], $0x4000  }
0x18a: {  	s0 =	sld [smem:$0x7F5]  }
0x18b: {  	[sflag:s10] =	ssyncset.done $0x0  }
0x18c: {  	[sflag:s10] =	ssyncadd.s32 $0xFFFFC000  }
0x18d: {  	[hbm4b:s0+s2] =	stream.linear.scatter [tilespmem:s9], [sflag:$0x2], $0x4000, $0x38;
	[tilespmem:$0x4080] =	vst v63  }
0x18e: {  	_ =	swait.ge [sflag:s6], $0x4000  }
0x18f: {  	s0 =	sld [smem:$0x7F6]  }
0x190: {  	[sflag:s6] =	ssyncset.done $0x0  }
0x191: {  	[sflag:s6] =	ssyncadd.s32 $0xFFFFC000  }
0x192: {  	[tilespmem:s2], [sflag:$0x2] =	stream.linear.gather [hbm4b:s0+s2], $0x80, $0x38;
	[tilespmem:$0x4080] =	vst v63  }
0x193: {  	_ =	swait.ge [sflag:s6], $0x80  }
0x194: {  	[sflag:s6] =	ssyncset.done $0x0  }
0x195: {  	[sflag:s6] =	ssyncadd.s32 $0xFFFFFF80  }
0x196: {  	[tilespmem:s9], [sflag:$0x1] =	stream.indirect.gather [hbm4b:s7+s9], $0x80, s2, s9, $0xb8;
	[tilespmem:$0x4080] =	vst v63  }
0x197: {  	_ =	swait.ge [sflag:s10], $0x4000  }
0x198: {  	s0 =	sld [smem:$0x7F7]  }
0x199: {  	[sflag:s10] =	ssyncset.done $0x0  }
0x19a: {  	[sflag:s10] =	ssyncadd.s32 $0xFFFFC000  }
0x19b: {  	[hbm4b:s0+s2] =	stream.linear.scatter [tilespmem:s9], [sflag:$0x2], $0x4000, $0x38;
	[tilespmem:$0x4080] =	vst v63  }
0x19c: {  	_ =	swait.ge [sflag:s6], $0x4000  }
0x19d: {  	s0 =	sld [smem:$0x7F8]  }
0x19e: {  	[sflag:s6] =	ssyncset.done $0x0  }
0x19f: {  	[sflag:s6] =	ssyncadd.s32 $0xFFFFC000  }
0x1a0: {  	[tilespmem:s2], [sflag:$0x2] =	stream.linear.gather [hbm4b:s0+s2], $0x80, $0x38;
	[tilespmem:$0x4080] =	vst v63  }
0x1a1: {  	_ =	swait.ge [sflag:s6], $0x80  }
0x1a2: {  	[sflag:s6] =	ssyncset.done $0x0  }
0x1a3: {  	[sflag:s6] =	ssyncadd.s32 $0xFFFFFF80  }
0x1a4: {  	[tilespmem:s9], [sflag:$0x1] =	stream.indirect.gather [hbm4b:s7+s9], $0x80, s2, s9, $0xb8;
	[tilespmem:$0x4080] =	vst v63  }
0x1a5: {  	_ =	swait.ge [sflag:s10], $0x4000  }
0x1a6: {  	s0 =	sld [smem:$0x7F9]  }
0x1a7: {  	[sflag:s10] =	ssyncset.done $0x0  }
0x1a8: {  	[sflag:s10] =	ssyncadd.s32 $0xFFFFC000  }
0x1a9: {  	[hbm4b:s0+s2] =	stream.linear.scatter [tilespmem:s9], [sflag:$0x2], $0x4000, $0x38;
	[tilespmem:$0x4080] =	vst v63  }
0x1aa: {  	_ =	swait.ge [sflag:s6], $0x4000  }
0x1ab: {  	s0 =	sld [smem:$0x7FA]  }
0x1ac: {  	[sflag:s6] =	ssyncset.done $0x0  }
0x1ad: {  	[sflag:s6] =	ssyncadd.s32 $0xFFFFC000  }
0x1ae: {  	[tilespmem:s2], [sflag:$0x2] =	stream.linear.gather [hbm4b:s0+s2], $0x80, $0x38;
	[tilespmem:$0x4080] =	vst v63  }
0x1af: {  	_ =	swait.ge [sflag:s6], $0x80  }
0x1b0: {  	[sflag:s6] =	ssyncset.done $0x0  }
0x1b1: {  	[sflag:s6] =	ssyncadd.s32 $0xFFFFFF80  }
0x1b2: {  	[tilespmem:s9], [sflag:$0x1] =	stream.indirect.gather [hbm4b:s7+s9], $0x80, s2, s9, $0xb8;
	[tilespmem:$0x4080] =	vst v63  }
0x1b3: {  	_ =	swait.ge [sflag:s10], $0x4000  }
0x1b4: {  	s0 =	sld [smem:$0x7FB]  }
0x1b5: {  	[sflag:s10] =	ssyncset.done $0x0  }
0x1b6: {  	[sflag:s10] =	ssyncadd.s32 $0xFFFFC000  }
0x1b7: {  	[hbm4b:s0+s2] =	stream.linear.scatter [tilespmem:s9], [sflag:$0x2], $0x4000, $0x38;
	[tilespmem:$0x4080] =	vst v63  }
0x1b8: {  	_ =	swait.ge [sflag:s6], $0x4000  }
0x1b9: {  	s0 =	sld [smem:$0x7FC]  }
0x1ba: {  	[sflag:s6] =	ssyncset.done $0x0  }
0x1bb: {  	[sflag:s6] =	ssyncadd.s32 $0xFFFFC000  }
0x1bc: {  	[tilespmem:s2], [sflag:$0x2] =	stream.linear.gather [hbm4b:s0+s2], $0x80, $0x38;
	[tilespmem:$0x4080] =	vst v63  }
0x1bd: {  	_ =	swait.ge [sflag:s6], $0x80  }
0x1be: {  	[sflag:s6] =	ssyncset.done $0x0  }
0x1bf: {  	[sflag:s6] =	ssyncadd.s32 $0xFFFFFF80  }
0x1c0: {  	[tilespmem:s9], [sflag:$0x1] =	stream.indirect.gather [hbm4b:s7+s9], $0x80, s2, s9, $0xb8;
	[tilespmem:$0x4080] =	vst v63  }
0x1c1: {  	_ =	swait.ge [sflag:s10], $0x4000  }
0x1c2: {  	s0 =	sld [smem:$0x7FD]  }
0x1c3: {  	[sflag:s10] =	ssyncset.done $0x0  }
0x1c4: {  	[sflag:s10] =	ssyncadd.s32 $0xFFFFC000  }
0x1c5: {  	[hbm4b:s0+s2] =	stream.linear.scatter [tilespmem:s9], [sflag:$0x2], $0x4000, $0x38;
	[tilespmem:$0x4080] =	vst v63  }
0x1c6: {  	_ =	swait.ge [sflag:s6], $0x4000  }
0x1c7: {  	[sflag:s6] =	ssyncset.done $0x0  }
0x1c8: {  	[sflag:s6] =	ssyncadd.s32 $0xFFFFC000  }
0x1c9: {  	[tilespmem:s2], [sflag:$0x2] =	stream.linear.gather [hbm4b:s28+s2], $0x80, $0x38;
	[tilespmem:$0x4080] =	vst v63  }
0x1ca: {  	_ =	swait.ge [sflag:s6], $0x80  }
0x1cb: {  	[sflag:s6] =	ssyncset.done $0x0  }
0x1cc: {  	[sflag:s6] =	ssyncadd.s32 $0xFFFFFF80  }
0x1cd: {  	[tilespmem:s9], [sflag:$0x1] =	stream.indirect.gather [hbm4b:s7+s9], $0x80, s2, s9, $0xb8;
	[tilespmem:$0x4080] =	vst v63  }
0x1ce: {  	_ =	swait.ge [sflag:s10], $0x4000  }
0x1cf: {  	[sflag:s10] =	ssyncset.done $0x0  }
0x1d0: {  	[sflag:s10] =	ssyncadd.s32 $0xFFFFC000  }
0x1d1: {  	[hbm4b:s31+s2] =	stream.linear.scatter [tilespmem:s9], [sflag:$0x2], $0x4000, $0x38;
	[tilespmem:$0x4080] =	vst v63  }
0x1d2: {  	_ =	swait.ge [sflag:s6], $0x4000  }
0x1d3: {  	[sflag:s6] =	ssyncset.done $0x0  }
0x1d4: {  	[sflag:s6] =	ssyncadd.s32 $0xFFFFC000  }
0x1d5: {  	[tilespmem:s2], [sflag:$0x2] =	stream.linear.gather [hbm4b:s25+s2], $0x80, $0x38;
	[tilespmem:$0x4080] =	vst v63  }
0x1d6: {  	_ =	swait.ge [sflag:s6], $0x80  }
0x1d7: {  	[sflag:s6] =	ssyncset.done $0x0  }
0x1d8: {  	[sflag:s6] =	ssyncadd.s32 $0xFFFFFF80  }
0x1d9: {  	[tilespmem:s9], [sflag:$0x1] =	stream.indirect.gather [hbm4b:s7+s9], $0x80, s2, s9, $0xb8;
	[tilespmem:$0x4080] =	vst v63  }
0x1da: {  	_ =	swait.ge [sflag:s10], $0x4000  }
0x1db: {  	[sflag:s10] =	ssyncset.done $0x0  }
0x1dc: {  	[sflag:s10] =	ssyncadd.s32 $0xFFFFC000  }
0x1dd: {  	[hbm4b:s30+s2] =	stream.linear.scatter [tilespmem:s9], [sflag:$0x2], $0x4000, $0x38;
	[tilespmem:$0x4080] =	vst v63  }
0x1de: {  	_ =	swait.ge [sflag:s6], $0x4000  }
0x1df: {  	[sflag:s6] =	ssyncset.done $0x0  }
0x1e0: {  	[sflag:s6] =	ssyncadd.s32 $0xFFFFC000  }
0x1e1: {  	[tilespmem:s2], [sflag:$0x2] =	stream.linear.gather [hbm4b:s23+s2], $0x80, $0x38;
	[tilespmem:$0x4080] =	vst v63  }
0x1e2: {  	_ =	swait.ge [sflag:s6], $0x80  }
0x1e3: {  	[sflag:s6] =	ssyncset.done $0x0  }
0x1e4: {  	[sflag:s6] =	ssyncadd.s32 $0xFFFFFF80  }
0x1e5: {  	[tilespmem:s9], [sflag:$0x1] =	stream.indirect.gather [hbm4b:s7+s9], $0x80, s2, s9, $0xb8;
	[tilespmem:$0x4080] =	vst v63  }
0x1e6: {  	_ =	swait.ge [sflag:s10], $0x4000  }
0x1e7: {  	[sflag:s10] =	ssyncset.done $0x0  }
0x1e8: {  	[sflag:s10] =	ssyncadd.s32 $0xFFFFC000  }
0x1e9: {  	[hbm4b:s29+s2] =	stream.linear.scatter [tilespmem:s9], [sflag:$0x2], $0x4000, $0x38;
	[tilespmem:$0x4080] =	vst v63  }
0x1ea: {  	_ =	swait.ge [sflag:s6], $0x4000  }
0x1eb: {  	[sflag:s6] =	ssyncset.done $0x0  }
0x1ec: {  	[sflag:s6] =	ssyncadd.s32 $0xFFFFC000  }
0x1ed: {  	[tilespmem:s2], [sflag:$0x2] =	stream.linear.gather [hbm4b:s21+s2], $0x80, $0x38;
	[tilespmem:$0x4080] =	vst v63  }
0x1ee: {  	_ =	swait.ge [sflag:s6], $0x80  }
0x1ef: {  	[sflag:s6] =	ssyncset.done $0x0  }
0x1f0: {  	[sflag:s6] =	ssyncadd.s32 $0xFFFFFF80  }
0x1f1: {  	[tilespmem:s9], [sflag:$0x1] =	stream.indirect.gather [hbm4b:s7+s9], $0x80, s2, s9, $0xb8;
	[tilespmem:$0x4080] =	vst v63  }
0x1f2: {  	_ =	swait.ge [sflag:s10], $0x4000  }
0x1f3: {  	[sflag:s10] =	ssyncset.done $0x0  }
0x1f4: {  	[sflag:s10] =	ssyncadd.s32 $0xFFFFC000  }
0x1f5: {  	[hbm4b:s26+s2] =	stream.linear.scatter [tilespmem:s9], [sflag:$0x2], $0x4000, $0x38;
	[tilespmem:$0x4080] =	vst v63  }
0x1f6: {  	_ =	swait.ge [sflag:s6], $0x4000  }
0x1f7: {  	[sflag:s6] =	ssyncset.done $0x0  }
0x1f8: {  	[sflag:s6] =	ssyncadd.s32 $0xFFFFC000  }
0x1f9: {  	[tilespmem:s2], [sflag:$0x2] =	stream.linear.gather [hbm4b:s19+s2], $0x80, $0x38;
	[tilespmem:$0x4080] =	vst v63  }
0x1fa: {  	_ =	swait.ge [sflag:s6], $0x80  }
0x1fb: {  	[sflag:s6] =	ssyncset.done $0x0  }
0x1fc: {  	[sflag:s6] =	ssyncadd.s32 $0xFFFFFF80  }
0x1fd: {  	[tilespmem:s9], [sflag:$0x1] =	stream.indirect.gather [hbm4b:s7+s9], $0x80, s2, s9, $0xb8;
	[tilespmem:$0x4080] =	vst v63  }
0x1fe: {  	_ =	swait.ge [sflag:s10], $0x4000  }
0x1ff: {  	[sflag:s10] =	ssyncset.done $0x0  }
0x200: {  	[sflag:s10] =	ssyncadd.s32 $0xFFFFC000  }
0x201: {  	[hbm4b:s24+s2] =	stream.linear.scatter [tilespmem:s9], [sflag:$0x2], $0x4000, $0x38;
	[tilespmem:$0x4080] =	vst v63  }
0x202: {  	_ =	swait.ge [sflag:s6], $0x4000  }
0x203: {  	[sflag:s6] =	ssyncset.done $0x0  }
0x204: {  	[sflag:s6] =	ssyncadd.s32 $0xFFFFC000  }
0x205: {  	[tilespmem:s2], [sflag:$0x2] =	stream.linear.gather [hbm4b:s17+s2], $0x80, $0x38;
	[tilespmem:$0x4080] =	vst v63  }
0x206: {  	_ =	swait.ge [sflag:s6], $0x80  }
0x207: {  	[sflag:s6] =	ssyncset.done $0x0  }
0x208: {  	[sflag:s6] =	ssyncadd.s32 $0xFFFFFF80  }
0x209: {  	[tilespmem:s9], [sflag:$0x1] =	stream.indirect.gather [hbm4b:s7+s9], $0x80, s2, s9, $0xb8;
	[tilespmem:$0x4080] =	vst v63  }
0x20a: {  	_ =	swait.ge [sflag:s10], $0x4000  }
0x20b: {  	[sflag:s10] =	ssyncset.done $0x0  }
0x20c: {  	[sflag:s10] =	ssyncadd.s32 $0xFFFFC000  }
0x20d: {  	[hbm4b:s22+s2] =	stream.linear.scatter [tilespmem:s9], [sflag:$0x2], $0x4000, $0x38;
	[tilespmem:$0x4080] =	vst v63  }
0x20e: {  	_ =	swait.ge [sflag:s6], $0x4000  }
0x20f: {  	[sflag:s6] =	ssyncset.done $0x0  }
0x210: {  	[sflag:s6] =	ssyncadd.s32 $0xFFFFC000  }
0x211: {  	[tilespmem:s2], [sflag:$0x2] =	stream.linear.gather [hbm4b:s16+s2], $0x80, $0x38;
	[tilespmem:$0x4080] =	vst v63  }
0x212: {  	_ =	swait.ge [sflag:s6], $0x80  }
0x213: {  	[sflag:s6] =	ssyncset.done $0x0  }
0x214: {  	[sflag:s6] =	ssyncadd.s32 $0xFFFFFF80  }
0x215: {  	[tilespmem:s9], [sflag:$0x1] =	stream.indirect.gather [hbm4b:s7+s9], $0x80, s2, s9, $0xb8;
	[tilespmem:$0x4080] =	vst v63  }
0x216: {  	_ =	swait.ge [sflag:s10], $0x4000  }
0x217: {  	[sflag:s10] =	ssyncset.done $0x0  }
0x218: {  	[sflag:s10] =	ssyncadd.s32 $0xFFFFC000  }
0x219: {  	[hbm4b:s20+s2] =	stream.linear.scatter [tilespmem:s9], [sflag:$0x2], $0x4000, $0x38;
	[tilespmem:$0x4080] =	vst v63  }
0x21a: {  	_ =	swait.ge [sflag:s6], $0x4000  }
0x21b: {  	[sflag:s6] =	ssyncset.done $0x0  }
0x21c: {  	[sflag:s6] =	ssyncadd.s32 $0xFFFFC000  }
0x21d: {  	[tilespmem:s2], [sflag:$0x2] =	stream.linear.gather [hbm4b:s14+s2], $0x80, $0x38;
	[tilespmem:$0x4080] =	vst v63  }
0x21e: {  	_ =	swait.ge [sflag:s6], $0x80  }
0x21f: {  	[sflag:s6] =	ssyncset.done $0x0  }
0x220: {  	[sflag:s6] =	ssyncadd.s32 $0xFFFFFF80  }
0x221: {  	[tilespmem:s9], [sflag:$0x1] =	stream.indirect.gather [hbm4b:s7+s9], $0x80, s2, s9, $0xb8;
	[tilespmem:$0x4080] =	vst v63  }
0x222: {  	_ =	swait.ge [sflag:s10], $0x4000  }
0x223: {  	[sflag:s10] =	ssyncset.done $0x0  }
0x224: {  	[sflag:s10] =	ssyncadd.s32 $0xFFFFC000  }
0x225: {  	[hbm4b:s18+s2] =	stream.linear.scatter [tilespmem:s9], [sflag:$0x2], $0x4000, $0x38;
	[tilespmem:$0x4080] =	vst v63  }
0x226: {  	_ =	swait.ge [sflag:s6], $0x4000  }
0x227: {  	[sflag:s6] =	ssyncset.done $0x0  }
0x228: {  	[sflag:s6] =	ssyncadd.s32 $0xFFFFC000  }
0x229: {  	[tilespmem:s2], [sflag:$0x2] =	stream.linear.gather [hbm4b:s12+s2], $0x80, $0x38;
	[tilespmem:$0x4080] =	vst v63  }
0x22a: {  	_ =	swait.ge [sflag:s6], $0x80  }
0x22b: {  	[sflag:s6] =	ssyncset.done $0x0  }
0x22c: {  	[sflag:s6] =	ssyncadd.s32 $0xFFFFFF80  }
0x22d: {  	[tilespmem:s9], [sflag:$0x1] =	stream.indirect.gather [hbm4b:s7+s9], $0x80, s2, s9, $0xb8;
	[tilespmem:$0x4080] =	vst v63  }
0x22e: {  	_ =	swait.ge [sflag:s10], $0x4000  }
0x22f: {  	[sflag:s10] =	ssyncset.done $0x0  }
0x230: {  	[sflag:s10] =	ssyncadd.s32 $0xFFFFC000  }
0x231: {  	[hbm4b:s15+s2] =	stream.linear.scatter [tilespmem:s9], [sflag:$0x2], $0x4000, $0x38;
	[tilespmem:$0x4080] =	vst v63  }
0x232: {  	_ =	swait.ge [sflag:s6], $0x4000  }
0x233: {  	[sflag:s6] =	ssyncset.done $0x0  }
0x234: {  	[sflag:s6] =	ssyncadd.s32 $0xFFFFC000  }
0x235: {  	[tilespmem:s2], [sflag:$0x2] =	stream.linear.gather [hbm4b:s8+s2], $0x80, $0x38;
	[tilespmem:$0x4080] =	vst v63  }
0x236: {  	_ =	swait.ge [sflag:s6], $0x80  }
0x237: {  	[sflag:s6] =	ssyncset.done $0x0  }
0x238: {  	[sflag:s6] =	ssyncadd.s32 $0xFFFFFF80  }
0x239: {  	[tilespmem:s9], [sflag:$0x1] =	stream.indirect.gather [hbm4b:s7+s9], $0x80, s2, s9, $0xb8;
	[tilespmem:$0x4080] =	vst v63  }
0x23a: {  	_ =	swait.ge [sflag:s10], $0x4000  }
0x23b: {  	[sflag:s10] =	ssyncset.done $0x0  }
0x23c: {  	[sflag:s10] =	ssyncadd.s32 $0xFFFFC000  }
0x23d: {  	[hbm4b:s13+s2] =	stream.linear.scatter [tilespmem:s9], [sflag:$0x2], $0x4000, $0x38;
	[tilespmem:$0x4080] =	vst v63  }
0x23e: {  	_ =	swait.ge [sflag:s6], $0x4000  }
0x23f: {  	[sflag:s6] =	ssyncset.done $0x0  }
0x240: {  	[sflag:s6] =	ssyncadd.s32 $0xFFFFC000  }
0x241: {  	[tilespmem:s2], [sflag:$0x2] =	stream.linear.gather [hbm4b:s4+s2], $0x80, $0x38;
	[tilespmem:$0x4080] =	vst v63  }
0x242: {  	_ =	swait.ge [sflag:s6], $0x80  }
0x243: {  	[sflag:s6] =	ssyncset.done $0x0  }
0x244: {  	[sflag:s6] =	ssyncadd.s32 $0xFFFFFF80  }
0x245: {  	[tilespmem:s9], [sflag:$0x1] =	stream.indirect.gather [hbm4b:s7+s9], $0x80, s2, s9, $0xb8;
	[tilespmem:$0x4080] =	vst v63  }
0x246: {  	_ =	swait.ge [sflag:s10], $0x4000  }
0x247: {  	[sflag:s10] =	ssyncset.done $0x0  }
0x248: {  	[sflag:s10] =	ssyncadd.s32 $0xFFFFC000  }
0x249: {  	[hbm4b:s11+s2] =	stream.linear.scatter [tilespmem:s9], [sflag:$0x2], $0x4000, $0x38;
	[tilespmem:$0x4080] =	vst v63  }
0x24a: {  	_ =	swait.ge [sflag:s6], $0x4000  }
0x24b: {  	[sflag:s6] =	ssyncset.done $0x0  }
0x24c: {  	[sflag:s6] =	ssyncadd.s32 $0xFFFFC000  }
0x24d: {  	[tilespmem:s2], [sflag:$0x2] =	stream.linear.gather [hbm4b:s3+s2], $0x80, $0x38;
	[tilespmem:$0x4080] =	vst v63  }
0x24e: {  	_ =	swait.ge [sflag:s6], $0x80  }
0x24f: {  	[sflag:s6] =	ssyncset.done $0x0  }
0x250: {  	[sflag:s6] =	ssyncadd.s32 $0xFFFFFF80  }
0x251: {  	[tilespmem:s9], [sflag:$0x1] =	stream.indirect.gather [hbm4b:s7+s9], $0x80, s2, s9, $0xb8;
	[tilespmem:$0x4080] =	vst v63  }
0x252: {  	p1 =	sne.s32 s1, $0x1;
	_ =	swait.ge [sflag:s10], $0x4000  }
.Ltmp1:
0x253: {  	[sflag:s10] =	ssyncset.done $0x0;
	(pc) =	sbr.rel @!p1 .LBB2_3-.Ltmp1, $4  }
0x254: {  	[sflag:s10] =	ssyncadd.s32 $0xFFFFC000  }
0x255: {  	[hbm4b:s5+s2] =	stream.linear.scatter [tilespmem:s9], [sflag:$0x2], $0x4000, $0x38;
	[tilespmem:$0x4080] =	vst v63  }
0x256: {  	s1 =	sadd.s32 $0xFFFFFFFF, s1;
	_ =	swait.ge [sflag:s6], $0x4000  }
0x257: {  	p0 =	por $0x1, $0x1;
	s0 =	rddreg [dreg:$0x2];
	[sflag:s6] =	ssyncset.done $0x0  }
.LBB2_2:
0x258: {  	[sflag:s6] =	ssyncadd.s32 $0xFFFFC000  }
0x259: {  	[tilespmem:s2], [sflag:$0x2] =	stream.linear.gather [hbm4b:s0+s2], $0x80, $0x38;
	[tilespmem:$0x4080] =	vst v63  }
0x25a: {  	_ =	swait.ge [sflag:s6], $0x80  }
0x25b: {  	[sflag:s6] =	ssyncset.done $0x0  }
0x25c: {  	[sflag:s6] =	ssyncadd.s32 $0xFFFFFF80  }
0x25d: {  	[tilespmem:s9], [sflag:$0x1] =	stream.indirect.gather [hbm4b:s7+s9], $0x80, s2, s9, $0xb8;
	[tilespmem:$0x4080] =	vst v63  }
0x25e: {  	_ =	swait.ge [sflag:s10], $0x4000  }
0x25f: {  	[sflag:s10] =	ssyncset.done $0x0  }
0x260: {  	s0 =	rddreg [dreg:$0x3];
	[sflag:s10] =	ssyncadd.s32 $0xFFFFC000  }
0x261: {  	[hbm4b:s0+s2] =	stream.linear.scatter [tilespmem:s9], [sflag:$0x2], $0x4000, $0x38;
	[tilespmem:$0x4080] =	vst v63  }
0x262: {  	_ =	swait.ge [sflag:s6], $0x4000  }
0x263: {  	[sflag:s6] =	ssyncset.done $0x0  }
0x264: {  	s0 =	rddreg [dreg:$0x4];
	[sflag:s6] =	ssyncadd.s32 $0xFFFFC000  }
0x265: {  	[tilespmem:s2], [sflag:$0x2] =	stream.linear.gather [hbm4b:s0+s2], $0x80, $0x38;
	[tilespmem:$0x4080] =	vst v63  }
0x266: {  	_ =	swait.ge [sflag:s6], $0x80  }
0x267: {  	[sflag:s6] =	ssyncset.done $0x0  }
0x268: {  	[sflag:s6] =	ssyncadd.s32 $0xFFFFFF80  }
0x269: {  	[tilespmem:s9], [sflag:$0x1] =	stream.indirect.gather [hbm4b:s7+s9], $0x80, s2, s9, $0xb8;
	[tilespmem:$0x4080] =	vst v63  }
0x26a: {  	_ =	swait.ge [sflag:s10], $0x4000  }
0x26b: {  	[sflag:s10] =	ssyncset.done $0x0  }
0x26c: {  	s0 =	rddreg [dreg:$0x5];
	[sflag:s10] =	ssyncadd.s32 $0xFFFFC000  }
0x26d: {  	[hbm4b:s0+s2] =	stream.linear.scatter [tilespmem:s9], [sflag:$0x2], $0x4000, $0x38;
	[tilespmem:$0x4080] =	vst v63  }
0x26e: {  	_ =	swait.ge [sflag:s6], $0x4000  }
0x26f: {  	[sflag:s6] =	ssyncset.done $0x0  }
0x270: {  	s0 =	rddreg [dreg:$0x6];
	[sflag:s6] =	ssyncadd.s32 $0xFFFFC000  }
0x271: {  	[tilespmem:s2], [sflag:$0x2] =	stream.linear.gather [hbm4b:s0+s2], $0x80, $0x38;
	[tilespmem:$0x4080] =	vst v63  }
0x272: {  	_ =	swait.ge [sflag:s6], $0x80  }
0x273: {  	[sflag:s6] =	ssyncset.done $0x0  }
0x274: {  	[sflag:s6] =	ssyncadd.s32 $0xFFFFFF80  }
0x275: {  	[tilespmem:s9], [sflag:$0x1] =	stream.indirect.gather [hbm4b:s7+s9], $0x80, s2, s9, $0xb8;
	[tilespmem:$0x4080] =	vst v63  }
0x276: {  	_ =	swait.ge [sflag:s10], $0x4000  }
0x277: {  	[sflag:s10] =	ssyncset.done $0x0  }
0x278: {  	s0 =	rddreg [dreg:$0x7];
	[sflag:s10] =	ssyncadd.s32 $0xFFFFC000  }
0x279: {  	[hbm4b:s0+s2] =	stream.linear.scatter [tilespmem:s9], [sflag:$0x2], $0x4000, $0x38;
	[tilespmem:$0x4080] =	vst v63  }
0x27a: {  	_ =	swait.ge [sflag:s6], $0x4000  }
0x27b: {  	[sflag:s6] =	ssyncset.done $0x0  }
0x27c: {  	s0 =	rddreg [dreg:$0x8];
	[sflag:s6] =	ssyncadd.s32 $0xFFFFC000  }
0x27d: {  	[tilespmem:s2], [sflag:$0x2] =	stream.linear.gather [hbm4b:s0+s2], $0x80, $0x38;
	[tilespmem:$0x4080] =	vst v63  }
0x27e: {  	_ =	swait.ge [sflag:s6], $0x80  }
0x27f: {  	[sflag:s6] =	ssyncset.done $0x0  }
0x280: {  	[sflag:s6] =	ssyncadd.s32 $0xFFFFFF80  }
0x281: {  	[tilespmem:s9], [sflag:$0x1] =	stream.indirect.gather [hbm4b:s7+s9], $0x80, s2, s9, $0xb8;
	[tilespmem:$0x4080] =	vst v63  }
0x282: {  	_ =	swait.ge [sflag:s10], $0x4000  }
0x283: {  	[sflag:s10] =	ssyncset.done $0x0  }
0x284: {  	s0 =	rddreg [dreg:$0x9];
	[sflag:s10] =	ssyncadd.s32 $0xFFFFC000  }
0x285: {  	[hbm4b:s0+s2] =	stream.linear.scatter [tilespmem:s9], [sflag:$0x2], $0x4000, $0x38;
	[tilespmem:$0x4080] =	vst v63  }
0x286: {  	_ =	swait.ge [sflag:s6], $0x4000  }
0x287: {  	[sflag:s6] =	ssyncset.done $0x0  }
0x288: {  	s0 =	rddreg [dreg:$0xa];
	[sflag:s6] =	ssyncadd.s32 $0xFFFFC000  }
0x289: {  	[tilespmem:s2], [sflag:$0x2] =	stream.linear.gather [hbm4b:s0+s2], $0x80, $0x38;
	[tilespmem:$0x4080] =	vst v63  }
0x28a: {  	_ =	swait.ge [sflag:s6], $0x80  }
0x28b: {  	[sflag:s6] =	ssyncset.done $0x0  }
0x28c: {  	[sflag:s6] =	ssyncadd.s32 $0xFFFFFF80  }
0x28d: {  	[tilespmem:s9], [sflag:$0x1] =	stream.indirect.gather [hbm4b:s7+s9], $0x80, s2, s9, $0xb8;
	[tilespmem:$0x4080] =	vst v63  }
0x28e: {  	_ =	swait.ge [sflag:s10], $0x4000  }
0x28f: {  	[sflag:s10] =	ssyncset.done $0x0  }
0x290: {  	s0 =	rddreg [dreg:$0xb];
	[sflag:s10] =	ssyncadd.s32 $0xFFFFC000  }
0x291: {  	[hbm4b:s0+s2] =	stream.linear.scatter [tilespmem:s9], [sflag:$0x2], $0x4000, $0x38;
	[tilespmem:$0x4080] =	vst v63  }
0x292: {  	_ =	swait.ge [sflag:s6], $0x4000  }
0x293: {  	[sflag:s6] =	ssyncset.done $0x0  }
0x294: {  	s0 =	rddreg [dreg:$0xc];
	[sflag:s6] =	ssyncadd.s32 $0xFFFFC000  }
0x295: {  	[tilespmem:s2], [sflag:$0x2] =	stream.linear.gather [hbm4b:s0+s2], $0x80, $0x38;
	[tilespmem:$0x4080] =	vst v63  }
0x296: {  	_ =	swait.ge [sflag:s6], $0x80  }
0x297: {  	[sflag:s6] =	ssyncset.done $0x0  }
0x298: {  	[sflag:s6] =	ssyncadd.s32 $0xFFFFFF80  }
0x299: {  	[tilespmem:s9], [sflag:$0x1] =	stream.indirect.gather [hbm4b:s7+s9], $0x80, s2, s9, $0xb8;
	[tilespmem:$0x4080] =	vst v63  }
0x29a: {  	_ =	swait.ge [sflag:s10], $0x4000  }
0x29b: {  	[sflag:s10] =	ssyncset.done $0x0  }
0x29c: {  	s0 =	rddreg [dreg:$0xd];
	[sflag:s10] =	ssyncadd.s32 $0xFFFFC000  }
0x29d: {  	[hbm4b:s0+s2] =	stream.linear.scatter [tilespmem:s9], [sflag:$0x2], $0x4000, $0x38;
	[tilespmem:$0x4080] =	vst v63  }
0x29e: {  	_ =	swait.ge [sflag:s6], $0x4000  }
0x29f: {  	[sflag:s6] =	ssyncset.done $0x0  }
0x2a0: {  	s0 =	rddreg [dreg:$0xe];
	[sflag:s6] =	ssyncadd.s32 $0xFFFFC000  }
0x2a1: {  	[tilespmem:s2], [sflag:$0x2] =	stream.linear.gather [hbm4b:s0+s2], $0x80, $0x38;
	[tilespmem:$0x4080] =	vst v63  }
0x2a2: {  	_ =	swait.ge [sflag:s6], $0x80  }
0x2a3: {  	[sflag:s6] =	ssyncset.done $0x0  }
0x2a4: {  	[sflag:s6] =	ssyncadd.s32 $0xFFFFFF80  }
0x2a5: {  	[tilespmem:s9], [sflag:$0x1] =	stream.indirect.gather [hbm4b:s7+s9], $0x80, s2, s9, $0xb8;
	[tilespmem:$0x4080] =	vst v63  }
0x2a6: {  	_ =	swait.ge [sflag:s10], $0x4000  }
0x2a7: {  	[sflag:s10] =	ssyncset.done $0x0  }
0x2a8: {  	s0 =	rddreg [dreg:$0xf];
	[sflag:s10] =	ssyncadd.s32 $0xFFFFC000  }
0x2a9: {  	[hbm4b:s0+s2] =	stream.linear.scatter [tilespmem:s9], [sflag:$0x2], $0x4000, $0x38;
	[tilespmem:$0x4080] =	vst v63  }
0x2aa: {  	_ =	swait.ge [sflag:s6], $0x4000  }
0x2ab: {  	[sflag:s6] =	ssyncset.done $0x0  }
0x2ac: {  	s0 =	rddreg [dreg:$0x10];
	[sflag:s6] =	ssyncadd.s32 $0xFFFFC000  }
0x2ad: {  	[tilespmem:s2], [sflag:$0x2] =	stream.linear.gather [hbm4b:s0+s2], $0x80, $0x38;
	[tilespmem:$0x4080] =	vst v63  }
0x2ae: {  	_ =	swait.ge [sflag:s6], $0x80  }
0x2af: {  	[sflag:s6] =	ssyncset.done $0x0  }
0x2b0: {  	[sflag:s6] =	ssyncadd.s32 $0xFFFFFF80  }
0x2b1: {  	[tilespmem:s9], [sflag:$0x1] =	stream.indirect.gather [hbm4b:s7+s9], $0x80, s2, s9, $0xb8;
	[tilespmem:$0x4080] =	vst v63  }
0x2b2: {  	_ =	swait.ge [sflag:s10], $0x4000  }
0x2b3: {  	[sflag:s10] =	ssyncset.done $0x0  }
0x2b4: {  	s0 =	rddreg [dreg:$0x11];
	[sflag:s10] =	ssyncadd.s32 $0xFFFFC000  }
0x2b5: {  	[hbm4b:s0+s2] =	stream.linear.scatter [tilespmem:s9], [sflag:$0x2], $0x4000, $0x38;
	[tilespmem:$0x4080] =	vst v63  }
0x2b6: {  	_ =	swait.ge [sflag:s6], $0x4000  }
0x2b7: {  	[sflag:s6] =	ssyncset.done $0x0  }
0x2b8: {  	s0 =	rddreg [dreg:$0x12];
	[sflag:s6] =	ssyncadd.s32 $0xFFFFC000  }
0x2b9: {  	[tilespmem:s2], [sflag:$0x2] =	stream.linear.gather [hbm4b:s0+s2], $0x80, $0x38;
	[tilespmem:$0x4080] =	vst v63  }
0x2ba: {  	_ =	swait.ge [sflag:s6], $0x80  }
0x2bb: {  	[sflag:s6] =	ssyncset.done $0x0  }
0x2bc: {  	[sflag:s6] =	ssyncadd.s32 $0xFFFFFF80  }
0x2bd: {  	[tilespmem:s9], [sflag:$0x1] =	stream.indirect.gather [hbm4b:s7+s9], $0x80, s2, s9, $0xb8;
	[tilespmem:$0x4080] =	vst v63  }
0x2be: {  	_ =	swait.ge [sflag:s10], $0x4000  }
0x2bf: {  	[sflag:s10] =	ssyncset.done $0x0  }
0x2c0: {  	s0 =	rddreg [dreg:$0x13];
	[sflag:s10] =	ssyncadd.s32 $0xFFFFC000  }
0x2c1: {  	[hbm4b:s0+s2] =	stream.linear.scatter [tilespmem:s9], [sflag:$0x2], $0x4000, $0x38;
	[tilespmem:$0x4080] =	vst v63  }
0x2c2: {  	_ =	swait.ge [sflag:s6], $0x4000  }
0x2c3: {  	[sflag:s6] =	ssyncset.done $0x0  }
0x2c4: {  	s0 =	rddreg [dreg:$0x14];
	[sflag:s6] =	ssyncadd.s32 $0xFFFFC000  }
0x2c5: {  	[tilespmem:s2], [sflag:$0x2] =	stream.linear.gather [hbm4b:s0+s2], $0x80, $0x38;
	[tilespmem:$0x4080] =	vst v63  }
0x2c6: {  	_ =	swait.ge [sflag:s6], $0x80  }
0x2c7: {  	[sflag:s6] =	ssyncset.done $0x0  }
0x2c8: {  	[sflag:s6] =	ssyncadd.s32 $0xFFFFFF80  }
0x2c9: {  	[tilespmem:s9], [sflag:$0x1] =	stream.indirect.gather [hbm4b:s7+s9], $0x80, s2, s9, $0xb8;
	[tilespmem:$0x4080] =	vst v63  }
0x2ca: {  	_ =	swait.ge [sflag:s10], $0x4000  }
0x2cb: {  	[sflag:s10] =	ssyncset.done $0x0  }
0x2cc: {  	s0 =	rddreg [dreg:$0x15];
	[sflag:s10] =	ssyncadd.s32 $0xFFFFC000  }
0x2cd: {  	[hbm4b:s0+s2] =	stream.linear.scatter [tilespmem:s9], [sflag:$0x2], $0x4000, $0x38;
	[tilespmem:$0x4080] =	vst v63  }
0x2ce: {  	_ =	swait.ge [sflag:s6], $0x4000  }
0x2cf: {  	[sflag:s6] =	ssyncset.done $0x0  }
0x2d0: {  	s0 =	rddreg [dreg:$0x16];
	[sflag:s6] =	ssyncadd.s32 $0xFFFFC000  }
0x2d1: {  	[tilespmem:s2], [sflag:$0x2] =	stream.linear.gather [hbm4b:s0+s2], $0x80, $0x38;
	[tilespmem:$0x4080] =	vst v63  }
0x2d2: {  	_ =	swait.ge [sflag:s6], $0x80  }
0x2d3: {  	[sflag:s6] =	ssyncset.done $0x0  }
0x2d4: {  	[sflag:s6] =	ssyncadd.s32 $0xFFFFFF80  }
0x2d5: {  	[tilespmem:s9], [sflag:$0x1] =	stream.indirect.gather [hbm4b:s7+s9], $0x80, s2, s9, $0xb8;
	[tilespmem:$0x4080] =	vst v63  }
0x2d6: {  	_ =	swait.ge [sflag:s10], $0x4000  }
0x2d7: {  	[sflag:s10] =	ssyncset.done $0x0  }
0x2d8: {  	s0 =	rddreg [dreg:$0x17];
	[sflag:s10] =	ssyncadd.s32 $0xFFFFC000  }
0x2d9: {  	[hbm4b:s0+s2] =	stream.linear.scatter [tilespmem:s9], [sflag:$0x2], $0x4000, $0x38;
	[tilespmem:$0x4080] =	vst v63  }
0x2da: {  	_ =	swait.ge [sflag:s6], $0x4000  }
0x2db: {  	[sflag:s6] =	ssyncset.done $0x0  }
0x2dc: {  	s0 =	rddreg [dreg:$0x18];
	[sflag:s6] =	ssyncadd.s32 $0xFFFFC000  }
0x2dd: {  	[tilespmem:s2], [sflag:$0x2] =	stream.linear.gather [hbm4b:s0+s2], $0x80, $0x38;
	[tilespmem:$0x4080] =	vst v63  }
0x2de: {  	_ =	swait.ge [sflag:s6], $0x80  }
0x2df: {  	[sflag:s6] =	ssyncset.done $0x0  }
0x2e0: {  	[sflag:s6] =	ssyncadd.s32 $0xFFFFFF80  }
0x2e1: {  	[tilespmem:s9], [sflag:$0x1] =	stream.indirect.gather [hbm4b:s7+s9], $0x80, s2, s9, $0xb8;
	[tilespmem:$0x4080] =	vst v63  }
0x2e2: {  	_ =	swait.ge [sflag:s10], $0x4000  }
0x2e3: {  	[sflag:s10] =	ssyncset.done $0x0  }
0x2e4: {  	s0 =	rddreg [dreg:$0x19];
	[sflag:s10] =	ssyncadd.s32 $0xFFFFC000  }
0x2e5: {  	[hbm4b:s0+s2] =	stream.linear.scatter [tilespmem:s9], [sflag:$0x2], $0x4000, $0x38;
	[tilespmem:$0x4080] =	vst v63  }
0x2e6: {  	_ =	swait.ge [sflag:s6], $0x4000  }
0x2e7: {  	[sflag:s6] =	ssyncset.done $0x0  }
0x2e8: {  	s0 =	rddreg [dreg:$0x1a];
	[sflag:s6] =	ssyncadd.s32 $0xFFFFC000  }
0x2e9: {  	[tilespmem:s2], [sflag:$0x2] =	stream.linear.gather [hbm4b:s0+s2], $0x80, $0x38;
	[tilespmem:$0x4080] =	vst v63  }
0x2ea: {  	_ =	swait.ge [sflag:s6], $0x80  }
0x2eb: {  	[sflag:s6] =	ssyncset.done $0x0  }
0x2ec: {  	[sflag:s6] =	ssyncadd.s32 $0xFFFFFF80  }
0x2ed: {  	[tilespmem:s9], [sflag:$0x1] =	stream.indirect.gather [hbm4b:s7+s9], $0x80, s2, s9, $0xb8;
	[tilespmem:$0x4080] =	vst v63  }
0x2ee: {  	_ =	swait.ge [sflag:s10], $0x4000  }
0x2ef: {  	[sflag:s10] =	ssyncset.done $0x0  }
0x2f0: {  	s0 =	rddreg [dreg:$0x1b];
	[sflag:s10] =	ssyncadd.s32 $0xFFFFC000  }
0x2f1: {  	[hbm4b:s0+s2] =	stream.linear.scatter [tilespmem:s9], [sflag:$0x2], $0x4000, $0x38;
	[tilespmem:$0x4080] =	vst v63  }
0x2f2: {  	_ =	swait.ge [sflag:s6], $0x4000  }
0x2f3: {  	[sflag:s6] =	ssyncset.done $0x0  }
0x2f4: {  	s0 =	rddreg [dreg:$0x1c];
	[sflag:s6] =	ssyncadd.s32 $0xFFFFC000  }
0x2f5: {  	[tilespmem:s2], [sflag:$0x2] =	stream.linear.gather [hbm4b:s0+s2], $0x80, $0x38;
	[tilespmem:$0x4080] =	vst v63  }
0x2f6: {  	_ =	swait.ge [sflag:s6], $0x80  }
0x2f7: {  	[sflag:s6] =	ssyncset.done $0x0  }
0x2f8: {  	[sflag:s6] =	ssyncadd.s32 $0xFFFFFF80  }
0x2f9: {  	[tilespmem:s9], [sflag:$0x1] =	stream.indirect.gather [hbm4b:s7+s9], $0x80, s2, s9, $0xb8;
	[tilespmem:$0x4080] =	vst v63  }
0x2fa: {  	_ =	swait.ge [sflag:s10], $0x4000  }
0x2fb: {  	[sflag:s10] =	ssyncset.done $0x0  }
0x2fc: {  	s0 =	rddreg [dreg:$0x1d];
	[sflag:s10] =	ssyncadd.s32 $0xFFFFC000  }
0x2fd: {  	[hbm4b:s0+s2] =	stream.linear.scatter [tilespmem:s9], [sflag:$0x2], $0x4000, $0x38;
	[tilespmem:$0x4080] =	vst v63  }
0x2fe: {  	_ =	swait.ge [sflag:s6], $0x4000  }
0x2ff: {  	[sflag:s6] =	ssyncset.done $0x0  }
0x300: {  	s0 =	rddreg [dreg:$0x1e];
	[sflag:s6] =	ssyncadd.s32 $0xFFFFC000  }
0x301: {  	[tilespmem:s2], [sflag:$0x2] =	stream.linear.gather [hbm4b:s0+s2], $0x80, $0x38;
	[tilespmem:$0x4080] =	vst v63  }
0x302: {  	_ =	swait.ge [sflag:s6], $0x80  }
0x303: {  	[sflag:s6] =	ssyncset.done $0x0  }
0x304: {  	[sflag:s6] =	ssyncadd.s32 $0xFFFFFF80  }
0x305: {  	[tilespmem:s9], [sflag:$0x1] =	stream.indirect.gather [hbm4b:s7+s9], $0x80, s2, s9, $0xb8;
	[tilespmem:$0x4080] =	vst v63  }
0x306: {  	_ =	swait.ge [sflag:s10], $0x4000  }
0x307: {  	[sflag:s10] =	ssyncset.done $0x0  }
0x308: {  	s0 =	rddreg [dreg:$0x1f];
	[sflag:s10] =	ssyncadd.s32 $0xFFFFC000  }
0x309: {  	[hbm4b:s0+s2] =	stream.linear.scatter [tilespmem:s9], [sflag:$0x2], $0x4000, $0x38;
	[tilespmem:$0x4080] =	vst v63  }
0x30a: {  	_ =	swait.ge [sflag:s6], $0x4000  }
0x30b: {  	s0 =	sld [smem:$0x7E4]  }
0x30c: {  	[sflag:s6] =	ssyncset.done $0x0  }
0x30d: {  	[sflag:s6] =	ssyncadd.s32 $0xFFFFC000  }
0x30e: {  	[tilespmem:s2], [sflag:$0x2] =	stream.linear.gather [hbm4b:s0+s2], $0x80, $0x38;
	[tilespmem:$0x4080] =	vst v63  }
0x30f: {  	_ =	swait.ge [sflag:s6], $0x80  }
0x310: {  	[sflag:s6] =	ssyncset.done $0x0  }
0x311: {  	[sflag:s6] =	ssyncadd.s32 $0xFFFFFF80  }
0x312: {  	[tilespmem:s9], [sflag:$0x1] =	stream.indirect.gather [hbm4b:s7+s9], $0x80, s2, s9, $0xb8;
	[tilespmem:$0x4080] =	vst v63  }
0x313: {  	_ =	swait.ge [sflag:s10], $0x4000  }
0x314: {  	s0 =	sld [smem:$0x7E5]  }
0x315: {  	[sflag:s10] =	ssyncset.done $0x0  }
0x316: {  	[sflag:s10] =	ssyncadd.s32 $0xFFFFC000  }
0x317: {  	[hbm4b:s0+s2] =	stream.linear.scatter [tilespmem:s9], [sflag:$0x2], $0x4000, $0x38;
	[tilespmem:$0x4080] =	vst v63  }
0x318: {  	_ =	swait.ge [sflag:s6], $0x4000  }
0x319: {  	s0 =	sld [smem:$0x7E6]  }
0x31a: {  	[sflag:s6] =	ssyncset.done $0x0  }
0x31b: {  	[sflag:s6] =	ssyncadd.s32 $0xFFFFC000  }
0x31c: {  	[tilespmem:s2], [sflag:$0x2] =	stream.linear.gather [hbm4b:s0+s2], $0x80, $0x38;
	[tilespmem:$0x4080] =	vst v63  }
0x31d: {  	_ =	swait.ge [sflag:s6], $0x80  }
0x31e: {  	[sflag:s6] =	ssyncset.done $0x0  }
0x31f: {  	[sflag:s6] =	ssyncadd.s32 $0xFFFFFF80  }
0x320: {  	[tilespmem:s9], [sflag:$0x1] =	stream.indirect.gather [hbm4b:s7+s9], $0x80, s2, s9, $0xb8;
	[tilespmem:$0x4080] =	vst v63  }
0x321: {  	_ =	swait.ge [sflag:s10], $0x4000  }
0x322: {  	s0 =	sld [smem:$0x7E7]  }
0x323: {  	[sflag:s10] =	ssyncset.done $0x0  }
0x324: {  	[sflag:s10] =	ssyncadd.s32 $0xFFFFC000  }
0x325: {  	[hbm4b:s0+s2] =	stream.linear.scatter [tilespmem:s9], [sflag:$0x2], $0x4000, $0x38;
	[tilespmem:$0x4080] =	vst v63  }
0x326: {  	_ =	swait.ge [sflag:s6], $0x4000  }
0x327: {  	s0 =	sld [smem:$0x7E8]  }
0x328: {  	[sflag:s6] =	ssyncset.done $0x0  }
0x329: {  	[sflag:s6] =	ssyncadd.s32 $0xFFFFC000  }
0x32a: {  	[tilespmem:s2], [sflag:$0x2] =	stream.linear.gather [hbm4b:s0+s2], $0x80, $0x38;
	[tilespmem:$0x4080] =	vst v63  }
0x32b: {  	_ =	swait.ge [sflag:s6], $0x80  }
0x32c: {  	[sflag:s6] =	ssyncset.done $0x0  }
0x32d: {  	[sflag:s6] =	ssyncadd.s32 $0xFFFFFF80  }
0x32e: {  	[tilespmem:s9], [sflag:$0x1] =	stream.indirect.gather [hbm4b:s7+s9], $0x80, s2, s9, $0xb8;
	[tilespmem:$0x4080] =	vst v63  }
0x32f: {  	_ =	swait.ge [sflag:s10], $0x4000  }
0x330: {  	s0 =	sld [smem:$0x7E9]  }
0x331: {  	[sflag:s10] =	ssyncset.done $0x0  }
0x332: {  	[sflag:s10] =	ssyncadd.s32 $0xFFFFC000  }
0x333: {  	[hbm4b:s0+s2] =	stream.linear.scatter [tilespmem:s9], [sflag:$0x2], $0x4000, $0x38;
	[tilespmem:$0x4080] =	vst v63  }
0x334: {  	_ =	swait.ge [sflag:s6], $0x4000  }
0x335: {  	s0 =	sld [smem:$0x7EA]  }
0x336: {  	[sflag:s6] =	ssyncset.done $0x0  }
0x337: {  	[sflag:s6] =	ssyncadd.s32 $0xFFFFC000  }
0x338: {  	[tilespmem:s2], [sflag:$0x2] =	stream.linear.gather [hbm4b:s0+s2], $0x80, $0x38;
	[tilespmem:$0x4080] =	vst v63  }
0x339: {  	_ =	swait.ge [sflag:s6], $0x80  }
0x33a: {  	[sflag:s6] =	ssyncset.done $0x0  }
0x33b: {  	[sflag:s6] =	ssyncadd.s32 $0xFFFFFF80  }
0x33c: {  	[tilespmem:s9], [sflag:$0x1] =	stream.indirect.gather [hbm4b:s7+s9], $0x80, s2, s9, $0xb8;
	[tilespmem:$0x4080] =	vst v63  }
0x33d: {  	_ =	swait.ge [sflag:s10], $0x4000  }
0x33e: {  	s0 =	sld [smem:$0x7EB]  }
0x33f: {  	[sflag:s10] =	ssyncset.done $0x0  }
0x340: {  	[sflag:s10] =	ssyncadd.s32 $0xFFFFC000  }
0x341: {  	[hbm4b:s0+s2] =	stream.linear.scatter [tilespmem:s9], [sflag:$0x2], $0x4000, $0x38;
	[tilespmem:$0x4080] =	vst v63  }
0x342: {  	_ =	swait.ge [sflag:s6], $0x4000  }
0x343: {  	s0 =	sld [smem:$0x7EC]  }
0x344: {  	[sflag:s6] =	ssyncset.done $0x0  }
0x345: {  	[sflag:s6] =	ssyncadd.s32 $0xFFFFC000  }
0x346: {  	[tilespmem:s2], [sflag:$0x2] =	stream.linear.gather [hbm4b:s0+s2], $0x80, $0x38;
	[tilespmem:$0x4080] =	vst v63  }
0x347: {  	_ =	swait.ge [sflag:s6], $0x80  }
0x348: {  	[sflag:s6] =	ssyncset.done $0x0  }
0x349: {  	[sflag:s6] =	ssyncadd.s32 $0xFFFFFF80  }
0x34a: {  	[tilespmem:s9], [sflag:$0x1] =	stream.indirect.gather [hbm4b:s7+s9], $0x80, s2, s9, $0xb8;
	[tilespmem:$0x4080] =	vst v63  }
0x34b: {  	_ =	swait.ge [sflag:s10], $0x4000  }
0x34c: {  	s0 =	sld [smem:$0x7ED]  }
0x34d: {  	[sflag:s10] =	ssyncset.done $0x0  }
0x34e: {  	[sflag:s10] =	ssyncadd.s32 $0xFFFFC000  }
0x34f: {  	[hbm4b:s0+s2] =	stream.linear.scatter [tilespmem:s9], [sflag:$0x2], $0x4000, $0x38;
	[tilespmem:$0x4080] =	vst v63  }
0x350: {  	_ =	swait.ge [sflag:s6], $0x4000  }
0x351: {  	s0 =	sld [smem:$0x7EE]  }
0x352: {  	[sflag:s6] =	ssyncset.done $0x0  }
0x353: {  	[sflag:s6] =	ssyncadd.s32 $0xFFFFC000  }
0x354: {  	[tilespmem:s2], [sflag:$0x2] =	stream.linear.gather [hbm4b:s0+s2], $0x80, $0x38;
	[tilespmem:$0x4080] =	vst v63  }
0x355: {  	_ =	swait.ge [sflag:s6], $0x80  }
0x356: {  	[sflag:s6] =	ssyncset.done $0x0  }
0x357: {  	[sflag:s6] =	ssyncadd.s32 $0xFFFFFF80  }
0x358: {  	[tilespmem:s9], [sflag:$0x1] =	stream.indirect.gather [hbm4b:s7+s9], $0x80, s2, s9, $0xb8;
	[tilespmem:$0x4080] =	vst v63  }
0x359: {  	_ =	swait.ge [sflag:s10], $0x4000  }
0x35a: {  	s0 =	sld [smem:$0x7EF]  }
0x35b: {  	[sflag:s10] =	ssyncset.done $0x0  }
0x35c: {  	[sflag:s10] =	ssyncadd.s32 $0xFFFFC000  }
0x35d: {  	[hbm4b:s0+s2] =	stream.linear.scatter [tilespmem:s9], [sflag:$0x2], $0x4000, $0x38;
	[tilespmem:$0x4080] =	vst v63  }
0x35e: {  	_ =	swait.ge [sflag:s6], $0x4000  }
0x35f: {  	s0 =	sld [smem:$0x7F0]  }
0x360: {  	[sflag:s6] =	ssyncset.done $0x0  }
0x361: {  	[sflag:s6] =	ssyncadd.s32 $0xFFFFC000  }
0x362: {  	[tilespmem:s2], [sflag:$0x2] =	stream.linear.gather [hbm4b:s0+s2], $0x80, $0x38;
	[tilespmem:$0x4080] =	vst v63  }
0x363: {  	_ =	swait.ge [sflag:s6], $0x80  }
0x364: {  	[sflag:s6] =	ssyncset.done $0x0  }
0x365: {  	[sflag:s6] =	ssyncadd.s32 $0xFFFFFF80  }
0x366: {  	[tilespmem:s9], [sflag:$0x1] =	stream.indirect.gather [hbm4b:s7+s9], $0x80, s2, s9, $0xb8;
	[tilespmem:$0x4080] =	vst v63  }
0x367: {  	_ =	swait.ge [sflag:s10], $0x4000  }
0x368: {  	s0 =	sld [smem:$0x7F1]  }
0x369: {  	[sflag:s10] =	ssyncset.done $0x0  }
0x36a: {  	[sflag:s10] =	ssyncadd.s32 $0xFFFFC000  }
0x36b: {  	[hbm4b:s0+s2] =	stream.linear.scatter [tilespmem:s9], [sflag:$0x2], $0x4000, $0x38;
	[tilespmem:$0x4080] =	vst v63  }
0x36c: {  	_ =	swait.ge [sflag:s6], $0x4000  }
0x36d: {  	s0 =	sld [smem:$0x7F2]  }
0x36e: {  	[sflag:s6] =	ssyncset.done $0x0  }
0x36f: {  	[sflag:s6] =	ssyncadd.s32 $0xFFFFC000  }
0x370: {  	[tilespmem:s2], [sflag:$0x2] =	stream.linear.gather [hbm4b:s0+s2], $0x80, $0x38;
	[tilespmem:$0x4080] =	vst v63  }
0x371: {  	_ =	swait.ge [sflag:s6], $0x80  }
0x372: {  	[sflag:s6] =	ssyncset.done $0x0  }
0x373: {  	[sflag:s6] =	ssyncadd.s32 $0xFFFFFF80  }
0x374: {  	[tilespmem:s9], [sflag:$0x1] =	stream.indirect.gather [hbm4b:s7+s9], $0x80, s2, s9, $0xb8;
	[tilespmem:$0x4080] =	vst v63  }
0x375: {  	_ =	swait.ge [sflag:s10], $0x4000  }
0x376: {  	s0 =	sld [smem:$0x7F3]  }
0x377: {  	[sflag:s10] =	ssyncset.done $0x0  }
0x378: {  	[sflag:s10] =	ssyncadd.s32 $0xFFFFC000  }
0x379: {  	[hbm4b:s0+s2] =	stream.linear.scatter [tilespmem:s9], [sflag:$0x2], $0x4000, $0x38;
	[tilespmem:$0x4080] =	vst v63  }
0x37a: {  	_ =	swait.ge [sflag:s6], $0x4000  }
0x37b: {  	s0 =	sld [smem:$0x7F4]  }
0x37c: {  	[sflag:s6] =	ssyncset.done $0x0  }
0x37d: {  	[sflag:s6] =	ssyncadd.s32 $0xFFFFC000  }
0x37e: {  	[tilespmem:s2], [sflag:$0x2] =	stream.linear.gather [hbm4b:s0+s2], $0x80, $0x38;
	[tilespmem:$0x4080] =	vst v63  }
0x37f: {  	_ =	swait.ge [sflag:s6], $0x80  }
0x380: {  	[sflag:s6] =	ssyncset.done $0x0  }
0x381: {  	[sflag:s6] =	ssyncadd.s32 $0xFFFFFF80  }
0x382: {  	[tilespmem:s9], [sflag:$0x1] =	stream.indirect.gather [hbm4b:s7+s9], $0x80, s2, s9, $0xb8;
	[tilespmem:$0x4080] =	vst v63  }
0x383: {  	_ =	swait.ge [sflag:s10], $0x4000  }
0x384: {  	s0 =	sld [smem:$0x7F5]  }
0x385: {  	[sflag:s10] =	ssyncset.done $0x0  }
0x386: {  	[sflag:s10] =	ssyncadd.s32 $0xFFFFC000  }
0x387: {  	[hbm4b:s0+s2] =	stream.linear.scatter [tilespmem:s9], [sflag:$0x2], $0x4000, $0x38;
	[tilespmem:$0x4080] =	vst v63  }
0x388: {  	_ =	swait.ge [sflag:s6], $0x4000  }
0x389: {  	s0 =	sld [smem:$0x7F6]  }
0x38a: {  	[sflag:s6] =	ssyncset.done $0x0  }
0x38b: {  	[sflag:s6] =	ssyncadd.s32 $0xFFFFC000  }
0x38c: {  	[tilespmem:s2], [sflag:$0x2] =	stream.linear.gather [hbm4b:s0+s2], $0x80, $0x38;
	[tilespmem:$0x4080] =	vst v63  }
0x38d: {  	_ =	swait.ge [sflag:s6], $0x80  }
0x38e: {  	[sflag:s6] =	ssyncset.done $0x0  }
0x38f: {  	[sflag:s6] =	ssyncadd.s32 $0xFFFFFF80  }
0x390: {  	[tilespmem:s9], [sflag:$0x1] =	stream.indirect.gather [hbm4b:s7+s9], $0x80, s2, s9, $0xb8;
	[tilespmem:$0x4080] =	vst v63  }
0x391: {  	_ =	swait.ge [sflag:s10], $0x4000  }
0x392: {  	s0 =	sld [smem:$0x7F7]  }
0x393: {  	[sflag:s10] =	ssyncset.done $0x0  }
0x394: {  	[sflag:s10] =	ssyncadd.s32 $0xFFFFC000  }
0x395: {  	[hbm4b:s0+s2] =	stream.linear.scatter [tilespmem:s9], [sflag:$0x2], $0x4000, $0x38;
	[tilespmem:$0x4080] =	vst v63  }
0x396: {  	_ =	swait.ge [sflag:s6], $0x4000  }
0x397: {  	s0 =	sld [smem:$0x7F8]  }
0x398: {  	[sflag:s6] =	ssyncset.done $0x0  }
0x399: {  	[sflag:s6] =	ssyncadd.s32 $0xFFFFC000  }
0x39a: {  	[tilespmem:s2], [sflag:$0x2] =	stream.linear.gather [hbm4b:s0+s2], $0x80, $0x38;
	[tilespmem:$0x4080] =	vst v63  }
0x39b: {  	_ =	swait.ge [sflag:s6], $0x80  }
0x39c: {  	[sflag:s6] =	ssyncset.done $0x0  }
0x39d: {  	[sflag:s6] =	ssyncadd.s32 $0xFFFFFF80  }
0x39e: {  	[tilespmem:s9], [sflag:$0x1] =	stream.indirect.gather [hbm4b:s7+s9], $0x80, s2, s9, $0xb8;
	[tilespmem:$0x4080] =	vst v63  }
0x39f: {  	_ =	swait.ge [sflag:s10], $0x4000  }
0x3a0: {  	s0 =	sld [smem:$0x7F9]  }
0x3a1: {  	[sflag:s10] =	ssyncset.done $0x0  }
0x3a2: {  	[sflag:s10] =	ssyncadd.s32 $0xFFFFC000  }
0x3a3: {  	[hbm4b:s0+s2] =	stream.linear.scatter [tilespmem:s9], [sflag:$0x2], $0x4000, $0x38;
	[tilespmem:$0x4080] =	vst v63  }
0x3a4: {  	_ =	swait.ge [sflag:s6], $0x4000  }
0x3a5: {  	s0 =	sld [smem:$0x7FA]  }
0x3a6: {  	[sflag:s6] =	ssyncset.done $0x0  }
0x3a7: {  	[sflag:s6] =	ssyncadd.s32 $0xFFFFC000  }
0x3a8: {  	[tilespmem:s2], [sflag:$0x2] =	stream.linear.gather [hbm4b:s0+s2], $0x80, $0x38;
	[tilespmem:$0x4080] =	vst v63  }
0x3a9: {  	_ =	swait.ge [sflag:s6], $0x80  }
0x3aa: {  	[sflag:s6] =	ssyncset.done $0x0  }
0x3ab: {  	[sflag:s6] =	ssyncadd.s32 $0xFFFFFF80  }
0x3ac: {  	[tilespmem:s9], [sflag:$0x1] =	stream.indirect.gather [hbm4b:s7+s9], $0x80, s2, s9, $0xb8;
	[tilespmem:$0x4080] =	vst v63  }
0x3ad: {  	_ =	swait.ge [sflag:s10], $0x4000  }
0x3ae: {  	s0 =	sld [smem:$0x7FB]  }
0x3af: {  	[sflag:s10] =	ssyncset.done $0x0  }
0x3b0: {  	[sflag:s10] =	ssyncadd.s32 $0xFFFFC000  }
0x3b1: {  	[hbm4b:s0+s2] =	stream.linear.scatter [tilespmem:s9], [sflag:$0x2], $0x4000, $0x38;
	[tilespmem:$0x4080] =	vst v63  }
0x3b2: {  	_ =	swait.ge [sflag:s6], $0x4000  }
0x3b3: {  	s0 =	sld [smem:$0x7FC]  }
0x3b4: {  	[sflag:s6] =	ssyncset.done $0x0  }
0x3b5: {  	[sflag:s6] =	ssyncadd.s32 $0xFFFFC000  }
0x3b6: {  	[tilespmem:s2], [sflag:$0x2] =	stream.linear.gather [hbm4b:s0+s2], $0x80, $0x38;
	[tilespmem:$0x4080] =	vst v63  }
0x3b7: {  	_ =	swait.ge [sflag:s6], $0x80  }
0x3b8: {  	[sflag:s6] =	ssyncset.done $0x0  }
0x3b9: {  	[sflag:s6] =	ssyncadd.s32 $0xFFFFFF80  }
0x3ba: {  	[tilespmem:s9], [sflag:$0x1] =	stream.indirect.gather [hbm4b:s7+s9], $0x80, s2, s9, $0xb8;
	[tilespmem:$0x4080] =	vst v63  }
0x3bb: {  	_ =	swait.ge [sflag:s10], $0x4000  }
0x3bc: {  	s0 =	sld [smem:$0x7FD]  }
0x3bd: {  	[sflag:s10] =	ssyncset.done $0x0  }
0x3be: {  	[sflag:s10] =	ssyncadd.s32 $0xFFFFC000  }
0x3bf: {  	[hbm4b:s0+s2] =	stream.linear.scatter [tilespmem:s9], [sflag:$0x2], $0x4000, $0x38;
	[tilespmem:$0x4080] =	vst v63  }
0x3c0: {  	_ =	swait.ge [sflag:s6], $0x4000  }
0x3c1: {  	[sflag:s6] =	ssyncset.done $0x0  }
0x3c2: {  	[sflag:s6] =	ssyncadd.s32 $0xFFFFC000  }
0x3c3: {  	[tilespmem:s2], [sflag:$0x2] =	stream.linear.gather [hbm4b:s28+s2], $0x80, $0x38;
	[tilespmem:$0x4080] =	vst v63  }
0x3c4: {  	_ =	swait.ge [sflag:s6], $0x80  }
0x3c5: {  	[sflag:s6] =	ssyncset.done $0x0  }
0x3c6: {  	[sflag:s6] =	ssyncadd.s32 $0xFFFFFF80  }
0x3c7: {  	[tilespmem:s9], [sflag:$0x1] =	stream.indirect.gather [hbm4b:s7+s9], $0x80, s2, s9, $0xb8;
	[tilespmem:$0x4080] =	vst v63  }
0x3c8: {  	_ =	swait.ge [sflag:s10], $0x4000  }
0x3c9: {  	[sflag:s10] =	ssyncset.done $0x0  }
0x3ca: {  	[sflag:s10] =	ssyncadd.s32 $0xFFFFC000  }
0x3cb: {  	[hbm4b:s31+s2] =	stream.linear.scatter [tilespmem:s9], [sflag:$0x2], $0x4000, $0x38;
	[tilespmem:$0x4080] =	vst v63  }
0x3cc: {  	_ =	swait.ge [sflag:s6], $0x4000  }
0x3cd: {  	[sflag:s6] =	ssyncset.done $0x0  }
0x3ce: {  	[sflag:s6] =	ssyncadd.s32 $0xFFFFC000  }
0x3cf: {  	[tilespmem:s2], [sflag:$0x2] =	stream.linear.gather [hbm4b:s25+s2], $0x80, $0x38;
	[tilespmem:$0x4080] =	vst v63  }
0x3d0: {  	_ =	swait.ge [sflag:s6], $0x80  }
0x3d1: {  	[sflag:s6] =	ssyncset.done $0x0  }
0x3d2: {  	[sflag:s6] =	ssyncadd.s32 $0xFFFFFF80  }
0x3d3: {  	[tilespmem:s9], [sflag:$0x1] =	stream.indirect.gather [hbm4b:s7+s9], $0x80, s2, s9, $0xb8;
	[tilespmem:$0x4080] =	vst v63  }
0x3d4: {  	_ =	swait.ge [sflag:s10], $0x4000  }
0x3d5: {  	[sflag:s10] =	ssyncset.done $0x0  }
0x3d6: {  	[sflag:s10] =	ssyncadd.s32 $0xFFFFC000  }
0x3d7: {  	[hbm4b:s30+s2] =	stream.linear.scatter [tilespmem:s9], [sflag:$0x2], $0x4000, $0x38;
	[tilespmem:$0x4080] =	vst v63  }
0x3d8: {  	_ =	swait.ge [sflag:s6], $0x4000  }
0x3d9: {  	[sflag:s6] =	ssyncset.done $0x0  }
0x3da: {  	[sflag:s6] =	ssyncadd.s32 $0xFFFFC000  }
0x3db: {  	[tilespmem:s2], [sflag:$0x2] =	stream.linear.gather [hbm4b:s23+s2], $0x80, $0x38;
	[tilespmem:$0x4080] =	vst v63  }
0x3dc: {  	_ =	swait.ge [sflag:s6], $0x80  }
0x3dd: {  	[sflag:s6] =	ssyncset.done $0x0  }
0x3de: {  	[sflag:s6] =	ssyncadd.s32 $0xFFFFFF80  }
0x3df: {  	[tilespmem:s9], [sflag:$0x1] =	stream.indirect.gather [hbm4b:s7+s9], $0x80, s2, s9, $0xb8;
	[tilespmem:$0x4080] =	vst v63  }
0x3e0: {  	_ =	swait.ge [sflag:s10], $0x4000  }
0x3e1: {  	[sflag:s10] =	ssyncset.done $0x0  }
0x3e2: {  	[sflag:s10] =	ssyncadd.s32 $0xFFFFC000  }
0x3e3: {  	[hbm4b:s29+s2] =	stream.linear.scatter [tilespmem:s9], [sflag:$0x2], $0x4000, $0x38;
	[tilespmem:$0x4080] =	vst v63  }
0x3e4: {  	_ =	swait.ge [sflag:s6], $0x4000  }
0x3e5: {  	[sflag:s6] =	ssyncset.done $0x0  }
0x3e6: {  	[sflag:s6] =	ssyncadd.s32 $0xFFFFC000  }
0x3e7: {  	[tilespmem:s2], [sflag:$0x2] =	stream.linear.gather [hbm4b:s21+s2], $0x80, $0x38;
	[tilespmem:$0x4080] =	vst v63  }
0x3e8: {  	_ =	swait.ge [sflag:s6], $0x80  }
0x3e9: {  	[sflag:s6] =	ssyncset.done $0x0  }
0x3ea: {  	[sflag:s6] =	ssyncadd.s32 $0xFFFFFF80  }
0x3eb: {  	[tilespmem:s9], [sflag:$0x1] =	stream.indirect.gather [hbm4b:s7+s9], $0x80, s2, s9, $0xb8;
	[tilespmem:$0x4080] =	vst v63  }
0x3ec: {  	_ =	swait.ge [sflag:s10], $0x4000  }
0x3ed: {  	[sflag:s10] =	ssyncset.done $0x0  }
0x3ee: {  	[sflag:s10] =	ssyncadd.s32 $0xFFFFC000  }
0x3ef: {  	[hbm4b:s26+s2] =	stream.linear.scatter [tilespmem:s9], [sflag:$0x2], $0x4000, $0x38;
	[tilespmem:$0x4080] =	vst v63  }
0x3f0: {  	_ =	swait.ge [sflag:s6], $0x4000  }
0x3f1: {  	[sflag:s6] =	ssyncset.done $0x0  }
0x3f2: {  	[sflag:s6] =	ssyncadd.s32 $0xFFFFC000  }
0x3f3: {  	[tilespmem:s2], [sflag:$0x2] =	stream.linear.gather [hbm4b:s19+s2], $0x80, $0x38;
	[tilespmem:$0x4080] =	vst v63  }
0x3f4: {  	_ =	swait.ge [sflag:s6], $0x80  }
0x3f5: {  	[sflag:s6] =	ssyncset.done $0x0  }
0x3f6: {  	[sflag:s6] =	ssyncadd.s32 $0xFFFFFF80  }
0x3f7: {  	[tilespmem:s9], [sflag:$0x1] =	stream.indirect.gather [hbm4b:s7+s9], $0x80, s2, s9, $0xb8;
	[tilespmem:$0x4080] =	vst v63  }
0x3f8: {  	_ =	swait.ge [sflag:s10], $0x4000  }
0x3f9: {  	[sflag:s10] =	ssyncset.done $0x0  }
0x3fa: {  	[sflag:s10] =	ssyncadd.s32 $0xFFFFC000  }
0x3fb: {  	[hbm4b:s24+s2] =	stream.linear.scatter [tilespmem:s9], [sflag:$0x2], $0x4000, $0x38;
	[tilespmem:$0x4080] =	vst v63  }
0x3fc: {  	_ =	swait.ge [sflag:s6], $0x4000  }
0x3fd: {  	[sflag:s6] =	ssyncset.done $0x0  }
0x3fe: {  	[sflag:s6] =	ssyncadd.s32 $0xFFFFC000  }
0x3ff: {  	[tilespmem:s2], [sflag:$0x2] =	stream.linear.gather [hbm4b:s17+s2], $0x80, $0x38;
	[tilespmem:$0x4080] =	vst v63  }
0x400: {  	_ =	swait.ge [sflag:s6], $0x80  }
0x401: {  	[sflag:s6] =	ssyncset.done $0x0  }
0x402: {  	[sflag:s6] =	ssyncadd.s32 $0xFFFFFF80  }
0x403: {  	[tilespmem:s9], [sflag:$0x1] =	stream.indirect.gather [hbm4b:s7+s9], $0x80, s2, s9, $0xb8;
	[tilespmem:$0x4080] =	vst v63  }
0x404: {  	_ =	swait.ge [sflag:s10], $0x4000  }
0x405: {  	[sflag:s10] =	ssyncset.done $0x0  }
0x406: {  	[sflag:s10] =	ssyncadd.s32 $0xFFFFC000  }
0x407: {  	[hbm4b:s22+s2] =	stream.linear.scatter [tilespmem:s9], [sflag:$0x2], $0x4000, $0x38;
	[tilespmem:$0x4080] =	vst v63  }
0x408: {  	_ =	swait.ge [sflag:s6], $0x4000  }
0x409: {  	[sflag:s6] =	ssyncset.done $0x0  }
0x40a: {  	[sflag:s6] =	ssyncadd.s32 $0xFFFFC000  }
0x40b: {  	[tilespmem:s2], [sflag:$0x2] =	stream.linear.gather [hbm4b:s16+s2], $0x80, $0x38;
	[tilespmem:$0x4080] =	vst v63  }
0x40c: {  	_ =	swait.ge [sflag:s6], $0x80  }
0x40d: {  	[sflag:s6] =	ssyncset.done $0x0  }
0x40e: {  	[sflag:s6] =	ssyncadd.s32 $0xFFFFFF80  }
0x40f: {  	[tilespmem:s9], [sflag:$0x1] =	stream.indirect.gather [hbm4b:s7+s9], $0x80, s2, s9, $0xb8;
	[tilespmem:$0x4080] =	vst v63  }
0x410: {  	_ =	swait.ge [sflag:s10], $0x4000  }
0x411: {  	[sflag:s10] =	ssyncset.done $0x0  }
0x412: {  	[sflag:s10] =	ssyncadd.s32 $0xFFFFC000  }
0x413: {  	[hbm4b:s20+s2] =	stream.linear.scatter [tilespmem:s9], [sflag:$0x2], $0x4000, $0x38;
	[tilespmem:$0x4080] =	vst v63  }
0x414: {  	_ =	swait.ge [sflag:s6], $0x4000  }
0x415: {  	[sflag:s6] =	ssyncset.done $0x0  }
0x416: {  	[sflag:s6] =	ssyncadd.s32 $0xFFFFC000  }
0x417: {  	[tilespmem:s2], [sflag:$0x2] =	stream.linear.gather [hbm4b:s14+s2], $0x80, $0x38;
	[tilespmem:$0x4080] =	vst v63  }
0x418: {  	_ =	swait.ge [sflag:s6], $0x80  }
0x419: {  	[sflag:s6] =	ssyncset.done $0x0  }
0x41a: {  	[sflag:s6] =	ssyncadd.s32 $0xFFFFFF80  }
0x41b: {  	[tilespmem:s9], [sflag:$0x1] =	stream.indirect.gather [hbm4b:s7+s9], $0x80, s2, s9, $0xb8;
	[tilespmem:$0x4080] =	vst v63  }
0x41c: {  	_ =	swait.ge [sflag:s10], $0x4000  }
0x41d: {  	[sflag:s10] =	ssyncset.done $0x0  }
0x41e: {  	[sflag:s10] =	ssyncadd.s32 $0xFFFFC000  }
0x41f: {  	[hbm4b:s18+s2] =	stream.linear.scatter [tilespmem:s9], [sflag:$0x2], $0x4000, $0x38;
	[tilespmem:$0x4080] =	vst v63  }
0x420: {  	_ =	swait.ge [sflag:s6], $0x4000  }
0x421: {  	[sflag:s6] =	ssyncset.done $0x0  }
0x422: {  	[sflag:s6] =	ssyncadd.s32 $0xFFFFC000  }
0x423: {  	[tilespmem:s2], [sflag:$0x2] =	stream.linear.gather [hbm4b:s12+s2], $0x80, $0x38;
	[tilespmem:$0x4080] =	vst v63  }
0x424: {  	_ =	swait.ge [sflag:s6], $0x80  }
0x425: {  	[sflag:s6] =	ssyncset.done $0x0  }
0x426: {  	[sflag:s6] =	ssyncadd.s32 $0xFFFFFF80  }
0x427: {  	[tilespmem:s9], [sflag:$0x1] =	stream.indirect.gather [hbm4b:s7+s9], $0x80, s2, s9, $0xb8;
	[tilespmem:$0x4080] =	vst v63  }
0x428: {  	_ =	swait.ge [sflag:s10], $0x4000  }
0x429: {  	[sflag:s10] =	ssyncset.done $0x0  }
0x42a: {  	[sflag:s10] =	ssyncadd.s32 $0xFFFFC000  }
0x42b: {  	[hbm4b:s15+s2] =	stream.linear.scatter [tilespmem:s9], [sflag:$0x2], $0x4000, $0x38;
	[tilespmem:$0x4080] =	vst v63  }
0x42c: {  	_ =	swait.ge [sflag:s6], $0x4000  }
0x42d: {  	[sflag:s6] =	ssyncset.done $0x0  }
0x42e: {  	[sflag:s6] =	ssyncadd.s32 $0xFFFFC000  }
0x42f: {  	[tilespmem:s2], [sflag:$0x2] =	stream.linear.gather [hbm4b:s8+s2], $0x80, $0x38;
	[tilespmem:$0x4080] =	vst v63  }
0x430: {  	_ =	swait.ge [sflag:s6], $0x80  }
0x431: {  	[sflag:s6] =	ssyncset.done $0x0  }
0x432: {  	[sflag:s6] =	ssyncadd.s32 $0xFFFFFF80  }
0x433: {  	[tilespmem:s9], [sflag:$0x1] =	stream.indirect.gather [hbm4b:s7+s9], $0x80, s2, s9, $0xb8;
	[tilespmem:$0x4080] =	vst v63  }
0x434: {  	_ =	swait.ge [sflag:s10], $0x4000  }
0x435: {  	[sflag:s10] =	ssyncset.done $0x0  }
0x436: {  	[sflag:s10] =	ssyncadd.s32 $0xFFFFC000  }
0x437: {  	[hbm4b:s13+s2] =	stream.linear.scatter [tilespmem:s9], [sflag:$0x2], $0x4000, $0x38;
	[tilespmem:$0x4080] =	vst v63  }
0x438: {  	_ =	swait.ge [sflag:s6], $0x4000  }
0x439: {  	[sflag:s6] =	ssyncset.done $0x0  }
0x43a: {  	[sflag:s6] =	ssyncadd.s32 $0xFFFFC000  }
0x43b: {  	[tilespmem:s2], [sflag:$0x2] =	stream.linear.gather [hbm4b:s4+s2], $0x80, $0x38;
	[tilespmem:$0x4080] =	vst v63  }
0x43c: {  	_ =	swait.ge [sflag:s6], $0x80  }
0x43d: {  	[sflag:s6] =	ssyncset.done $0x0  }
0x43e: {  	[sflag:s6] =	ssyncadd.s32 $0xFFFFFF80  }
0x43f: {  	[tilespmem:s9], [sflag:$0x1] =	stream.indirect.gather [hbm4b:s7+s9], $0x80, s2, s9, $0xb8;
	[tilespmem:$0x4080] =	vst v63  }
0x440: {  	_ =	swait.ge [sflag:s10], $0x4000  }
0x441: {  	[sflag:s10] =	ssyncset.done $0x0  }
0x442: {  	[sflag:s10] =	ssyncadd.s32 $0xFFFFC000  }
0x443: {  	[hbm4b:s11+s2] =	stream.linear.scatter [tilespmem:s9], [sflag:$0x2], $0x4000, $0x38;
	[tilespmem:$0x4080] =	vst v63  }
0x444: {  	_ =	swait.ge [sflag:s6], $0x4000  }
0x445: {  	[sflag:s6] =	ssyncset.done $0x0  }
0x446: {  	[sflag:s6] =	ssyncadd.s32 $0xFFFFC000  }
0x447: {  	[tilespmem:s2], [sflag:$0x2] =	stream.linear.gather [hbm4b:s3+s2], $0x80, $0x38;
	[tilespmem:$0x4080] =	vst v63  }
0x448: {  	_ =	swait.ge [sflag:s6], $0x80  }
0x449: {  	[sflag:s6] =	ssyncset.done $0x0  }
0x44a: {  	[sflag:s6] =	ssyncadd.s32 $0xFFFFFF80  }
0x44b: {  	[tilespmem:s9], [sflag:$0x1] =	stream.indirect.gather [hbm4b:s7+s9], $0x80, s2, s9, $0xb8;
	[tilespmem:$0x4080] =	vst v63  }
0x44c: {  	p1 =	sne.s32 s1, $0x1;
	_ =	swait.ge [sflag:s10], $0x4000  }
.Ltmp2:
0x44d: {  	[sflag:s10] =	ssyncset.done $0x0;
	(pc) =	sbr.rel @p1 .LBB2_2-.Ltmp2, $4  }
0x44e: {  	[sflag:s10] =	ssyncadd.s32 $0xFFFFC000  }
0x44f: {  	[hbm4b:s5+s2] =	stream.linear.scatter [tilespmem:s9], [sflag:$0x2], $0x4000, $0x38;
	[tilespmem:$0x4080] =	vst v63  }
0x450: {  	_ =	swait.ge [sflag:s6], $0x4000  }
0x451: {  	s1 =	sadd.s32 $0xFFFFFFFF, s1;
	s0 =	rddreg [dreg:$0x2];
	[sflag:s6] =	ssyncset.done $0x0  }
.LBB2_3:
0x452: {  	[sflag:s6] =	ssyncadd.s32 @p0 $0xFFFFC000  }
0x453: {  	[tilespmem:s2], [sflag:$0x2] =	stream.linear.gather [hbm4b:s0+s2], $0x80, $0x38;
	[tilespmem:$0x4080] =	vst v63  }
0x454: {  	_ =	swait.ge [sflag:s6], $0x80  }
0x455: {  	[sflag:s6] =	ssyncset.done $0x0  }
0x456: {  	[sflag:s6] =	ssyncadd.s32 $0xFFFFFF80  }
0x457: {  	[tilespmem:s9], [sflag:$0x1] =	stream.indirect.gather [hbm4b:s7+s9], $0x80, s2, s9, $0xb8;
	[tilespmem:$0x4080] =	vst v63  }
0x458: {  	_ =	swait.ge [sflag:s10], $0x4000  }
0x459: {  	[sflag:s10] =	ssyncset.done $0x0  }
0x45a: {  	s1 =	rddreg [dreg:$0x3];
	[sflag:s10] =	ssyncadd.s32 $0xFFFFC000  }
0x45b: {  	[hbm4b:s1+s2] =	stream.linear.scatter [tilespmem:s9], [sflag:$0x2], $0x4000, $0x38;
	[tilespmem:$0x4080] =	vst v63  }
0x45c: {  	_ =	swait.ge [sflag:s6], $0x4000  }
0x45d: {  	[sflag:s6] =	ssyncset.done $0x0  }
0x45e: {  	s1 =	rddreg [dreg:$0x4];
	[sflag:s6] =	ssyncadd.s32 $0xFFFFC000  }
0x45f: {  	[tilespmem:s2], [sflag:$0x2] =	stream.linear.gather [hbm4b:s1+s2], $0x80, $0x38;
	[tilespmem:$0x4080] =	vst v63  }
0x460: {  	_ =	swait.ge [sflag:s6], $0x80  }
0x461: {  	[sflag:s6] =	ssyncset.done $0x0  }
0x462: {  	[sflag:s6] =	ssyncadd.s32 $0xFFFFFF80  }
0x463: {  	[tilespmem:s9], [sflag:$0x1] =	stream.indirect.gather [hbm4b:s7+s9], $0x80, s2, s9, $0xb8;
	[tilespmem:$0x4080] =	vst v63  }
0x464: {  	_ =	swait.ge [sflag:s10], $0x4000  }
0x465: {  	[sflag:s10] =	ssyncset.done $0x0  }
0x466: {  	s1 =	rddreg [dreg:$0x5];
	[sflag:s10] =	ssyncadd.s32 $0xFFFFC000  }
0x467: {  	[hbm4b:s1+s2] =	stream.linear.scatter [tilespmem:s9], [sflag:$0x2], $0x4000, $0x38;
	[tilespmem:$0x4080] =	vst v63  }
0x468: {  	_ =	swait.ge [sflag:s6], $0x4000  }
0x469: {  	[sflag:s6] =	ssyncset.done $0x0  }
0x46a: {  	s1 =	rddreg [dreg:$0x6];
	[sflag:s6] =	ssyncadd.s32 $0xFFFFC000  }
0x46b: {  	[tilespmem:s2], [sflag:$0x2] =	stream.linear.gather [hbm4b:s1+s2], $0x80, $0x38;
	[tilespmem:$0x4080] =	vst v63  }
0x46c: {  	_ =	swait.ge [sflag:s6], $0x80  }
0x46d: {  	[sflag:s6] =	ssyncset.done $0x0  }
0x46e: {  	[sflag:s6] =	ssyncadd.s32 $0xFFFFFF80  }
0x46f: {  	[tilespmem:s9], [sflag:$0x1] =	stream.indirect.gather [hbm4b:s7+s9], $0x80, s2, s9, $0xb8;
	[tilespmem:$0x4080] =	vst v63  }
0x470: {  	_ =	swait.ge [sflag:s10], $0x4000  }
0x471: {  	[sflag:s10] =	ssyncset.done $0x0  }
0x472: {  	s1 =	rddreg [dreg:$0x7];
	[sflag:s10] =	ssyncadd.s32 $0xFFFFC000  }
0x473: {  	[hbm4b:s1+s2] =	stream.linear.scatter [tilespmem:s9], [sflag:$0x2], $0x4000, $0x38;
	[tilespmem:$0x4080] =	vst v63  }
0x474: {  	_ =	swait.ge [sflag:s6], $0x4000  }
0x475: {  	[sflag:s6] =	ssyncset.done $0x0  }
0x476: {  	s1 =	rddreg [dreg:$0x8];
	[sflag:s6] =	ssyncadd.s32 $0xFFFFC000  }
0x477: {  	[tilespmem:s2], [sflag:$0x2] =	stream.linear.gather [hbm4b:s1+s2], $0x80, $0x38;
	[tilespmem:$0x4080] =	vst v63  }
0x478: {  	_ =	swait.ge [sflag:s6], $0x80  }
0x479: {  	[sflag:s6] =	ssyncset.done $0x0  }
0x47a: {  	[sflag:s6] =	ssyncadd.s32 $0xFFFFFF80  }
0x47b: {  	[tilespmem:s9], [sflag:$0x1] =	stream.indirect.gather [hbm4b:s7+s9], $0x80, s2, s9, $0xb8;
	[tilespmem:$0x4080] =	vst v63  }
0x47c: {  	_ =	swait.ge [sflag:s10], $0x4000  }
0x47d: {  	[sflag:s10] =	ssyncset.done $0x0  }
0x47e: {  	s1 =	rddreg [dreg:$0x9];
	[sflag:s10] =	ssyncadd.s32 $0xFFFFC000  }
0x47f: {  	[hbm4b:s1+s2] =	stream.linear.scatter [tilespmem:s9], [sflag:$0x2], $0x4000, $0x38;
	[tilespmem:$0x4080] =	vst v63  }
0x480: {  	_ =	swait.ge [sflag:s6], $0x4000  }
0x481: {  	[sflag:s6] =	ssyncset.done $0x0  }
0x482: {  	s1 =	rddreg [dreg:$0xa];
	[sflag:s6] =	ssyncadd.s32 $0xFFFFC000  }
0x483: {  	[tilespmem:s2], [sflag:$0x2] =	stream.linear.gather [hbm4b:s1+s2], $0x80, $0x38;
	[tilespmem:$0x4080] =	vst v63  }
0x484: {  	_ =	swait.ge [sflag:s6], $0x80  }
0x485: {  	[sflag:s6] =	ssyncset.done $0x0  }
0x486: {  	[sflag:s6] =	ssyncadd.s32 $0xFFFFFF80  }
0x487: {  	[tilespmem:s9], [sflag:$0x1] =	stream.indirect.gather [hbm4b:s7+s9], $0x80, s2, s9, $0xb8;
	[tilespmem:$0x4080] =	vst v63  }
0x488: {  	_ =	swait.ge [sflag:s10], $0x4000  }
0x489: {  	[sflag:s10] =	ssyncset.done $0x0  }
0x48a: {  	s1 =	rddreg [dreg:$0xb];
	[sflag:s10] =	ssyncadd.s32 $0xFFFFC000  }
0x48b: {  	[hbm4b:s1+s2] =	stream.linear.scatter [tilespmem:s9], [sflag:$0x2], $0x4000, $0x38;
	[tilespmem:$0x4080] =	vst v63  }
0x48c: {  	_ =	swait.ge [sflag:s6], $0x4000  }
0x48d: {  	[sflag:s6] =	ssyncset.done $0x0  }
0x48e: {  	s1 =	rddreg [dreg:$0xc];
	[sflag:s6] =	ssyncadd.s32 $0xFFFFC000  }
0x48f: {  	[tilespmem:s2], [sflag:$0x2] =	stream.linear.gather [hbm4b:s1+s2], $0x80, $0x38;
	[tilespmem:$0x4080] =	vst v63  }
0x490: {  	_ =	swait.ge [sflag:s6], $0x80  }
0x491: {  	[sflag:s6] =	ssyncset.done $0x0  }
0x492: {  	[sflag:s6] =	ssyncadd.s32 $0xFFFFFF80  }
0x493: {  	[tilespmem:s9], [sflag:$0x1] =	stream.indirect.gather [hbm4b:s7+s9], $0x80, s2, s9, $0xb8;
	[tilespmem:$0x4080] =	vst v63  }
0x494: {  	_ =	swait.ge [sflag:s10], $0x4000  }
0x495: {  	[sflag:s10] =	ssyncset.done $0x0  }
0x496: {  	s1 =	rddreg [dreg:$0xd];
	[sflag:s10] =	ssyncadd.s32 $0xFFFFC000  }
0x497: {  	[hbm4b:s1+s2] =	stream.linear.scatter [tilespmem:s9], [sflag:$0x2], $0x4000, $0x38;
	[tilespmem:$0x4080] =	vst v63  }
0x498: {  	_ =	swait.ge [sflag:s6], $0x4000  }
0x499: {  	[sflag:s6] =	ssyncset.done $0x0  }
0x49a: {  	s1 =	rddreg [dreg:$0xe];
	[sflag:s6] =	ssyncadd.s32 $0xFFFFC000  }
0x49b: {  	[tilespmem:s2], [sflag:$0x2] =	stream.linear.gather [hbm4b:s1+s2], $0x80, $0x38;
	[tilespmem:$0x4080] =	vst v63  }
0x49c: {  	_ =	swait.ge [sflag:s6], $0x80  }
0x49d: {  	[sflag:s6] =	ssyncset.done $0x0  }
0x49e: {  	[sflag:s6] =	ssyncadd.s32 $0xFFFFFF80  }
0x49f: {  	[tilespmem:s9], [sflag:$0x1] =	stream.indirect.gather [hbm4b:s7+s9], $0x80, s2, s9, $0xb8;
	[tilespmem:$0x4080] =	vst v63  }
0x4a0: {  	_ =	swait.ge [sflag:s10], $0x4000  }
0x4a1: {  	[sflag:s10] =	ssyncset.done $0x0  }
0x4a2: {  	s1 =	rddreg [dreg:$0xf];
	[sflag:s10] =	ssyncadd.s32 $0xFFFFC000  }
0x4a3: {  	[hbm4b:s1+s2] =	stream.linear.scatter [tilespmem:s9], [sflag:$0x2], $0x4000, $0x38;
	[tilespmem:$0x4080] =	vst v63  }
0x4a4: {  	_ =	swait.ge [sflag:s6], $0x4000  }
0x4a5: {  	[sflag:s6] =	ssyncset.done $0x0  }
0x4a6: {  	s1 =	rddreg [dreg:$0x10];
	[sflag:s6] =	ssyncadd.s32 $0xFFFFC000  }
0x4a7: {  	[tilespmem:s2], [sflag:$0x2] =	stream.linear.gather [hbm4b:s1+s2], $0x80, $0x38;
	[tilespmem:$0x4080] =	vst v63  }
0x4a8: {  	_ =	swait.ge [sflag:s6], $0x80  }
0x4a9: {  	[sflag:s6] =	ssyncset.done $0x0  }
0x4aa: {  	[sflag:s6] =	ssyncadd.s32 $0xFFFFFF80  }
0x4ab: {  	[tilespmem:s9], [sflag:$0x1] =	stream.indirect.gather [hbm4b:s7+s9], $0x80, s2, s9, $0xb8;
	[tilespmem:$0x4080] =	vst v63  }
0x4ac: {  	_ =	swait.ge [sflag:s10], $0x4000  }
0x4ad: {  	[sflag:s10] =	ssyncset.done $0x0  }
0x4ae: {  	s1 =	rddreg [dreg:$0x11];
	[sflag:s10] =	ssyncadd.s32 $0xFFFFC000  }
0x4af: {  	[hbm4b:s1+s2] =	stream.linear.scatter [tilespmem:s9], [sflag:$0x2], $0x4000, $0x38;
	[tilespmem:$0x4080] =	vst v63  }
0x4b0: {  	_ =	swait.ge [sflag:s6], $0x4000  }
0x4b1: {  	[sflag:s6] =	ssyncset.done $0x0  }
0x4b2: {  	s1 =	rddreg [dreg:$0x12];
	[sflag:s6] =	ssyncadd.s32 $0xFFFFC000  }
0x4b3: {  	[tilespmem:s2], [sflag:$0x2] =	stream.linear.gather [hbm4b:s1+s2], $0x80, $0x38;
	[tilespmem:$0x4080] =	vst v63  }
0x4b4: {  	_ =	swait.ge [sflag:s6], $0x80  }
0x4b5: {  	[sflag:s6] =	ssyncset.done $0x0  }
0x4b6: {  	[sflag:s6] =	ssyncadd.s32 $0xFFFFFF80  }
0x4b7: {  	[tilespmem:s9], [sflag:$0x1] =	stream.indirect.gather [hbm4b:s7+s9], $0x80, s2, s9, $0xb8;
	[tilespmem:$0x4080] =	vst v63  }
0x4b8: {  	_ =	swait.ge [sflag:s10], $0x4000  }
0x4b9: {  	[sflag:s10] =	ssyncset.done $0x0  }
0x4ba: {  	s1 =	rddreg [dreg:$0x13];
	[sflag:s10] =	ssyncadd.s32 $0xFFFFC000  }
0x4bb: {  	[hbm4b:s1+s2] =	stream.linear.scatter [tilespmem:s9], [sflag:$0x2], $0x4000, $0x38;
	[tilespmem:$0x4080] =	vst v63  }
0x4bc: {  	_ =	swait.ge [sflag:s6], $0x4000  }
0x4bd: {  	[sflag:s6] =	ssyncset.done $0x0  }
0x4be: {  	s1 =	rddreg [dreg:$0x14];
	[sflag:s6] =	ssyncadd.s32 $0xFFFFC000  }
0x4bf: {  	[tilespmem:s2], [sflag:$0x2] =	stream.linear.gather [hbm4b:s1+s2], $0x80, $0x38;
	[tilespmem:$0x4080] =	vst v63  }
0x4c0: {  	_ =	swait.ge [sflag:s6], $0x80  }
0x4c1: {  	[sflag:s6] =	ssyncset.done $0x0  }
0x4c2: {  	[sflag:s6] =	ssyncadd.s32 $0xFFFFFF80  }
0x4c3: {  	[tilespmem:s9], [sflag:$0x1] =	stream.indirect.gather [hbm4b:s7+s9], $0x80, s2, s9, $0xb8;
	[tilespmem:$0x4080] =	vst v63  }
0x4c4: {  	_ =	swait.ge [sflag:s10], $0x4000  }
0x4c5: {  	[sflag:s10] =	ssyncset.done $0x0  }
0x4c6: {  	s1 =	rddreg [dreg:$0x15];
	[sflag:s10] =	ssyncadd.s32 $0xFFFFC000  }
0x4c7: {  	[hbm4b:s1+s2] =	stream.linear.scatter [tilespmem:s9], [sflag:$0x2], $0x4000, $0x38;
	[tilespmem:$0x4080] =	vst v63  }
0x4c8: {  	_ =	swait.ge [sflag:s6], $0x4000  }
0x4c9: {  	[sflag:s6] =	ssyncset.done $0x0  }
0x4ca: {  	s1 =	rddreg [dreg:$0x16];
	[sflag:s6] =	ssyncadd.s32 $0xFFFFC000  }
0x4cb: {  	[tilespmem:s2], [sflag:$0x2] =	stream.linear.gather [hbm4b:s1+s2], $0x80, $0x38;
	[tilespmem:$0x4080] =	vst v63  }
0x4cc: {  	_ =	swait.ge [sflag:s6], $0x80  }
0x4cd: {  	[sflag:s6] =	ssyncset.done $0x0  }
0x4ce: {  	[sflag:s6] =	ssyncadd.s32 $0xFFFFFF80  }
0x4cf: {  	[tilespmem:s9], [sflag:$0x1] =	stream.indirect.gather [hbm4b:s7+s9], $0x80, s2, s9, $0xb8;
	[tilespmem:$0x4080] =	vst v63  }
0x4d0: {  	_ =	swait.ge [sflag:s10], $0x4000  }
0x4d1: {  	[sflag:s10] =	ssyncset.done $0x0  }
0x4d2: {  	s1 =	rddreg [dreg:$0x17];
	[sflag:s10] =	ssyncadd.s32 $0xFFFFC000  }
0x4d3: {  	[hbm4b:s1+s2] =	stream.linear.scatter [tilespmem:s9], [sflag:$0x2], $0x4000, $0x38;
	[tilespmem:$0x4080] =	vst v63  }
0x4d4: {  	_ =	swait.ge [sflag:s6], $0x4000  }
0x4d5: {  	[sflag:s6] =	ssyncset.done $0x0  }
0x4d6: {  	s1 =	rddreg [dreg:$0x18];
	[sflag:s6] =	ssyncadd.s32 $0xFFFFC000  }
0x4d7: {  	[tilespmem:s2], [sflag:$0x2] =	stream.linear.gather [hbm4b:s1+s2], $0x80, $0x38;
	[tilespmem:$0x4080] =	vst v63  }
0x4d8: {  	_ =	swait.ge [sflag:s6], $0x80  }
0x4d9: {  	[sflag:s6] =	ssyncset.done $0x0  }
0x4da: {  	[sflag:s6] =	ssyncadd.s32 $0xFFFFFF80  }
0x4db: {  	[tilespmem:s9], [sflag:$0x1] =	stream.indirect.gather [hbm4b:s7+s9], $0x80, s2, s9, $0xb8;
	[tilespmem:$0x4080] =	vst v63  }
0x4dc: {  	_ =	swait.ge [sflag:s10], $0x4000  }
0x4dd: {  	[sflag:s10] =	ssyncset.done $0x0  }
0x4de: {  	s1 =	rddreg [dreg:$0x19];
	[sflag:s10] =	ssyncadd.s32 $0xFFFFC000  }
0x4df: {  	[hbm4b:s1+s2] =	stream.linear.scatter [tilespmem:s9], [sflag:$0x2], $0x4000, $0x38;
	[tilespmem:$0x4080] =	vst v63  }
0x4e0: {  	_ =	swait.ge [sflag:s6], $0x4000  }
0x4e1: {  	[sflag:s6] =	ssyncset.done $0x0  }
0x4e2: {  	s1 =	rddreg [dreg:$0x1a];
	[sflag:s6] =	ssyncadd.s32 $0xFFFFC000  }
0x4e3: {  	[tilespmem:s2], [sflag:$0x2] =	stream.linear.gather [hbm4b:s1+s2], $0x80, $0x38;
	[tilespmem:$0x4080] =	vst v63  }
0x4e4: {  	_ =	swait.ge [sflag:s6], $0x80  }
0x4e5: {  	[sflag:s6] =	ssyncset.done $0x0  }
0x4e6: {  	[sflag:s6] =	ssyncadd.s32 $0xFFFFFF80  }
0x4e7: {  	[tilespmem:s9], [sflag:$0x1] =	stream.indirect.gather [hbm4b:s7+s9], $0x80, s2, s9, $0xb8;
	[tilespmem:$0x4080] =	vst v63  }
0x4e8: {  	_ =	swait.ge [sflag:s10], $0x4000  }
0x4e9: {  	[sflag:s10] =	ssyncset.done $0x0  }
0x4ea: {  	s1 =	rddreg [dreg:$0x1b];
	[sflag:s10] =	ssyncadd.s32 $0xFFFFC000  }
0x4eb: {  	[hbm4b:s1+s2] =	stream.linear.scatter [tilespmem:s9], [sflag:$0x2], $0x4000, $0x38;
	[tilespmem:$0x4080] =	vst v63  }
0x4ec: {  	_ =	swait.ge [sflag:s6], $0x4000  }
0x4ed: {  	[sflag:s6] =	ssyncset.done $0x0  }
0x4ee: {  	s1 =	rddreg [dreg:$0x1c];
	[sflag:s6] =	ssyncadd.s32 $0xFFFFC000  }
0x4ef: {  	[tilespmem:s2], [sflag:$0x2] =	stream.linear.gather [hbm4b:s1+s2], $0x80, $0x38;
	[tilespmem:$0x4080] =	vst v63  }
0x4f0: {  	_ =	swait.ge [sflag:s6], $0x80  }
0x4f1: {  	[sflag:s6] =	ssyncset.done $0x0  }
0x4f2: {  	[sflag:s6] =	ssyncadd.s32 $0xFFFFFF80  }
0x4f3: {  	[tilespmem:s9], [sflag:$0x1] =	stream.indirect.gather [hbm4b:s7+s9], $0x80, s2, s9, $0xb8;
	[tilespmem:$0x4080] =	vst v63  }
0x4f4: {  	_ =	swait.ge [sflag:s10], $0x4000  }
0x4f5: {  	[sflag:s10] =	ssyncset.done $0x0  }
0x4f6: {  	s1 =	rddreg [dreg:$0x1d];
	[sflag:s10] =	ssyncadd.s32 $0xFFFFC000  }
0x4f7: {  	[hbm4b:s1+s2] =	stream.linear.scatter [tilespmem:s9], [sflag:$0x2], $0x4000, $0x38;
	[tilespmem:$0x4080] =	vst v63  }
0x4f8: {  	_ =	swait.ge [sflag:s6], $0x4000  }
0x4f9: {  	[sflag:s6] =	ssyncset.done $0x0  }
0x4fa: {  	s1 =	rddreg [dreg:$0x1e];
	[sflag:s6] =	ssyncadd.s32 $0xFFFFC000  }
0x4fb: {  	[tilespmem:s2], [sflag:$0x2] =	stream.linear.gather [hbm4b:s1+s2], $0x80, $0x38;
	[tilespmem:$0x4080] =	vst v63  }
0x4fc: {  	_ =	swait.ge [sflag:s6], $0x80  }
0x4fd: {  	[sflag:s6] =	ssyncset.done $0x0  }
0x4fe: {  	[sflag:s6] =	ssyncadd.s32 $0xFFFFFF80  }
0x4ff: {  	[tilespmem:s9], [sflag:$0x1] =	stream.indirect.gather [hbm4b:s7+s9], $0x80, s2, s9, $0xb8;
	[tilespmem:$0x4080] =	vst v63  }
0x500: {  	_ =	swait.ge [sflag:s10], $0x4000  }
0x501: {  	[sflag:s10] =	ssyncset.done $0x0  }
0x502: {  	s1 =	rddreg [dreg:$0x1f];
	[sflag:s10] =	ssyncadd.s32 $0xFFFFC000  }
0x503: {  	[hbm4b:s1+s2] =	stream.linear.scatter [tilespmem:s9], [sflag:$0x2], $0x4000, $0x38;
	[tilespmem:$0x4080] =	vst v63  }
0x504: {  	_ =	swait.ge [sflag:s6], $0x4000  }
0x505: {  	s1 =	sld [smem:$0x7E4]  }
0x506: {  	[sflag:s6] =	ssyncset.done $0x0  }
0x507: {  	[sflag:s6] =	ssyncadd.s32 $0xFFFFC000  }
0x508: {  	[tilespmem:s2], [sflag:$0x2] =	stream.linear.gather [hbm4b:s1+s2], $0x80, $0x38;
	[tilespmem:$0x4080] =	vst v63  }
0x509: {  	_ =	swait.ge [sflag:s6], $0x80  }
0x50a: {  	[sflag:s6] =	ssyncset.done $0x0  }
0x50b: {  	[sflag:s6] =	ssyncadd.s32 $0xFFFFFF80  }
0x50c: {  	[tilespmem:s9], [sflag:$0x1] =	stream.indirect.gather [hbm4b:s7+s9], $0x80, s2, s9, $0xb8;
	[tilespmem:$0x4080] =	vst v63  }
0x50d: {  	_ =	swait.ge [sflag:s10], $0x4000  }
0x50e: {  	s1 =	sld [smem:$0x7E5]  }
0x50f: {  	[sflag:s10] =	ssyncset.done $0x0  }
0x510: {  	[sflag:s10] =	ssyncadd.s32 $0xFFFFC000  }
0x511: {  	[hbm4b:s1+s2] =	stream.linear.scatter [tilespmem:s9], [sflag:$0x2], $0x4000, $0x38;
	[tilespmem:$0x4080] =	vst v63  }
0x512: {  	_ =	swait.ge [sflag:s6], $0x4000  }
0x513: {  	s1 =	sld [smem:$0x7E6]  }
0x514: {  	[sflag:s6] =	ssyncset.done $0x0  }
0x515: {  	[sflag:s6] =	ssyncadd.s32 $0xFFFFC000  }
0x516: {  	[tilespmem:s2], [sflag:$0x2] =	stream.linear.gather [hbm4b:s1+s2], $0x80, $0x38;
	[tilespmem:$0x4080] =	vst v63  }
0x517: {  	_ =	swait.ge [sflag:s6], $0x80  }
0x518: {  	[sflag:s6] =	ssyncset.done $0x0  }
0x519: {  	[sflag:s6] =	ssyncadd.s32 $0xFFFFFF80  }
0x51a: {  	[tilespmem:s9], [sflag:$0x1] =	stream.indirect.gather [hbm4b:s7+s9], $0x80, s2, s9, $0xb8;
	[tilespmem:$0x4080] =	vst v63  }
0x51b: {  	_ =	swait.ge [sflag:s10], $0x4000  }
0x51c: {  	s1 =	sld [smem:$0x7E7]  }
0x51d: {  	[sflag:s10] =	ssyncset.done $0x0  }
0x51e: {  	[sflag:s10] =	ssyncadd.s32 $0xFFFFC000  }
0x51f: {  	[hbm4b:s1+s2] =	stream.linear.scatter [tilespmem:s9], [sflag:$0x2], $0x4000, $0x38;
	[tilespmem:$0x4080] =	vst v63  }
0x520: {  	_ =	swait.ge [sflag:s6], $0x4000  }
0x521: {  	s1 =	sld [smem:$0x7E8]  }
0x522: {  	[sflag:s6] =	ssyncset.done $0x0  }
0x523: {  	[sflag:s6] =	ssyncadd.s32 $0xFFFFC000  }
0x524: {  	[tilespmem:s2], [sflag:$0x2] =	stream.linear.gather [hbm4b:s1+s2], $0x80, $0x38;
	[tilespmem:$0x4080] =	vst v63  }
0x525: {  	_ =	swait.ge [sflag:s6], $0x80  }
0x526: {  	[sflag:s6] =	ssyncset.done $0x0  }
0x527: {  	[sflag:s6] =	ssyncadd.s32 $0xFFFFFF80  }
0x528: {  	[tilespmem:s9], [sflag:$0x1] =	stream.indirect.gather [hbm4b:s7+s9], $0x80, s2, s9, $0xb8;
	[tilespmem:$0x4080] =	vst v63  }
0x529: {  	_ =	swait.ge [sflag:s10], $0x4000  }
0x52a: {  	s1 =	sld [smem:$0x7E9]  }
0x52b: {  	[sflag:s10] =	ssyncset.done $0x0  }
0x52c: {  	[sflag:s10] =	ssyncadd.s32 $0xFFFFC000  }
0x52d: {  	[hbm4b:s1+s2] =	stream.linear.scatter [tilespmem:s9], [sflag:$0x2], $0x4000, $0x38;
	[tilespmem:$0x4080] =	vst v63  }
0x52e: {  	_ =	swait.ge [sflag:s6], $0x4000  }
0x52f: {  	s1 =	sld [smem:$0x7EA]  }
0x530: {  	[sflag:s6] =	ssyncset.done $0x0  }
0x531: {  	[sflag:s6] =	ssyncadd.s32 $0xFFFFC000  }
0x532: {  	[tilespmem:s2], [sflag:$0x2] =	stream.linear.gather [hbm4b:s1+s2], $0x80, $0x38;
	[tilespmem:$0x4080] =	vst v63  }
0x533: {  	_ =	swait.ge [sflag:s6], $0x80  }
0x534: {  	[sflag:s6] =	ssyncset.done $0x0  }
0x535: {  	[sflag:s6] =	ssyncadd.s32 $0xFFFFFF80  }
0x536: {  	[tilespmem:s9], [sflag:$0x1] =	stream.indirect.gather [hbm4b:s7+s9], $0x80, s2, s9, $0xb8;
	[tilespmem:$0x4080] =	vst v63  }
0x537: {  	_ =	swait.ge [sflag:s10], $0x4000  }
0x538: {  	s1 =	sld [smem:$0x7EB]  }
0x539: {  	[sflag:s10] =	ssyncset.done $0x0  }
0x53a: {  	[sflag:s10] =	ssyncadd.s32 $0xFFFFC000  }
0x53b: {  	[hbm4b:s1+s2] =	stream.linear.scatter [tilespmem:s9], [sflag:$0x2], $0x4000, $0x38;
	[tilespmem:$0x4080] =	vst v63  }
0x53c: {  	_ =	swait.ge [sflag:s6], $0x4000  }
0x53d: {  	s1 =	sld [smem:$0x7EC]  }
0x53e: {  	[sflag:s6] =	ssyncset.done $0x0  }
0x53f: {  	[sflag:s6] =	ssyncadd.s32 $0xFFFFC000  }
0x540: {  	[tilespmem:s2], [sflag:$0x2] =	stream.linear.gather [hbm4b:s1+s2], $0x80, $0x38;
	[tilespmem:$0x4080] =	vst v63  }
0x541: {  	_ =	swait.ge [sflag:s6], $0x80  }
0x542: {  	[sflag:s6] =	ssyncset.done $0x0  }
0x543: {  	[sflag:s6] =	ssyncadd.s32 $0xFFFFFF80  }
0x544: {  	[tilespmem:s9], [sflag:$0x1] =	stream.indirect.gather [hbm4b:s7+s9], $0x80, s2, s9, $0xb8;
	[tilespmem:$0x4080] =	vst v63  }
0x545: {  	_ =	swait.ge [sflag:s10], $0x4000  }
0x546: {  	s1 =	sld [smem:$0x7ED]  }
0x547: {  	[sflag:s10] =	ssyncset.done $0x0  }
0x548: {  	[sflag:s10] =	ssyncadd.s32 $0xFFFFC000  }
0x549: {  	[hbm4b:s1+s2] =	stream.linear.scatter [tilespmem:s9], [sflag:$0x2], $0x4000, $0x38;
	[tilespmem:$0x4080] =	vst v63  }
0x54a: {  	_ =	swait.ge [sflag:s6], $0x4000  }
0x54b: {  	s1 =	sld [smem:$0x7EE]  }
0x54c: {  	[sflag:s6] =	ssyncset.done $0x0  }
0x54d: {  	[sflag:s6] =	ssyncadd.s32 $0xFFFFC000  }
0x54e: {  	[tilespmem:s2], [sflag:$0x2] =	stream.linear.gather [hbm4b:s1+s2], $0x80, $0x38;
	[tilespmem:$0x4080] =	vst v63  }
0x54f: {  	_ =	swait.ge [sflag:s6], $0x80  }
0x550: {  	[sflag:s6] =	ssyncset.done $0x0  }
0x551: {  	[sflag:s6] =	ssyncadd.s32 $0xFFFFFF80  }
0x552: {  	[tilespmem:s9], [sflag:$0x1] =	stream.indirect.gather [hbm4b:s7+s9], $0x80, s2, s9, $0xb8;
	[tilespmem:$0x4080] =	vst v63  }
0x553: {  	_ =	swait.ge [sflag:s10], $0x4000  }
0x554: {  	s1 =	sld [smem:$0x7EF]  }
0x555: {  	[sflag:s10] =	ssyncset.done $0x0  }
0x556: {  	[sflag:s10] =	ssyncadd.s32 $0xFFFFC000  }
0x557: {  	[hbm4b:s1+s2] =	stream.linear.scatter [tilespmem:s9], [sflag:$0x2], $0x4000, $0x38;
	[tilespmem:$0x4080] =	vst v63  }
0x558: {  	_ =	swait.ge [sflag:s6], $0x4000  }
0x559: {  	s1 =	sld [smem:$0x7F0]  }
0x55a: {  	[sflag:s6] =	ssyncset.done $0x0  }
0x55b: {  	[sflag:s6] =	ssyncadd.s32 $0xFFFFC000  }
0x55c: {  	[tilespmem:s2], [sflag:$0x2] =	stream.linear.gather [hbm4b:s1+s2], $0x80, $0x38;
	[tilespmem:$0x4080] =	vst v63  }
0x55d: {  	_ =	swait.ge [sflag:s6], $0x80  }
0x55e: {  	[sflag:s6] =	ssyncset.done $0x0  }
0x55f: {  	[sflag:s6] =	ssyncadd.s32 $0xFFFFFF80  }
0x560: {  	[tilespmem:s9], [sflag:$0x1] =	stream.indirect.gather [hbm4b:s7+s9], $0x80, s2, s9, $0xb8;
	[tilespmem:$0x4080] =	vst v63  }
0x561: {  	_ =	swait.ge [sflag:s10], $0x4000  }
0x562: {  	s1 =	sld [smem:$0x7F1]  }
0x563: {  	[sflag:s10] =	ssyncset.done $0x0  }
0x564: {  	[sflag:s10] =	ssyncadd.s32 $0xFFFFC000  }
0x565: {  	[hbm4b:s1+s2] =	stream.linear.scatter [tilespmem:s9], [sflag:$0x2], $0x4000, $0x38;
	[tilespmem:$0x4080] =	vst v63  }
0x566: {  	_ =	swait.ge [sflag:s6], $0x4000  }
0x567: {  	s1 =	sld [smem:$0x7F2]  }
0x568: {  	[sflag:s6] =	ssyncset.done $0x0  }
0x569: {  	[sflag:s6] =	ssyncadd.s32 $0xFFFFC000  }
0x56a: {  	[tilespmem:s2], [sflag:$0x2] =	stream.linear.gather [hbm4b:s1+s2], $0x80, $0x38;
	[tilespmem:$0x4080] =	vst v63  }
0x56b: {  	_ =	swait.ge [sflag:s6], $0x80  }
0x56c: {  	[sflag:s6] =	ssyncset.done $0x0  }
0x56d: {  	[sflag:s6] =	ssyncadd.s32 $0xFFFFFF80  }
0x56e: {  	[tilespmem:s9], [sflag:$0x1] =	stream.indirect.gather [hbm4b:s7+s9], $0x80, s2, s9, $0xb8;
	[tilespmem:$0x4080] =	vst v63  }
0x56f: {  	_ =	swait.ge [sflag:s10], $0x4000  }
0x570: {  	s1 =	sld [smem:$0x7F3]  }
0x571: {  	[sflag:s10] =	ssyncset.done $0x0  }
0x572: {  	[sflag:s10] =	ssyncadd.s32 $0xFFFFC000  }
0x573: {  	[hbm4b:s1+s2] =	stream.linear.scatter [tilespmem:s9], [sflag:$0x2], $0x4000, $0x38;
	[tilespmem:$0x4080] =	vst v63  }
0x574: {  	_ =	swait.ge [sflag:s6], $0x4000  }
0x575: {  	s1 =	sld [smem:$0x7F4]  }
0x576: {  	[sflag:s6] =	ssyncset.done $0x0  }
0x577: {  	[sflag:s6] =	ssyncadd.s32 $0xFFFFC000  }
0x578: {  	[tilespmem:s2], [sflag:$0x2] =	stream.linear.gather [hbm4b:s1+s2], $0x80, $0x38;
	[tilespmem:$0x4080] =	vst v63  }
0x579: {  	_ =	swait.ge [sflag:s6], $0x80  }
0x57a: {  	[sflag:s6] =	ssyncset.done $0x0  }
0x57b: {  	[sflag:s6] =	ssyncadd.s32 $0xFFFFFF80  }
0x57c: {  	[tilespmem:s9], [sflag:$0x1] =	stream.indirect.gather [hbm4b:s7+s9], $0x80, s2, s9, $0xb8;
	[tilespmem:$0x4080] =	vst v63  }
0x57d: {  	_ =	swait.ge [sflag:s10], $0x4000  }
0x57e: {  	s1 =	sld [smem:$0x7F5]  }
0x57f: {  	[sflag:s10] =	ssyncset.done $0x0  }
0x580: {  	[sflag:s10] =	ssyncadd.s32 $0xFFFFC000  }
0x581: {  	[hbm4b:s1+s2] =	stream.linear.scatter [tilespmem:s9], [sflag:$0x2], $0x4000, $0x38;
	[tilespmem:$0x4080] =	vst v63  }
0x582: {  	_ =	swait.ge [sflag:s6], $0x4000  }
0x583: {  	s1 =	sld [smem:$0x7F6]  }
0x584: {  	[sflag:s6] =	ssyncset.done $0x0  }
0x585: {  	[sflag:s6] =	ssyncadd.s32 $0xFFFFC000  }
0x586: {  	[tilespmem:s2], [sflag:$0x2] =	stream.linear.gather [hbm4b:s1+s2], $0x80, $0x38;
	[tilespmem:$0x4080] =	vst v63  }
0x587: {  	_ =	swait.ge [sflag:s6], $0x80  }
0x588: {  	[sflag:s6] =	ssyncset.done $0x0  }
0x589: {  	[sflag:s6] =	ssyncadd.s32 $0xFFFFFF80  }
0x58a: {  	[tilespmem:s9], [sflag:$0x1] =	stream.indirect.gather [hbm4b:s7+s9], $0x80, s2, s9, $0xb8;
	[tilespmem:$0x4080] =	vst v63  }
0x58b: {  	_ =	swait.ge [sflag:s10], $0x4000  }
0x58c: {  	s1 =	sld [smem:$0x7F7]  }
0x58d: {  	[sflag:s10] =	ssyncset.done $0x0  }
0x58e: {  	[sflag:s10] =	ssyncadd.s32 $0xFFFFC000  }
0x58f: {  	[hbm4b:s1+s2] =	stream.linear.scatter [tilespmem:s9], [sflag:$0x2], $0x4000, $0x38;
	[tilespmem:$0x4080] =	vst v63  }
0x590: {  	_ =	swait.ge [sflag:s6], $0x4000  }
0x591: {  	s1 =	sld [smem:$0x7F8]  }
0x592: {  	[sflag:s6] =	ssyncset.done $0x0  }
0x593: {  	[sflag:s6] =	ssyncadd.s32 $0xFFFFC000  }
0x594: {  	[tilespmem:s2], [sflag:$0x2] =	stream.linear.gather [hbm4b:s1+s2], $0x80, $0x38;
	[tilespmem:$0x4080] =	vst v63  }
0x595: {  	_ =	swait.ge [sflag:s6], $0x80  }
0x596: {  	[sflag:s6] =	ssyncset.done $0x0  }
0x597: {  	[sflag:s6] =	ssyncadd.s32 $0xFFFFFF80  }
0x598: {  	[tilespmem:s9], [sflag:$0x1] =	stream.indirect.gather [hbm4b:s7+s9], $0x80, s2, s9, $0xb8;
	[tilespmem:$0x4080] =	vst v63  }
0x599: {  	_ =	swait.ge [sflag:s10], $0x4000  }
0x59a: {  	s1 =	sld [smem:$0x7F9]  }
0x59b: {  	[sflag:s10] =	ssyncset.done $0x0  }
0x59c: {  	[sflag:s10] =	ssyncadd.s32 $0xFFFFC000  }
0x59d: {  	[hbm4b:s1+s2] =	stream.linear.scatter [tilespmem:s9], [sflag:$0x2], $0x4000, $0x38;
	[tilespmem:$0x4080] =	vst v63  }
0x59e: {  	_ =	swait.ge [sflag:s6], $0x4000  }
0x59f: {  	s1 =	sld [smem:$0x7FA]  }
0x5a0: {  	[sflag:s6] =	ssyncset.done $0x0  }
0x5a1: {  	[sflag:s6] =	ssyncadd.s32 $0xFFFFC000  }
0x5a2: {  	[tilespmem:s2], [sflag:$0x2] =	stream.linear.gather [hbm4b:s1+s2], $0x80, $0x38;
	[tilespmem:$0x4080] =	vst v63  }
0x5a3: {  	_ =	swait.ge [sflag:s6], $0x80  }
0x5a4: {  	[sflag:s6] =	ssyncset.done $0x0  }
0x5a5: {  	[sflag:s6] =	ssyncadd.s32 $0xFFFFFF80  }
0x5a6: {  	[tilespmem:s9], [sflag:$0x1] =	stream.indirect.gather [hbm4b:s7+s9], $0x80, s2, s9, $0xb8;
	[tilespmem:$0x4080] =	vst v63  }
0x5a7: {  	_ =	swait.ge [sflag:s10], $0x4000  }
0x5a8: {  	s1 =	sld [smem:$0x7FB]  }
0x5a9: {  	[sflag:s10] =	ssyncset.done $0x0  }
0x5aa: {  	[sflag:s10] =	ssyncadd.s32 $0xFFFFC000  }
0x5ab: {  	[hbm4b:s1+s2] =	stream.linear.scatter [tilespmem:s9], [sflag:$0x2], $0x4000, $0x38;
	[tilespmem:$0x4080] =	vst v63  }
0x5ac: {  	_ =	swait.ge [sflag:s6], $0x4000  }
0x5ad: {  	s1 =	sld [smem:$0x7FC]  }
0x5ae: {  	[sflag:s6] =	ssyncset.done $0x0  }
0x5af: {  	[sflag:s6] =	ssyncadd.s32 $0xFFFFC000  }
0x5b0: {  	[tilespmem:s2], [sflag:$0x2] =	stream.linear.gather [hbm4b:s1+s2], $0x80, $0x38;
	[tilespmem:$0x4080] =	vst v63  }
0x5b1: {  	_ =	swait.ge [sflag:s6], $0x80  }
0x5b2: {  	[sflag:s6] =	ssyncset.done $0x0  }
0x5b3: {  	[sflag:s6] =	ssyncadd.s32 $0xFFFFFF80  }
0x5b4: {  	[tilespmem:s9], [sflag:$0x1] =	stream.indirect.gather [hbm4b:s7+s9], $0x80, s2, s9, $0xb8;
	[tilespmem:$0x4080] =	vst v63  }
0x5b5: {  	_ =	swait.ge [sflag:s10], $0x4000  }
0x5b6: {  	s1 =	sld [smem:$0x7FD]  }
0x5b7: {  	[sflag:s10] =	ssyncset.done $0x0  }
0x5b8: {  	[sflag:s10] =	ssyncadd.s32 $0xFFFFC000  }
0x5b9: {  	[hbm4b:s1+s2] =	stream.linear.scatter [tilespmem:s9], [sflag:$0x2], $0x4000, $0x38;
	[tilespmem:$0x4080] =	vst v63  }
0x5ba: {  	_ =	swait.ge [sflag:s6], $0x4000  }
0x5bb: {  	[sflag:s6] =	ssyncset.done $0x0  }
0x5bc: {  	[sflag:s6] =	ssyncadd.s32 $0xFFFFC000  }
0x5bd: {  	[tilespmem:s2], [sflag:$0x2] =	stream.linear.gather [hbm4b:s28+s2], $0x80, $0x38;
	[tilespmem:$0x4080] =	vst v63  }
0x5be: {  	_ =	swait.ge [sflag:s6], $0x80  }
0x5bf: {  	[sflag:s6] =	ssyncset.done $0x0  }
0x5c0: {  	[sflag:s6] =	ssyncadd.s32 $0xFFFFFF80  }
0x5c1: {  	[tilespmem:s9], [sflag:$0x1] =	stream.indirect.gather [hbm4b:s7+s9], $0x80, s2, s9, $0xb8;
	[tilespmem:$0x4080] =	vst v63  }
0x5c2: {  	_ =	swait.ge [sflag:s10], $0x4000  }
0x5c3: {  	[sflag:s10] =	ssyncset.done $0x0  }
0x5c4: {  	[sflag:s10] =	ssyncadd.s32 $0xFFFFC000  }
0x5c5: {  	[hbm4b:s31+s2] =	stream.linear.scatter [tilespmem:s9], [sflag:$0x2], $0x4000, $0x38;
	[tilespmem:$0x4080] =	vst v63  }
0x5c6: {  	_ =	swait.ge [sflag:s6], $0x4000  }
0x5c7: {  	[sflag:s6] =	ssyncset.done $0x0  }
0x5c8: {  	[sflag:s6] =	ssyncadd.s32 $0xFFFFC000  }
0x5c9: {  	[tilespmem:s2], [sflag:$0x2] =	stream.linear.gather [hbm4b:s25+s2], $0x80, $0x38;
	[tilespmem:$0x4080] =	vst v63  }
0x5ca: {  	_ =	swait.ge [sflag:s6], $0x80  }
0x5cb: {  	[sflag:s6] =	ssyncset.done $0x0  }
0x5cc: {  	[sflag:s6] =	ssyncadd.s32 $0xFFFFFF80  }
0x5cd: {  	[tilespmem:s9], [sflag:$0x1] =	stream.indirect.gather [hbm4b:s7+s9], $0x80, s2, s9, $0xb8;
	[tilespmem:$0x4080] =	vst v63  }
0x5ce: {  	_ =	swait.ge [sflag:s10], $0x4000  }
0x5cf: {  	[sflag:s10] =	ssyncset.done $0x0  }
0x5d0: {  	[sflag:s10] =	ssyncadd.s32 $0xFFFFC000  }
0x5d1: {  	[hbm4b:s30+s2] =	stream.linear.scatter [tilespmem:s9], [sflag:$0x2], $0x4000, $0x38;
	[tilespmem:$0x4080] =	vst v63  }
0x5d2: {  	_ =	swait.ge [sflag:s6], $0x4000  }
0x5d3: {  	[sflag:s6] =	ssyncset.done $0x0  }
0x5d4: {  	[sflag:s6] =	ssyncadd.s32 $0xFFFFC000  }
0x5d5: {  	[tilespmem:s2], [sflag:$0x2] =	stream.linear.gather [hbm4b:s23+s2], $0x80, $0x38;
	[tilespmem:$0x4080] =	vst v63  }
0x5d6: {  	_ =	swait.ge [sflag:s6], $0x80  }
0x5d7: {  	[sflag:s6] =	ssyncset.done $0x0  }
0x5d8: {  	[sflag:s6] =	ssyncadd.s32 $0xFFFFFF80  }
0x5d9: {  	[tilespmem:s9], [sflag:$0x1] =	stream.indirect.gather [hbm4b:s7+s9], $0x80, s2, s9, $0xb8;
	[tilespmem:$0x4080] =	vst v63  }
0x5da: {  	_ =	swait.ge [sflag:s10], $0x4000  }
0x5db: {  	[sflag:s10] =	ssyncset.done $0x0  }
0x5dc: {  	[sflag:s10] =	ssyncadd.s32 $0xFFFFC000  }
0x5dd: {  	[hbm4b:s29+s2] =	stream.linear.scatter [tilespmem:s9], [sflag:$0x2], $0x4000, $0x38;
	[tilespmem:$0x4080] =	vst v63  }
0x5de: {  	_ =	swait.ge [sflag:s6], $0x4000  }
0x5df: {  	[sflag:s6] =	ssyncset.done $0x0  }
0x5e0: {  	[sflag:s6] =	ssyncadd.s32 $0xFFFFC000  }
0x5e1: {  	[tilespmem:s2], [sflag:$0x2] =	stream.linear.gather [hbm4b:s21+s2], $0x80, $0x38;
	[tilespmem:$0x4080] =	vst v63  }
0x5e2: {  	_ =	swait.ge [sflag:s6], $0x80  }
0x5e3: {  	[sflag:s6] =	ssyncset.done $0x0  }
0x5e4: {  	[sflag:s6] =	ssyncadd.s32 $0xFFFFFF80  }
0x5e5: {  	[tilespmem:s9], [sflag:$0x1] =	stream.indirect.gather [hbm4b:s7+s9], $0x80, s2, s9, $0xb8;
	[tilespmem:$0x4080] =	vst v63  }
0x5e6: {  	_ =	swait.ge [sflag:s10], $0x4000  }
0x5e7: {  	[sflag:s10] =	ssyncset.done $0x0  }
0x5e8: {  	[sflag:s10] =	ssyncadd.s32 $0xFFFFC000  }
0x5e9: {  	[hbm4b:s26+s2] =	stream.linear.scatter [tilespmem:s9], [sflag:$0x2], $0x4000, $0x38;
	[tilespmem:$0x4080] =	vst v63  }
0x5ea: {  	_ =	swait.ge [sflag:s6], $0x4000  }
0x5eb: {  	[sflag:s6] =	ssyncset.done $0x0  }
0x5ec: {  	[sflag:s6] =	ssyncadd.s32 $0xFFFFC000  }
0x5ed: {  	[tilespmem:s2], [sflag:$0x2] =	stream.linear.gather [hbm4b:s19+s2], $0x80, $0x38;
	[tilespmem:$0x4080] =	vst v63  }
0x5ee: {  	_ =	swait.ge [sflag:s6], $0x80  }
0x5ef: {  	[sflag:s6] =	ssyncset.done $0x0  }
0x5f0: {  	[sflag:s6] =	ssyncadd.s32 $0xFFFFFF80  }
0x5f1: {  	[tilespmem:s9], [sflag:$0x1] =	stream.indirect.gather [hbm4b:s7+s9], $0x80, s2, s9, $0xb8;
	[tilespmem:$0x4080] =	vst v63  }
0x5f2: {  	_ =	swait.ge [sflag:s10], $0x4000  }
0x5f3: {  	[sflag:s10] =	ssyncset.done $0x0  }
0x5f4: {  	[sflag:s10] =	ssyncadd.s32 $0xFFFFC000  }
0x5f5: {  	[hbm4b:s24+s2] =	stream.linear.scatter [tilespmem:s9], [sflag:$0x2], $0x4000, $0x38;
	[tilespmem:$0x4080] =	vst v63  }
0x5f6: {  	_ =	swait.ge [sflag:s6], $0x4000  }
0x5f7: {  	[sflag:s6] =	ssyncset.done $0x0  }
0x5f8: {  	[sflag:s6] =	ssyncadd.s32 $0xFFFFC000  }
0x5f9: {  	[tilespmem:s2], [sflag:$0x2] =	stream.linear.gather [hbm4b:s17+s2], $0x80, $0x38;
	[tilespmem:$0x4080] =	vst v63  }
0x5fa: {  	_ =	swait.ge [sflag:s6], $0x80  }
0x5fb: {  	[sflag:s6] =	ssyncset.done $0x0  }
0x5fc: {  	[sflag:s6] =	ssyncadd.s32 $0xFFFFFF80  }
0x5fd: {  	[tilespmem:s9], [sflag:$0x1] =	stream.indirect.gather [hbm4b:s7+s9], $0x80, s2, s9, $0xb8;
	[tilespmem:$0x4080] =	vst v63  }
0x5fe: {  	_ =	swait.ge [sflag:s10], $0x4000  }
0x5ff: {  	[sflag:s10] =	ssyncset.done $0x0  }
0x600: {  	[sflag:s10] =	ssyncadd.s32 $0xFFFFC000  }
0x601: {  	[hbm4b:s22+s2] =	stream.linear.scatter [tilespmem:s9], [sflag:$0x2], $0x4000, $0x38;
	[tilespmem:$0x4080] =	vst v63  }
0x602: {  	_ =	swait.ge [sflag:s6], $0x4000  }
0x603: {  	[sflag:s6] =	ssyncset.done $0x0  }
0x604: {  	[sflag:s6] =	ssyncadd.s32 $0xFFFFC000  }
0x605: {  	[tilespmem:s2], [sflag:$0x2] =	stream.linear.gather [hbm4b:s16+s2], $0x80, $0x38;
	[tilespmem:$0x4080] =	vst v63  }
0x606: {  	_ =	swait.ge [sflag:s6], $0x80  }
0x607: {  	[sflag:s6] =	ssyncset.done $0x0  }
0x608: {  	[sflag:s6] =	ssyncadd.s32 $0xFFFFFF80  }
0x609: {  	[tilespmem:s9], [sflag:$0x1] =	stream.indirect.gather [hbm4b:s7+s9], $0x80, s2, s9, $0xb8;
	[tilespmem:$0x4080] =	vst v63  }
0x60a: {  	_ =	swait.ge [sflag:s10], $0x4000  }
0x60b: {  	[sflag:s10] =	ssyncset.done $0x0  }
0x60c: {  	[sflag:s10] =	ssyncadd.s32 $0xFFFFC000  }
0x60d: {  	[hbm4b:s20+s2] =	stream.linear.scatter [tilespmem:s9], [sflag:$0x2], $0x4000, $0x38;
	[tilespmem:$0x4080] =	vst v63  }
0x60e: {  	_ =	swait.ge [sflag:s6], $0x4000  }
0x60f: {  	[sflag:s6] =	ssyncset.done $0x0  }
0x610: {  	[sflag:s6] =	ssyncadd.s32 $0xFFFFC000  }
0x611: {  	[tilespmem:s2], [sflag:$0x2] =	stream.linear.gather [hbm4b:s14+s2], $0x80, $0x38;
	[tilespmem:$0x4080] =	vst v63  }
0x612: {  	_ =	swait.ge [sflag:s6], $0x80  }
0x613: {  	[sflag:s6] =	ssyncset.done $0x0  }
0x614: {  	[sflag:s6] =	ssyncadd.s32 $0xFFFFFF80  }
0x615: {  	[tilespmem:s9], [sflag:$0x1] =	stream.indirect.gather [hbm4b:s7+s9], $0x80, s2, s9, $0xb8;
	[tilespmem:$0x4080] =	vst v63  }
0x616: {  	_ =	swait.ge [sflag:s10], $0x4000  }
0x617: {  	[sflag:s10] =	ssyncset.done $0x0  }
0x618: {  	[sflag:s10] =	ssyncadd.s32 $0xFFFFC000  }
0x619: {  	[hbm4b:s18+s2] =	stream.linear.scatter [tilespmem:s9], [sflag:$0x2], $0x4000, $0x38;
	[tilespmem:$0x4080] =	vst v63  }
0x61a: {  	_ =	swait.ge [sflag:s6], $0x4000  }
0x61b: {  	[sflag:s6] =	ssyncset.done $0x0  }
0x61c: {  	[sflag:s6] =	ssyncadd.s32 $0xFFFFC000  }
0x61d: {  	[tilespmem:s2], [sflag:$0x2] =	stream.linear.gather [hbm4b:s12+s2], $0x80, $0x38;
	[tilespmem:$0x4080] =	vst v63  }
0x61e: {  	_ =	swait.ge [sflag:s6], $0x80  }
0x61f: {  	[sflag:s6] =	ssyncset.done $0x0  }
0x620: {  	[sflag:s6] =	ssyncadd.s32 $0xFFFFFF80  }
0x621: {  	[tilespmem:s9], [sflag:$0x1] =	stream.indirect.gather [hbm4b:s7+s9], $0x80, s2, s9, $0xb8;
	[tilespmem:$0x4080] =	vst v63  }
0x622: {  	_ =	swait.ge [sflag:s10], $0x4000  }
0x623: {  	[sflag:s10] =	ssyncset.done $0x0  }
0x624: {  	[sflag:s10] =	ssyncadd.s32 $0xFFFFC000  }
0x625: {  	[hbm4b:s15+s2] =	stream.linear.scatter [tilespmem:s9], [sflag:$0x2], $0x4000, $0x38;
	[tilespmem:$0x4080] =	vst v63  }
0x626: {  	_ =	swait.ge [sflag:s6], $0x4000  }
0x627: {  	[sflag:s6] =	ssyncset.done $0x0  }
0x628: {  	[sflag:s6] =	ssyncadd.s32 $0xFFFFC000  }
0x629: {  	[tilespmem:s2], [sflag:$0x2] =	stream.linear.gather [hbm4b:s8+s2], $0x80, $0x38;
	[tilespmem:$0x4080] =	vst v63  }
0x62a: {  	_ =	swait.ge [sflag:s6], $0x80  }
0x62b: {  	[sflag:s6] =	ssyncset.done $0x0  }
0x62c: {  	[sflag:s6] =	ssyncadd.s32 $0xFFFFFF80  }
0x62d: {  	[tilespmem:s9], [sflag:$0x1] =	stream.indirect.gather [hbm4b:s7+s9], $0x80, s2, s9, $0xb8;
	[tilespmem:$0x4080] =	vst v63  }
0x62e: {  	_ =	swait.ge [sflag:s10], $0x4000  }
0x62f: {  	[sflag:s10] =	ssyncset.done $0x0  }
0x630: {  	[sflag:s10] =	ssyncadd.s32 $0xFFFFC000  }
0x631: {  	[hbm4b:s13+s2] =	stream.linear.scatter [tilespmem:s9], [sflag:$0x2], $0x4000, $0x38;
	[tilespmem:$0x4080] =	vst v63  }
0x632: {  	_ =	swait.ge [sflag:s6], $0x4000  }
0x633: {  	[sflag:s6] =	ssyncset.done $0x0  }
0x634: {  	[sflag:s6] =	ssyncadd.s32 $0xFFFFC000  }
0x635: {  	[tilespmem:s2], [sflag:$0x2] =	stream.linear.gather [hbm4b:s4+s2], $0x80, $0x38;
	[tilespmem:$0x4080] =	vst v63  }
0x636: {  	_ =	swait.ge [sflag:s6], $0x80  }
0x637: {  	[sflag:s6] =	ssyncset.done $0x0  }
0x638: {  	[sflag:s6] =	ssyncadd.s32 $0xFFFFFF80  }
0x639: {  	[tilespmem:s9], [sflag:$0x1] =	stream.indirect.gather [hbm4b:s7+s9], $0x80, s2, s9, $0xb8;
	[tilespmem:$0x4080] =	vst v63  }
0x63a: {  	_ =	swait.ge [sflag:s10], $0x4000  }
0x63b: {  	[sflag:s10] =	ssyncset.done $0x0  }
0x63c: {  	[sflag:s10] =	ssyncadd.s32 $0xFFFFC000  }
0x63d: {  	[hbm4b:s11+s2] =	stream.linear.scatter [tilespmem:s9], [sflag:$0x2], $0x4000, $0x38;
	[tilespmem:$0x4080] =	vst v63  }
0x63e: {  	_ =	swait.ge [sflag:s6], $0x4000  }
0x63f: {  	[sflag:s6] =	ssyncset.done $0x0  }
0x640: {  	[sflag:s6] =	ssyncadd.s32 $0xFFFFC000  }
0x641: {  	[tilespmem:s2], [sflag:$0x2] =	stream.linear.gather [hbm4b:s3+s2], $0x80, $0x38;
	[tilespmem:$0x4080] =	vst v63  }
0x642: {  	_ =	swait.ge [sflag:s6], $0x80  }
0x643: {  	[sflag:s6] =	ssyncset.done $0x0  }
0x644: {  	[sflag:s6] =	ssyncadd.s32 $0xFFFFFF80  }
0x645: {  	[tilespmem:s9], [sflag:$0x1] =	stream.indirect.gather [hbm4b:s7+s9], $0x80, s2, s9, $0xb8;
	[tilespmem:$0x4080] =	vst v63  }
0x646: {  	_ =	swait.ge [sflag:s10], $0x4000  }
0x647: {  	[sflag:s10] =	ssyncset.done $0x0  }
0x648: {  	[sflag:s10] =	ssyncadd.s32 $0xFFFFC000  }
0x649: {  	[hbm4b:s5+s2] =	stream.linear.scatter [tilespmem:s9], [sflag:$0x2], $0x4000, $0x38;
	[tilespmem:$0x4080] =	vst v63  }
0x64a: {  	_ =	swait.ge [sflag:s6], $0x4000  }
0x64b: {  	[sflag:s6] =	ssyncset.done $0x0  }
0x64c: {  	[sflag:s6] =	ssyncadd.s32 $0xFFFFC000  }
0x64d: {  	_ =	sfence.sel $0x180000  }
0x64e: {  	[bflag:$0x0] =	sbarrier.arrive $0xFFFF  }
0x64f: {  	_ =	strace $0x90000047  }
0x650: {  	s31 =	stileid.u32;
	[bflag:$0x2] =	sbarrier.arrive $0xFFFF  }
0x651: {  	p0 =	sne.s32 s31, $0x0;
	s0 =	rddreg [dreg:$0x1]  }
0x652: {  	s0 =	sadd.s32 @!p0 $0x100000, s0  }
0x653: {  	[sflag:s0] =	ssyncadd.tile.s32 @!p0 $0x1;
	_ =	shalt  }
.Lfunc_end2:
_tile_overlayer_lowered:
.L_overlay_start_2:
0x654: {  	(tag) =	ssettag $0x2  }
0x655: {  	s0 =	rddreg [dreg:$0x0];
	s2 =	stileid.u32  }
0x656: {  	s1 =	rddreg [dreg:$0x1];
	p0 =	sne.s32 s2, $0x0  }
0x657: {  	s3 =	rddreg [dreg:$0x2];
	[bflag:$0x3] =	sbarrier.arrive $0xFFFF;
	s2 =	simm.s32 @!p0 $0x1C02  }
0x658: {  	[timem:s3], [sflag:s2] =	dma.local @!p0 [hbm:s0], s1  }
0x659: {  	s0 =	simm.s32 @!p0 $0x2  }
0x65a: {  	_ =	swait.ge @!p0 [sflag:s0], s1  }
0x65b: {  	s1 =	ssub.s32 @!p0 $0x0, s1;
	[sflag:s0] =	ssyncset.done @!p0 $0x0  }
0x65c: {  	[sflag:s0] =	ssyncadd.s32 @!p0 s1  }
0x65d: {  	[bflag:$0x3] =	sbarrier.arrive $0xFFFF  }
0x65e: {  	_ =	shalt  }

</sc_bundles>
